<compile_context>
chip_gen: v7x
topology: tpu7x:2x2x1
jax: 0.10.2.dev20260603
libtpu: 0.0.44.dev20260713+nightly
codegen_flags: <defaults>
</compile_context>

<pallas_src>
import jax
import jax.numpy as jnp
from jax import lax
from jax.experimental import pallas as pl
from jax.experimental.pallas import tpu as pltpu
from jax.experimental.pallas import tpu_sc as plsc

N_OBS = 1_000_000
NUM_TAB = 4096

NW = 32
B = 1600
NBLK = N_OBS // B
CHUNKS = B // 16
PW = 8


def _rot_conj(qx, qy, qz, qw, vx, vy, vz):
    tx = -2.0 * (qy * vz - qz * vy)
    ty = -2.0 * (qz * vx - qx * vz)
    tz = -2.0 * (qx * vy - qy * vx)
    ox = vx + qw * tx - (qy * tz - qz * ty)
    oy = vy + qw * ty - (qz * tx - qx * tz)
    oz = vz + qw * tz - (qx * ty - qy * tx)
    return ox, oy, oz


def _body(nblk, gidx_hbm, midx_hbm, pidx_hbm, fx_hbm, fy_hbm, fz_hbm,
          scal_hbm,
          gtab_hbm, mtab_hbm, pts_hbm,
          ox_hbm, oy_hbm, oz_hbm,
          gtab_v, mtab_v,
          gidx0, midx0, pidx0, fx0, fy0, fz0, scal0, pts0, ox0, oy0, oz0,
          gidx1, midx1, pidx1, fx1, fy1, fz1, scal1, pts1, ox1, oy1, oz1,
          semA0, semA1, semG0, semG1, semO0, semO1):
    cid = lax.axis_index("c")
    sid = lax.axis_index("s")
    wid = sid * 2 + cid

    pltpu.sync_copy(gtab_hbm, gtab_v)
    pltpu.sync_copy(mtab_hbm, mtab_v)

    col = [jnp.full((16,), c, jnp.int32) for c in range(8)]
    nb = (nblk - wid + NW - 1) // NW

    s0 = (gidx0, midx0, pidx0, fx0, fy0, fz0, scal0, pts0, ox0, oy0, oz0,
          semA0, semG0, semO0)
    s1 = (gidx1, midx1, pidx1, fx1, fy1, fz1, scal1, pts1, ox1, oy1, oz1,
          semA1, semG1, semO1)

    def streams(s):
        return ((gidx_hbm, s[0]), (midx_hbm, s[1]), (pidx_hbm, s[2]),
                (fx_hbm, s[3]), (fy_hbm, s[4]), (fz_hbm, s[5]),
                (scal_hbm, s[6]))

    def issue_lin(k, s):
        base = (wid + k * NW) * B
        for hbm, buf in streams(s):
            pltpu.async_copy(hbm.at[pl.ds(base, B)], buf, s[11])

    def drain_lin(s):
        for hbm, buf in streams(s):
            pltpu.make_async_copy(hbm.at[pl.ds(0, B)], buf, s[11]).wait()

    def issue_gather(s):
        pltpu.async_copy(pts_hbm.at[s[2]], s[7], s[12])

    def drain_gather(s):
        pltpu.make_async_copy(pts_hbm.at[pl.ds(0, B)], s[7], s[12]).wait()

    def issue_out(k, s):
        base = (wid + k * NW) * B
        pltpu.async_copy(s[8], ox_hbm.at[pl.ds(base, B)], s[13])
        pltpu.async_copy(s[9], oy_hbm.at[pl.ds(base, B)], s[13])
        pltpu.async_copy(s[10], oz_hbm.at[pl.ds(base, B)], s[13])

    def drain_out(s):
        pltpu.make_async_copy(s[8], ox_hbm.at[pl.ds(0, B)], s[13]).wait()
        pltpu.make_async_copy(s[9], oy_hbm.at[pl.ds(0, B)], s[13]).wait()
        pltpu.make_async_copy(s[10], oz_hbm.at[pl.ds(0, B)], s[13]).wait()

    def compute(s):
        gidx_v, midx_v, _, fx_v, fy_v, fz_v, scal_v, pts_v, ox_v, oy_v, oz_v \
            = s[:11]

        def chunk_body(k, carry2):
            o = pl.multiple_of(k * 16, 16)
            obs = k * 16 + lax.iota(jnp.int32, 16)
            gi = gidx_v[pl.ds(o, 16)]
            mi = midx_v[pl.ds(o, 16)]

            def gcol(c):
                return plsc.load_gather(gtab_v, [col[c], gi])

            def mcol(c):
                return plsc.load_gather(mtab_v, [col[c], mi])

            rqx, rqy, rqz, rqw = gcol(0), gcol(1), gcol(2), gcol(3)
            rtx, rty, rtz, fac = gcol(4), gcol(5), gcol(6), gcol(7)
            mqx, mqy, mqz, mqw = mcol(0), mcol(1), mcol(2), mcol(3)
            mtx, mty, mtz = mcol(4), mcol(5), mcol(6)

            fx = fx_v[pl.ds(o, 16)]
            fy = fy_v[pl.ds(o, 16)]
            fz = fz_v[pl.ds(o, 16)]
            sc = scal_v[pl.ds(o, 16)]
            px = plsc.load_gather(pts_v, [obs, col[0]])
            py = plsc.load_gather(pts_v, [obs, col[1]])
            pz = plsc.load_gather(pts_v, [obs, col[2]])

            ux = mtx - sc * fx
            uy = mty - sc * fy
            uz = mtz - sc * fz
            vx, vy, vz = _rot_conj(mqx, mqy, mqz, mqw, ux, uy, uz)
            wx = vx + rtx
            wy = vy + rty
            wz = vz + rtz
            xx, xy, xz = _rot_conj(rqx, rqy, rqz, rqw, wx, wy, wz)

            ox_v[pl.ds(o, 16)] = fac * (px + xx)
            oy_v[pl.ds(o, 16)] = fac * (py + xy)
            oz_v[pl.ds(o, 16)] = fac * (pz + xz)
            return carry2

        lax.fori_loop(0, CHUNKS, chunk_body, 0)

    issue_lin(0, s0)
    drain_lin(s0)
    issue_gather(s0)
    issue_lin(1, s1)

    def body(j, carry):
        k0 = 2 * j
        k1 = 2 * j + 1

        @pl.when(k1 < nb)
        def _():
            drain_lin(s1)
            issue_gather(s1)

        @pl.when(j > 0)
        def _():
            drain_out(s0)

        drain_gather(s0)
        compute(s0)
        issue_out(k0, s0)

        @pl.when(k0 + 2 < nb)
        def _():
            issue_lin(k0 + 2, s0)

        @pl.when(k1 < nb)
        def _():
            @pl.when(j > 0)
            def _():
                drain_out(s1)

            drain_gather(s1)
            compute(s1)
            issue_out(k1, s1)

        @pl.when(k0 + 2 < nb)
        def _():
            drain_lin(s0)
            issue_gather(s0)

        @pl.when(k1 + 2 < nb)
        def _():
            issue_lin(k1 + 2, s1)

        return carry

    lax.fori_loop(0, (nb + 1) // 2, body, 0)
    drain_out(s0)

    @pl.when(nb >= 2)
    def _():
        drain_out(s1)


def _sc_call(gidx, midx, pidx, fx, fy, fz, scal, gtab, mtab, pts):
    n = gidx.shape[0]
    nblk = n // B
    mesh = plsc.VectorSubcoreMesh(core_axis_name="c", subcore_axis_name="s")
    slot = [
        pltpu.VMEM((B,), jnp.int32),
        pltpu.VMEM((B,), jnp.int32),
        pltpu.VMEM((B,), jnp.int32),
        pltpu.VMEM((B,), jnp.float32),
        pltpu.VMEM((B,), jnp.float32),
        pltpu.VMEM((B,), jnp.float32),
        pltpu.VMEM((B,), jnp.float32),
        pltpu.VMEM((B, PW), jnp.float32),
        pltpu.VMEM((B,), jnp.float32),
        pltpu.VMEM((B,), jnp.float32),
        pltpu.VMEM((B,), jnp.float32),
    ]
    import functools
    f = pl.kernel(
        functools.partial(_body, nblk),
        out_type=(jax.ShapeDtypeStruct((n,), jnp.float32),
                  jax.ShapeDtypeStruct((n,), jnp.float32),
                  jax.ShapeDtypeStruct((n,), jnp.float32)),
        mesh=mesh,
        scratch_types=[
            pltpu.VMEM((8, NUM_TAB), jnp.float32),
            pltpu.VMEM((7, NUM_TAB), jnp.float32),
        ] + slot + slot + [
            pltpu.SemaphoreType.DMA,
            pltpu.SemaphoreType.DMA,
            pltpu.SemaphoreType.DMA,
            pltpu.SemaphoreType.DMA,
            pltpu.SemaphoreType.DMA,
            pltpu.SemaphoreType.DMA,
        ],
        compiler_params=pltpu.CompilerParams(
            use_tc_tiling_on_sc=False, needs_layout_passes=False),
    )
    return f(gidx, midx, pidx, fx, fy, fz, scal, gtab, mtab, pts)


SPANS = ((0, 512000), (512000, N_OBS))


def kernel(feature_undist, grouping_indices, point_indices, is_calibrated,
           ref_rots, rel_rots, rel_trans, points_3d, scales, ref_trans):
    fac = jnp.where(is_calibrated, 1.0, 0.5).astype(jnp.float32)
    gtab = jnp.concatenate([ref_rots.T, ref_trans.T, fac[None, :]], axis=0)
    mtab = jnp.concatenate([rel_rots.T, rel_trans.T], axis=0)
    pts = jnp.pad(points_3d, ((0, 0), (0, PW - 3)))
    gi = grouping_indices.astype(jnp.int32)
    pidx = point_indices.astype(jnp.int32)
    outs = []
    for lo, hi in SPANS:
        ox, oy, oz = _sc_call(
            gi[lo:hi, 0], gi[lo:hi, 1], pidx[lo:hi],
            feature_undist[lo:hi, 0], feature_undist[lo:hi, 1],
            feature_undist[lo:hi, 2], scales[lo:hi, 0], gtab, mtab, pts)
        outs.append(jnp.stack([ox, oy, oz], axis=-1))
    return jnp.concatenate(outs, axis=0)

# --- scband reference (transcript-rebuilt; emitter-appended) ---
"""Pipeline reference for scband-pairwise-multi-rig-model-fixed-rel-68839735820970 (READ-ONLY COPY).

The authoritative reference and input builder live on the scoring server;
editing this copy changes nothing except your own understanding.
"""

import jax, jax.numpy as jnp
import numpy as np

N_OBS = 1000000
NUM_POINTS = 100000
NUM_GROUPS = 4096
NUM_POSITIONS = 4096


def _normalize_quat(q):
    return q / jnp.linalg.norm(q, axis=-1, keepdims=True)


def quat_mul(q1, q2):
    # pypose SO3 quaternion layout: (x, y, z, w); Hamilton product q1 * q2
    x1, y1, z1, w1 = q1[..., 0], q1[..., 1], q1[..., 2], q1[..., 3]
    x2, y2, z2, w2 = q2[..., 0], q2[..., 1], q2[..., 2], q2[..., 3]
    x = w1 * x2 + x1 * w2 + y1 * z2 - z1 * y2
    y = w1 * y2 - x1 * z2 + y1 * w2 + z1 * x2
    z = w1 * z2 + x1 * y2 - y1 * x2 + z1 * w2
    w = w1 * w2 - x1 * x2 - y1 * y2 - z1 * z2
    return jnp.stack([x, y, z, w], axis=-1)


def quat_conj(q):
    return jnp.concatenate([-q[..., :3], q[..., 3:]], axis=-1)


def quat_rotate(q, v):
    qv = q[..., :3]
    w = q[..., 3:4]
    t = 2.0 * jnp.cross(qv, v)
    return v + w * t + jnp.cross(qv, t)


def setup_inputs(seed: int = 0):
    key = jax.random.key(seed)
    ks = jax.random.split(key, 10)
    feature_undist = jax.random.normal(ks[0], (N_OBS, 3), dtype=jnp.float32)
    grouping_indices = jax.random.randint(ks[1], (N_OBS, 2), 0, NUM_POSITIONS)
    point_indices = jax.random.randint(ks[2], (N_OBS,), 0, NUM_POINTS)
    is_calibrated = jax.random.randint(ks[3], (NUM_GROUPS,), 0, 2).astype(bool)
    ref_rots = _normalize_quat(jax.random.normal(ks[4], (NUM_GROUPS, 4), dtype=jnp.float32))
    rel_rots = _normalize_quat(jax.random.normal(ks[5], (NUM_POSITIONS, 4), dtype=jnp.float32))
    rel_trans = jax.random.normal(ks[6], (NUM_POSITIONS, 3), dtype=jnp.float32)
    # learned parameters of the module
    points_3d = jax.random.normal(ks[7], (NUM_POINTS, 3), dtype=jnp.float32)
    scales = jax.random.uniform(ks[8], (N_OBS, 1), dtype=jnp.float32, minval=0.5, maxval=2.0)
    ref_trans = jax.random.normal(ks[9], (NUM_GROUPS, 3), dtype=jnp.float32)
    return {"feature_undist": feature_undist, "grouping_indices": grouping_indices, "point_indices": point_indices, "is_calibrated": is_calibrated, "ref_rots": ref_rots, "rel_rots": rel_rots, "rel_trans": rel_trans, "points_3d": points_3d, "scales": scales, "ref_trans": ref_trans}


def reference(feature_undist, grouping_indices, point_indices, is_calibrated, ref_rots, rel_rots, rel_trans, points_3d, scales, ref_trans):
    group_idx = grouping_indices[:, 0]
    member_idx = grouping_indices[:, 1]
    ref_R = jnp.take(ref_rots, group_idx, axis=0)
    rel_R = jnp.take(rel_rots, member_idx, axis=0)
    ref_t = jnp.take(ref_trans, group_idx, axis=0)
    rel_t = jnp.take(rel_trans, member_idx, axis=0)
    # pose_R = pp.SO3(rel_R) @ pp.SO3(ref_R)
    pose_R = quat_mul(rel_R, ref_R)
    # calc_trans: -(ref_R^-1 @ (rel_R^-1 @ rel_t + ref_t))
    pose_t = -quat_rotate(quat_conj(ref_R), quat_rotate(quat_conj(rel_R), rel_t) + ref_t)
    # translations = pose_R.Inv() @ feature_undist
    translations = quat_rotate(quat_conj(pose_R), feature_undist)
    calib_mask = jnp.take(is_calibrated, group_idx, axis=0)
    pts = jnp.take(points_3d, point_indices, axis=0)
    # cost_fn (scaled_direction_residual): world point should equal camera center + scale * ray
    residual = pts - (pose_t + scales * translations)
    loss = jnp.where(calib_mask[:, None], residual, 0.5 * residual)
    return loss

if __name__ == "__main__":
    import jax
    _d = setup_inputs()
    print(jax.jit(kernel)(*tuple(_d.values())))

</pallas_src>

<mosaic_0001>
#map = affine_map<(d0, d1) -> (0)>
#map1 = affine_map<(d0, d1) -> (0, 0)>
module attributes {stable_mosaic.version = 14 : i64} {
  func.func @_body(%arg0: i32, %arg1: i32, %arg2: memref<512000xi32, #tpu.memory_space<hbm>>, %arg3: memref<512000xi32, #tpu.memory_space<hbm>>, %arg4: memref<512000xi32, #tpu.memory_space<hbm>>, %arg5: memref<512000xf32, #tpu.memory_space<hbm>>, %arg6: memref<512000xf32, #tpu.memory_space<hbm>>, %arg7: memref<512000xf32, #tpu.memory_space<hbm>>, %arg8: memref<512000xf32, #tpu.memory_space<hbm>>, %arg9: memref<8x4096xf32, #tpu.memory_space<hbm>>, %arg10: memref<7x4096xf32, #tpu.memory_space<hbm>>, %arg11: memref<100000x8xf32, #tpu.memory_space<hbm>>, %arg12: memref<512000xf32, #tpu.memory_space<hbm>>, %arg13: memref<512000xf32, #tpu.memory_space<hbm>>, %arg14: memref<512000xf32, #tpu.memory_space<hbm>>, %arg15: memref<8x4096xf32, #tpu.memory_space<vmem>>, %arg16: memref<7x4096xf32, #tpu.memory_space<vmem>>, %arg17: memref<1600xi32, #tpu.memory_space<vmem>>, %arg18: memref<1600xi32, #tpu.memory_space<vmem>>, %arg19: memref<1600xi32, #tpu.memory_space<vmem>>, %arg20: memref<1600xf32, #tpu.memory_space<vmem>>, %arg21: memref<1600xf32, #tpu.memory_space<vmem>>, %arg22: memref<1600xf32, #tpu.memory_space<vmem>>, %arg23: memref<1600xf32, #tpu.memory_space<vmem>>, %arg24: memref<1600x8xf32, #tpu.memory_space<vmem>>, %arg25: memref<1600xf32, #tpu.memory_space<vmem>>, %arg26: memref<1600xf32, #tpu.memory_space<vmem>>, %arg27: memref<1600xf32, #tpu.memory_space<vmem>>, %arg28: memref<1600xi32, #tpu.memory_space<vmem>>, %arg29: memref<1600xi32, #tpu.memory_space<vmem>>, %arg30: memref<1600xi32, #tpu.memory_space<vmem>>, %arg31: memref<1600xf32, #tpu.memory_space<vmem>>, %arg32: memref<1600xf32, #tpu.memory_space<vmem>>, %arg33: memref<1600xf32, #tpu.memory_space<vmem>>, %arg34: memref<1600xf32, #tpu.memory_space<vmem>>, %arg35: memref<1600x8xf32, #tpu.memory_space<vmem>>, %arg36: memref<1600xf32, #tpu.memory_space<vmem>>, %arg37: memref<1600xf32, #tpu.memory_space<vmem>>, %arg38: memref<1600xf32, #tpu.memory_space<vmem>>, %arg39: memref<!tpu.dma_semaphore, #tpu.memory_space<semaphore_mem>>, %arg40: memref<!tpu.dma_semaphore, #tpu.memory_space<semaphore_mem>>, %arg41: memref<!tpu.dma_semaphore, #tpu.memory_space<semaphore_mem>>, %arg42: memref<!tpu.dma_semaphore, #tpu.memory_space<semaphore_mem>>, %arg43: memref<!tpu.dma_semaphore, #tpu.memory_space<semaphore_mem>>, %arg44: memref<!tpu.dma_semaphore, #tpu.memory_space<semaphore_mem>>) attributes {dimension_semantics = [#tpu.dimension_semantics<core_parallel>, #tpu.dimension_semantics<subcore_parallel>], iteration_bounds = array<i64: 2, 16>, scalar_prefetch = 0 : i64, scratch_operands = 30 : i64, tpu.core_type = #tpu.core_type<sc_vector_subcore>, window_params = [{transform_indices = #map}, {transform_indices = #map}, {transform_indices = #map}, {transform_indices = #map}, {transform_indices = #map}, {transform_indices = #map}, {transform_indices = #map}, {transform_indices = #map1}, {transform_indices = #map1}, {transform_indices = #map1}, {transform_indices = #map}, {transform_indices = #map}, {transform_indices = #map}]} {
    %mul3A = arith.constant 2 : i32
    %mul3A_0 = arith.muli %arg1, %mul3A : i32
    %add3A = arith.addi %mul3A_0, %arg0 : i32
    "tpu.region"() ({
      %run_scoped3A = tpu.sem_alloc : memref<!tpu.dma_semaphore, #tpu.memory_space<semaphore_mem>>
      tpu.enqueue_dma source(%arg9 : memref<8x4096xf32, #tpu.memory_space<hbm>>) target(%arg15 : memref<8x4096xf32, #tpu.memory_space<vmem>>) target_semaphore(%run_scoped3A : memref<!tpu.dma_semaphore, #tpu.memory_space<semaphore_mem>>)
      tpu.wait_dma2 semaphore(%run_scoped3A : memref<!tpu.dma_semaphore, #tpu.memory_space<semaphore_mem>>) src(%arg9 : memref<8x4096xf32, #tpu.memory_space<hbm>>) dst(%arg15 : memref<8x4096xf32, #tpu.memory_space<vmem>>)
      tpu.yield
    }) : () -> ()
    "tpu.region"() ({
      %run_scoped3A = tpu.sem_alloc : memref<!tpu.dma_semaphore, #tpu.memory_space<semaphore_mem>>
      tpu.enqueue_dma source(%arg10 : memref<7x4096xf32, #tpu.memory_space<hbm>>) target(%arg16 : memref<7x4096xf32, #tpu.memory_space<vmem>>) target_semaphore(%run_scoped3A : memref<!tpu.dma_semaphore, #tpu.memory_space<semaphore_mem>>)
      tpu.wait_dma2 semaphore(%run_scoped3A : memref<!tpu.dma_semaphore, #tpu.memory_space<semaphore_mem>>) src(%arg10 : memref<7x4096xf32, #tpu.memory_space<hbm>>) dst(%arg16 : memref<7x4096xf32, #tpu.memory_space<vmem>>)
      tpu.yield
    }) : () -> ()
    %broadcast_in_dim3A = arith.constant 0 : i32
    %broadcast_in_dim3A_1 = vector.broadcast %broadcast_in_dim3A : i32 to vector<16xi32>
    %broadcast_in_dim3A_2 = arith.constant 1 : i32
    %broadcast_in_dim3A_3 = vector.broadcast %broadcast_in_dim3A_2 : i32 to vector<16xi32>
    %broadcast_in_dim3A_4 = arith.constant 2 : i32
    %broadcast_in_dim3A_5 = vector.broadcast %broadcast_in_dim3A_4 : i32 to vector<16xi32>
    %broadcast_in_dim3A_6 = arith.constant 3 : i32
    %broadcast_in_dim3A_7 = vector.broadcast %broadcast_in_dim3A_6 : i32 to vector<16xi32>
    %broadcast_in_dim3A_8 = arith.constant 4 : i32
    %broadcast_in_dim3A_9 = vector.broadcast %broadcast_in_dim3A_8 : i32 to vector<16xi32>
    %broadcast_in_dim3A_10 = arith.constant 5 : i32
    %broadcast_in_dim3A_11 = vector.broadcast %broadcast_in_dim3A_10 : i32 to vector<16xi32>
    %broadcast_in_dim3A_12 = arith.constant 6 : i32
    %broadcast_in_dim3A_13 = vector.broadcast %broadcast_in_dim3A_12 : i32 to vector<16xi32>
    %broadcast_in_dim3A_14 = arith.constant 7 : i32
    %broadcast_in_dim3A_15 = vector.broadcast %broadcast_in_dim3A_14 : i32 to vector<16xi32>
    %sub3A = arith.constant 320 : i32
    %sub3A_16 = arith.subi %sub3A, %add3A : i32
    %add3A_17 = arith.constant 32 : i32
    %add3A_18 = arith.addi %sub3A_16, %add3A_17 : i32
    %sub3A_19 = arith.constant 1 : i32
    %sub3A_20 = arith.subi %add3A_18, %sub3A_19 : i32
    %jit3A = arith.constant 32 : i32
    %div3A = arith.divsi %sub3A_20, %jit3A : i32
    %sign3A = arith.constant 0 : i32
    %sign3A_21 = arith.cmpi sgt, %sub3A_20, %sign3A : i32
    %sign3A_22 = arith.extui %sign3A_21 : i1 to i32
    %sign3A_23 = arith.constant 0 : i32
    %sign3A_24 = arith.cmpi slt, %sub3A_20, %sign3A_23 : i32
    %sign3A_25 = arith.extui %sign3A_24 : i1 to i32
    %sign3A_26 = arith.subi %sign3A_22, %sign3A_25 : i32
    %sign3A_27 = arith.constant 0 : i32
    %sign3A_28 = arith.cmpi sgt, %jit3A, %sign3A_27 : i32
    %sign3A_29 = arith.extui %sign3A_28 : i1 to i32
    %sign3A_30 = arith.constant 0 : i32
    %sign3A_31 = arith.cmpi slt, %jit3A, %sign3A_30 : i32
    %sign3A_32 = arith.extui %sign3A_31 : i1 to i32
    %sign3A_33 = arith.subi %sign3A_29, %sign3A_32 : i32
    %ne3A = arith.cmpi ne, %sign3A_26, %sign3A_33 : i32
    %rem3A = arith.remsi %sub3A_20, %jit3A : i32
    %ne3A_34 = arith.constant 0 : i32
    %ne3A_35 = arith.cmpi ne, %rem3A, %ne3A_34 : i32
    %and3A = arith.andi %ne3A, %ne3A_35 : i1
    %sub3A_36 = arith.constant 1 : i32
    %sub3A_37 = arith.subi %div3A, %sub3A_36 : i32
    %select_n3A = arith.select %and3A, %sub3A_37, %div3A : i32
    %add3A_38 = arith.constant 0 : i32
    %add3A_39 = arith.addi %add3A, %add3A_38 : i32
    %mul3A_40 = arith.constant 1600 : i32
    %mul3A_41 = arith.muli %add3A_39, %mul3A_40 : i32
    %dma_start3A = tpu.memref_slice %arg2[%mul3A_41] : memref<512000xi32, #tpu.memory_space<hbm>> -> memref<1600xi32, #tpu.memory_space<hbm>>
    %dma_start3A_42 = tpu.memref_slice %arg2[%mul3A_41] : memref<512000xi32, #tpu.memory_space<hbm>> -> memref<1600xi32, #tpu.memory_space<hbm>>
    tpu.enqueue_dma source(%dma_start3A_42 : memref<1600xi32, #tpu.memory_space<hbm>>) target(%arg17 : memref<1600xi32, #tpu.memory_space<vmem>>) target_semaphore(%arg39 : memref<!tpu.dma_semaphore, #tpu.memory_space<semaphore_mem>>)
    %dma_start3A_43 = tpu.memref_slice %arg3[%mul3A_41] : memref<512000xi32, #tpu.memory_space<hbm>> -> memref<1600xi32, #tpu.memory_space<hbm>>
    %dma_start3A_44 = tpu.memref_slice %arg3[%mul3A_41] : memref<512000xi32, #tpu.memory_space<hbm>> -> memref<1600xi32, #tpu.memory_space<hbm>>
    tpu.enqueue_dma source(%dma_start3A_44 : memref<1600xi32, #tpu.memory_space<hbm>>) target(%arg18 : memref<1600xi32, #tpu.memory_space<vmem>>) target_semaphore(%arg39 : memref<!tpu.dma_semaphore, #tpu.memory_space<semaphore_mem>>)
    %dma_start3A_45 = tpu.memref_slice %arg4[%mul3A_41] : memref<512000xi32, #tpu.memory_space<hbm>> -> memref<1600xi32, #tpu.memory_space<hbm>>
    %dma_start3A_46 = tpu.memref_slice %arg4[%mul3A_41] : memref<512000xi32, #tpu.memory_space<hbm>> -> memref<1600xi32, #tpu.memory_space<hbm>>
    tpu.enqueue_dma source(%dma_start3A_46 : memref<1600xi32, #tpu.memory_space<hbm>>) target(%arg19 : memref<1600xi32, #tpu.memory_space<vmem>>) target_semaphore(%arg39 : memref<!tpu.dma_semaphore, #tpu.memory_space<semaphore_mem>>)
    %dma_start3A_47 = tpu.memref_slice %arg5[%mul3A_41] : memref<512000xf32, #tpu.memory_space<hbm>> -> memref<1600xf32, #tpu.memory_space<hbm>>
    %dma_start3A_48 = tpu.memref_slice %arg5[%mul3A_41] : memref<512000xf32, #tpu.memory_space<hbm>> -> memref<1600xf32, #tpu.memory_space<hbm>>
    tpu.enqueue_dma source(%dma_start3A_48 : memref<1600xf32, #tpu.memory_space<hbm>>) target(%arg20 : memref<1600xf32, #tpu.memory_space<vmem>>) target_semaphore(%arg39 : memref<!tpu.dma_semaphore, #tpu.memory_space<semaphore_mem>>)
    %dma_start3A_49 = tpu.memref_slice %arg6[%mul3A_41] : memref<512000xf32, #tpu.memory_space<hbm>> -> memref<1600xf32, #tpu.memory_space<hbm>>
    %dma_start3A_50 = tpu.memref_slice %arg6[%mul3A_41] : memref<512000xf32, #tpu.memory_space<hbm>> -> memref<1600xf32, #tpu.memory_space<hbm>>
    tpu.enqueue_dma source(%dma_start3A_50 : memref<1600xf32, #tpu.memory_space<hbm>>) target(%arg21 : memref<1600xf32, #tpu.memory_space<vmem>>) target_semaphore(%arg39 : memref<!tpu.dma_semaphore, #tpu.memory_space<semaphore_mem>>)
    %dma_start3A_51 = tpu.memref_slice %arg7[%mul3A_41] : memref<512000xf32, #tpu.memory_space<hbm>> -> memref<1600xf32, #tpu.memory_space<hbm>>
    %dma_start3A_52 = tpu.memref_slice %arg7[%mul3A_41] : memref<512000xf32, #tpu.memory_space<hbm>> -> memref<1600xf32, #tpu.memory_space<hbm>>
    tpu.enqueue_dma source(%dma_start3A_52 : memref<1600xf32, #tpu.memory_space<hbm>>) target(%arg22 : memref<1600xf32, #tpu.memory_space<vmem>>) target_semaphore(%arg39 : memref<!tpu.dma_semaphore, #tpu.memory_space<semaphore_mem>>)
    %dma_start3A_53 = tpu.memref_slice %arg8[%mul3A_41] : memref<512000xf32, #tpu.memory_space<hbm>> -> memref<1600xf32, #tpu.memory_space<hbm>>
    %dma_start3A_54 = tpu.memref_slice %arg8[%mul3A_41] : memref<512000xf32, #tpu.memory_space<hbm>> -> memref<1600xf32, #tpu.memory_space<hbm>>
    tpu.enqueue_dma source(%dma_start3A_54 : memref<1600xf32, #tpu.memory_space<hbm>>) target(%arg23 : memref<1600xf32, #tpu.memory_space<vmem>>) target_semaphore(%arg39 : memref<!tpu.dma_semaphore, #tpu.memory_space<semaphore_mem>>)
    %dma_wait3A = arith.constant 0 : i32
    %dma_wait3A_55 = tpu.memref_slice %arg2[%dma_wait3A] : memref<512000xi32, #tpu.memory_space<hbm>> -> memref<1600xi32, #tpu.memory_space<hbm>>
    %dma_wait3A_56 = arith.constant 0 : i32
    %dma_wait3A_57 = tpu.memref_slice %arg2[%dma_wait3A_56] : memref<512000xi32, #tpu.memory_space<hbm>> -> memref<1600xi32, #tpu.memory_space<hbm>>
    tpu.wait_dma2 semaphore(%arg39 : memref<!tpu.dma_semaphore, #tpu.memory_space<semaphore_mem>>) src(%dma_wait3A_57 : memref<1600xi32, #tpu.memory_space<hbm>>) dst(%arg17 : memref<1600xi32, #tpu.memory_space<vmem>>)
    %dma_wait3A_58 = arith.constant 0 : i32
    %dma_wait3A_59 = tpu.memref_slice %arg3[%dma_wait3A_58] : memref<512000xi32, #tpu.memory_space<hbm>> -> memref<1600xi32, #tpu.memory_space<hbm>>
    %dma_wait3A_60 = arith.constant 0 : i32
    %dma_wait3A_61 = tpu.memref_slice %arg3[%dma_wait3A_60] : memref<512000xi32, #tpu.memory_space<hbm>> -> memref<1600xi32, #tpu.memory_space<hbm>>
    tpu.wait_dma2 semaphore(%arg39 : memref<!tpu.dma_semaphore, #tpu.memory_space<semaphore_mem>>) src(%dma_wait3A_61 : memref<1600xi32, #tpu.memory_space<hbm>>) dst(%arg18 : memref<1600xi32, #tpu.memory_space<vmem>>)
    %dma_wait3A_62 = arith.constant 0 : i32
    %dma_wait3A_63 = tpu.memref_slice %arg4[%dma_wait3A_62] : memref<512000xi32, #tpu.memory_space<hbm>> -> memref<1600xi32, #tpu.memory_space<hbm>>
    %dma_wait3A_64 = arith.constant 0 : i32
    %dma_wait3A_65 = tpu.memref_slice %arg4[%dma_wait3A_64] : memref<512000xi32, #tpu.memory_space<hbm>> -> memref<1600xi32, #tpu.memory_space<hbm>>
    tpu.wait_dma2 semaphore(%arg39 : memref<!tpu.dma_semaphore, #tpu.memory_space<semaphore_mem>>) src(%dma_wait3A_65 : memref<1600xi32, #tpu.memory_space<hbm>>) dst(%arg19 : memref<1600xi32, #tpu.memory_space<vmem>>)
    %dma_wait3A_66 = arith.constant 0 : i32
    %dma_wait3A_67 = tpu.memref_slice %arg5[%dma_wait3A_66] : memref<512000xf32, #tpu.memory_space<hbm>> -> memref<1600xf32, #tpu.memory_space<hbm>>
    %dma_wait3A_68 = arith.constant 0 : i32
    %dma_wait3A_69 = tpu.memref_slice %arg5[%dma_wait3A_68] : memref<512000xf32, #tpu.memory_space<hbm>> -> memref<1600xf32, #tpu.memory_space<hbm>>
    tpu.wait_dma2 semaphore(%arg39 : memref<!tpu.dma_semaphore, #tpu.memory_space<semaphore_mem>>) src(%dma_wait3A_69 : memref<1600xf32, #tpu.memory_space<hbm>>) dst(%arg20 : memref<1600xf32, #tpu.memory_space<vmem>>)
    %dma_wait3A_70 = arith.constant 0 : i32
    %dma_wait3A_71 = tpu.memref_slice %arg6[%dma_wait3A_70] : memref<512000xf32, #tpu.memory_space<hbm>> -> memref<1600xf32, #tpu.memory_space<hbm>>
    %dma_wait3A_72 = arith.constant 0 : i32
    %dma_wait3A_73 = tpu.memref_slice %arg6[%dma_wait3A_72] : memref<512000xf32, #tpu.memory_space<hbm>> -> memref<1600xf32, #tpu.memory_space<hbm>>
    tpu.wait_dma2 semaphore(%arg39 : memref<!tpu.dma_semaphore, #tpu.memory_space<semaphore_mem>>) src(%dma_wait3A_73 : memref<1600xf32, #tpu.memory_space<hbm>>) dst(%arg21 : memref<1600xf32, #tpu.memory_space<vmem>>)
    %dma_wait3A_74 = arith.constant 0 : i32
    %dma_wait3A_75 = tpu.memref_slice %arg7[%dma_wait3A_74] : memref<512000xf32, #tpu.memory_space<hbm>> -> memref<1600xf32, #tpu.memory_space<hbm>>
    %dma_wait3A_76 = arith.constant 0 : i32
    %dma_wait3A_77 = tpu.memref_slice %arg7[%dma_wait3A_76] : memref<512000xf32, #tpu.memory_space<hbm>> -> memref<1600xf32, #tpu.memory_space<hbm>>
    tpu.wait_dma2 semaphore(%arg39 : memref<!tpu.dma_semaphore, #tpu.memory_space<semaphore_mem>>) src(%dma_wait3A_77 : memref<1600xf32, #tpu.memory_space<hbm>>) dst(%arg22 : memref<1600xf32, #tpu.memory_space<vmem>>)
    %dma_wait3A_78 = arith.constant 0 : i32
    %dma_wait3A_79 = tpu.memref_slice %arg8[%dma_wait3A_78] : memref<512000xf32, #tpu.memory_space<hbm>> -> memref<1600xf32, #tpu.memory_space<hbm>>
    %dma_wait3A_80 = arith.constant 0 : i32
    %dma_wait3A_81 = tpu.memref_slice %arg8[%dma_wait3A_80] : memref<512000xf32, #tpu.memory_space<hbm>> -> memref<1600xf32, #tpu.memory_space<hbm>>
    tpu.wait_dma2 semaphore(%arg39 : memref<!tpu.dma_semaphore, #tpu.memory_space<semaphore_mem>>) src(%dma_wait3A_81 : memref<1600xf32, #tpu.memory_space<hbm>>) dst(%arg23 : memref<1600xf32, #tpu.memory_space<vmem>>)
    %dma_start3A_82 = arith.constant 0 : i32
    %dma_start3A_83 = arith.constant 0 : i32
    %dma_start3A_84 = tpu.memref_slice %arg11[%dma_start3A_82, %dma_start3A_83] : memref<100000x8xf32, #tpu.memory_space<hbm>> -> memref<100000x8xf32, #tpu.memory_space<hbm>>
    tpu.enqueue_indirect_dma source(%dma_start3A_84 : memref<100000x8xf32, #tpu.memory_space<hbm>>) target(%arg24 : memref<1600x8xf32, #tpu.memory_space<vmem>>) offsets(%arg19 : memref<1600xi32, #tpu.memory_space<vmem>>) semaphore(%arg41 : memref<!tpu.dma_semaphore, #tpu.memory_space<semaphore_mem>>)
    %add3A_85 = arith.constant 32 : i32
    %add3A_86 = arith.addi %add3A, %add3A_85 : i32
    %mul3A_87 = arith.constant 1600 : i32
    %mul3A_88 = arith.muli %add3A_86, %mul3A_87 : i32
    %dma_start3A_89 = tpu.memref_slice %arg2[%mul3A_88] : memref<512000xi32, #tpu.memory_space<hbm>> -> memref<1600xi32, #tpu.memory_space<hbm>>
    %dma_start3A_90 = tpu.memref_slice %arg2[%mul3A_88] : memref<512000xi32, #tpu.memory_space<hbm>> -> memref<1600xi32, #tpu.memory_space<hbm>>
    tpu.enqueue_dma source(%dma_start3A_90 : memref<1600xi32, #tpu.memory_space<hbm>>) target(%arg28 : memref<1600xi32, #tpu.memory_space<vmem>>) target_semaphore(%arg40 : memref<!tpu.dma_semaphore, #tpu.memory_space<semaphore_mem>>)
    %dma_start3A_91 = tpu.memref_slice %arg3[%mul3A_88] : memref<512000xi32, #tpu.memory_space<hbm>> -> memref<1600xi32, #tpu.memory_space<hbm>>
    %dma_start3A_92 = tpu.memref_slice %arg3[%mul3A_88] : memref<512000xi32, #tpu.memory_space<hbm>> -> memref<1600xi32, #tpu.memory_space<hbm>>
    tpu.enqueue_dma source(%dma_start3A_92 : memref<1600xi32, #tpu.memory_space<hbm>>) target(%arg29 : memref<1600xi32, #tpu.memory_space<vmem>>) target_semaphore(%arg40 : memref<!tpu.dma_semaphore, #tpu.memory_space<semaphore_mem>>)
    %dma_start3A_93 = tpu.memref_slice %arg4[%mul3A_88] : memref<512000xi32, #tpu.memory_space<hbm>> -> memref<1600xi32, #tpu.memory_space<hbm>>
    %dma_start3A_94 = tpu.memref_slice %arg4[%mul3A_88] : memref<512000xi32, #tpu.memory_space<hbm>> -> memref<1600xi32, #tpu.memory_space<hbm>>
    tpu.enqueue_dma source(%dma_start3A_94 : memref<1600xi32, #tpu.memory_space<hbm>>) target(%arg30 : memref<1600xi32, #tpu.memory_space<vmem>>) target_semaphore(%arg40 : memref<!tpu.dma_semaphore, #tpu.memory_space<semaphore_mem>>)
    %dma_start3A_95 = tpu.memref_slice %arg5[%mul3A_88] : memref<512000xf32, #tpu.memory_space<hbm>> -> memref<1600xf32, #tpu.memory_space<hbm>>
    %dma_start3A_96 = tpu.memref_slice %arg5[%mul3A_88] : memref<512000xf32, #tpu.memory_space<hbm>> -> memref<1600xf32, #tpu.memory_space<hbm>>
    tpu.enqueue_dma source(%dma_start3A_96 : memref<1600xf32, #tpu.memory_space<hbm>>) target(%arg31 : memref<1600xf32, #tpu.memory_space<vmem>>) target_semaphore(%arg40 : memref<!tpu.dma_semaphore, #tpu.memory_space<semaphore_mem>>)
    %dma_start3A_97 = tpu.memref_slice %arg6[%mul3A_88] : memref<512000xf32, #tpu.memory_space<hbm>> -> memref<1600xf32, #tpu.memory_space<hbm>>
    %dma_start3A_98 = tpu.memref_slice %arg6[%mul3A_88] : memref<512000xf32, #tpu.memory_space<hbm>> -> memref<1600xf32, #tpu.memory_space<hbm>>
    tpu.enqueue_dma source(%dma_start3A_98 : memref<1600xf32, #tpu.memory_space<hbm>>) target(%arg32 : memref<1600xf32, #tpu.memory_space<vmem>>) target_semaphore(%arg40 : memref<!tpu.dma_semaphore, #tpu.memory_space<semaphore_mem>>)
    %dma_start3A_99 = tpu.memref_slice %arg7[%mul3A_88] : memref<512000xf32, #tpu.memory_space<hbm>> -> memref<1600xf32, #tpu.memory_space<hbm>>
    %dma_start3A_100 = tpu.memref_slice %arg7[%mul3A_88] : memref<512000xf32, #tpu.memory_space<hbm>> -> memref<1600xf32, #tpu.memory_space<hbm>>
    tpu.enqueue_dma source(%dma_start3A_100 : memref<1600xf32, #tpu.memory_space<hbm>>) target(%arg33 : memref<1600xf32, #tpu.memory_space<vmem>>) target_semaphore(%arg40 : memref<!tpu.dma_semaphore, #tpu.memory_space<semaphore_mem>>)
    %dma_start3A_101 = tpu.memref_slice %arg8[%mul3A_88] : memref<512000xf32, #tpu.memory_space<hbm>> -> memref<1600xf32, #tpu.memory_space<hbm>>
    %dma_start3A_102 = tpu.memref_slice %arg8[%mul3A_88] : memref<512000xf32, #tpu.memory_space<hbm>> -> memref<1600xf32, #tpu.memory_space<hbm>>
    tpu.enqueue_dma source(%dma_start3A_102 : memref<1600xf32, #tpu.memory_space<hbm>>) target(%arg34 : memref<1600xf32, #tpu.memory_space<vmem>>) target_semaphore(%arg40 : memref<!tpu.dma_semaphore, #tpu.memory_space<semaphore_mem>>)
    %add3A_103 = arith.constant 1 : i32
    %add3A_104 = arith.addi %select_n3A, %add3A_103 : i32
    %jit3A_105 = arith.constant 2 : i32
    %div3A_106 = arith.divsi %add3A_104, %jit3A_105 : i32
    %sign3A_107 = arith.constant 0 : i32
    %sign3A_108 = arith.cmpi sgt, %add3A_104, %sign3A_107 : i32
    %sign3A_109 = arith.extui %sign3A_108 : i1 to i32
    %sign3A_110 = arith.constant 0 : i32
    %sign3A_111 = arith.cmpi slt, %add3A_104, %sign3A_110 : i32
    %sign3A_112 = arith.extui %sign3A_111 : i1 to i32
    %sign3A_113 = arith.subi %sign3A_109, %sign3A_112 : i32
    %sign3A_114 = arith.constant 0 : i32
    %sign3A_115 = arith.cmpi sgt, %jit3A_105, %sign3A_114 : i32
    %sign3A_116 = arith.extui %sign3A_115 : i1 to i32
    %sign3A_117 = arith.constant 0 : i32
    %sign3A_118 = arith.cmpi slt, %jit3A_105, %sign3A_117 : i32
    %sign3A_119 = arith.extui %sign3A_118 : i1 to i32
    %sign3A_120 = arith.subi %sign3A_116, %sign3A_119 : i32
    %ne3A_121 = arith.cmpi ne, %sign3A_113, %sign3A_120 : i32
    %rem3A_122 = arith.remsi %add3A_104, %jit3A_105 : i32
    %ne3A_123 = arith.constant 0 : i32
    %ne3A_124 = arith.cmpi ne, %rem3A_122, %ne3A_123 : i32
    %and3A_125 = arith.andi %ne3A_121, %ne3A_124 : i1
    %sub3A_126 = arith.constant 1 : i32
    %sub3A_127 = arith.subi %div3A_106, %sub3A_126 : i32
    %select_n3A_128 = arith.select %and3A_125, %sub3A_127, %div3A_106 : i32
    %while3A = arith.constant 0 : i32
    %while3A_129 = arith.constant 0 : i32
    %while3A_130 = arith.subi %select_n3A_128, %while3A_129 : i32
    %while3A_131 = arith.addi %while3A_129, %while3A_130 : i32
    %while3A_132 = arith.constant 1 : i32
    %while3A_133 = arith.divsi %while3A_130, %while3A_132 : i32
    %while3A_134 = arith.muli %while3A_133, %while3A_132 : i32
    %while3A_135 = arith.addi %while3A_129, %while3A_134 : i32
    %while3A_136 = arith.constant 1 : i32
    scf.for %while3A_152 = %while3A_129 to %while3A_135 step %while3A_136  : i32 {
      %mul3A_153 = arith.constant 2 : i32
      %mul3A_154 = arith.muli %mul3A_153, %while3A_152 : i32
      %mul3A_155 = arith.constant 2 : i32
      %mul3A_156 = arith.muli %mul3A_155, %while3A_152 : i32
      %add3A_157 = arith.constant 1 : i32
      %add3A_158 = arith.addi %mul3A_156, %add3A_157 : i32
      %lt3A = arith.cmpi slt, %add3A_158, %select_n3A : i32
      %convert_element_type3A_159 = arith.extui %lt3A : i1 to i32
      %cond3A_160 = arith.constant 0 : i32
      %cond3A_161 = arith.cmpi ne, %convert_element_type3A_159, %cond3A_160 : i32
      scf.if %cond3A_161 {
        %dma_wait3A_210 = arith.constant 0 : i32
        %dma_wait3A_211 = tpu.memref_slice %arg2[%dma_wait3A_210] : memref<512000xi32, #tpu.memory_space<hbm>> -> memref<1600xi32, #tpu.memory_space<hbm>>
        %dma_wait3A_212 = arith.constant 0 : i32
        %dma_wait3A_213 = tpu.memref_slice %arg2[%dma_wait3A_212] : memref<512000xi32, #tpu.memory_space<hbm>> -> memref<1600xi32, #tpu.memory_space<hbm>>
        tpu.wait_dma2 semaphore(%arg40 : memref<!tpu.dma_semaphore, #tpu.memory_space<semaphore_mem>>) src(%dma_wait3A_213 : memref<1600xi32, #tpu.memory_space<hbm>>) dst(%arg28 : memref<1600xi32, #tpu.memory_space<vmem>>)
        %dma_wait3A_214 = arith.constant 0 : i32
        %dma_wait3A_215 = tpu.memref_slice %arg3[%dma_wait3A_214] : memref<512000xi32, #tpu.memory_space<hbm>> -> memref<1600xi32, #tpu.memory_space<hbm>>
        %dma_wait3A_216 = arith.constant 0 : i32
        %dma_wait3A_217 = tpu.memref_slice %arg3[%dma_wait3A_216] : memref<512000xi32, #tpu.memory_space<hbm>> -> memref<1600xi32, #tpu.memory_space<hbm>>
        tpu.wait_dma2 semaphore(%arg40 : memref<!tpu.dma_semaphore, #tpu.memory_space<semaphore_mem>>) src(%dma_wait3A_217 : memref<1600xi32, #tpu.memory_space<hbm>>) dst(%arg29 : memref<1600xi32, #tpu.memory_space<vmem>>)
        %dma_wait3A_218 = arith.constant 0 : i32
        %dma_wait3A_219 = tpu.memref_slice %arg4[%dma_wait3A_218] : memref<512000xi32, #tpu.memory_space<hbm>> -> memref<1600xi32, #tpu.memory_space<hbm>>
        %dma_wait3A_220 = arith.constant 0 : i32
        %dma_wait3A_221 = tpu.memref_slice %arg4[%dma_wait3A_220] : memref<512000xi32, #tpu.memory_space<hbm>> -> memref<1600xi32, #tpu.memory_space<hbm>>
        tpu.wait_dma2 semaphore(%arg40 : memref<!tpu.dma_semaphore, #tpu.memory_space<semaphore_mem>>) src(%dma_wait3A_221 : memref<1600xi32, #tpu.memory_space<hbm>>) dst(%arg30 : memref<1600xi32, #tpu.memory_space<vmem>>)
        %dma_wait3A_222 = arith.constant 0 : i32
        %dma_wait3A_223 = tpu.memref_slice %arg5[%dma_wait3A_222] : memref<512000xf32, #tpu.memory_space<hbm>> -> memref<1600xf32, #tpu.memory_space<hbm>>
        %dma_wait3A_224 = arith.constant 0 : i32
        %dma_wait3A_225 = tpu.memref_slice %arg5[%dma_wait3A_224] : memref<512000xf32, #tpu.memory_space<hbm>> -> memref<1600xf32, #tpu.memory_space<hbm>>
        tpu.wait_dma2 semaphore(%arg40 : memref<!tpu.dma_semaphore, #tpu.memory_space<semaphore_mem>>) src(%dma_wait3A_225 : memref<1600xf32, #tpu.memory_space<hbm>>) dst(%arg31 : memref<1600xf32, #tpu.memory_space<vmem>>)
        %dma_wait3A_226 = arith.constant 0 : i32
        %dma_wait3A_227 = tpu.memref_slice %arg6[%dma_wait3A_226] : memref<512000xf32, #tpu.memory_space<hbm>> -> memref<1600xf32, #tpu.memory_space<hbm>>
        %dma_wait3A_228 = arith.constant 0 : i32
        %dma_wait3A_229 = tpu.memref_slice %arg6[%dma_wait3A_228] : memref<512000xf32, #tpu.memory_space<hbm>> -> memref<1600xf32, #tpu.memory_space<hbm>>
        tpu.wait_dma2 semaphore(%arg40 : memref<!tpu.dma_semaphore, #tpu.memory_space<semaphore_mem>>) src(%dma_wait3A_229 : memref<1600xf32, #tpu.memory_space<hbm>>) dst(%arg32 : memref<1600xf32, #tpu.memory_space<vmem>>)
        %dma_wait3A_230 = arith.constant 0 : i32
        %dma_wait3A_231 = tpu.memref_slice %arg7[%dma_wait3A_230] : memref<512000xf32, #tpu.memory_space<hbm>> -> memref<1600xf32, #tpu.memory_space<hbm>>
        %dma_wait3A_232 = arith.constant 0 : i32
        %dma_wait3A_233 = tpu.memref_slice %arg7[%dma_wait3A_232] : memref<512000xf32, #tpu.memory_space<hbm>> -> memref<1600xf32, #tpu.memory_space<hbm>>
        tpu.wait_dma2 semaphore(%arg40 : memref<!tpu.dma_semaphore, #tpu.memory_space<semaphore_mem>>) src(%dma_wait3A_233 : memref<1600xf32, #tpu.memory_space<hbm>>) dst(%arg33 : memref<1600xf32, #tpu.memory_space<vmem>>)
        %dma_wait3A_234 = arith.constant 0 : i32
        %dma_wait3A_235 = tpu.memref_slice %arg8[%dma_wait3A_234] : memref<512000xf32, #tpu.memory_space<hbm>> -> memref<1600xf32, #tpu.memory_space<hbm>>
        %dma_wait3A_236 = arith.constant 0 : i32
        %dma_wait3A_237 = tpu.memref_slice %arg8[%dma_wait3A_236] : memref<512000xf32, #tpu.memory_space<hbm>> -> memref<1600xf32, #tpu.memory_space<hbm>>
        tpu.wait_dma2 semaphore(%arg40 : memref<!tpu.dma_semaphore, #tpu.memory_space<semaphore_mem>>) src(%dma_wait3A_237 : memref<1600xf32, #tpu.memory_space<hbm>>) dst(%arg34 : memref<1600xf32, #tpu.memory_space<vmem>>)
        %dma_start3A_238 = arith.constant 0 : i32
        %dma_start3A_239 = arith.constant 0 : i32
        %dma_start3A_240 = tpu.memref_slice %arg11[%dma_start3A_238, %dma_start3A_239] : memref<100000x8xf32, #tpu.memory_space<hbm>> -> memref<100000x8xf32, #tpu.memory_space<hbm>>
        tpu.enqueue_indirect_dma source(%dma_start3A_240 : memref<100000x8xf32, #tpu.memory_space<hbm>>) target(%arg35 : memref<1600x8xf32, #tpu.memory_space<vmem>>) offsets(%arg30 : memref<1600xi32, #tpu.memory_space<vmem>>) semaphore(%arg42 : memref<!tpu.dma_semaphore, #tpu.memory_space<semaphore_mem>>)
      } else {
      }
      %gt3A = arith.constant 0 : i32
      %gt3A_162 = arith.cmpi sgt, %while3A_152, %gt3A : i32
      %convert_element_type3A_163 = arith.extui %gt3A_162 : i1 to i32
      %cond3A_164 = arith.constant 0 : i32
      %cond3A_165 = arith.cmpi ne, %convert_element_type3A_163, %cond3A_164 : i32
      scf.if %cond3A_165 {
        %dma_wait3A_210 = arith.constant 0 : i32
        %dma_wait3A_211 = tpu.memref_slice %arg12[%dma_wait3A_210] : memref<512000xf32, #tpu.memory_space<hbm>> -> memref<1600xf32, #tpu.memory_space<hbm>>
        %dma_wait3A_212 = arith.constant 0 : i32
        %dma_wait3A_213 = tpu.memref_slice %arg12[%dma_wait3A_212] : memref<512000xf32, #tpu.memory_space<hbm>> -> memref<1600xf32, #tpu.memory_space<hbm>>
        tpu.wait_dma2 semaphore(%arg43 : memref<!tpu.dma_semaphore, #tpu.memory_space<semaphore_mem>>) src(%arg25 : memref<1600xf32, #tpu.memory_space<vmem>>) dst(%dma_wait3A_213 : memref<1600xf32, #tpu.memory_space<hbm>>)
        %dma_wait3A_214 = arith.constant 0 : i32
        %dma_wait3A_215 = tpu.memref_slice %arg13[%dma_wait3A_214] : memref<512000xf32, #tpu.memory_space<hbm>> -> memref<1600xf32, #tpu.memory_space<hbm>>
        %dma_wait3A_216 = arith.constant 0 : i32
        %dma_wait3A_217 = tpu.memref_slice %arg13[%dma_wait3A_216] : memref<512000xf32, #tpu.memory_space<hbm>> -> memref<1600xf32, #tpu.memory_space<hbm>>
        tpu.wait_dma2 semaphore(%arg43 : memref<!tpu.dma_semaphore, #tpu.memory_space<semaphore_mem>>) src(%arg26 : memref<1600xf32, #tpu.memory_space<vmem>>) dst(%dma_wait3A_217 : memref<1600xf32, #tpu.memory_space<hbm>>)
        %dma_wait3A_218 = arith.constant 0 : i32
        %dma_wait3A_219 = tpu.memref_slice %arg14[%dma_wait3A_218] : memref<512000xf32, #tpu.memory_space<hbm>> -> memref<1600xf32, #tpu.memory_space<hbm>>
        %dma_wait3A_220 = arith.constant 0 : i32
        %dma_wait3A_221 = tpu.memref_slice %arg14[%dma_wait3A_220] : memref<512000xf32, #tpu.memory_space<hbm>> -> memref<1600xf32, #tpu.memory_space<hbm>>
        tpu.wait_dma2 semaphore(%arg43 : memref<!tpu.dma_semaphore, #tpu.memory_space<semaphore_mem>>) src(%arg27 : memref<1600xf32, #tpu.memory_space<vmem>>) dst(%dma_wait3A_221 : memref<1600xf32, #tpu.memory_space<hbm>>)
      } else {
      }
      %dma_wait3A_166 = arith.constant 0 : i32
      %dma_wait3A_167 = arith.constant 0 : i32
      %dma_wait3A_168 = tpu.memref_slice %arg11[%dma_wait3A_166, %dma_wait3A_167] : memref<100000x8xf32, #tpu.memory_space<hbm>> -> memref<1600x8xf32, #tpu.memory_space<hbm>>
      %dma_wait3A_169 = arith.constant 0 : i32
      %dma_wait3A_170 = arith.constant 0 : i32
      %dma_wait3A_171 = tpu.memref_slice %arg11[%dma_wait3A_169, %dma_wait3A_170] : memref<100000x8xf32, #tpu.memory_space<hbm>> -> memref<1600x8xf32, #tpu.memory_space<hbm>>
      tpu.wait_dma2 semaphore(%arg41 : memref<!tpu.dma_semaphore, #tpu.memory_space<semaphore_mem>>) src(%dma_wait3A_171 : memref<1600x8xf32, #tpu.memory_space<hbm>>) dst(%arg24 : memref<1600x8xf32, #tpu.memory_space<vmem>>)
      %scan3A = arith.constant 0 : i32
      %scan3A_172 = arith.constant 0 : i32
      %scan3A_173 = arith.constant 100 : i32
      %scan3A_174 = arith.addi %scan3A_172, %scan3A_173 : i32
      %scan3A_175 = arith.constant 1 : i32
      scf.for %scan3A_210 = %scan3A_172 to %scan3A_174 step %scan3A_175  : i32 {
        %mul3A_211 = arith.constant 16 : i32
        %mul3A_212 = arith.muli %scan3A_210, %mul3A_211 : i32
        %multiple_of3A = tpu.assume_multiple %mul3A_212, 16 : i32
        %mul3A_213 = arith.constant 16 : i32
        %mul3A_214 = arith.muli %scan3A_210, %mul3A_213 : i32
        %iota3A = tpu.iota {dimensions = array<i32: 0>} : vector<16xi32>
        %add3A_215 = vector.broadcast %mul3A_214 : i32 to vector<16xi32>
        %add3A_216 = arith.addi %add3A_215, %iota3A : vector<16xi32>
        %get3A = arith.index_cast %multiple_of3A : i32 to index
        %get3A_217 = tpu.vector_load %arg17[%get3A] {strides = array<i32>} : memref<1600xi32, #tpu.memory_space<vmem>>, vector<16xi32>,
        %get3A_218 = arith.index_cast %multiple_of3A : i32 to index
        %get3A_219 = tpu.vector_load %arg18[%get3A_218] {strides = array<i32>} : memref<1600xi32, #tpu.memory_space<vmem>>, vector<16xi32>,
        %gather3A = tpu.vector_load_idx %arg15[%broadcast_in_dim3A_1, %get3A_217] : memref<8x4096xf32, #tpu.memory_space<vmem>>[vector<16xi32>, vector<16xi32>], vector<16xf32>,
        %gather3A_220 = tpu.vector_load_idx %arg15[%broadcast_in_dim3A_3, %get3A_217] : memref<8x4096xf32, #tpu.memory_space<vmem>>[vector<16xi32>, vector<16xi32>], vector<16xf32>,
        %gather3A_221 = tpu.vector_load_idx %arg15[%broadcast_in_dim3A_5, %get3A_217] : memref<8x4096xf32, #tpu.memory_space<vmem>>[vector<16xi32>, vector<16xi32>], vector<16xf32>,
        %gather3A_222 = tpu.vector_load_idx %arg15[%broadcast_in_dim3A_7, %get3A_217] : memref<8x4096xf32, #tpu.memory_space<vmem>>[vector<16xi32>, vector<16xi32>], vector<16xf32>,
        %gather3A_223 = tpu.vector_load_idx %arg15[%broadcast_in_dim3A_9, %get3A_217] : memref<8x4096xf32, #tpu.memory_space<vmem>>[vector<16xi32>, vector<16xi32>], vector<16xf32>,
        %gather3A_224 = tpu.vector_load_idx %arg15[%broadcast_in_dim3A_11, %get3A_217] : memref<8x4096xf32, #tpu.memory_space<vmem>>[vector<16xi32>, vector<16xi32>], vector<16xf32>,
        %gather3A_225 = tpu.vector_load_idx %arg15[%broadcast_in_dim3A_13, %get3A_217] : memref<8x4096xf32, #tpu.memory_space<vmem>>[vector<16xi32>, vector<16xi32>], vector<16xf32>,
        %gather3A_226 = tpu.vector_load_idx %arg15[%broadcast_in_dim3A_15, %get3A_217] : memref<8x4096xf32, #tpu.memory_space<vmem>>[vector<16xi32>, vector<16xi32>], vector<16xf32>,
        %gather3A_227 = tpu.vector_load_idx %arg16[%broadcast_in_dim3A_1, %get3A_219] : memref<7x4096xf32, #tpu.memory_space<vmem>>[vector<16xi32>, vector<16xi32>], vector<16xf32>,
        %gather3A_228 = tpu.vector_load_idx %arg16[%broadcast_in_dim3A_3, %get3A_219] : memref<7x4096xf32, #tpu.memory_space<vmem>>[vector<16xi32>, vector<16xi32>], vector<16xf32>,
        %gather3A_229 = tpu.vector_load_idx %arg16[%broadcast_in_dim3A_5, %get3A_219] : memref<7x4096xf32, #tpu.memory_space<vmem>>[vector<16xi32>, vector<16xi32>], vector<16xf32>,
        %gather3A_230 = tpu.vector_load_idx %arg16[%broadcast_in_dim3A_7, %get3A_219] : memref<7x4096xf32, #tpu.memory_space<vmem>>[vector<16xi32>, vector<16xi32>], vector<16xf32>,
        %gather3A_231 = tpu.vector_load_idx %arg16[%broadcast_in_dim3A_9, %get3A_219] : memref<7x4096xf32, #tpu.memory_space<vmem>>[vector<16xi32>, vector<16xi32>], vector<16xf32>,
        %gather3A_232 = tpu.vector_load_idx %arg16[%broadcast_in_dim3A_11, %get3A_219] : memref<7x4096xf32, #tpu.memory_space<vmem>>[vector<16xi32>, vector<16xi32>], vector<16xf32>,
        %gather3A_233 = tpu.vector_load_idx %arg16[%broadcast_in_dim3A_13, %get3A_219] : memref<7x4096xf32, #tpu.memory_space<vmem>>[vector<16xi32>, vector<16xi32>], vector<16xf32>,
        %get3A_234 = arith.index_cast %multiple_of3A : i32 to index
        %get3A_235 = tpu.vector_load %arg20[%get3A_234] {strides = array<i32>} : memref<1600xf32, #tpu.memory_space<vmem>>, vector<16xf32>,
        %get3A_236 = arith.index_cast %multiple_of3A : i32 to index
        %get3A_237 = tpu.vector_load %arg21[%get3A_236] {strides = array<i32>} : memref<1600xf32, #tpu.memory_space<vmem>>, vector<16xf32>,
        %get3A_238 = arith.index_cast %multiple_of3A : i32 to index
        %get3A_239 = tpu.vector_load %arg22[%get3A_238] {strides = array<i32>} : memref<1600xf32, #tpu.memory_space<vmem>>, vector<16xf32>,
        %get3A_240 = arith.index_cast %multiple_of3A : i32 to index
        %get3A_241 = tpu.vector_load %arg23[%get3A_240] {strides = array<i32>} : memref<1600xf32, #tpu.memory_space<vmem>>, vector<16xf32>,
        %gather3A_242 = tpu.vector_load_idx %arg24[%add3A_216, %broadcast_in_dim3A_1] : memref<1600x8xf32, #tpu.memory_space<vmem>>[vector<16xi32>, vector<16xi32>], vector<16xf32>,
        %gather3A_243 = tpu.vector_load_idx %arg24[%add3A_216, %broadcast_in_dim3A_3] : memref<1600x8xf32, #tpu.memory_space<vmem>>[vector<16xi32>, vector<16xi32>], vector<16xf32>,
        %gather3A_244 = tpu.vector_load_idx %arg24[%add3A_216, %broadcast_in_dim3A_5] : memref<1600x8xf32, #tpu.memory_space<vmem>>[vector<16xi32>, vector<16xi32>], vector<16xf32>,
        %mul3A_245 = arith.mulf %get3A_241, %get3A_235 : vector<16xf32>
        %sub3A_246 = arith.subf %gather3A_231, %mul3A_245 : vector<16xf32>
        %mul3A_247 = arith.mulf %get3A_241, %get3A_237 : vector<16xf32>
        %sub3A_248 = arith.subf %gather3A_232, %mul3A_247 : vector<16xf32>
        %mul3A_249 = arith.mulf %get3A_241, %get3A_239 : vector<16xf32>
        %sub3A_250 = arith.subf %gather3A_233, %mul3A_249 : vector<16xf32>
        %mul3A_251 = arith.mulf %gather3A_228, %sub3A_250 : vector<16xf32>
        %mul3A_252 = arith.mulf %gather3A_229, %sub3A_248 : vector<16xf32>
        %sub3A_253 = arith.subf %mul3A_251, %mul3A_252 : vector<16xf32>
        %mul3A_254 = arith.constant -2.000000e+00 : f32
        %mul3A_255 = vector.broadcast %mul3A_254 : f32 to vector<16xf32>
        %mul3A_256 = arith.mulf %mul3A_255, %sub3A_253 : vector<16xf32>
        %mul3A_257 = arith.mulf %gather3A_229, %sub3A_246 : vector<16xf32>
        %mul3A_258 = arith.mulf %gather3A_227, %sub3A_250 : vector<16xf32>
        %sub3A_259 = arith.subf %mul3A_257, %mul3A_258 : vector<16xf32>
        %mul3A_260 = arith.constant -2.000000e+00 : f32
        %mul3A_261 = vector.broadcast %mul3A_260 : f32 to vector<16xf32>
        %mul3A_262 = arith.mulf %mul3A_261, %sub3A_259 : vector<16xf32>
        %mul3A_263 = arith.mulf %gather3A_227, %sub3A_248 : vector<16xf32>
        %mul3A_264 = arith.mulf %gather3A_228, %sub3A_246 : vector<16xf32>
        %sub3A_265 = arith.subf %mul3A_263, %mul3A_264 : vector<16xf32>
        %mul3A_266 = arith.constant -2.000000e+00 : f32
        %mul3A_267 = vector.broadcast %mul3A_266 : f32 to vector<16xf32>
        %mul3A_268 = arith.mulf %mul3A_267, %sub3A_265 : vector<16xf32>
        %mul3A_269 = arith.mulf %gather3A_230, %mul3A_256 : vector<16xf32>
        %add3A_270 = arith.addf %sub3A_246, %mul3A_269 : vector<16xf32>
        %mul3A_271 = arith.mulf %gather3A_228, %mul3A_268 : vector<16xf32>
        %mul3A_272 = arith.mulf %gather3A_229, %mul3A_262 : vector<16xf32>
        %sub3A_273 = arith.subf %mul3A_271, %mul3A_272 : vector<16xf32>
        %sub3A_274 = arith.subf %add3A_270, %sub3A_273 : vector<16xf32>
        %mul3A_275 = arith.mulf %gather3A_230, %mul3A_262 : vector<16xf32>
        %add3A_276 = arith.addf %sub3A_248, %mul3A_275 : vector<16xf32>
        %mul3A_277 = arith.mulf %gather3A_229, %mul3A_256 : vector<16xf32>
        %mul3A_278 = arith.mulf %gather3A_227, %mul3A_268 : vector<16xf32>
        %sub3A_279 = arith.subf %mul3A_277, %mul3A_278 : vector<16xf32>
        %sub3A_280 = arith.subf %add3A_276, %sub3A_279 : vector<16xf32>
        %mul3A_281 = arith.mulf %gather3A_230, %mul3A_268 : vector<16xf32>
        %add3A_282 = arith.addf %sub3A_250, %mul3A_281 : vector<16xf32>
        %mul3A_283 = arith.mulf %gather3A_227, %mul3A_262 : vector<16xf32>
        %mul3A_284 = arith.mulf %gather3A_228, %mul3A_256 : vector<16xf32>
        %sub3A_285 = arith.subf %mul3A_283, %mul3A_284 : vector<16xf32>
        %sub3A_286 = arith.subf %add3A_282, %sub3A_285 : vector<16xf32>
        %add3A_287 = arith.addf %sub3A_274, %gather3A_223 : vector<16xf32>
        %add3A_288 = arith.addf %sub3A_280, %gather3A_224 : vector<16xf32>
        %add3A_289 = arith.addf %sub3A_286, %gather3A_225 : vector<16xf32>
        %mul3A_290 = arith.mulf %gather3A_220, %add3A_289 : vector<16xf32>
        %mul3A_291 = arith.mulf %gather3A_221, %add3A_288 : vector<16xf32>
        %sub3A_292 = arith.subf %mul3A_290, %mul3A_291 : vector<16xf32>
        %mul3A_293 = arith.constant -2.000000e+00 : f32
        %mul3A_294 = vector.broadcast %mul3A_293 : f32 to vector<16xf32>
        %mul3A_295 = arith.mulf %mul3A_294, %sub3A_292 : vector<16xf32>
        %mul3A_296 = arith.mulf %gather3A_221, %add3A_287 : vector<16xf32>
        %mul3A_297 = arith.mulf %gather3A, %add3A_289 : vector<16xf32>
        %sub3A_298 = arith.subf %mul3A_296, %mul3A_297 : vector<16xf32>
        %mul3A_299 = arith.constant -2.000000e+00 : f32
        %mul3A_300 = vector.broadcast %mul3A_299 : f32 to vector<16xf32>
        %mul3A_301 = arith.mulf %mul3A_300, %sub3A_298 : vector<16xf32>
        %mul3A_302 = arith.mulf %gather3A, %add3A_288 : vector<16xf32>
        %mul3A_303 = arith.mulf %gather3A_220, %add3A_287 : vector<16xf32>
        %sub3A_304 = arith.subf %mul3A_302, %mul3A_303 : vector<16xf32>
        %mul3A_305 = arith.constant -2.000000e+00 : f32
        %mul3A_306 = vector.broadcast %mul3A_305 : f32 to vector<16xf32>
        %mul3A_307 = arith.mulf %mul3A_306, %sub3A_304 : vector<16xf32>
        %mul3A_308 = arith.mulf %gather3A_222, %mul3A_295 : vector<16xf32>
        %add3A_309 = arith.addf %add3A_287, %mul3A_308 : vector<16xf32>
        %mul3A_310 = arith.mulf %gather3A_220, %mul3A_307 : vector<16xf32>
        %mul3A_311 = arith.mulf %gather3A_221, %mul3A_301 : vector<16xf32>
        %sub3A_312 = arith.subf %mul3A_310, %mul3A_311 : vector<16xf32>
        %sub3A_313 = arith.subf %add3A_309, %sub3A_312 : vector<16xf32>
        %mul3A_314 = arith.mulf %gather3A_222, %mul3A_301 : vector<16xf32>
        %add3A_315 = arith.addf %add3A_288, %mul3A_314 : vector<16xf32>
        %mul3A_316 = arith.mulf %gather3A_221, %mul3A_295 : vector<16xf32>
        %mul3A_317 = arith.mulf %gather3A, %mul3A_307 : vector<16xf32>
        %sub3A_318 = arith.subf %mul3A_316, %mul3A_317 : vector<16xf32>
        %sub3A_319 = arith.subf %add3A_315, %sub3A_318 : vector<16xf32>
        %mul3A_320 = arith.mulf %gather3A_222, %mul3A_307 : vector<16xf32>
        %add3A_321 = arith.addf %add3A_289, %mul3A_320 : vector<16xf32>
        %mul3A_322 = arith.mulf %gather3A, %mul3A_301 : vector<16xf32>
        %mul3A_323 = arith.mulf %gather3A_220, %mul3A_295 : vector<16xf32>
        %sub3A_324 = arith.subf %mul3A_322, %mul3A_323 : vector<16xf32>
        %sub3A_325 = arith.subf %add3A_321, %sub3A_324 : vector<16xf32>
        %add3A_326 = arith.addf %gather3A_242, %sub3A_313 : vector<16xf32>
        %mul3A_327 = arith.mulf %gather3A_226, %add3A_326 : vector<16xf32>
        %swap3A = arith.index_cast %multiple_of3A : i32 to index
        %swap3A_328 = tpu.vector_load %arg25[%swap3A] {strides = array<i32>} : memref<1600xf32, #tpu.memory_space<vmem>>, vector<16xf32>,
        tpu.vector_store %arg25[%swap3A], %mul3A_327 {strides = array<i32>} : memref<1600xf32, #tpu.memory_space<vmem>>, vector<16xf32>,
        %add3A_329 = arith.addf %gather3A_243, %sub3A_319 : vector<16xf32>
        %mul3A_330 = arith.mulf %gather3A_226, %add3A_329 : vector<16xf32>
        %swap3A_331 = arith.index_cast %multiple_of3A : i32 to index
        %swap3A_332 = tpu.vector_load %arg26[%swap3A_331] {strides = array<i32>} : memref<1600xf32, #tpu.memory_space<vmem>>, vector<16xf32>,
        tpu.vector_store %arg26[%swap3A_331], %mul3A_330 {strides = array<i32>} : memref<1600xf32, #tpu.memory_space<vmem>>, vector<16xf32>,
        %add3A_333 = arith.addf %gather3A_244, %sub3A_325 : vector<16xf32>
        %mul3A_334 = arith.mulf %gather3A_226, %add3A_333 : vector<16xf32>
        %swap3A_335 = arith.index_cast %multiple_of3A : i32 to index
        %swap3A_336 = tpu.vector_load %arg27[%swap3A_335] {strides = array<i32>} : memref<1600xf32, #tpu.memory_space<vmem>>, vector<16xf32>,
        tpu.vector_store %arg27[%swap3A_335], %mul3A_334 {strides = array<i32>} : memref<1600xf32, #tpu.memory_space<vmem>>, vector<16xf32>,
      }
      %scan3A_176 = arith.constant 100 : i32
      %mul3A_177 = arith.constant 32 : i32
      %mul3A_178 = arith.muli %mul3A_154, %mul3A_177 : i32
      %add3A_179 = arith.addi %add3A, %mul3A_178 : i32
      %mul3A_180 = arith.constant 1600 : i32
      %mul3A_181 = arith.muli %add3A_179, %mul3A_180 : i32
      %dma_start3A_182 = tpu.memref_slice %arg12[%mul3A_181] : memref<512000xf32, #tpu.memory_space<hbm>> -> memref<1600xf32, #tpu.memory_space<hbm>>
      %dma_start3A_183 = tpu.memref_slice %arg12[%mul3A_181] : memref<512000xf32, #tpu.memory_space<hbm>> -> memref<1600xf32, #tpu.memory_space<hbm>>
      tpu.enqueue_dma source(%arg25 : memref<1600xf32, #tpu.memory_space<vmem>>) target(%dma_start3A_183 : memref<1600xf32, #tpu.memory_space<hbm>>) target_semaphore(%arg43 : memref<!tpu.dma_semaphore, #tpu.memory_space<semaphore_mem>>)
      %dma_start3A_184 = tpu.memref_slice %arg13[%mul3A_181] : memref<512000xf32, #tpu.memory_space<hbm>> -> memref<1600xf32, #tpu.memory_space<hbm>>
      %dma_start3A_185 = tpu.memref_slice %arg13[%mul3A_181] : memref<512000xf32, #tpu.memory_space<hbm>> -> memref<1600xf32, #tpu.memory_space<hbm>>
      tpu.enqueue_dma source(%arg26 : memref<1600xf32, #tpu.memory_space<vmem>>) target(%dma_start3A_185 : memref<1600xf32, #tpu.memory_space<hbm>>) target_semaphore(%arg43 : memref<!tpu.dma_semaphore, #tpu.memory_space<semaphore_mem>>)
      %dma_start3A_186 = tpu.memref_slice %arg14[%mul3A_181] : memref<512000xf32, #tpu.memory_space<hbm>> -> memref<1600xf32, #tpu.memory_space<hbm>>
      %dma_start3A_187 = tpu.memref_slice %arg14[%mul3A_181] : memref<512000xf32, #tpu.memory_space<hbm>> -> memref<1600xf32, #tpu.memory_space<hbm>>
      tpu.enqueue_dma source(%arg27 : memref<1600xf32, #tpu.memory_space<vmem>>) target(%dma_start3A_187 : memref<1600xf32, #tpu.memory_space<hbm>>) target_semaphore(%arg43 : memref<!tpu.dma_semaphore, #tpu.memory_space<semaphore_mem>>)
      %add3A_188 = arith.constant 2 : i32
      %add3A_189 = arith.addi %mul3A_154, %add3A_188 : i32
      %lt3A_190 = arith.cmpi slt, %add3A_189, %select_n3A : i32
      %convert_element_type3A_191 = arith.extui %lt3A_190 : i1 to i32
      %cond3A_192 = arith.constant 0 : i32
      %cond3A_193 = arith.cmpi ne, %convert_element_type3A_191, %cond3A_192 : i32
      scf.if %cond3A_193 {
        %add3A_210 = arith.constant 2 : i32
        %add3A_211 = arith.addi %mul3A_154, %add3A_210 : i32
        %mul3A_212 = arith.constant 32 : i32
        %mul3A_213 = arith.muli %add3A_211, %mul3A_212 : i32
        %add3A_214 = arith.addi %add3A, %mul3A_213 : i32
        %mul3A_215 = arith.constant 1600 : i32
        %mul3A_216 = arith.muli %add3A_214, %mul3A_215 : i32
        %dma_start3A_217 = tpu.memref_slice %arg2[%mul3A_216] : memref<512000xi32, #tpu.memory_space<hbm>> -> memref<1600xi32, #tpu.memory_space<hbm>>
        %dma_start3A_218 = tpu.memref_slice %arg2[%mul3A_216] : memref<512000xi32, #tpu.memory_space<hbm>> -> memref<1600xi32, #tpu.memory_space<hbm>>
        tpu.enqueue_dma source(%dma_start3A_218 : memref<1600xi32, #tpu.memory_space<hbm>>) target(%arg17 : memref<1600xi32, #tpu.memory_space<vmem>>) target_semaphore(%arg39 : memref<!tpu.dma_semaphore, #tpu.memory_space<semaphore_mem>>)
        %dma_start3A_219 = tpu.memref_slice %arg3[%mul3A_216] : memref<512000xi32, #tpu.memory_space<hbm>> -> memref<1600xi32, #tpu.memory_space<hbm>>
        %dma_start3A_220 = tpu.memref_slice %arg3[%mul3A_216] : memref<512000xi32, #tpu.memory_space<hbm>> -> memref<1600xi32, #tpu.memory_space<hbm>>
        tpu.enqueue_dma source(%dma_start3A_220 : memref<1600xi32, #tpu.memory_space<hbm>>) target(%arg18 : memref<1600xi32, #tpu.memory_space<vmem>>) target_semaphore(%arg39 : memref<!tpu.dma_semaphore, #tpu.memory_space<semaphore_mem>>)
        %dma_start3A_221 = tpu.memref_slice %arg4[%mul3A_216] : memref<512000xi32, #tpu.memory_space<hbm>> -> memref<1600xi32, #tpu.memory_space<hbm>>
        %dma_start3A_222 = tpu.memref_slice %arg4[%mul3A_216] : memref<512000xi32, #tpu.memory_space<hbm>> -> memref<1600xi32, #tpu.memory_space<hbm>>
        tpu.enqueue_dma source(%dma_start3A_222 : memref<1600xi32, #tpu.memory_space<hbm>>) target(%arg19 : memref<1600xi32, #tpu.memory_space<vmem>>) target_semaphore(%arg39 : memref<!tpu.dma_semaphore, #tpu.memory_space<semaphore_mem>>)
        %dma_start3A_223 = tpu.memref_slice %arg5[%mul3A_216] : memref<512000xf32, #tpu.memory_space<hbm>> -> memref<1600xf32, #tpu.memory_space<hbm>>
        %dma_start3A_224 = tpu.memref_slice %arg5[%mul3A_216] : memref<512000xf32, #tpu.memory_space<hbm>> -> memref<1600xf32, #tpu.memory_space<hbm>>
        tpu.enqueue_dma source(%dma_start3A_224 : memref<1600xf32, #tpu.memory_space<hbm>>) target(%arg20 : memref<1600xf32, #tpu.memory_space<vmem>>) target_semaphore(%arg39 : memref<!tpu.dma_semaphore, #tpu.memory_space<semaphore_mem>>)
        %dma_start3A_225 = tpu.memref_slice %arg6[%mul3A_216] : memref<512000xf32, #tpu.memory_space<hbm>> -> memref<1600xf32, #tpu.memory_space<hbm>>
        %dma_start3A_226 = tpu.memref_slice %arg6[%mul3A_216] : memref<512000xf32, #tpu.memory_space<hbm>> -> memref<1600xf32, #tpu.memory_space<hbm>>
        tpu.enqueue_dma source(%dma_start3A_226 : memref<1600xf32, #tpu.memory_space<hbm>>) target(%arg21 : memref<1600xf32, #tpu.memory_space<vmem>>) target_semaphore(%arg39 : memref<!tpu.dma_semaphore, #tpu.memory_space<semaphore_mem>>)
        %dma_start3A_227 = tpu.memref_slice %arg7[%mul3A_216] : memref<512000xf32, #tpu.memory_space<hbm>> -> memref<1600xf32, #tpu.memory_space<hbm>>
        %dma_start3A_228 = tpu.memref_slice %arg7[%mul3A_216] : memref<512000xf32, #tpu.memory_space<hbm>> -> memref<1600xf32, #tpu.memory_space<hbm>>
        tpu.enqueue_dma source(%dma_start3A_228 : memref<1600xf32, #tpu.memory_space<hbm>>) target(%arg22 : memref<1600xf32, #tpu.memory_space<vmem>>) target_semaphore(%arg39 : memref<!tpu.dma_semaphore, #tpu.memory_space<semaphore_mem>>)
        %dma_start3A_229 = tpu.memref_slice %arg8[%mul3A_216] : memref<512000xf32, #tpu.memory_space<hbm>> -> memref<1600xf32, #tpu.memory_space<hbm>>
        %dma_start3A_230 = tpu.memref_slice %arg8[%mul3A_216] : memref<512000xf32, #tpu.memory_space<hbm>> -> memref<1600xf32, #tpu.memory_space<hbm>>
        tpu.enqueue_dma source(%dma_start3A_230 : memref<1600xf32, #tpu.memory_space<hbm>>) target(%arg23 : memref<1600xf32, #tpu.memory_space<vmem>>) target_semaphore(%arg39 : memref<!tpu.dma_semaphore, #tpu.memory_space<semaphore_mem>>)
      } else {
      }
      %lt3A_194 = arith.cmpi slt, %add3A_158, %select_n3A : i32
      %convert_element_type3A_195 = arith.extui %lt3A_194 : i1 to i32
      %cond3A_196 = arith.constant 0 : i32
      %cond3A_197 = arith.cmpi ne, %convert_element_type3A_195, %cond3A_196 : i32
      scf.if %cond3A_197 {
        %gt3A_210 = arith.constant 0 : i32
        %gt3A_211 = arith.cmpi sgt, %while3A_152, %gt3A_210 : i32
        %convert_element_type3A_212 = arith.extui %gt3A_211 : i1 to i32
        %cond3A_213 = arith.constant 0 : i32
        %cond3A_214 = arith.cmpi ne, %convert_element_type3A_212, %cond3A_213 : i32
        scf.if %cond3A_214 {
          %dma_wait3A_238 = arith.constant 0 : i32
          %dma_wait3A_239 = tpu.memref_slice %arg12[%dma_wait3A_238] : memref<512000xf32, #tpu.memory_space<hbm>> -> memref<1600xf32, #tpu.memory_space<hbm>>
          %dma_wait3A_240 = arith.constant 0 : i32
          %dma_wait3A_241 = tpu.memref_slice %arg12[%dma_wait3A_240] : memref<512000xf32, #tpu.memory_space<hbm>> -> memref<1600xf32, #tpu.memory_space<hbm>>
          tpu.wait_dma2 semaphore(%arg44 : memref<!tpu.dma_semaphore, #tpu.memory_space<semaphore_mem>>) src(%arg36 : memref<1600xf32, #tpu.memory_space<vmem>>) dst(%dma_wait3A_241 : memref<1600xf32, #tpu.memory_space<hbm>>)
          %dma_wait3A_242 = arith.constant 0 : i32
          %dma_wait3A_243 = tpu.memref_slice %arg13[%dma_wait3A_242] : memref<512000xf32, #tpu.memory_space<hbm>> -> memref<1600xf32, #tpu.memory_space<hbm>>
          %dma_wait3A_244 = arith.constant 0 : i32
          %dma_wait3A_245 = tpu.memref_slice %arg13[%dma_wait3A_244] : memref<512000xf32, #tpu.memory_space<hbm>> -> memref<1600xf32, #tpu.memory_space<hbm>>
          tpu.wait_dma2 semaphore(%arg44 : memref<!tpu.dma_semaphore, #tpu.memory_space<semaphore_mem>>) src(%arg37 : memref<1600xf32, #tpu.memory_space<vmem>>) dst(%dma_wait3A_245 : memref<1600xf32, #tpu.memory_space<hbm>>)
          %dma_wait3A_246 = arith.constant 0 : i32
          %dma_wait3A_247 = tpu.memref_slice %arg14[%dma_wait3A_246] : memref<512000xf32, #tpu.memory_space<hbm>> -> memref<1600xf32, #tpu.memory_space<hbm>>
          %dma_wait3A_248 = arith.constant 0 : i32
          %dma_wait3A_249 = tpu.memref_slice %arg14[%dma_wait3A_248] : memref<512000xf32, #tpu.memory_space<hbm>> -> memref<1600xf32, #tpu.memory_space<hbm>>
          tpu.wait_dma2 semaphore(%arg44 : memref<!tpu.dma_semaphore, #tpu.memory_space<semaphore_mem>>) src(%arg38 : memref<1600xf32, #tpu.memory_space<vmem>>) dst(%dma_wait3A_249 : memref<1600xf32, #tpu.memory_space<hbm>>)
        } else {
        }
        %dma_wait3A_215 = arith.constant 0 : i32
        %dma_wait3A_216 = arith.constant 0 : i32
        %dma_wait3A_217 = tpu.memref_slice %arg11[%dma_wait3A_215, %dma_wait3A_216] : memref<100000x8xf32, #tpu.memory_space<hbm>> -> memref<1600x8xf32, #tpu.memory_space<hbm>>
        %dma_wait3A_218 = arith.constant 0 : i32
        %dma_wait3A_219 = arith.constant 0 : i32
        %dma_wait3A_220 = tpu.memref_slice %arg11[%dma_wait3A_218, %dma_wait3A_219] : memref<100000x8xf32, #tpu.memory_space<hbm>> -> memref<1600x8xf32, #tpu.memory_space<hbm>>
        tpu.wait_dma2 semaphore(%arg42 : memref<!tpu.dma_semaphore, #tpu.memory_space<semaphore_mem>>) src(%dma_wait3A_220 : memref<1600x8xf32, #tpu.memory_space<hbm>>) dst(%arg35 : memref<1600x8xf32, #tpu.memory_space<vmem>>)
        %scan3A_221 = arith.constant 0 : i32
        %scan3A_222 = arith.constant 0 : i32
        %scan3A_223 = arith.constant 100 : i32
        %scan3A_224 = arith.addi %scan3A_222, %scan3A_223 : i32
        %scan3A_225 = arith.constant 1 : i32
        scf.for %scan3A_238 = %scan3A_222 to %scan3A_224 step %scan3A_225  : i32 {
          %mul3A_239 = arith.constant 16 : i32
          %mul3A_240 = arith.muli %scan3A_238, %mul3A_239 : i32
          %multiple_of3A = tpu.assume_multiple %mul3A_240, 16 : i32
          %mul3A_241 = arith.constant 16 : i32
          %mul3A_242 = arith.muli %scan3A_238, %mul3A_241 : i32
          %iota3A = tpu.iota {dimensions = array<i32: 0>} : vector<16xi32>
          %add3A_243 = vector.broadcast %mul3A_242 : i32 to vector<16xi32>
          %add3A_244 = arith.addi %add3A_243, %iota3A : vector<16xi32>
          %get3A = arith.index_cast %multiple_of3A : i32 to index
          %get3A_245 = tpu.vector_load %arg28[%get3A] {strides = array<i32>} : memref<1600xi32, #tpu.memory_space<vmem>>, vector<16xi32>,
          %get3A_246 = arith.index_cast %multiple_of3A : i32 to index
          %get3A_247 = tpu.vector_load %arg29[%get3A_246] {strides = array<i32>} : memref<1600xi32, #tpu.memory_space<vmem>>, vector<16xi32>,
          %gather3A = tpu.vector_load_idx %arg15[%broadcast_in_dim3A_1, %get3A_245] : memref<8x4096xf32, #tpu.memory_space<vmem>>[vector<16xi32>, vector<16xi32>], vector<16xf32>,
          %gather3A_248 = tpu.vector_load_idx %arg15[%broadcast_in_dim3A_3, %get3A_245] : memref<8x4096xf32, #tpu.memory_space<vmem>>[vector<16xi32>, vector<16xi32>], vector<16xf32>,
          %gather3A_249 = tpu.vector_load_idx %arg15[%broadcast_in_dim3A_5, %get3A_245] : memref<8x4096xf32, #tpu.memory_space<vmem>>[vector<16xi32>, vector<16xi32>], vector<16xf32>,
          %gather3A_250 = tpu.vector_load_idx %arg15[%broadcast_in_dim3A_7, %get3A_245] : memref<8x4096xf32, #tpu.memory_space<vmem>>[vector<16xi32>, vector<16xi32>], vector<16xf32>,
          %gather3A_251 = tpu.vector_load_idx %arg15[%broadcast_in_dim3A_9, %get3A_245] : memref<8x4096xf32, #tpu.memory_space<vmem>>[vector<16xi32>, vector<16xi32>], vector<16xf32>,
          %gather3A_252 = tpu.vector_load_idx %arg15[%broadcast_in_dim3A_11, %get3A_245] : memref<8x4096xf32, #tpu.memory_space<vmem>>[vector<16xi32>, vector<16xi32>], vector<16xf32>,
          %gather3A_253 = tpu.vector_load_idx %arg15[%broadcast_in_dim3A_13, %get3A_245] : memref<8x4096xf32, #tpu.memory_space<vmem>>[vector<16xi32>, vector<16xi32>], vector<16xf32>,
          %gather3A_254 = tpu.vector_load_idx %arg15[%broadcast_in_dim3A_15, %get3A_245] : memref<8x4096xf32, #tpu.memory_space<vmem>>[vector<16xi32>, vector<16xi32>], vector<16xf32>,
          %gather3A_255 = tpu.vector_load_idx %arg16[%broadcast_in_dim3A_1, %get3A_247] : memref<7x4096xf32, #tpu.memory_space<vmem>>[vector<16xi32>, vector<16xi32>], vector<16xf32>,
          %gather3A_256 = tpu.vector_load_idx %arg16[%broadcast_in_dim3A_3, %get3A_247] : memref<7x4096xf32, #tpu.memory_space<vmem>>[vector<16xi32>, vector<16xi32>], vector<16xf32>,
          %gather3A_257 = tpu.vector_load_idx %arg16[%broadcast_in_dim3A_5, %get3A_247] : memref<7x4096xf32, #tpu.memory_space<vmem>>[vector<16xi32>, vector<16xi32>], vector<16xf32>,
          %gather3A_258 = tpu.vector_load_idx %arg16[%broadcast_in_dim3A_7, %get3A_247] : memref<7x4096xf32, #tpu.memory_space<vmem>>[vector<16xi32>, vector<16xi32>], vector<16xf32>,
          %gather3A_259 = tpu.vector_load_idx %arg16[%broadcast_in_dim3A_9, %get3A_247] : memref<7x4096xf32, #tpu.memory_space<vmem>>[vector<16xi32>, vector<16xi32>], vector<16xf32>,
          %gather3A_260 = tpu.vector_load_idx %arg16[%broadcast_in_dim3A_11, %get3A_247] : memref<7x4096xf32, #tpu.memory_space<vmem>>[vector<16xi32>, vector<16xi32>], vector<16xf32>,
          %gather3A_261 = tpu.vector_load_idx %arg16[%broadcast_in_dim3A_13, %get3A_247] : memref<7x4096xf32, #tpu.memory_space<vmem>>[vector<16xi32>, vector<16xi32>], vector<16xf32>,
          %get3A_262 = arith.index_cast %multiple_of3A : i32 to index
          %get3A_263 = tpu.vector_load %arg31[%get3A_262] {strides = array<i32>} : memref<1600xf32, #tpu.memory_space<vmem>>, vector<16xf32>,
          %get3A_264 = arith.index_cast %multiple_of3A : i32 to index
          %get3A_265 = tpu.vector_load %arg32[%get3A_264] {strides = array<i32>} : memref<1600xf32, #tpu.memory_space<vmem>>, vector<16xf32>,
          %get3A_266 = arith.index_cast %multiple_of3A : i32 to index
          %get3A_267 = tpu.vector_load %arg33[%get3A_266] {strides = array<i32>} : memref<1600xf32, #tpu.memory_space<vmem>>, vector<16xf32>,
          %get3A_268 = arith.index_cast %multiple_of3A : i32 to index
          %get3A_269 = tpu.vector_load %arg34[%get3A_268] {strides = array<i32>} : memref<1600xf32, #tpu.memory_space<vmem>>, vector<16xf32>,
          %gather3A_270 = tpu.vector_load_idx %arg35[%add3A_244, %broadcast_in_dim3A_1] : memref<1600x8xf32, #tpu.memory_space<vmem>>[vector<16xi32>, vector<16xi32>], vector<16xf32>,
          %gather3A_271 = tpu.vector_load_idx %arg35[%add3A_244, %broadcast_in_dim3A_3] : memref<1600x8xf32, #tpu.memory_space<vmem>>[vector<16xi32>, vector<16xi32>], vector<16xf32>,
          %gather3A_272 = tpu.vector_load_idx %arg35[%add3A_244, %broadcast_in_dim3A_5] : memref<1600x8xf32, #tpu.memory_space<vmem>>[vector<16xi32>, vector<16xi32>], vector<16xf32>,
          %mul3A_273 = arith.mulf %get3A_269, %get3A_263 : vector<16xf32>
          %sub3A_274 = arith.subf %gather3A_259, %mul3A_273 : vector<16xf32>
          %mul3A_275 = arith.mulf %get3A_269, %get3A_265 : vector<16xf32>
          %sub3A_276 = arith.subf %gather3A_260, %mul3A_275 : vector<16xf32>
          %mul3A_277 = arith.mulf %get3A_269, %get3A_267 : vector<16xf32>
          %sub3A_278 = arith.subf %gather3A_261, %mul3A_277 : vector<16xf32>
          %mul3A_279 = arith.mulf %gather3A_256, %sub3A_278 : vector<16xf32>
          %mul3A_280 = arith.mulf %gather3A_257, %sub3A_276 : vector<16xf32>
          %sub3A_281 = arith.subf %mul3A_279, %mul3A_280 : vector<16xf32>
          %mul3A_282 = arith.constant -2.000000e+00 : f32
          %mul3A_283 = vector.broadcast %mul3A_282 : f32 to vector<16xf32>
          %mul3A_284 = arith.mulf %mul3A_283, %sub3A_281 : vector<16xf32>
          %mul3A_285 = arith.mulf %gather3A_257, %sub3A_274 : vector<16xf32>
          %mul3A_286 = arith.mulf %gather3A_255, %sub3A_278 : vector<16xf32>
          %sub3A_287 = arith.subf %mul3A_285, %mul3A_286 : vector<16xf32>
          %mul3A_288 = arith.constant -2.000000e+00 : f32
          %mul3A_289 = vector.broadcast %mul3A_288 : f32 to vector<16xf32>
          %mul3A_290 = arith.mulf %mul3A_289, %sub3A_287 : vector<16xf32>
          %mul3A_291 = arith.mulf %gather3A_255, %sub3A_276 : vector<16xf32>
          %mul3A_292 = arith.mulf %gather3A_256, %sub3A_274 : vector<16xf32>
          %sub3A_293 = arith.subf %mul3A_291, %mul3A_292 : vector<16xf32>
          %mul3A_294 = arith.constant -2.000000e+00 : f32
          %mul3A_295 = vector.broadcast %mul3A_294 : f32 to vector<16xf32>
          %mul3A_296 = arith.mulf %mul3A_295, %sub3A_293 : vector<16xf32>
          %mul3A_297 = arith.mulf %gather3A_258, %mul3A_284 : vector<16xf32>
          %add3A_298 = arith.addf %sub3A_274, %mul3A_297 : vector<16xf32>
          %mul3A_299 = arith.mulf %gather3A_256, %mul3A_296 : vector<16xf32>
          %mul3A_300 = arith.mulf %gather3A_257, %mul3A_290 : vector<16xf32>
          %sub3A_301 = arith.subf %mul3A_299, %mul3A_300 : vector<16xf32>
          %sub3A_302 = arith.subf %add3A_298, %sub3A_301 : vector<16xf32>
          %mul3A_303 = arith.mulf %gather3A_258, %mul3A_290 : vector<16xf32>
          %add3A_304 = arith.addf %sub3A_276, %mul3A_303 : vector<16xf32>
          %mul3A_305 = arith.mulf %gather3A_257, %mul3A_284 : vector<16xf32>
          %mul3A_306 = arith.mulf %gather3A_255, %mul3A_296 : vector<16xf32>
          %sub3A_307 = arith.subf %mul3A_305, %mul3A_306 : vector<16xf32>
          %sub3A_308 = arith.subf %add3A_304, %sub3A_307 : vector<16xf32>
          %mul3A_309 = arith.mulf %gather3A_258, %mul3A_296 : vector<16xf32>
          %add3A_310 = arith.addf %sub3A_278, %mul3A_309 : vector<16xf32>
          %mul3A_311 = arith.mulf %gather3A_255, %mul3A_290 : vector<16xf32>
          %mul3A_312 = arith.mulf %gather3A_256, %mul3A_284 : vector<16xf32>
          %sub3A_313 = arith.subf %mul3A_311, %mul3A_312 : vector<16xf32>
          %sub3A_314 = arith.subf %add3A_310, %sub3A_313 : vector<16xf32>
          %add3A_315 = arith.addf %sub3A_302, %gather3A_251 : vector<16xf32>
          %add3A_316 = arith.addf %sub3A_308, %gather3A_252 : vector<16xf32>
          %add3A_317 = arith.addf %sub3A_314, %gather3A_253 : vector<16xf32>
          %mul3A_318 = arith.mulf %gather3A_248, %add3A_317 : vector<16xf32>
          %mul3A_319 = arith.mulf %gather3A_249, %add3A_316 : vector<16xf32>
          %sub3A_320 = arith.subf %mul3A_318, %mul3A_319 : vector<16xf32>
          %mul3A_321 = arith.constant -2.000000e+00 : f32
          %mul3A_322 = vector.broadcast %mul3A_321 : f32 to vector<16xf32>
          %mul3A_323 = arith.mulf %mul3A_322, %sub3A_320 : vector<16xf32>
          %mul3A_324 = arith.mulf %gather3A_249, %add3A_315 : vector<16xf32>
          %mul3A_325 = arith.mulf %gather3A, %add3A_317 : vector<16xf32>
          %sub3A_326 = arith.subf %mul3A_324, %mul3A_325 : vector<16xf32>
          %mul3A_327 = arith.constant -2.000000e+00 : f32
          %mul3A_328 = vector.broadcast %mul3A_327 : f32 to vector<16xf32>
          %mul3A_329 = arith.mulf %mul3A_328, %sub3A_326 : vector<16xf32>
          %mul3A_330 = arith.mulf %gather3A, %add3A_316 : vector<16xf32>
          %mul3A_331 = arith.mulf %gather3A_248, %add3A_315 : vector<16xf32>
          %sub3A_332 = arith.subf %mul3A_330, %mul3A_331 : vector<16xf32>
          %mul3A_333 = arith.constant -2.000000e+00 : f32
          %mul3A_334 = vector.broadcast %mul3A_333 : f32 to vector<16xf32>
          %mul3A_335 = arith.mulf %mul3A_334, %sub3A_332 : vector<16xf32>
          %mul3A_336 = arith.mulf %gather3A_250, %mul3A_323 : vector<16xf32>
          %add3A_337 = arith.addf %add3A_315, %mul3A_336 : vector<16xf32>
          %mul3A_338 = arith.mulf %gather3A_248, %mul3A_335 : vector<16xf32>
          %mul3A_339 = arith.mulf %gather3A_249, %mul3A_329 : vector<16xf32>
          %sub3A_340 = arith.subf %mul3A_338, %mul3A_339 : vector<16xf32>
          %sub3A_341 = arith.subf %add3A_337, %sub3A_340 : vector<16xf32>
          %mul3A_342 = arith.mulf %gather3A_250, %mul3A_329 : vector<16xf32>
          %add3A_343 = arith.addf %add3A_316, %mul3A_342 : vector<16xf32>
          %mul3A_344 = arith.mulf %gather3A_249, %mul3A_323 : vector<16xf32>
          %mul3A_345 = arith.mulf %gather3A, %mul3A_335 : vector<16xf32>
          %sub3A_346 = arith.subf %mul3A_344, %mul3A_345 : vector<16xf32>
          %sub3A_347 = arith.subf %add3A_343, %sub3A_346 : vector<16xf32>
          %mul3A_348 = arith.mulf %gather3A_250, %mul3A_335 : vector<16xf32>
          %add3A_349 = arith.addf %add3A_317, %mul3A_348 : vector<16xf32>
          %mul3A_350 = arith.mulf %gather3A, %mul3A_329 : vector<16xf32>
          %mul3A_351 = arith.mulf %gather3A_248, %mul3A_323 : vector<16xf32>
          %sub3A_352 = arith.subf %mul3A_350, %mul3A_351 : vector<16xf32>
          %sub3A_353 = arith.subf %add3A_349, %sub3A_352 : vector<16xf32>
          %add3A_354 = arith.addf %gather3A_270, %sub3A_341 : vector<16xf32>
          %mul3A_355 = arith.mulf %gather3A_254, %add3A_354 : vector<16xf32>
          %swap3A = arith.index_cast %multiple_of3A : i32 to index
          %swap3A_356 = tpu.vector_load %arg36[%swap3A] {strides = array<i32>} : memref<1600xf32, #tpu.memory_space<vmem>>, vector<16xf32>,
          tpu.vector_store %arg36[%swap3A], %mul3A_355 {strides = array<i32>} : memref<1600xf32, #tpu.memory_space<vmem>>, vector<16xf32>,
          %add3A_357 = arith.addf %gather3A_271, %sub3A_347 : vector<16xf32>
          %mul3A_358 = arith.mulf %gather3A_254, %add3A_357 : vector<16xf32>
          %swap3A_359 = arith.index_cast %multiple_of3A : i32 to index
          %swap3A_360 = tpu.vector_load %arg37[%swap3A_359] {strides = array<i32>} : memref<1600xf32, #tpu.memory_space<vmem>>, vector<16xf32>,
          tpu.vector_store %arg37[%swap3A_359], %mul3A_358 {strides = array<i32>} : memref<1600xf32, #tpu.memory_space<vmem>>, vector<16xf32>,
          %add3A_361 = arith.addf %gather3A_272, %sub3A_353 : vector<16xf32>
          %mul3A_362 = arith.mulf %gather3A_254, %add3A_361 : vector<16xf32>
          %swap3A_363 = arith.index_cast %multiple_of3A : i32 to index
          %swap3A_364 = tpu.vector_load %arg38[%swap3A_363] {strides = array<i32>} : memref<1600xf32, #tpu.memory_space<vmem>>, vector<16xf32>,
          tpu.vector_store %arg38[%swap3A_363], %mul3A_362 {strides = array<i32>} : memref<1600xf32, #tpu.memory_space<vmem>>, vector<16xf32>,
        }
        %scan3A_226 = arith.constant 100 : i32
        %mul3A_227 = arith.constant 32 : i32
        %mul3A_228 = arith.muli %add3A_158, %mul3A_227 : i32
        %add3A_229 = arith.addi %add3A, %mul3A_228 : i32
        %mul3A_230 = arith.constant 1600 : i32
        %mul3A_231 = arith.muli %add3A_229, %mul3A_230 : i32
        %dma_start3A_232 = tpu.memref_slice %arg12[%mul3A_231] : memref<512000xf32, #tpu.memory_space<hbm>> -> memref<1600xf32, #tpu.memory_space<hbm>>
        %dma_start3A_233 = tpu.memref_slice %arg12[%mul3A_231] : memref<512000xf32, #tpu.memory_space<hbm>> -> memref<1600xf32, #tpu.memory_space<hbm>>
        tpu.enqueue_dma source(%arg36 : memref<1600xf32, #tpu.memory_space<vmem>>) target(%dma_start3A_233 : memref<1600xf32, #tpu.memory_space<hbm>>) target_semaphore(%arg44 : memref<!tpu.dma_semaphore, #tpu.memory_space<semaphore_mem>>)
        %dma_start3A_234 = tpu.memref_slice %arg13[%mul3A_231] : memref<512000xf32, #tpu.memory_space<hbm>> -> memref<1600xf32, #tpu.memory_space<hbm>>
        %dma_start3A_235 = tpu.memref_slice %arg13[%mul3A_231] : memref<512000xf32, #tpu.memory_space<hbm>> -> memref<1600xf32, #tpu.memory_space<hbm>>
        tpu.enqueue_dma source(%arg37 : memref<1600xf32, #tpu.memory_space<vmem>>) target(%dma_start3A_235 : memref<1600xf32, #tpu.memory_space<hbm>>) target_semaphore(%arg44 : memref<!tpu.dma_semaphore, #tpu.memory_space<semaphore_mem>>)
        %dma_start3A_236 = tpu.memref_slice %arg14[%mul3A_231] : memref<512000xf32, #tpu.memory_space<hbm>> -> memref<1600xf32, #tpu.memory_space<hbm>>
        %dma_start3A_237 = tpu.memref_slice %arg14[%mul3A_231] : memref<512000xf32, #tpu.memory_space<hbm>> -> memref<1600xf32, #tpu.memory_space<hbm>>
        tpu.enqueue_dma source(%arg38 : memref<1600xf32, #tpu.memory_space<vmem>>) target(%dma_start3A_237 : memref<1600xf32, #tpu.memory_space<hbm>>) target_semaphore(%arg44 : memref<!tpu.dma_semaphore, #tpu.memory_space<semaphore_mem>>)
      } else {
      }
      %add3A_198 = arith.constant 2 : i32
      %add3A_199 = arith.addi %mul3A_154, %add3A_198 : i32
      %lt3A_200 = arith.cmpi slt, %add3A_199, %select_n3A : i32
      %convert_element_type3A_201 = arith.extui %lt3A_200 : i1 to i32
      %cond3A_202 = arith.constant 0 : i32
      %cond3A_203 = arith.cmpi ne, %convert_element_type3A_201, %cond3A_202 : i32
      scf.if %cond3A_203 {
        %dma_wait3A_210 = arith.constant 0 : i32
        %dma_wait3A_211 = tpu.memref_slice %arg2[%dma_wait3A_210] : memref<512000xi32, #tpu.memory_space<hbm>> -> memref<1600xi32, #tpu.memory_space<hbm>>
        %dma_wait3A_212 = arith.constant 0 : i32
        %dma_wait3A_213 = tpu.memref_slice %arg2[%dma_wait3A_212] : memref<512000xi32, #tpu.memory_space<hbm>> -> memref<1600xi32, #tpu.memory_space<hbm>>
        tpu.wait_dma2 semaphore(%arg39 : memref<!tpu.dma_semaphore, #tpu.memory_space<semaphore_mem>>) src(%dma_wait3A_213 : memref<1600xi32, #tpu.memory_space<hbm>>) dst(%arg17 : memref<1600xi32, #tpu.memory_space<vmem>>)
        %dma_wait3A_214 = arith.constant 0 : i32
        %dma_wait3A_215 = tpu.memref_slice %arg3[%dma_wait3A_214] : memref<512000xi32, #tpu.memory_space<hbm>> -> memref<1600xi32, #tpu.memory_space<hbm>>
        %dma_wait3A_216 = arith.constant 0 : i32
        %dma_wait3A_217 = tpu.memref_slice %arg3[%dma_wait3A_216] : memref<512000xi32, #tpu.memory_space<hbm>> -> memref<1600xi32, #tpu.memory_space<hbm>>
        tpu.wait_dma2 semaphore(%arg39 : memref<!tpu.dma_semaphore, #tpu.memory_space<semaphore_mem>>) src(%dma_wait3A_217 : memref<1600xi32, #tpu.memory_space<hbm>>) dst(%arg18 : memref<1600xi32, #tpu.memory_space<vmem>>)
        %dma_wait3A_218 = arith.constant 0 : i32
        %dma_wait3A_219 = tpu.memref_slice %arg4[%dma_wait3A_218] : memref<512000xi32, #tpu.memory_space<hbm>> -> memref<1600xi32, #tpu.memory_space<hbm>>
        %dma_wait3A_220 = arith.constant 0 : i32
        %dma_wait3A_221 = tpu.memref_slice %arg4[%dma_wait3A_220] : memref<512000xi32, #tpu.memory_space<hbm>> -> memref<1600xi32, #tpu.memory_space<hbm>>
        tpu.wait_dma2 semaphore(%arg39 : memref<!tpu.dma_semaphore, #tpu.memory_space<semaphore_mem>>) src(%dma_wait3A_221 : memref<1600xi32, #tpu.memory_space<hbm>>) dst(%arg19 : memref<1600xi32, #tpu.memory_space<vmem>>)
        %dma_wait3A_222 = arith.constant 0 : i32
        %dma_wait3A_223 = tpu.memref_slice %arg5[%dma_wait3A_222] : memref<512000xf32, #tpu.memory_space<hbm>> -> memref<1600xf32, #tpu.memory_space<hbm>>
        %dma_wait3A_224 = arith.constant 0 : i32
        %dma_wait3A_225 = tpu.memref_slice %arg5[%dma_wait3A_224] : memref<512000xf32, #tpu.memory_space<hbm>> -> memref<1600xf32, #tpu.memory_space<hbm>>
        tpu.wait_dma2 semaphore(%arg39 : memref<!tpu.dma_semaphore, #tpu.memory_space<semaphore_mem>>) src(%dma_wait3A_225 : memref<1600xf32, #tpu.memory_space<hbm>>) dst(%arg20 : memref<1600xf32, #tpu.memory_space<vmem>>)
        %dma_wait3A_226 = arith.constant 0 : i32
        %dma_wait3A_227 = tpu.memref_slice %arg6[%dma_wait3A_226] : memref<512000xf32, #tpu.memory_space<hbm>> -> memref<1600xf32, #tpu.memory_space<hbm>>
        %dma_wait3A_228 = arith.constant 0 : i32
        %dma_wait3A_229 = tpu.memref_slice %arg6[%dma_wait3A_228] : memref<512000xf32, #tpu.memory_space<hbm>> -> memref<1600xf32, #tpu.memory_space<hbm>>
        tpu.wait_dma2 semaphore(%arg39 : memref<!tpu.dma_semaphore, #tpu.memory_space<semaphore_mem>>) src(%dma_wait3A_229 : memref<1600xf32, #tpu.memory_space<hbm>>) dst(%arg21 : memref<1600xf32, #tpu.memory_space<vmem>>)
        %dma_wait3A_230 = arith.constant 0 : i32
        %dma_wait3A_231 = tpu.memref_slice %arg7[%dma_wait3A_230] : memref<512000xf32, #tpu.memory_space<hbm>> -> memref<1600xf32, #tpu.memory_space<hbm>>
        %dma_wait3A_232 = arith.constant 0 : i32
        %dma_wait3A_233 = tpu.memref_slice %arg7[%dma_wait3A_232] : memref<512000xf32, #tpu.memory_space<hbm>> -> memref<1600xf32, #tpu.memory_space<hbm>>
        tpu.wait_dma2 semaphore(%arg39 : memref<!tpu.dma_semaphore, #tpu.memory_space<semaphore_mem>>) src(%dma_wait3A_233 : memref<1600xf32, #tpu.memory_space<hbm>>) dst(%arg22 : memref<1600xf32, #tpu.memory_space<vmem>>)
        %dma_wait3A_234 = arith.constant 0 : i32
        %dma_wait3A_235 = tpu.memref_slice %arg8[%dma_wait3A_234] : memref<512000xf32, #tpu.memory_space<hbm>> -> memref<1600xf32, #tpu.memory_space<hbm>>
        %dma_wait3A_236 = arith.constant 0 : i32
        %dma_wait3A_237 = tpu.memref_slice %arg8[%dma_wait3A_236] : memref<512000xf32, #tpu.memory_space<hbm>> -> memref<1600xf32, #tpu.memory_space<hbm>>
        tpu.wait_dma2 semaphore(%arg39 : memref<!tpu.dma_semaphore, #tpu.memory_space<semaphore_mem>>) src(%dma_wait3A_237 : memref<1600xf32, #tpu.memory_space<hbm>>) dst(%arg23 : memref<1600xf32, #tpu.memory_space<vmem>>)
        %dma_start3A_238 = arith.constant 0 : i32
        %dma_start3A_239 = arith.constant 0 : i32
        %dma_start3A_240 = tpu.memref_slice %arg11[%dma_start3A_238, %dma_start3A_239] : memref<100000x8xf32, #tpu.memory_space<hbm>> -> memref<100000x8xf32, #tpu.memory_space<hbm>>
        tpu.enqueue_indirect_dma source(%dma_start3A_240 : memref<100000x8xf32, #tpu.memory_space<hbm>>) target(%arg24 : memref<1600x8xf32, #tpu.memory_space<vmem>>) offsets(%arg19 : memref<1600xi32, #tpu.memory_space<vmem>>) semaphore(%arg41 : memref<!tpu.dma_semaphore, #tpu.memory_space<semaphore_mem>>)
      } else {
      }
      %add3A_204 = arith.constant 2 : i32
      %add3A_205 = arith.addi %add3A_158, %add3A_204 : i32
      %lt3A_206 = arith.cmpi slt, %add3A_205, %select_n3A : i32
      %convert_element_type3A_207 = arith.extui %lt3A_206 : i1 to i32
      %cond3A_208 = arith.constant 0 : i32
      %cond3A_209 = arith.cmpi ne, %convert_element_type3A_207, %cond3A_208 : i32
      scf.if %cond3A_209 {
        %add3A_210 = arith.constant 2 : i32
        %add3A_211 = arith.addi %add3A_158, %add3A_210 : i32
        %mul3A_212 = arith.constant 32 : i32
        %mul3A_213 = arith.muli %add3A_211, %mul3A_212 : i32
        %add3A_214 = arith.addi %add3A, %mul3A_213 : i32
        %mul3A_215 = arith.constant 1600 : i32
        %mul3A_216 = arith.muli %add3A_214, %mul3A_215 : i32
        %dma_start3A_217 = tpu.memref_slice %arg2[%mul3A_216] : memref<512000xi32, #tpu.memory_space<hbm>> -> memref<1600xi32, #tpu.memory_space<hbm>>
        %dma_start3A_218 = tpu.memref_slice %arg2[%mul3A_216] : memref<512000xi32, #tpu.memory_space<hbm>> -> memref<1600xi32, #tpu.memory_space<hbm>>
        tpu.enqueue_dma source(%dma_start3A_218 : memref<1600xi32, #tpu.memory_space<hbm>>) target(%arg28 : memref<1600xi32, #tpu.memory_space<vmem>>) target_semaphore(%arg40 : memref<!tpu.dma_semaphore, #tpu.memory_space<semaphore_mem>>)
        %dma_start3A_219 = tpu.memref_slice %arg3[%mul3A_216] : memref<512000xi32, #tpu.memory_space<hbm>> -> memref<1600xi32, #tpu.memory_space<hbm>>
        %dma_start3A_220 = tpu.memref_slice %arg3[%mul3A_216] : memref<512000xi32, #tpu.memory_space<hbm>> -> memref<1600xi32, #tpu.memory_space<hbm>>
        tpu.enqueue_dma source(%dma_start3A_220 : memref<1600xi32, #tpu.memory_space<hbm>>) target(%arg29 : memref<1600xi32, #tpu.memory_space<vmem>>) target_semaphore(%arg40 : memref<!tpu.dma_semaphore, #tpu.memory_space<semaphore_mem>>)
        %dma_start3A_221 = tpu.memref_slice %arg4[%mul3A_216] : memref<512000xi32, #tpu.memory_space<hbm>> -> memref<1600xi32, #tpu.memory_space<hbm>>
        %dma_start3A_222 = tpu.memref_slice %arg4[%mul3A_216] : memref<512000xi32, #tpu.memory_space<hbm>> -> memref<1600xi32, #tpu.memory_space<hbm>>
        tpu.enqueue_dma source(%dma_start3A_222 : memref<1600xi32, #tpu.memory_space<hbm>>) target(%arg30 : memref<1600xi32, #tpu.memory_space<vmem>>) target_semaphore(%arg40 : memref<!tpu.dma_semaphore, #tpu.memory_space<semaphore_mem>>)
        %dma_start3A_223 = tpu.memref_slice %arg5[%mul3A_216] : memref<512000xf32, #tpu.memory_space<hbm>> -> memref<1600xf32, #tpu.memory_space<hbm>>
        %dma_start3A_224 = tpu.memref_slice %arg5[%mul3A_216] : memref<512000xf32, #tpu.memory_space<hbm>> -> memref<1600xf32, #tpu.memory_space<hbm>>
        tpu.enqueue_dma source(%dma_start3A_224 : memref<1600xf32, #tpu.memory_space<hbm>>) target(%arg31 : memref<1600xf32, #tpu.memory_space<vmem>>) target_semaphore(%arg40 : memref<!tpu.dma_semaphore, #tpu.memory_space<semaphore_mem>>)
        %dma_start3A_225 = tpu.memref_slice %arg6[%mul3A_216] : memref<512000xf32, #tpu.memory_space<hbm>> -> memref<1600xf32, #tpu.memory_space<hbm>>
        %dma_start3A_226 = tpu.memref_slice %arg6[%mul3A_216] : memref<512000xf32, #tpu.memory_space<hbm>> -> memref<1600xf32, #tpu.memory_space<hbm>>
        tpu.enqueue_dma source(%dma_start3A_226 : memref<1600xf32, #tpu.memory_space<hbm>>) target(%arg32 : memref<1600xf32, #tpu.memory_space<vmem>>) target_semaphore(%arg40 : memref<!tpu.dma_semaphore, #tpu.memory_space<semaphore_mem>>)
        %dma_start3A_227 = tpu.memref_slice %arg7[%mul3A_216] : memref<512000xf32, #tpu.memory_space<hbm>> -> memref<1600xf32, #tpu.memory_space<hbm>>
        %dma_start3A_228 = tpu.memref_slice %arg7[%mul3A_216] : memref<512000xf32, #tpu.memory_space<hbm>> -> memref<1600xf32, #tpu.memory_space<hbm>>
        tpu.enqueue_dma source(%dma_start3A_228 : memref<1600xf32, #tpu.memory_space<hbm>>) target(%arg33 : memref<1600xf32, #tpu.memory_space<vmem>>) target_semaphore(%arg40 : memref<!tpu.dma_semaphore, #tpu.memory_space<semaphore_mem>>)
        %dma_start3A_229 = tpu.memref_slice %arg8[%mul3A_216] : memref<512000xf32, #tpu.memory_space<hbm>> -> memref<1600xf32, #tpu.memory_space<hbm>>
        %dma_start3A_230 = tpu.memref_slice %arg8[%mul3A_216] : memref<512000xf32, #tpu.memory_space<hbm>> -> memref<1600xf32, #tpu.memory_space<hbm>>
        tpu.enqueue_dma source(%dma_start3A_230 : memref<1600xf32, #tpu.memory_space<hbm>>) target(%arg34 : memref<1600xf32, #tpu.memory_space<vmem>>) target_semaphore(%arg40 : memref<!tpu.dma_semaphore, #tpu.memory_space<semaphore_mem>>)
      } else {
      }
    }
    %while3A_137 = arith.constant 1 : i32
    scf.for %while3A_152 = %while3A_135 to %while3A_131 step %while3A_137  : i32 {
      %mul3A_153 = arith.constant 2 : i32
      %mul3A_154 = arith.muli %mul3A_153, %while3A_152 : i32
      %mul3A_155 = arith.constant 2 : i32
      %mul3A_156 = arith.muli %mul3A_155, %while3A_152 : i32
      %add3A_157 = arith.constant 1 : i32
      %add3A_158 = arith.addi %mul3A_156, %add3A_157 : i32
      %lt3A = arith.cmpi slt, %add3A_158, %select_n3A : i32
      %convert_element_type3A_159 = arith.extui %lt3A : i1 to i32
      %cond3A_160 = arith.constant 0 : i32
      %cond3A_161 = arith.cmpi ne, %convert_element_type3A_159, %cond3A_160 : i32
      scf.if %cond3A_161 {
        %dma_wait3A_210 = arith.constant 0 : i32
        %dma_wait3A_211 = tpu.memref_slice %arg2[%dma_wait3A_210] : memref<512000xi32, #tpu.memory_space<hbm>> -> memref<1600xi32, #tpu.memory_space<hbm>>
        %dma_wait3A_212 = arith.constant 0 : i32
        %dma_wait3A_213 = tpu.memref_slice %arg2[%dma_wait3A_212] : memref<512000xi32, #tpu.memory_space<hbm>> -> memref<1600xi32, #tpu.memory_space<hbm>>
        tpu.wait_dma2 semaphore(%arg40 : memref<!tpu.dma_semaphore, #tpu.memory_space<semaphore_mem>>) src(%dma_wait3A_213 : memref<1600xi32, #tpu.memory_space<hbm>>) dst(%arg28 : memref<1600xi32, #tpu.memory_space<vmem>>)
        %dma_wait3A_214 = arith.constant 0 : i32
        %dma_wait3A_215 = tpu.memref_slice %arg3[%dma_wait3A_214] : memref<512000xi32, #tpu.memory_space<hbm>> -> memref<1600xi32, #tpu.memory_space<hbm>>
        %dma_wait3A_216 = arith.constant 0 : i32
        %dma_wait3A_217 = tpu.memref_slice %arg3[%dma_wait3A_216] : memref<512000xi32, #tpu.memory_space<hbm>> -> memref<1600xi32, #tpu.memory_space<hbm>>
        tpu.wait_dma2 semaphore(%arg40 : memref<!tpu.dma_semaphore, #tpu.memory_space<semaphore_mem>>) src(%dma_wait3A_217 : memref<1600xi32, #tpu.memory_space<hbm>>) dst(%arg29 : memref<1600xi32, #tpu.memory_space<vmem>>)
        %dma_wait3A_218 = arith.constant 0 : i32
        %dma_wait3A_219 = tpu.memref_slice %arg4[%dma_wait3A_218] : memref<512000xi32, #tpu.memory_space<hbm>> -> memref<1600xi32, #tpu.memory_space<hbm>>
        %dma_wait3A_220 = arith.constant 0 : i32
        %dma_wait3A_221 = tpu.memref_slice %arg4[%dma_wait3A_220] : memref<512000xi32, #tpu.memory_space<hbm>> -> memref<1600xi32, #tpu.memory_space<hbm>>
        tpu.wait_dma2 semaphore(%arg40 : memref<!tpu.dma_semaphore, #tpu.memory_space<semaphore_mem>>) src(%dma_wait3A_221 : memref<1600xi32, #tpu.memory_space<hbm>>) dst(%arg30 : memref<1600xi32, #tpu.memory_space<vmem>>)
        %dma_wait3A_222 = arith.constant 0 : i32
        %dma_wait3A_223 = tpu.memref_slice %arg5[%dma_wait3A_222] : memref<512000xf32, #tpu.memory_space<hbm>> -> memref<1600xf32, #tpu.memory_space<hbm>>
        %dma_wait3A_224 = arith.constant 0 : i32
        %dma_wait3A_225 = tpu.memref_slice %arg5[%dma_wait3A_224] : memref<512000xf32, #tpu.memory_space<hbm>> -> memref<1600xf32, #tpu.memory_space<hbm>>
        tpu.wait_dma2 semaphore(%arg40 : memref<!tpu.dma_semaphore, #tpu.memory_space<semaphore_mem>>) src(%dma_wait3A_225 : memref<1600xf32, #tpu.memory_space<hbm>>) dst(%arg31 : memref<1600xf32, #tpu.memory_space<vmem>>)
        %dma_wait3A_226 = arith.constant 0 : i32
        %dma_wait3A_227 = tpu.memref_slice %arg6[%dma_wait3A_226] : memref<512000xf32, #tpu.memory_space<hbm>> -> memref<1600xf32, #tpu.memory_space<hbm>>
        %dma_wait3A_228 = arith.constant 0 : i32
        %dma_wait3A_229 = tpu.memref_slice %arg6[%dma_wait3A_228] : memref<512000xf32, #tpu.memory_space<hbm>> -> memref<1600xf32, #tpu.memory_space<hbm>>
        tpu.wait_dma2 semaphore(%arg40 : memref<!tpu.dma_semaphore, #tpu.memory_space<semaphore_mem>>) src(%dma_wait3A_229 : memref<1600xf32, #tpu.memory_space<hbm>>) dst(%arg32 : memref<1600xf32, #tpu.memory_space<vmem>>)
        %dma_wait3A_230 = arith.constant 0 : i32
        %dma_wait3A_231 = tpu.memref_slice %arg7[%dma_wait3A_230] : memref<512000xf32, #tpu.memory_space<hbm>> -> memref<1600xf32, #tpu.memory_space<hbm>>
        %dma_wait3A_232 = arith.constant 0 : i32
        %dma_wait3A_233 = tpu.memref_slice %arg7[%dma_wait3A_232] : memref<512000xf32, #tpu.memory_space<hbm>> -> memref<1600xf32, #tpu.memory_space<hbm>>
        tpu.wait_dma2 semaphore(%arg40 : memref<!tpu.dma_semaphore, #tpu.memory_space<semaphore_mem>>) src(%dma_wait3A_233 : memref<1600xf32, #tpu.memory_space<hbm>>) dst(%arg33 : memref<1600xf32, #tpu.memory_space<vmem>>)
        %dma_wait3A_234 = arith.constant 0 : i32
        %dma_wait3A_235 = tpu.memref_slice %arg8[%dma_wait3A_234] : memref<512000xf32, #tpu.memory_space<hbm>> -> memref<1600xf32, #tpu.memory_space<hbm>>
        %dma_wait3A_236 = arith.constant 0 : i32
        %dma_wait3A_237 = tpu.memref_slice %arg8[%dma_wait3A_236] : memref<512000xf32, #tpu.memory_space<hbm>> -> memref<1600xf32, #tpu.memory_space<hbm>>
        tpu.wait_dma2 semaphore(%arg40 : memref<!tpu.dma_semaphore, #tpu.memory_space<semaphore_mem>>) src(%dma_wait3A_237 : memref<1600xf32, #tpu.memory_space<hbm>>) dst(%arg34 : memref<1600xf32, #tpu.memory_space<vmem>>)
        %dma_start3A_238 = arith.constant 0 : i32
        %dma_start3A_239 = arith.constant 0 : i32
        %dma_start3A_240 = tpu.memref_slice %arg11[%dma_start3A_238, %dma_start3A_239] : memref<100000x8xf32, #tpu.memory_space<hbm>> -> memref<100000x8xf32, #tpu.memory_space<hbm>>
        tpu.enqueue_indirect_dma source(%dma_start3A_240 : memref<100000x8xf32, #tpu.memory_space<hbm>>) target(%arg35 : memref<1600x8xf32, #tpu.memory_space<vmem>>) offsets(%arg30 : memref<1600xi32, #tpu.memory_space<vmem>>) semaphore(%arg42 : memref<!tpu.dma_semaphore, #tpu.memory_space<semaphore_mem>>)
      } else {
      }
      %gt3A = arith.constant 0 : i32
      %gt3A_162 = arith.cmpi sgt, %while3A_152, %gt3A : i32
      %convert_element_type3A_163 = arith.extui %gt3A_162 : i1 to i32
      %cond3A_164 = arith.constant 0 : i32
      %cond3A_165 = arith.cmpi ne, %convert_element_type3A_163, %cond3A_164 : i32
      scf.if %cond3A_165 {
        %dma_wait3A_210 = arith.constant 0 : i32
        %dma_wait3A_211 = tpu.memref_slice %arg12[%dma_wait3A_210] : memref<512000xf32, #tpu.memory_space<hbm>> -> memref<1600xf32, #tpu.memory_space<hbm>>
        %dma_wait3A_212 = arith.constant 0 : i32
        %dma_wait3A_213 = tpu.memref_slice %arg12[%dma_wait3A_212] : memref<512000xf32, #tpu.memory_space<hbm>> -> memref<1600xf32, #tpu.memory_space<hbm>>
        tpu.wait_dma2 semaphore(%arg43 : memref<!tpu.dma_semaphore, #tpu.memory_space<semaphore_mem>>) src(%arg25 : memref<1600xf32, #tpu.memory_space<vmem>>) dst(%dma_wait3A_213 : memref<1600xf32, #tpu.memory_space<hbm>>)
        %dma_wait3A_214 = arith.constant 0 : i32
        %dma_wait3A_215 = tpu.memref_slice %arg13[%dma_wait3A_214] : memref<512000xf32, #tpu.memory_space<hbm>> -> memref<1600xf32, #tpu.memory_space<hbm>>
        %dma_wait3A_216 = arith.constant 0 : i32
        %dma_wait3A_217 = tpu.memref_slice %arg13[%dma_wait3A_216] : memref<512000xf32, #tpu.memory_space<hbm>> -> memref<1600xf32, #tpu.memory_space<hbm>>
        tpu.wait_dma2 semaphore(%arg43 : memref<!tpu.dma_semaphore, #tpu.memory_space<semaphore_mem>>) src(%arg26 : memref<1600xf32, #tpu.memory_space<vmem>>) dst(%dma_wait3A_217 : memref<1600xf32, #tpu.memory_space<hbm>>)
        %dma_wait3A_218 = arith.constant 0 : i32
        %dma_wait3A_219 = tpu.memref_slice %arg14[%dma_wait3A_218] : memref<512000xf32, #tpu.memory_space<hbm>> -> memref<1600xf32, #tpu.memory_space<hbm>>
        %dma_wait3A_220 = arith.constant 0 : i32
        %dma_wait3A_221 = tpu.memref_slice %arg14[%dma_wait3A_220] : memref<512000xf32, #tpu.memory_space<hbm>> -> memref<1600xf32, #tpu.memory_space<hbm>>
        tpu.wait_dma2 semaphore(%arg43 : memref<!tpu.dma_semaphore, #tpu.memory_space<semaphore_mem>>) src(%arg27 : memref<1600xf32, #tpu.memory_space<vmem>>) dst(%dma_wait3A_221 : memref<1600xf32, #tpu.memory_space<hbm>>)
      } else {
      }
      %dma_wait3A_166 = arith.constant 0 : i32
      %dma_wait3A_167 = arith.constant 0 : i32
      %dma_wait3A_168 = tpu.memref_slice %arg11[%dma_wait3A_166, %dma_wait3A_167] : memref<100000x8xf32, #tpu.memory_space<hbm>> -> memref<1600x8xf32, #tpu.memory_space<hbm>>
      %dma_wait3A_169 = arith.constant 0 : i32
      %dma_wait3A_170 = arith.constant 0 : i32
      %dma_wait3A_171 = tpu.memref_slice %arg11[%dma_wait3A_169, %dma_wait3A_170] : memref<100000x8xf32, #tpu.memory_space<hbm>> -> memref<1600x8xf32, #tpu.memory_space<hbm>>
      tpu.wait_dma2 semaphore(%arg41 : memref<!tpu.dma_semaphore, #tpu.memory_space<semaphore_mem>>) src(%dma_wait3A_171 : memref<1600x8xf32, #tpu.memory_space<hbm>>) dst(%arg24 : memref<1600x8xf32, #tpu.memory_space<vmem>>)
      %scan3A = arith.constant 0 : i32
      %scan3A_172 = arith.constant 0 : i32
      %scan3A_173 = arith.constant 100 : i32
      %scan3A_174 = arith.addi %scan3A_172, %scan3A_173 : i32
      %scan3A_175 = arith.constant 1 : i32
      scf.for %scan3A_210 = %scan3A_172 to %scan3A_174 step %scan3A_175  : i32 {
        %mul3A_211 = arith.constant 16 : i32
        %mul3A_212 = arith.muli %scan3A_210, %mul3A_211 : i32
        %multiple_of3A = tpu.assume_multiple %mul3A_212, 16 : i32
        %mul3A_213 = arith.constant 16 : i32
        %mul3A_214 = arith.muli %scan3A_210, %mul3A_213 : i32
        %iota3A = tpu.iota {dimensions = array<i32: 0>} : vector<16xi32>
        %add3A_215 = vector.broadcast %mul3A_214 : i32 to vector<16xi32>
        %add3A_216 = arith.addi %add3A_215, %iota3A : vector<16xi32>
        %get3A = arith.index_cast %multiple_of3A : i32 to index
        %get3A_217 = tpu.vector_load %arg17[%get3A] {strides = array<i32>} : memref<1600xi32, #tpu.memory_space<vmem>>, vector<16xi32>,
        %get3A_218 = arith.index_cast %multiple_of3A : i32 to index
        %get3A_219 = tpu.vector_load %arg18[%get3A_218] {strides = array<i32>} : memref<1600xi32, #tpu.memory_space<vmem>>, vector<16xi32>,
        %gather3A = tpu.vector_load_idx %arg15[%broadcast_in_dim3A_1, %get3A_217] : memref<8x4096xf32, #tpu.memory_space<vmem>>[vector<16xi32>, vector<16xi32>], vector<16xf32>,
        %gather3A_220 = tpu.vector_load_idx %arg15[%broadcast_in_dim3A_3, %get3A_217] : memref<8x4096xf32, #tpu.memory_space<vmem>>[vector<16xi32>, vector<16xi32>], vector<16xf32>,
        %gather3A_221 = tpu.vector_load_idx %arg15[%broadcast_in_dim3A_5, %get3A_217] : memref<8x4096xf32, #tpu.memory_space<vmem>>[vector<16xi32>, vector<16xi32>], vector<16xf32>,
        %gather3A_222 = tpu.vector_load_idx %arg15[%broadcast_in_dim3A_7, %get3A_217] : memref<8x4096xf32, #tpu.memory_space<vmem>>[vector<16xi32>, vector<16xi32>], vector<16xf32>,
        %gather3A_223 = tpu.vector_load_idx %arg15[%broadcast_in_dim3A_9, %get3A_217] : memref<8x4096xf32, #tpu.memory_space<vmem>>[vector<16xi32>, vector<16xi32>], vector<16xf32>,
        %gather3A_224 = tpu.vector_load_idx %arg15[%broadcast_in_dim3A_11, %get3A_217] : memref<8x4096xf32, #tpu.memory_space<vmem>>[vector<16xi32>, vector<16xi32>], vector<16xf32>,
        %gather3A_225 = tpu.vector_load_idx %arg15[%broadcast_in_dim3A_13, %get3A_217] : memref<8x4096xf32, #tpu.memory_space<vmem>>[vector<16xi32>, vector<16xi32>], vector<16xf32>,
        %gather3A_226 = tpu.vector_load_idx %arg15[%broadcast_in_dim3A_15, %get3A_217] : memref<8x4096xf32, #tpu.memory_space<vmem>>[vector<16xi32>, vector<16xi32>], vector<16xf32>,
        %gather3A_227 = tpu.vector_load_idx %arg16[%broadcast_in_dim3A_1, %get3A_219] : memref<7x4096xf32, #tpu.memory_space<vmem>>[vector<16xi32>, vector<16xi32>], vector<16xf32>,
        %gather3A_228 = tpu.vector_load_idx %arg16[%broadcast_in_dim3A_3, %get3A_219] : memref<7x4096xf32, #tpu.memory_space<vmem>>[vector<16xi32>, vector<16xi32>], vector<16xf32>,
        %gather3A_229 = tpu.vector_load_idx %arg16[%broadcast_in_dim3A_5, %get3A_219] : memref<7x4096xf32, #tpu.memory_space<vmem>>[vector<16xi32>, vector<16xi32>], vector<16xf32>,
        %gather3A_230 = tpu.vector_load_idx %arg16[%broadcast_in_dim3A_7, %get3A_219] : memref<7x4096xf32, #tpu.memory_space<vmem>>[vector<16xi32>, vector<16xi32>], vector<16xf32>,
        %gather3A_231 = tpu.vector_load_idx %arg16[%broadcast_in_dim3A_9, %get3A_219] : memref<7x4096xf32, #tpu.memory_space<vmem>>[vector<16xi32>, vector<16xi32>], vector<16xf32>,
        %gather3A_232 = tpu.vector_load_idx %arg16[%broadcast_in_dim3A_11, %get3A_219] : memref<7x4096xf32, #tpu.memory_space<vmem>>[vector<16xi32>, vector<16xi32>], vector<16xf32>,
        %gather3A_233 = tpu.vector_load_idx %arg16[%broadcast_in_dim3A_13, %get3A_219] : memref<7x4096xf32, #tpu.memory_space<vmem>>[vector<16xi32>, vector<16xi32>], vector<16xf32>,
        %get3A_234 = arith.index_cast %multiple_of3A : i32 to index
        %get3A_235 = tpu.vector_load %arg20[%get3A_234] {strides = array<i32>} : memref<1600xf32, #tpu.memory_space<vmem>>, vector<16xf32>,
        %get3A_236 = arith.index_cast %multiple_of3A : i32 to index
        %get3A_237 = tpu.vector_load %arg21[%get3A_236] {strides = array<i32>} : memref<1600xf32, #tpu.memory_space<vmem>>, vector<16xf32>,
        %get3A_238 = arith.index_cast %multiple_of3A : i32 to index
        %get3A_239 = tpu.vector_load %arg22[%get3A_238] {strides = array<i32>} : memref<1600xf32, #tpu.memory_space<vmem>>, vector<16xf32>,
        %get3A_240 = arith.index_cast %multiple_of3A : i32 to index
        %get3A_241 = tpu.vector_load %arg23[%get3A_240] {strides = array<i32>} : memref<1600xf32, #tpu.memory_space<vmem>>, vector<16xf32>,
        %gather3A_242 = tpu.vector_load_idx %arg24[%add3A_216, %broadcast_in_dim3A_1] : memref<1600x8xf32, #tpu.memory_space<vmem>>[vector<16xi32>, vector<16xi32>], vector<16xf32>,
        %gather3A_243 = tpu.vector_load_idx %arg24[%add3A_216, %broadcast_in_dim3A_3] : memref<1600x8xf32, #tpu.memory_space<vmem>>[vector<16xi32>, vector<16xi32>], vector<16xf32>,
        %gather3A_244 = tpu.vector_load_idx %arg24[%add3A_216, %broadcast_in_dim3A_5] : memref<1600x8xf32, #tpu.memory_space<vmem>>[vector<16xi32>, vector<16xi32>], vector<16xf32>,
        %mul3A_245 = arith.mulf %get3A_241, %get3A_235 : vector<16xf32>
        %sub3A_246 = arith.subf %gather3A_231, %mul3A_245 : vector<16xf32>
        %mul3A_247 = arith.mulf %get3A_241, %get3A_237 : vector<16xf32>
        %sub3A_248 = arith.subf %gather3A_232, %mul3A_247 : vector<16xf32>
        %mul3A_249 = arith.mulf %get3A_241, %get3A_239 : vector<16xf32>
        %sub3A_250 = arith.subf %gather3A_233, %mul3A_249 : vector<16xf32>
        %mul3A_251 = arith.mulf %gather3A_228, %sub3A_250 : vector<16xf32>
        %mul3A_252 = arith.mulf %gather3A_229, %sub3A_248 : vector<16xf32>
        %sub3A_253 = arith.subf %mul3A_251, %mul3A_252 : vector<16xf32>
        %mul3A_254 = arith.constant -2.000000e+00 : f32
        %mul3A_255 = vector.broadcast %mul3A_254 : f32 to vector<16xf32>
        %mul3A_256 = arith.mulf %mul3A_255, %sub3A_253 : vector<16xf32>
        %mul3A_257 = arith.mulf %gather3A_229, %sub3A_246 : vector<16xf32>
        %mul3A_258 = arith.mulf %gather3A_227, %sub3A_250 : vector<16xf32>
        %sub3A_259 = arith.subf %mul3A_257, %mul3A_258 : vector<16xf32>
        %mul3A_260 = arith.constant -2.000000e+00 : f32
        %mul3A_261 = vector.broadcast %mul3A_260 : f32 to vector<16xf32>
        %mul3A_262 = arith.mulf %mul3A_261, %sub3A_259 : vector<16xf32>
        %mul3A_263 = arith.mulf %gather3A_227, %sub3A_248 : vector<16xf32>
        %mul3A_264 = arith.mulf %gather3A_228, %sub3A_246 : vector<16xf32>
        %sub3A_265 = arith.subf %mul3A_263, %mul3A_264 : vector<16xf32>
        %mul3A_266 = arith.constant -2.000000e+00 : f32
        %mul3A_267 = vector.broadcast %mul3A_266 : f32 to vector<16xf32>
        %mul3A_268 = arith.mulf %mul3A_267, %sub3A_265 : vector<16xf32>
        %mul3A_269 = arith.mulf %gather3A_230, %mul3A_256 : vector<16xf32>
        %add3A_270 = arith.addf %sub3A_246, %mul3A_269 : vector<16xf32>
        %mul3A_271 = arith.mulf %gather3A_228, %mul3A_268 : vector<16xf32>
        %mul3A_272 = arith.mulf %gather3A_229, %mul3A_262 : vector<16xf32>
        %sub3A_273 = arith.subf %mul3A_271, %mul3A_272 : vector<16xf32>
        %sub3A_274 = arith.subf %add3A_270, %sub3A_273 : vector<16xf32>
        %mul3A_275 = arith.mulf %gather3A_230, %mul3A_262 : vector<16xf32>
        %add3A_276 = arith.addf %sub3A_248, %mul3A_275 : vector<16xf32>
        %mul3A_277 = arith.mulf %gather3A_229, %mul3A_256 : vector<16xf32>
        %mul3A_278 = arith.mulf %gather3A_227, %mul3A_268 : vector<16xf32>
        %sub3A_279 = arith.subf %mul3A_277, %mul3A_278 : vector<16xf32>
        %sub3A_280 = arith.subf %add3A_276, %sub3A_279 : vector<16xf32>
        %mul3A_281 = arith.mulf %gather3A_230, %mul3A_268 : vector<16xf32>
        %add3A_282 = arith.addf %sub3A_250, %mul3A_281 : vector<16xf32>
        %mul3A_283 = arith.mulf %gather3A_227, %mul3A_262 : vector<16xf32>
        %mul3A_284 = arith.mulf %gather3A_228, %mul3A_256 : vector<16xf32>
        %sub3A_285 = arith.subf %mul3A_283, %mul3A_284 : vector<16xf32>
        %sub3A_286 = arith.subf %add3A_282, %sub3A_285 : vector<16xf32>
        %add3A_287 = arith.addf %sub3A_274, %gather3A_223 : vector<16xf32>
        %add3A_288 = arith.addf %sub3A_280, %gather3A_224 : vector<16xf32>
        %add3A_289 = arith.addf %sub3A_286, %gather3A_225 : vector<16xf32>
        %mul3A_290 = arith.mulf %gather3A_220, %add3A_289 : vector<16xf32>
        %mul3A_291 = arith.mulf %gather3A_221, %add3A_288 : vector<16xf32>
        %sub3A_292 = arith.subf %mul3A_290, %mul3A_291 : vector<16xf32>
        %mul3A_293 = arith.constant -2.000000e+00 : f32
        %mul3A_294 = vector.broadcast %mul3A_293 : f32 to vector<16xf32>
        %mul3A_295 = arith.mulf %mul3A_294, %sub3A_292 : vector<16xf32>
        %mul3A_296 = arith.mulf %gather3A_221, %add3A_287 : vector<16xf32>
        %mul3A_297 = arith.mulf %gather3A, %add3A_289 : vector<16xf32>
        %sub3A_298 = arith.subf %mul3A_296, %mul3A_297 : vector<16xf32>
        %mul3A_299 = arith.constant -2.000000e+00 : f32
        %mul3A_300 = vector.broadcast %mul3A_299 : f32 to vector<16xf32>
        %mul3A_301 = arith.mulf %mul3A_300, %sub3A_298 : vector<16xf32>
        %mul3A_302 = arith.mulf %gather3A, %add3A_288 : vector<16xf32>
        %mul3A_303 = arith.mulf %gather3A_220, %add3A_287 : vector<16xf32>
        %sub3A_304 = arith.subf %mul3A_302, %mul3A_303 : vector<16xf32>
        %mul3A_305 = arith.constant -2.000000e+00 : f32
        %mul3A_306 = vector.broadcast %mul3A_305 : f32 to vector<16xf32>
        %mul3A_307 = arith.mulf %mul3A_306, %sub3A_304 : vector<16xf32>
        %mul3A_308 = arith.mulf %gather3A_222, %mul3A_295 : vector<16xf32>
        %add3A_309 = arith.addf %add3A_287, %mul3A_308 : vector<16xf32>
        %mul3A_310 = arith.mulf %gather3A_220, %mul3A_307 : vector<16xf32>
        %mul3A_311 = arith.mulf %gather3A_221, %mul3A_301 : vector<16xf32>
        %sub3A_312 = arith.subf %mul3A_310, %mul3A_311 : vector<16xf32>
        %sub3A_313 = arith.subf %add3A_309, %sub3A_312 : vector<16xf32>
        %mul3A_314 = arith.mulf %gather3A_222, %mul3A_301 : vector<16xf32>
        %add3A_315 = arith.addf %add3A_288, %mul3A_314 : vector<16xf32>
        %mul3A_316 = arith.mulf %gather3A_221, %mul3A_295 : vector<16xf32>
        %mul3A_317 = arith.mulf %gather3A, %mul3A_307 : vector<16xf32>
        %sub3A_318 = arith.subf %mul3A_316, %mul3A_317 : vector<16xf32>
        %sub3A_319 = arith.subf %add3A_315, %sub3A_318 : vector<16xf32>
        %mul3A_320 = arith.mulf %gather3A_222, %mul3A_307 : vector<16xf32>
        %add3A_321 = arith.addf %add3A_289, %mul3A_320 : vector<16xf32>
        %mul3A_322 = arith.mulf %gather3A, %mul3A_301 : vector<16xf32>
        %mul3A_323 = arith.mulf %gather3A_220, %mul3A_295 : vector<16xf32>
        %sub3A_324 = arith.subf %mul3A_322, %mul3A_323 : vector<16xf32>
        %sub3A_325 = arith.subf %add3A_321, %sub3A_324 : vector<16xf32>
        %add3A_326 = arith.addf %gather3A_242, %sub3A_313 : vector<16xf32>
        %mul3A_327 = arith.mulf %gather3A_226, %add3A_326 : vector<16xf32>
        %swap3A = arith.index_cast %multiple_of3A : i32 to index
        %swap3A_328 = tpu.vector_load %arg25[%swap3A] {strides = array<i32>} : memref<1600xf32, #tpu.memory_space<vmem>>, vector<16xf32>,
        tpu.vector_store %arg25[%swap3A], %mul3A_327 {strides = array<i32>} : memref<1600xf32, #tpu.memory_space<vmem>>, vector<16xf32>,
        %add3A_329 = arith.addf %gather3A_243, %sub3A_319 : vector<16xf32>
        %mul3A_330 = arith.mulf %gather3A_226, %add3A_329 : vector<16xf32>
        %swap3A_331 = arith.index_cast %multiple_of3A : i32 to index
        %swap3A_332 = tpu.vector_load %arg26[%swap3A_331] {strides = array<i32>} : memref<1600xf32, #tpu.memory_space<vmem>>, vector<16xf32>,
        tpu.vector_store %arg26[%swap3A_331], %mul3A_330 {strides = array<i32>} : memref<1600xf32, #tpu.memory_space<vmem>>, vector<16xf32>,
        %add3A_333 = arith.addf %gather3A_244, %sub3A_325 : vector<16xf32>
        %mul3A_334 = arith.mulf %gather3A_226, %add3A_333 : vector<16xf32>
        %swap3A_335 = arith.index_cast %multiple_of3A : i32 to index
        %swap3A_336 = tpu.vector_load %arg27[%swap3A_335] {strides = array<i32>} : memref<1600xf32, #tpu.memory_space<vmem>>, vector<16xf32>,
        tpu.vector_store %arg27[%swap3A_335], %mul3A_334 {strides = array<i32>} : memref<1600xf32, #tpu.memory_space<vmem>>, vector<16xf32>,
      }
      %scan3A_176 = arith.constant 100 : i32
      %mul3A_177 = arith.constant 32 : i32
      %mul3A_178 = arith.muli %mul3A_154, %mul3A_177 : i32
      %add3A_179 = arith.addi %add3A, %mul3A_178 : i32
      %mul3A_180 = arith.constant 1600 : i32
      %mul3A_181 = arith.muli %add3A_179, %mul3A_180 : i32
      %dma_start3A_182 = tpu.memref_slice %arg12[%mul3A_181] : memref<512000xf32, #tpu.memory_space<hbm>> -> memref<1600xf32, #tpu.memory_space<hbm>>
      %dma_start3A_183 = tpu.memref_slice %arg12[%mul3A_181] : memref<512000xf32, #tpu.memory_space<hbm>> -> memref<1600xf32, #tpu.memory_space<hbm>>
      tpu.enqueue_dma source(%arg25 : memref<1600xf32, #tpu.memory_space<vmem>>) target(%dma_start3A_183 : memref<1600xf32, #tpu.memory_space<hbm>>) target_semaphore(%arg43 : memref<!tpu.dma_semaphore, #tpu.memory_space<semaphore_mem>>)
      %dma_start3A_184 = tpu.memref_slice %arg13[%mul3A_181] : memref<512000xf32, #tpu.memory_space<hbm>> -> memref<1600xf32, #tpu.memory_space<hbm>>
      %dma_start3A_185 = tpu.memref_slice %arg13[%mul3A_181] : memref<512000xf32, #tpu.memory_space<hbm>> -> memref<1600xf32, #tpu.memory_space<hbm>>
      tpu.enqueue_dma source(%arg26 : memref<1600xf32, #tpu.memory_space<vmem>>) target(%dma_start3A_185 : memref<1600xf32, #tpu.memory_space<hbm>>) target_semaphore(%arg43 : memref<!tpu.dma_semaphore, #tpu.memory_space<semaphore_mem>>)
      %dma_start3A_186 = tpu.memref_slice %arg14[%mul3A_181] : memref<512000xf32, #tpu.memory_space<hbm>> -> memref<1600xf32, #tpu.memory_space<hbm>>
      %dma_start3A_187 = tpu.memref_slice %arg14[%mul3A_181] : memref<512000xf32, #tpu.memory_space<hbm>> -> memref<1600xf32, #tpu.memory_space<hbm>>
      tpu.enqueue_dma source(%arg27 : memref<1600xf32, #tpu.memory_space<vmem>>) target(%dma_start3A_187 : memref<1600xf32, #tpu.memory_space<hbm>>) target_semaphore(%arg43 : memref<!tpu.dma_semaphore, #tpu.memory_space<semaphore_mem>>)
      %add3A_188 = arith.constant 2 : i32
      %add3A_189 = arith.addi %mul3A_154, %add3A_188 : i32
      %lt3A_190 = arith.cmpi slt, %add3A_189, %select_n3A : i32
      %convert_element_type3A_191 = arith.extui %lt3A_190 : i1 to i32
      %cond3A_192 = arith.constant 0 : i32
      %cond3A_193 = arith.cmpi ne, %convert_element_type3A_191, %cond3A_192 : i32
      scf.if %cond3A_193 {
        %add3A_210 = arith.constant 2 : i32
        %add3A_211 = arith.addi %mul3A_154, %add3A_210 : i32
        %mul3A_212 = arith.constant 32 : i32
        %mul3A_213 = arith.muli %add3A_211, %mul3A_212 : i32
        %add3A_214 = arith.addi %add3A, %mul3A_213 : i32
        %mul3A_215 = arith.constant 1600 : i32
        %mul3A_216 = arith.muli %add3A_214, %mul3A_215 : i32
        %dma_start3A_217 = tpu.memref_slice %arg2[%mul3A_216] : memref<512000xi32, #tpu.memory_space<hbm>> -> memref<1600xi32, #tpu.memory_space<hbm>>
        %dma_start3A_218 = tpu.memref_slice %arg2[%mul3A_216] : memref<512000xi32, #tpu.memory_space<hbm>> -> memref<1600xi32, #tpu.memory_space<hbm>>
        tpu.enqueue_dma source(%dma_start3A_218 : memref<1600xi32, #tpu.memory_space<hbm>>) target(%arg17 : memref<1600xi32, #tpu.memory_space<vmem>>) target_semaphore(%arg39 : memref<!tpu.dma_semaphore, #tpu.memory_space<semaphore_mem>>)
        %dma_start3A_219 = tpu.memref_slice %arg3[%mul3A_216] : memref<512000xi32, #tpu.memory_space<hbm>> -> memref<1600xi32, #tpu.memory_space<hbm>>
        %dma_start3A_220 = tpu.memref_slice %arg3[%mul3A_216] : memref<512000xi32, #tpu.memory_space<hbm>> -> memref<1600xi32, #tpu.memory_space<hbm>>
        tpu.enqueue_dma source(%dma_start3A_220 : memref<1600xi32, #tpu.memory_space<hbm>>) target(%arg18 : memref<1600xi32, #tpu.memory_space<vmem>>) target_semaphore(%arg39 : memref<!tpu.dma_semaphore, #tpu.memory_space<semaphore_mem>>)
        %dma_start3A_221 = tpu.memref_slice %arg4[%mul3A_216] : memref<512000xi32, #tpu.memory_space<hbm>> -> memref<1600xi32, #tpu.memory_space<hbm>>
        %dma_start3A_222 = tpu.memref_slice %arg4[%mul3A_216] : memref<512000xi32, #tpu.memory_space<hbm>> -> memref<1600xi32, #tpu.memory_space<hbm>>
        tpu.enqueue_dma source(%dma_start3A_222 : memref<1600xi32, #tpu.memory_space<hbm>>) target(%arg19 : memref<1600xi32, #tpu.memory_space<vmem>>) target_semaphore(%arg39 : memref<!tpu.dma_semaphore, #tpu.memory_space<semaphore_mem>>)
        %dma_start3A_223 = tpu.memref_slice %arg5[%mul3A_216] : memref<512000xf32, #tpu.memory_space<hbm>> -> memref<1600xf32, #tpu.memory_space<hbm>>
        %dma_start3A_224 = tpu.memref_slice %arg5[%mul3A_216] : memref<512000xf32, #tpu.memory_space<hbm>> -> memref<1600xf32, #tpu.memory_space<hbm>>
        tpu.enqueue_dma source(%dma_start3A_224 : memref<1600xf32, #tpu.memory_space<hbm>>) target(%arg20 : memref<1600xf32, #tpu.memory_space<vmem>>) target_semaphore(%arg39 : memref<!tpu.dma_semaphore, #tpu.memory_space<semaphore_mem>>)
        %dma_start3A_225 = tpu.memref_slice %arg6[%mul3A_216] : memref<512000xf32, #tpu.memory_space<hbm>> -> memref<1600xf32, #tpu.memory_space<hbm>>
        %dma_start3A_226 = tpu.memref_slice %arg6[%mul3A_216] : memref<512000xf32, #tpu.memory_space<hbm>> -> memref<1600xf32, #tpu.memory_space<hbm>>
        tpu.enqueue_dma source(%dma_start3A_226 : memref<1600xf32, #tpu.memory_space<hbm>>) target(%arg21 : memref<1600xf32, #tpu.memory_space<vmem>>) target_semaphore(%arg39 : memref<!tpu.dma_semaphore, #tpu.memory_space<semaphore_mem>>)
        %dma_start3A_227 = tpu.memref_slice %arg7[%mul3A_216] : memref<512000xf32, #tpu.memory_space<hbm>> -> memref<1600xf32, #tpu.memory_space<hbm>>
        %dma_start3A_228 = tpu.memref_slice %arg7[%mul3A_216] : memref<512000xf32, #tpu.memory_space<hbm>> -> memref<1600xf32, #tpu.memory_space<hbm>>
        tpu.enqueue_dma source(%dma_start3A_228 : memref<1600xf32, #tpu.memory_space<hbm>>) target(%arg22 : memref<1600xf32, #tpu.memory_space<vmem>>) target_semaphore(%arg39 : memref<!tpu.dma_semaphore, #tpu.memory_space<semaphore_mem>>)
        %dma_start3A_229 = tpu.memref_slice %arg8[%mul3A_216] : memref<512000xf32, #tpu.memory_space<hbm>> -> memref<1600xf32, #tpu.memory_space<hbm>>
        %dma_start3A_230 = tpu.memref_slice %arg8[%mul3A_216] : memref<512000xf32, #tpu.memory_space<hbm>> -> memref<1600xf32, #tpu.memory_space<hbm>>
        tpu.enqueue_dma source(%dma_start3A_230 : memref<1600xf32, #tpu.memory_space<hbm>>) target(%arg23 : memref<1600xf32, #tpu.memory_space<vmem>>) target_semaphore(%arg39 : memref<!tpu.dma_semaphore, #tpu.memory_space<semaphore_mem>>)
      } else {
      }
      %lt3A_194 = arith.cmpi slt, %add3A_158, %select_n3A : i32
      %convert_element_type3A_195 = arith.extui %lt3A_194 : i1 to i32
      %cond3A_196 = arith.constant 0 : i32
      %cond3A_197 = arith.cmpi ne, %convert_element_type3A_195, %cond3A_196 : i32
      scf.if %cond3A_197 {
        %gt3A_210 = arith.constant 0 : i32
        %gt3A_211 = arith.cmpi sgt, %while3A_152, %gt3A_210 : i32
        %convert_element_type3A_212 = arith.extui %gt3A_211 : i1 to i32
        %cond3A_213 = arith.constant 0 : i32
        %cond3A_214 = arith.cmpi ne, %convert_element_type3A_212, %cond3A_213 : i32
        scf.if %cond3A_214 {
          %dma_wait3A_238 = arith.constant 0 : i32
          %dma_wait3A_239 = tpu.memref_slice %arg12[%dma_wait3A_238] : memref<512000xf32, #tpu.memory_space<hbm>> -> memref<1600xf32, #tpu.memory_space<hbm>>
          %dma_wait3A_240 = arith.constant 0 : i32
          %dma_wait3A_241 = tpu.memref_slice %arg12[%dma_wait3A_240] : memref<512000xf32, #tpu.memory_space<hbm>> -> memref<1600xf32, #tpu.memory_space<hbm>>
          tpu.wait_dma2 semaphore(%arg44 : memref<!tpu.dma_semaphore, #tpu.memory_space<semaphore_mem>>) src(%arg36 : memref<1600xf32, #tpu.memory_space<vmem>>) dst(%dma_wait3A_241 : memref<1600xf32, #tpu.memory_space<hbm>>)
          %dma_wait3A_242 = arith.constant 0 : i32
          %dma_wait3A_243 = tpu.memref_slice %arg13[%dma_wait3A_242] : memref<512000xf32, #tpu.memory_space<hbm>> -> memref<1600xf32, #tpu.memory_space<hbm>>
          %dma_wait3A_244 = arith.constant 0 : i32
          %dma_wait3A_245 = tpu.memref_slice %arg13[%dma_wait3A_244] : memref<512000xf32, #tpu.memory_space<hbm>> -> memref<1600xf32, #tpu.memory_space<hbm>>
          tpu.wait_dma2 semaphore(%arg44 : memref<!tpu.dma_semaphore, #tpu.memory_space<semaphore_mem>>) src(%arg37 : memref<1600xf32, #tpu.memory_space<vmem>>) dst(%dma_wait3A_245 : memref<1600xf32, #tpu.memory_space<hbm>>)
          %dma_wait3A_246 = arith.constant 0 : i32
          %dma_wait3A_247 = tpu.memref_slice %arg14[%dma_wait3A_246] : memref<512000xf32, #tpu.memory_space<hbm>> -> memref<1600xf32, #tpu.memory_space<hbm>>
          %dma_wait3A_248 = arith.constant 0 : i32
          %dma_wait3A_249 = tpu.memref_slice %arg14[%dma_wait3A_248] : memref<512000xf32, #tpu.memory_space<hbm>> -> memref<1600xf32, #tpu.memory_space<hbm>>
          tpu.wait_dma2 semaphore(%arg44 : memref<!tpu.dma_semaphore, #tpu.memory_space<semaphore_mem>>) src(%arg38 : memref<1600xf32, #tpu.memory_space<vmem>>) dst(%dma_wait3A_249 : memref<1600xf32, #tpu.memory_space<hbm>>)
        } else {
        }
        %dma_wait3A_215 = arith.constant 0 : i32
        %dma_wait3A_216 = arith.constant 0 : i32
        %dma_wait3A_217 = tpu.memref_slice %arg11[%dma_wait3A_215, %dma_wait3A_216] : memref<100000x8xf32, #tpu.memory_space<hbm>> -> memref<1600x8xf32, #tpu.memory_space<hbm>>
        %dma_wait3A_218 = arith.constant 0 : i32
        %dma_wait3A_219 = arith.constant 0 : i32
        %dma_wait3A_220 = tpu.memref_slice %arg11[%dma_wait3A_218, %dma_wait3A_219] : memref<100000x8xf32, #tpu.memory_space<hbm>> -> memref<1600x8xf32, #tpu.memory_space<hbm>>
        tpu.wait_dma2 semaphore(%arg42 : memref<!tpu.dma_semaphore, #tpu.memory_space<semaphore_mem>>) src(%dma_wait3A_220 : memref<1600x8xf32, #tpu.memory_space<hbm>>) dst(%arg35 : memref<1600x8xf32, #tpu.memory_space<vmem>>)
        %scan3A_221 = arith.constant 0 : i32
        %scan3A_222 = arith.constant 0 : i32
        %scan3A_223 = arith.constant 100 : i32
        %scan3A_224 = arith.addi %scan3A_222, %scan3A_223 : i32
        %scan3A_225 = arith.constant 1 : i32
        scf.for %scan3A_238 = %scan3A_222 to %scan3A_224 step %scan3A_225  : i32 {
          %mul3A_239 = arith.constant 16 : i32
          %mul3A_240 = arith.muli %scan3A_238, %mul3A_239 : i32
          %multiple_of3A = tpu.assume_multiple %mul3A_240, 16 : i32
          %mul3A_241 = arith.constant 16 : i32
          %mul3A_242 = arith.muli %scan3A_238, %mul3A_241 : i32
          %iota3A = tpu.iota {dimensions = array<i32: 0>} : vector<16xi32>
          %add3A_243 = vector.broadcast %mul3A_242 : i32 to vector<16xi32>
          %add3A_244 = arith.addi %add3A_243, %iota3A : vector<16xi32>
          %get3A = arith.index_cast %multiple_of3A : i32 to index
          %get3A_245 = tpu.vector_load %arg28[%get3A] {strides = array<i32>} : memref<1600xi32, #tpu.memory_space<vmem>>, vector<16xi32>,
          %get3A_246 = arith.index_cast %multiple_of3A : i32 to index
          %get3A_247 = tpu.vector_load %arg29[%get3A_246] {strides = array<i32>} : memref<1600xi32, #tpu.memory_space<vmem>>, vector<16xi32>,
          %gather3A = tpu.vector_load_idx %arg15[%broadcast_in_dim3A_1, %get3A_245] : memref<8x4096xf32, #tpu.memory_space<vmem>>[vector<16xi32>, vector<16xi32>], vector<16xf32>,
          %gather3A_248 = tpu.vector_load_idx %arg15[%broadcast_in_dim3A_3, %get3A_245] : memref<8x4096xf32, #tpu.memory_space<vmem>>[vector<16xi32>, vector<16xi32>], vector<16xf32>,
          %gather3A_249 = tpu.vector_load_idx %arg15[%broadcast_in_dim3A_5, %get3A_245] : memref<8x4096xf32, #tpu.memory_space<vmem>>[vector<16xi32>, vector<16xi32>], vector<16xf32>,
          %gather3A_250 = tpu.vector_load_idx %arg15[%broadcast_in_dim3A_7, %get3A_245] : memref<8x4096xf32, #tpu.memory_space<vmem>>[vector<16xi32>, vector<16xi32>], vector<16xf32>,
          %gather3A_251 = tpu.vector_load_idx %arg15[%broadcast_in_dim3A_9, %get3A_245] : memref<8x4096xf32, #tpu.memory_space<vmem>>[vector<16xi32>, vector<16xi32>], vector<16xf32>,
          %gather3A_252 = tpu.vector_load_idx %arg15[%broadcast_in_dim3A_11, %get3A_245] : memref<8x4096xf32, #tpu.memory_space<vmem>>[vector<16xi32>, vector<16xi32>], vector<16xf32>,
          %gather3A_253 = tpu.vector_load_idx %arg15[%broadcast_in_dim3A_13, %get3A_245] : memref<8x4096xf32, #tpu.memory_space<vmem>>[vector<16xi32>, vector<16xi32>], vector<16xf32>,
          %gather3A_254 = tpu.vector_load_idx %arg15[%broadcast_in_dim3A_15, %get3A_245] : memref<8x4096xf32, #tpu.memory_space<vmem>>[vector<16xi32>, vector<16xi32>], vector<16xf32>,
          %gather3A_255 = tpu.vector_load_idx %arg16[%broadcast_in_dim3A_1, %get3A_247] : memref<7x4096xf32, #tpu.memory_space<vmem>>[vector<16xi32>, vector<16xi32>], vector<16xf32>,
          %gather3A_256 = tpu.vector_load_idx %arg16[%broadcast_in_dim3A_3, %get3A_247] : memref<7x4096xf32, #tpu.memory_space<vmem>>[vector<16xi32>, vector<16xi32>], vector<16xf32>,
          %gather3A_257 = tpu.vector_load_idx %arg16[%broadcast_in_dim3A_5, %get3A_247] : memref<7x4096xf32, #tpu.memory_space<vmem>>[vector<16xi32>, vector<16xi32>], vector<16xf32>,
          %gather3A_258 = tpu.vector_load_idx %arg16[%broadcast_in_dim3A_7, %get3A_247] : memref<7x4096xf32, #tpu.memory_space<vmem>>[vector<16xi32>, vector<16xi32>], vector<16xf32>,
          %gather3A_259 = tpu.vector_load_idx %arg16[%broadcast_in_dim3A_9, %get3A_247] : memref<7x4096xf32, #tpu.memory_space<vmem>>[vector<16xi32>, vector<16xi32>], vector<16xf32>,
          %gather3A_260 = tpu.vector_load_idx %arg16[%broadcast_in_dim3A_11, %get3A_247] : memref<7x4096xf32, #tpu.memory_space<vmem>>[vector<16xi32>, vector<16xi32>], vector<16xf32>,
          %gather3A_261 = tpu.vector_load_idx %arg16[%broadcast_in_dim3A_13, %get3A_247] : memref<7x4096xf32, #tpu.memory_space<vmem>>[vector<16xi32>, vector<16xi32>], vector<16xf32>,
          %get3A_262 = arith.index_cast %multiple_of3A : i32 to index
          %get3A_263 = tpu.vector_load %arg31[%get3A_262] {strides = array<i32>} : memref<1600xf32, #tpu.memory_space<vmem>>, vector<16xf32>,
          %get3A_264 = arith.index_cast %multiple_of3A : i32 to index
          %get3A_265 = tpu.vector_load %arg32[%get3A_264] {strides = array<i32>} : memref<1600xf32, #tpu.memory_space<vmem>>, vector<16xf32>,
          %get3A_266 = arith.index_cast %multiple_of3A : i32 to index
          %get3A_267 = tpu.vector_load %arg33[%get3A_266] {strides = array<i32>} : memref<1600xf32, #tpu.memory_space<vmem>>, vector<16xf32>,
          %get3A_268 = arith.index_cast %multiple_of3A : i32 to index
          %get3A_269 = tpu.vector_load %arg34[%get3A_268] {strides = array<i32>} : memref<1600xf32, #tpu.memory_space<vmem>>, vector<16xf32>,
          %gather3A_270 = tpu.vector_load_idx %arg35[%add3A_244, %broadcast_in_dim3A_1] : memref<1600x8xf32, #tpu.memory_space<vmem>>[vector<16xi32>, vector<16xi32>], vector<16xf32>,
          %gather3A_271 = tpu.vector_load_idx %arg35[%add3A_244, %broadcast_in_dim3A_3] : memref<1600x8xf32, #tpu.memory_space<vmem>>[vector<16xi32>, vector<16xi32>], vector<16xf32>,
          %gather3A_272 = tpu.vector_load_idx %arg35[%add3A_244, %broadcast_in_dim3A_5] : memref<1600x8xf32, #tpu.memory_space<vmem>>[vector<16xi32>, vector<16xi32>], vector<16xf32>,
          %mul3A_273 = arith.mulf %get3A_269, %get3A_263 : vector<16xf32>
          %sub3A_274 = arith.subf %gather3A_259, %mul3A_273 : vector<16xf32>
          %mul3A_275 = arith.mulf %get3A_269, %get3A_265 : vector<16xf32>
          %sub3A_276 = arith.subf %gather3A_260, %mul3A_275 : vector<16xf32>
          %mul3A_277 = arith.mulf %get3A_269, %get3A_267 : vector<16xf32>
          %sub3A_278 = arith.subf %gather3A_261, %mul3A_277 : vector<16xf32>
          %mul3A_279 = arith.mulf %gather3A_256, %sub3A_278 : vector<16xf32>
          %mul3A_280 = arith.mulf %gather3A_257, %sub3A_276 : vector<16xf32>
          %sub3A_281 = arith.subf %mul3A_279, %mul3A_280 : vector<16xf32>
          %mul3A_282 = arith.constant -2.000000e+00 : f32
          %mul3A_283 = vector.broadcast %mul3A_282 : f32 to vector<16xf32>
          %mul3A_284 = arith.mulf %mul3A_283, %sub3A_281 : vector<16xf32>
          %mul3A_285 = arith.mulf %gather3A_257, %sub3A_274 : vector<16xf32>
          %mul3A_286 = arith.mulf %gather3A_255, %sub3A_278 : vector<16xf32>
          %sub3A_287 = arith.subf %mul3A_285, %mul3A_286 : vector<16xf32>
          %mul3A_288 = arith.constant -2.000000e+00 : f32
          %mul3A_289 = vector.broadcast %mul3A_288 : f32 to vector<16xf32>
          %mul3A_290 = arith.mulf %mul3A_289, %sub3A_287 : vector<16xf32>
          %mul3A_291 = arith.mulf %gather3A_255, %sub3A_276 : vector<16xf32>
          %mul3A_292 = arith.mulf %gather3A_256, %sub3A_274 : vector<16xf32>
          %sub3A_293 = arith.subf %mul3A_291, %mul3A_292 : vector<16xf32>
          %mul3A_294 = arith.constant -2.000000e+00 : f32
          %mul3A_295 = vector.broadcast %mul3A_294 : f32 to vector<16xf32>
          %mul3A_296 = arith.mulf %mul3A_295, %sub3A_293 : vector<16xf32>
          %mul3A_297 = arith.mulf %gather3A_258, %mul3A_284 : vector<16xf32>
          %add3A_298 = arith.addf %sub3A_274, %mul3A_297 : vector<16xf32>
          %mul3A_299 = arith.mulf %gather3A_256, %mul3A_296 : vector<16xf32>
          %mul3A_300 = arith.mulf %gather3A_257, %mul3A_290 : vector<16xf32>
          %sub3A_301 = arith.subf %mul3A_299, %mul3A_300 : vector<16xf32>
          %sub3A_302 = arith.subf %add3A_298, %sub3A_301 : vector<16xf32>
          %mul3A_303 = arith.mulf %gather3A_258, %mul3A_290 : vector<16xf32>
          %add3A_304 = arith.addf %sub3A_276, %mul3A_303 : vector<16xf32>
          %mul3A_305 = arith.mulf %gather3A_257, %mul3A_284 : vector<16xf32>
          %mul3A_306 = arith.mulf %gather3A_255, %mul3A_296 : vector<16xf32>
          %sub3A_307 = arith.subf %mul3A_305, %mul3A_306 : vector<16xf32>
          %sub3A_308 = arith.subf %add3A_304, %sub3A_307 : vector<16xf32>
          %mul3A_309 = arith.mulf %gather3A_258, %mul3A_296 : vector<16xf32>
          %add3A_310 = arith.addf %sub3A_278, %mul3A_309 : vector<16xf32>
          %mul3A_311 = arith.mulf %gather3A_255, %mul3A_290 : vector<16xf32>
          %mul3A_312 = arith.mulf %gather3A_256, %mul3A_284 : vector<16xf32>
          %sub3A_313 = arith.subf %mul3A_311, %mul3A_312 : vector<16xf32>
          %sub3A_314 = arith.subf %add3A_310, %sub3A_313 : vector<16xf32>
          %add3A_315 = arith.addf %sub3A_302, %gather3A_251 : vector<16xf32>
          %add3A_316 = arith.addf %sub3A_308, %gather3A_252 : vector<16xf32>
          %add3A_317 = arith.addf %sub3A_314, %gather3A_253 : vector<16xf32>
          %mul3A_318 = arith.mulf %gather3A_248, %add3A_317 : vector<16xf32>
          %mul3A_319 = arith.mulf %gather3A_249, %add3A_316 : vector<16xf32>
          %sub3A_320 = arith.subf %mul3A_318, %mul3A_319 : vector<16xf32>
          %mul3A_321 = arith.constant -2.000000e+00 : f32
          %mul3A_322 = vector.broadcast %mul3A_321 : f32 to vector<16xf32>
          %mul3A_323 = arith.mulf %mul3A_322, %sub3A_320 : vector<16xf32>
          %mul3A_324 = arith.mulf %gather3A_249, %add3A_315 : vector<16xf32>
          %mul3A_325 = arith.mulf %gather3A, %add3A_317 : vector<16xf32>
          %sub3A_326 = arith.subf %mul3A_324, %mul3A_325 : vector<16xf32>
          %mul3A_327 = arith.constant -2.000000e+00 : f32
          %mul3A_328 = vector.broadcast %mul3A_327 : f32 to vector<16xf32>
          %mul3A_329 = arith.mulf %mul3A_328, %sub3A_326 : vector<16xf32>
          %mul3A_330 = arith.mulf %gather3A, %add3A_316 : vector<16xf32>
          %mul3A_331 = arith.mulf %gather3A_248, %add3A_315 : vector<16xf32>
          %sub3A_332 = arith.subf %mul3A_330, %mul3A_331 : vector<16xf32>
          %mul3A_333 = arith.constant -2.000000e+00 : f32
          %mul3A_334 = vector.broadcast %mul3A_333 : f32 to vector<16xf32>
          %mul3A_335 = arith.mulf %mul3A_334, %sub3A_332 : vector<16xf32>
          %mul3A_336 = arith.mulf %gather3A_250, %mul3A_323 : vector<16xf32>
          %add3A_337 = arith.addf %add3A_315, %mul3A_336 : vector<16xf32>
          %mul3A_338 = arith.mulf %gather3A_248, %mul3A_335 : vector<16xf32>
          %mul3A_339 = arith.mulf %gather3A_249, %mul3A_329 : vector<16xf32>
          %sub3A_340 = arith.subf %mul3A_338, %mul3A_339 : vector<16xf32>
          %sub3A_341 = arith.subf %add3A_337, %sub3A_340 : vector<16xf32>
          %mul3A_342 = arith.mulf %gather3A_250, %mul3A_329 : vector<16xf32>
          %add3A_343 = arith.addf %add3A_316, %mul3A_342 : vector<16xf32>
          %mul3A_344 = arith.mulf %gather3A_249, %mul3A_323 : vector<16xf32>
          %mul3A_345 = arith.mulf %gather3A, %mul3A_335 : vector<16xf32>
          %sub3A_346 = arith.subf %mul3A_344, %mul3A_345 : vector<16xf32>
          %sub3A_347 = arith.subf %add3A_343, %sub3A_346 : vector<16xf32>
          %mul3A_348 = arith.mulf %gather3A_250, %mul3A_335 : vector<16xf32>
          %add3A_349 = arith.addf %add3A_317, %mul3A_348 : vector<16xf32>
          %mul3A_350 = arith.mulf %gather3A, %mul3A_329 : vector<16xf32>
          %mul3A_351 = arith.mulf %gather3A_248, %mul3A_323 : vector<16xf32>
          %sub3A_352 = arith.subf %mul3A_350, %mul3A_351 : vector<16xf32>
          %sub3A_353 = arith.subf %add3A_349, %sub3A_352 : vector<16xf32>
          %add3A_354 = arith.addf %gather3A_270, %sub3A_341 : vector<16xf32>
          %mul3A_355 = arith.mulf %gather3A_254, %add3A_354 : vector<16xf32>
          %swap3A = arith.index_cast %multiple_of3A : i32 to index
          %swap3A_356 = tpu.vector_load %arg36[%swap3A] {strides = array<i32>} : memref<1600xf32, #tpu.memory_space<vmem>>, vector<16xf32>,
          tpu.vector_store %arg36[%swap3A], %mul3A_355 {strides = array<i32>} : memref<1600xf32, #tpu.memory_space<vmem>>, vector<16xf32>,
          %add3A_357 = arith.addf %gather3A_271, %sub3A_347 : vector<16xf32>
          %mul3A_358 = arith.mulf %gather3A_254, %add3A_357 : vector<16xf32>
          %swap3A_359 = arith.index_cast %multiple_of3A : i32 to index
          %swap3A_360 = tpu.vector_load %arg37[%swap3A_359] {strides = array<i32>} : memref<1600xf32, #tpu.memory_space<vmem>>, vector<16xf32>,
          tpu.vector_store %arg37[%swap3A_359], %mul3A_358 {strides = array<i32>} : memref<1600xf32, #tpu.memory_space<vmem>>, vector<16xf32>,
          %add3A_361 = arith.addf %gather3A_272, %sub3A_353 : vector<16xf32>
          %mul3A_362 = arith.mulf %gather3A_254, %add3A_361 : vector<16xf32>
          %swap3A_363 = arith.index_cast %multiple_of3A : i32 to index
          %swap3A_364 = tpu.vector_load %arg38[%swap3A_363] {strides = array<i32>} : memref<1600xf32, #tpu.memory_space<vmem>>, vector<16xf32>,
          tpu.vector_store %arg38[%swap3A_363], %mul3A_362 {strides = array<i32>} : memref<1600xf32, #tpu.memory_space<vmem>>, vector<16xf32>,
        }
        %scan3A_226 = arith.constant 100 : i32
        %mul3A_227 = arith.constant 32 : i32
        %mul3A_228 = arith.muli %add3A_158, %mul3A_227 : i32
        %add3A_229 = arith.addi %add3A, %mul3A_228 : i32
        %mul3A_230 = arith.constant 1600 : i32
        %mul3A_231 = arith.muli %add3A_229, %mul3A_230 : i32
        %dma_start3A_232 = tpu.memref_slice %arg12[%mul3A_231] : memref<512000xf32, #tpu.memory_space<hbm>> -> memref<1600xf32, #tpu.memory_space<hbm>>
        %dma_start3A_233 = tpu.memref_slice %arg12[%mul3A_231] : memref<512000xf32, #tpu.memory_space<hbm>> -> memref<1600xf32, #tpu.memory_space<hbm>>
        tpu.enqueue_dma source(%arg36 : memref<1600xf32, #tpu.memory_space<vmem>>) target(%dma_start3A_233 : memref<1600xf32, #tpu.memory_space<hbm>>) target_semaphore(%arg44 : memref<!tpu.dma_semaphore, #tpu.memory_space<semaphore_mem>>)
        %dma_start3A_234 = tpu.memref_slice %arg13[%mul3A_231] : memref<512000xf32, #tpu.memory_space<hbm>> -> memref<1600xf32, #tpu.memory_space<hbm>>
        %dma_start3A_235 = tpu.memref_slice %arg13[%mul3A_231] : memref<512000xf32, #tpu.memory_space<hbm>> -> memref<1600xf32, #tpu.memory_space<hbm>>
        tpu.enqueue_dma source(%arg37 : memref<1600xf32, #tpu.memory_space<vmem>>) target(%dma_start3A_235 : memref<1600xf32, #tpu.memory_space<hbm>>) target_semaphore(%arg44 : memref<!tpu.dma_semaphore, #tpu.memory_space<semaphore_mem>>)
        %dma_start3A_236 = tpu.memref_slice %arg14[%mul3A_231] : memref<512000xf32, #tpu.memory_space<hbm>> -> memref<1600xf32, #tpu.memory_space<hbm>>
        %dma_start3A_237 = tpu.memref_slice %arg14[%mul3A_231] : memref<512000xf32, #tpu.memory_space<hbm>> -> memref<1600xf32, #tpu.memory_space<hbm>>
        tpu.enqueue_dma source(%arg38 : memref<1600xf32, #tpu.memory_space<vmem>>) target(%dma_start3A_237 : memref<1600xf32, #tpu.memory_space<hbm>>) target_semaphore(%arg44 : memref<!tpu.dma_semaphore, #tpu.memory_space<semaphore_mem>>)
      } else {
      }
      %add3A_198 = arith.constant 2 : i32
      %add3A_199 = arith.addi %mul3A_154, %add3A_198 : i32
      %lt3A_200 = arith.cmpi slt, %add3A_199, %select_n3A : i32
      %convert_element_type3A_201 = arith.extui %lt3A_200 : i1 to i32
      %cond3A_202 = arith.constant 0 : i32
      %cond3A_203 = arith.cmpi ne, %convert_element_type3A_201, %cond3A_202 : i32
      scf.if %cond3A_203 {
        %dma_wait3A_210 = arith.constant 0 : i32
        %dma_wait3A_211 = tpu.memref_slice %arg2[%dma_wait3A_210] : memref<512000xi32, #tpu.memory_space<hbm>> -> memref<1600xi32, #tpu.memory_space<hbm>>
        %dma_wait3A_212 = arith.constant 0 : i32
        %dma_wait3A_213 = tpu.memref_slice %arg2[%dma_wait3A_212] : memref<512000xi32, #tpu.memory_space<hbm>> -> memref<1600xi32, #tpu.memory_space<hbm>>
        tpu.wait_dma2 semaphore(%arg39 : memref<!tpu.dma_semaphore, #tpu.memory_space<semaphore_mem>>) src(%dma_wait3A_213 : memref<1600xi32, #tpu.memory_space<hbm>>) dst(%arg17 : memref<1600xi32, #tpu.memory_space<vmem>>)
        %dma_wait3A_214 = arith.constant 0 : i32
        %dma_wait3A_215 = tpu.memref_slice %arg3[%dma_wait3A_214] : memref<512000xi32, #tpu.memory_space<hbm>> -> memref<1600xi32, #tpu.memory_space<hbm>>
        %dma_wait3A_216 = arith.constant 0 : i32
        %dma_wait3A_217 = tpu.memref_slice %arg3[%dma_wait3A_216] : memref<512000xi32, #tpu.memory_space<hbm>> -> memref<1600xi32, #tpu.memory_space<hbm>>
        tpu.wait_dma2 semaphore(%arg39 : memref<!tpu.dma_semaphore, #tpu.memory_space<semaphore_mem>>) src(%dma_wait3A_217 : memref<1600xi32, #tpu.memory_space<hbm>>) dst(%arg18 : memref<1600xi32, #tpu.memory_space<vmem>>)
        %dma_wait3A_218 = arith.constant 0 : i32
        %dma_wait3A_219 = tpu.memref_slice %arg4[%dma_wait3A_218] : memref<512000xi32, #tpu.memory_space<hbm>> -> memref<1600xi32, #tpu.memory_space<hbm>>
        %dma_wait3A_220 = arith.constant 0 : i32
        %dma_wait3A_221 = tpu.memref_slice %arg4[%dma_wait3A_220] : memref<512000xi32, #tpu.memory_space<hbm>> -> memref<1600xi32, #tpu.memory_space<hbm>>
        tpu.wait_dma2 semaphore(%arg39 : memref<!tpu.dma_semaphore, #tpu.memory_space<semaphore_mem>>) src(%dma_wait3A_221 : memref<1600xi32, #tpu.memory_space<hbm>>) dst(%arg19 : memref<1600xi32, #tpu.memory_space<vmem>>)
        %dma_wait3A_222 = arith.constant 0 : i32
        %dma_wait3A_223 = tpu.memref_slice %arg5[%dma_wait3A_222] : memref<512000xf32, #tpu.memory_space<hbm>> -> memref<1600xf32, #tpu.memory_space<hbm>>
        %dma_wait3A_224 = arith.constant 0 : i32
        %dma_wait3A_225 = tpu.memref_slice %arg5[%dma_wait3A_224] : memref<512000xf32, #tpu.memory_space<hbm>> -> memref<1600xf32, #tpu.memory_space<hbm>>
        tpu.wait_dma2 semaphore(%arg39 : memref<!tpu.dma_semaphore, #tpu.memory_space<semaphore_mem>>) src(%dma_wait3A_225 : memref<1600xf32, #tpu.memory_space<hbm>>) dst(%arg20 : memref<1600xf32, #tpu.memory_space<vmem>>)
        %dma_wait3A_226 = arith.constant 0 : i32
        %dma_wait3A_227 = tpu.memref_slice %arg6[%dma_wait3A_226] : memref<512000xf32, #tpu.memory_space<hbm>> -> memref<1600xf32, #tpu.memory_space<hbm>>
        %dma_wait3A_228 = arith.constant 0 : i32
        %dma_wait3A_229 = tpu.memref_slice %arg6[%dma_wait3A_228] : memref<512000xf32, #tpu.memory_space<hbm>> -> memref<1600xf32, #tpu.memory_space<hbm>>
        tpu.wait_dma2 semaphore(%arg39 : memref<!tpu.dma_semaphore, #tpu.memory_space<semaphore_mem>>) src(%dma_wait3A_229 : memref<1600xf32, #tpu.memory_space<hbm>>) dst(%arg21 : memref<1600xf32, #tpu.memory_space<vmem>>)
        %dma_wait3A_230 = arith.constant 0 : i32
        %dma_wait3A_231 = tpu.memref_slice %arg7[%dma_wait3A_230] : memref<512000xf32, #tpu.memory_space<hbm>> -> memref<1600xf32, #tpu.memory_space<hbm>>
        %dma_wait3A_232 = arith.constant 0 : i32
        %dma_wait3A_233 = tpu.memref_slice %arg7[%dma_wait3A_232] : memref<512000xf32, #tpu.memory_space<hbm>> -> memref<1600xf32, #tpu.memory_space<hbm>>
        tpu.wait_dma2 semaphore(%arg39 : memref<!tpu.dma_semaphore, #tpu.memory_space<semaphore_mem>>) src(%dma_wait3A_233 : memref<1600xf32, #tpu.memory_space<hbm>>) dst(%arg22 : memref<1600xf32, #tpu.memory_space<vmem>>)
        %dma_wait3A_234 = arith.constant 0 : i32
        %dma_wait3A_235 = tpu.memref_slice %arg8[%dma_wait3A_234] : memref<512000xf32, #tpu.memory_space<hbm>> -> memref<1600xf32, #tpu.memory_space<hbm>>
        %dma_wait3A_236 = arith.constant 0 : i32
        %dma_wait3A_237 = tpu.memref_slice %arg8[%dma_wait3A_236] : memref<512000xf32, #tpu.memory_space<hbm>> -> memref<1600xf32, #tpu.memory_space<hbm>>
        tpu.wait_dma2 semaphore(%arg39 : memref<!tpu.dma_semaphore, #tpu.memory_space<semaphore_mem>>) src(%dma_wait3A_237 : memref<1600xf32, #tpu.memory_space<hbm>>) dst(%arg23 : memref<1600xf32, #tpu.memory_space<vmem>>)
        %dma_start3A_238 = arith.constant 0 : i32
        %dma_start3A_239 = arith.constant 0 : i32
        %dma_start3A_240 = tpu.memref_slice %arg11[%dma_start3A_238, %dma_start3A_239] : memref<100000x8xf32, #tpu.memory_space<hbm>> -> memref<100000x8xf32, #tpu.memory_space<hbm>>
        tpu.enqueue_indirect_dma source(%dma_start3A_240 : memref<100000x8xf32, #tpu.memory_space<hbm>>) target(%arg24 : memref<1600x8xf32, #tpu.memory_space<vmem>>) offsets(%arg19 : memref<1600xi32, #tpu.memory_space<vmem>>) semaphore(%arg41 : memref<!tpu.dma_semaphore, #tpu.memory_space<semaphore_mem>>)
      } else {
      }
      %add3A_204 = arith.constant 2 : i32
      %add3A_205 = arith.addi %add3A_158, %add3A_204 : i32
      %lt3A_206 = arith.cmpi slt, %add3A_205, %select_n3A : i32
      %convert_element_type3A_207 = arith.extui %lt3A_206 : i1 to i32
      %cond3A_208 = arith.constant 0 : i32
      %cond3A_209 = arith.cmpi ne, %convert_element_type3A_207, %cond3A_208 : i32
      scf.if %cond3A_209 {
        %add3A_210 = arith.constant 2 : i32
        %add3A_211 = arith.addi %add3A_158, %add3A_210 : i32
        %mul3A_212 = arith.constant 32 : i32
        %mul3A_213 = arith.muli %add3A_211, %mul3A_212 : i32
        %add3A_214 = arith.addi %add3A, %mul3A_213 : i32
        %mul3A_215 = arith.constant 1600 : i32
        %mul3A_216 = arith.muli %add3A_214, %mul3A_215 : i32
        %dma_start3A_217 = tpu.memref_slice %arg2[%mul3A_216] : memref<512000xi32, #tpu.memory_space<hbm>> -> memref<1600xi32, #tpu.memory_space<hbm>>
        %dma_start3A_218 = tpu.memref_slice %arg2[%mul3A_216] : memref<512000xi32, #tpu.memory_space<hbm>> -> memref<1600xi32, #tpu.memory_space<hbm>>
        tpu.enqueue_dma source(%dma_start3A_218 : memref<1600xi32, #tpu.memory_space<hbm>>) target(%arg28 : memref<1600xi32, #tpu.memory_space<vmem>>) target_semaphore(%arg40 : memref<!tpu.dma_semaphore, #tpu.memory_space<semaphore_mem>>)
        %dma_start3A_219 = tpu.memref_slice %arg3[%mul3A_216] : memref<512000xi32, #tpu.memory_space<hbm>> -> memref<1600xi32, #tpu.memory_space<hbm>>
        %dma_start3A_220 = tpu.memref_slice %arg3[%mul3A_216] : memref<512000xi32, #tpu.memory_space<hbm>> -> memref<1600xi32, #tpu.memory_space<hbm>>
        tpu.enqueue_dma source(%dma_start3A_220 : memref<1600xi32, #tpu.memory_space<hbm>>) target(%arg29 : memref<1600xi32, #tpu.memory_space<vmem>>) target_semaphore(%arg40 : memref<!tpu.dma_semaphore, #tpu.memory_space<semaphore_mem>>)
        %dma_start3A_221 = tpu.memref_slice %arg4[%mul3A_216] : memref<512000xi32, #tpu.memory_space<hbm>> -> memref<1600xi32, #tpu.memory_space<hbm>>
        %dma_start3A_222 = tpu.memref_slice %arg4[%mul3A_216] : memref<512000xi32, #tpu.memory_space<hbm>> -> memref<1600xi32, #tpu.memory_space<hbm>>
        tpu.enqueue_dma source(%dma_start3A_222 : memref<1600xi32, #tpu.memory_space<hbm>>) target(%arg30 : memref<1600xi32, #tpu.memory_space<vmem>>) target_semaphore(%arg40 : memref<!tpu.dma_semaphore, #tpu.memory_space<semaphore_mem>>)
        %dma_start3A_223 = tpu.memref_slice %arg5[%mul3A_216] : memref<512000xf32, #tpu.memory_space<hbm>> -> memref<1600xf32, #tpu.memory_space<hbm>>
        %dma_start3A_224 = tpu.memref_slice %arg5[%mul3A_216] : memref<512000xf32, #tpu.memory_space<hbm>> -> memref<1600xf32, #tpu.memory_space<hbm>>
        tpu.enqueue_dma source(%dma_start3A_224 : memref<1600xf32, #tpu.memory_space<hbm>>) target(%arg31 : memref<1600xf32, #tpu.memory_space<vmem>>) target_semaphore(%arg40 : memref<!tpu.dma_semaphore, #tpu.memory_space<semaphore_mem>>)
        %dma_start3A_225 = tpu.memref_slice %arg6[%mul3A_216] : memref<512000xf32, #tpu.memory_space<hbm>> -> memref<1600xf32, #tpu.memory_space<hbm>>
        %dma_start3A_226 = tpu.memref_slice %arg6[%mul3A_216] : memref<512000xf32, #tpu.memory_space<hbm>> -> memref<1600xf32, #tpu.memory_space<hbm>>
        tpu.enqueue_dma source(%dma_start3A_226 : memref<1600xf32, #tpu.memory_space<hbm>>) target(%arg32 : memref<1600xf32, #tpu.memory_space<vmem>>) target_semaphore(%arg40 : memref<!tpu.dma_semaphore, #tpu.memory_space<semaphore_mem>>)
        %dma_start3A_227 = tpu.memref_slice %arg7[%mul3A_216] : memref<512000xf32, #tpu.memory_space<hbm>> -> memref<1600xf32, #tpu.memory_space<hbm>>
        %dma_start3A_228 = tpu.memref_slice %arg7[%mul3A_216] : memref<512000xf32, #tpu.memory_space<hbm>> -> memref<1600xf32, #tpu.memory_space<hbm>>
        tpu.enqueue_dma source(%dma_start3A_228 : memref<1600xf32, #tpu.memory_space<hbm>>) target(%arg33 : memref<1600xf32, #tpu.memory_space<vmem>>) target_semaphore(%arg40 : memref<!tpu.dma_semaphore, #tpu.memory_space<semaphore_mem>>)
        %dma_start3A_229 = tpu.memref_slice %arg8[%mul3A_216] : memref<512000xf32, #tpu.memory_space<hbm>> -> memref<1600xf32, #tpu.memory_space<hbm>>
        %dma_start3A_230 = tpu.memref_slice %arg8[%mul3A_216] : memref<512000xf32, #tpu.memory_space<hbm>> -> memref<1600xf32, #tpu.memory_space<hbm>>
        tpu.enqueue_dma source(%dma_start3A_230 : memref<1600xf32, #tpu.memory_space<hbm>>) target(%arg34 : memref<1600xf32, #tpu.memory_space<vmem>>) target_semaphore(%arg40 : memref<!tpu.dma_semaphore, #tpu.memory_space<semaphore_mem>>)
      } else {
      }
    }
    %dma_wait3A_138 = arith.constant 0 : i32
    %dma_wait3A_139 = tpu.memref_slice %arg12[%dma_wait3A_138] : memref<512000xf32, #tpu.memory_space<hbm>> -> memref<1600xf32, #tpu.memory_space<hbm>>
    %dma_wait3A_140 = arith.constant 0 : i32
    %dma_wait3A_141 = tpu.memref_slice %arg12[%dma_wait3A_140] : memref<512000xf32, #tpu.memory_space<hbm>> -> memref<1600xf32, #tpu.memory_space<hbm>>
    tpu.wait_dma2 semaphore(%arg43 : memref<!tpu.dma_semaphore, #tpu.memory_space<semaphore_mem>>) src(%arg25 : memref<1600xf32, #tpu.memory_space<vmem>>) dst(%dma_wait3A_141 : memref<1600xf32, #tpu.memory_space<hbm>>)
    %dma_wait3A_142 = arith.constant 0 : i32
    %dma_wait3A_143 = tpu.memref_slice %arg13[%dma_wait3A_142] : memref<512000xf32, #tpu.memory_space<hbm>> -> memref<1600xf32, #tpu.memory_space<hbm>>
    %dma_wait3A_144 = arith.constant 0 : i32
    %dma_wait3A_145 = tpu.memref_slice %arg13[%dma_wait3A_144] : memref<512000xf32, #tpu.memory_space<hbm>> -> memref<1600xf32, #tpu.memory_space<hbm>>
    tpu.wait_dma2 semaphore(%arg43 : memref<!tpu.dma_semaphore, #tpu.memory_space<semaphore_mem>>) src(%arg26 : memref<1600xf32, #tpu.memory_space<vmem>>) dst(%dma_wait3A_145 : memref<1600xf32, #tpu.memory_space<hbm>>)
    %dma_wait3A_146 = arith.constant 0 : i32
    %dma_wait3A_147 = tpu.memref_slice %arg14[%dma_wait3A_146] : memref<512000xf32, #tpu.memory_space<hbm>> -> memref<1600xf32, #tpu.memory_space<hbm>>
    %dma_wait3A_148 = arith.constant 0 : i32
    %dma_wait3A_149 = tpu.memref_slice %arg14[%dma_wait3A_148] : memref<512000xf32, #tpu.memory_space<hbm>> -> memref<1600xf32, #tpu.memory_space<hbm>>
    tpu.wait_dma2 semaphore(%arg43 : memref<!tpu.dma_semaphore, #tpu.memory_space<semaphore_mem>>) src(%arg27 : memref<1600xf32, #tpu.memory_space<vmem>>) dst(%dma_wait3A_149 : memref<1600xf32, #tpu.memory_space<hbm>>)
    %ge3A = arith.constant 2 : i32
    %ge3A_150 = arith.cmpi sge, %select_n3A, %ge3A : i32
    %convert_element_type3A = arith.extui %ge3A_150 : i1 to i32
    %cond3A = arith.constant 0 : i32
    %cond3A_151 = arith.cmpi ne, %convert_element_type3A, %cond3A : i32
    scf.if %cond3A_151 {
      %dma_wait3A_152 = arith.constant 0 : i32
      %dma_wait3A_153 = tpu.memref_slice %arg12[%dma_wait3A_152] : memref<512000xf32, #tpu.memory_space<hbm>> -> memref<1600xf32, #tpu.memory_space<hbm>>
      %dma_wait3A_154 = arith.constant 0 : i32
      %dma_wait3A_155 = tpu.memref_slice %arg12[%dma_wait3A_154] : memref<512000xf32, #tpu.memory_space<hbm>> -> memref<1600xf32, #tpu.memory_space<hbm>>
      tpu.wait_dma2 semaphore(%arg44 : memref<!tpu.dma_semaphore, #tpu.memory_space<semaphore_mem>>) src(%arg36 : memref<1600xf32, #tpu.memory_space<vmem>>) dst(%dma_wait3A_155 : memref<1600xf32, #tpu.memory_space<hbm>>)
      %dma_wait3A_156 = arith.constant 0 : i32
      %dma_wait3A_157 = tpu.memref_slice %arg13[%dma_wait3A_156] : memref<512000xf32, #tpu.memory_space<hbm>> -> memref<1600xf32, #tpu.memory_space<hbm>>
      %dma_wait3A_158 = arith.constant 0 : i32
      %dma_wait3A_159 = tpu.memref_slice %arg13[%dma_wait3A_158] : memref<512000xf32, #tpu.memory_space<hbm>> -> memref<1600xf32, #tpu.memory_space<hbm>>
      tpu.wait_dma2 semaphore(%arg44 : memref<!tpu.dma_semaphore, #tpu.memory_space<semaphore_mem>>) src(%arg37 : memref<1600xf32, #tpu.memory_space<vmem>>) dst(%dma_wait3A_159 : memref<1600xf32, #tpu.memory_space<hbm>>)
      %dma_wait3A_160 = arith.constant 0 : i32
      %dma_wait3A_161 = tpu.memref_slice %arg14[%dma_wait3A_160] : memref<512000xf32, #tpu.memory_space<hbm>> -> memref<1600xf32, #tpu.memory_space<hbm>>
      %dma_wait3A_162 = arith.constant 0 : i32
      %dma_wait3A_163 = tpu.memref_slice %arg14[%dma_wait3A_162] : memref<512000xf32, #tpu.memory_space<hbm>> -> memref<1600xf32, #tpu.memory_space<hbm>>
      tpu.wait_dma2 semaphore(%arg44 : memref<!tpu.dma_semaphore, #tpu.memory_space<semaphore_mem>>) src(%arg38 : memref<1600xf32, #tpu.memory_space<vmem>>) dst(%dma_wait3A_163 : memref<1600xf32, #tpu.memory_space<hbm>>)
    } else {
    }
    return
  }
}

#map = affine_map<(d0, d1) -> (0)>
#map1 = affine_map<(d0, d1) -> (0, 0)>
module attributes {stable_mosaic.version = 14 : i64} {
  func.func @_body(%arg0: i32, %arg1: i32, %arg2: memref<488000xi32, #tpu.memory_space<hbm>>, %arg3: memref<488000xi32, #tpu.memory_space<hbm>>, %arg4: memref<488000xi32, #tpu.memory_space<hbm>>, %arg5: memref<488000xf32, #tpu.memory_space<hbm>>, %arg6: memref<488000xf32, #tpu.memory_space<hbm>>, %arg7: memref<488000xf32, #tpu.memory_space<hbm>>, %arg8: memref<488000xf32, #tpu.memory_space<hbm>>, %arg9: memref<8x4096xf32, #tpu.memory_space<hbm>>, %arg10: memref<7x4096xf32, #tpu.memory_space<hbm>>, %arg11: memref<100000x8xf32, #tpu.memory_space<hbm>>, %arg12: memref<488000xf32, #tpu.memory_space<hbm>>, %arg13: memref<488000xf32, #tpu.memory_space<hbm>>, %arg14: memref<488000xf32, #tpu.memory_space<hbm>>, %arg15: memref<8x4096xf32, #tpu.memory_space<vmem>>, %arg16: memref<7x4096xf32, #tpu.memory_space<vmem>>, %arg17: memref<1600xi32, #tpu.memory_space<vmem>>, %arg18: memref<1600xi32, #tpu.memory_space<vmem>>, %arg19: memref<1600xi32, #tpu.memory_space<vmem>>, %arg20: memref<1600xf32, #tpu.memory_space<vmem>>, %arg21: memref<1600xf32, #tpu.memory_space<vmem>>, %arg22: memref<1600xf32, #tpu.memory_space<vmem>>, %arg23: memref<1600xf32, #tpu.memory_space<vmem>>, %arg24: memref<1600x8xf32, #tpu.memory_space<vmem>>, %arg25: memref<1600xf32, #tpu.memory_space<vmem>>, %arg26: memref<1600xf32, #tpu.memory_space<vmem>>, %arg27: memref<1600xf32, #tpu.memory_space<vmem>>, %arg28: memref<1600xi32, #tpu.memory_space<vmem>>, %arg29: memref<1600xi32, #tpu.memory_space<vmem>>, %arg30: memref<1600xi32, #tpu.memory_space<vmem>>, %arg31: memref<1600xf32, #tpu.memory_space<vmem>>, %arg32: memref<1600xf32, #tpu.memory_space<vmem>>, %arg33: memref<1600xf32, #tpu.memory_space<vmem>>, %arg34: memref<1600xf32, #tpu.memory_space<vmem>>, %arg35: memref<1600x8xf32, #tpu.memory_space<vmem>>, %arg36: memref<1600xf32, #tpu.memory_space<vmem>>, %arg37: memref<1600xf32, #tpu.memory_space<vmem>>, %arg38: memref<1600xf32, #tpu.memory_space<vmem>>, %arg39: memref<!tpu.dma_semaphore, #tpu.memory_space<semaphore_mem>>, %arg40: memref<!tpu.dma_semaphore, #tpu.memory_space<semaphore_mem>>, %arg41: memref<!tpu.dma_semaphore, #tpu.memory_space<semaphore_mem>>, %arg42: memref<!tpu.dma_semaphore, #tpu.memory_space<semaphore_mem>>, %arg43: memref<!tpu.dma_semaphore, #tpu.memory_space<semaphore_mem>>, %arg44: memref<!tpu.dma_semaphore, #tpu.memory_space<semaphore_mem>>) attributes {dimension_semantics = [#tpu.dimension_semantics<core_parallel>, #tpu.dimension_semantics<subcore_parallel>], iteration_bounds = array<i64: 2, 16>, scalar_prefetch = 0 : i64, scratch_operands = 30 : i64, tpu.core_type = #tpu.core_type<sc_vector_subcore>, window_params = [{transform_indices = #map}, {transform_indices = #map}, {transform_indices = #map}, {transform_indices = #map}, {transform_indices = #map}, {transform_indices = #map}, {transform_indices = #map}, {transform_indices = #map1}, {transform_indices = #map1}, {transform_indices = #map1}, {transform_indices = #map}, {transform_indices = #map}, {transform_indices = #map}]} {
    %mul3A = arith.constant 2 : i32
    %mul3A_0 = arith.muli %arg1, %mul3A : i32
    %add3A = arith.addi %mul3A_0, %arg0 : i32
    "tpu.region"() ({
      %run_scoped3A = tpu.sem_alloc : memref<!tpu.dma_semaphore, #tpu.memory_space<semaphore_mem>>
      tpu.enqueue_dma source(%arg9 : memref<8x4096xf32, #tpu.memory_space<hbm>>) target(%arg15 : memref<8x4096xf32, #tpu.memory_space<vmem>>) target_semaphore(%run_scoped3A : memref<!tpu.dma_semaphore, #tpu.memory_space<semaphore_mem>>)
      tpu.wait_dma2 semaphore(%run_scoped3A : memref<!tpu.dma_semaphore, #tpu.memory_space<semaphore_mem>>) src(%arg9 : memref<8x4096xf32, #tpu.memory_space<hbm>>) dst(%arg15 : memref<8x4096xf32, #tpu.memory_space<vmem>>)
      tpu.yield
    }) : () -> ()
    "tpu.region"() ({
      %run_scoped3A = tpu.sem_alloc : memref<!tpu.dma_semaphore, #tpu.memory_space<semaphore_mem>>
      tpu.enqueue_dma source(%arg10 : memref<7x4096xf32, #tpu.memory_space<hbm>>) target(%arg16 : memref<7x4096xf32, #tpu.memory_space<vmem>>) target_semaphore(%run_scoped3A : memref<!tpu.dma_semaphore, #tpu.memory_space<semaphore_mem>>)
      tpu.wait_dma2 semaphore(%run_scoped3A : memref<!tpu.dma_semaphore, #tpu.memory_space<semaphore_mem>>) src(%arg10 : memref<7x4096xf32, #tpu.memory_space<hbm>>) dst(%arg16 : memref<7x4096xf32, #tpu.memory_space<vmem>>)
      tpu.yield
    }) : () -> ()
    %broadcast_in_dim3A = arith.constant 0 : i32
    %broadcast_in_dim3A_1 = vector.broadcast %broadcast_in_dim3A : i32 to vector<16xi32>
    %broadcast_in_dim3A_2 = arith.constant 1 : i32
    %broadcast_in_dim3A_3 = vector.broadcast %broadcast_in_dim3A_2 : i32 to vector<16xi32>
    %broadcast_in_dim3A_4 = arith.constant 2 : i32
    %broadcast_in_dim3A_5 = vector.broadcast %broadcast_in_dim3A_4 : i32 to vector<16xi32>
    %broadcast_in_dim3A_6 = arith.constant 3 : i32
    %broadcast_in_dim3A_7 = vector.broadcast %broadcast_in_dim3A_6 : i32 to vector<16xi32>
    %broadcast_in_dim3A_8 = arith.constant 4 : i32
    %broadcast_in_dim3A_9 = vector.broadcast %broadcast_in_dim3A_8 : i32 to vector<16xi32>
    %broadcast_in_dim3A_10 = arith.constant 5 : i32
    %broadcast_in_dim3A_11 = vector.broadcast %broadcast_in_dim3A_10 : i32 to vector<16xi32>
    %broadcast_in_dim3A_12 = arith.constant 6 : i32
    %broadcast_in_dim3A_13 = vector.broadcast %broadcast_in_dim3A_12 : i32 to vector<16xi32>
    %broadcast_in_dim3A_14 = arith.constant 7 : i32
    %broadcast_in_dim3A_15 = vector.broadcast %broadcast_in_dim3A_14 : i32 to vector<16xi32>
    %sub3A = arith.constant 305 : i32
    %sub3A_16 = arith.subi %sub3A, %add3A : i32
    %add3A_17 = arith.constant 32 : i32
    %add3A_18 = arith.addi %sub3A_16, %add3A_17 : i32
    %sub3A_19 = arith.constant 1 : i32
    %sub3A_20 = arith.subi %add3A_18, %sub3A_19 : i32
    %jit3A = arith.constant 32 : i32
    %div3A = arith.divsi %sub3A_20, %jit3A : i32
    %sign3A = arith.constant 0 : i32
    %sign3A_21 = arith.cmpi sgt, %sub3A_20, %sign3A : i32
    %sign3A_22 = arith.extui %sign3A_21 : i1 to i32
    %sign3A_23 = arith.constant 0 : i32
    %sign3A_24 = arith.cmpi slt, %sub3A_20, %sign3A_23 : i32
    %sign3A_25 = arith.extui %sign3A_24 : i1 to i32
    %sign3A_26 = arith.subi %sign3A_22, %sign3A_25 : i32
    %sign3A_27 = arith.constant 0 : i32
    %sign3A_28 = arith.cmpi sgt, %jit3A, %sign3A_27 : i32
    %sign3A_29 = arith.extui %sign3A_28 : i1 to i32
    %sign3A_30 = arith.constant 0 : i32
    %sign3A_31 = arith.cmpi slt, %jit3A, %sign3A_30 : i32
    %sign3A_32 = arith.extui %sign3A_31 : i1 to i32
    %sign3A_33 = arith.subi %sign3A_29, %sign3A_32 : i32
    %ne3A = arith.cmpi ne, %sign3A_26, %sign3A_33 : i32
    %rem3A = arith.remsi %sub3A_20, %jit3A : i32
    %ne3A_34 = arith.constant 0 : i32
    %ne3A_35 = arith.cmpi ne, %rem3A, %ne3A_34 : i32
    %and3A = arith.andi %ne3A, %ne3A_35 : i1
    %sub3A_36 = arith.constant 1 : i32
    %sub3A_37 = arith.subi %div3A, %sub3A_36 : i32
    %select_n3A = arith.select %and3A, %sub3A_37, %div3A : i32
    %add3A_38 = arith.constant 0 : i32
    %add3A_39 = arith.addi %add3A, %add3A_38 : i32
    %mul3A_40 = arith.constant 1600 : i32
    %mul3A_41 = arith.muli %add3A_39, %mul3A_40 : i32
    %dma_start3A = tpu.memref_slice %arg2[%mul3A_41] : memref<488000xi32, #tpu.memory_space<hbm>> -> memref<1600xi32, #tpu.memory_space<hbm>>
    %dma_start3A_42 = tpu.memref_slice %arg2[%mul3A_41] : memref<488000xi32, #tpu.memory_space<hbm>> -> memref<1600xi32, #tpu.memory_space<hbm>>
    tpu.enqueue_dma source(%dma_start3A_42 : memref<1600xi32, #tpu.memory_space<hbm>>) target(%arg17 : memref<1600xi32, #tpu.memory_space<vmem>>) target_semaphore(%arg39 : memref<!tpu.dma_semaphore, #tpu.memory_space<semaphore_mem>>)
    %dma_start3A_43 = tpu.memref_slice %arg3[%mul3A_41] : memref<488000xi32, #tpu.memory_space<hbm>> -> memref<1600xi32, #tpu.memory_space<hbm>>
    %dma_start3A_44 = tpu.memref_slice %arg3[%mul3A_41] : memref<488000xi32, #tpu.memory_space<hbm>> -> memref<1600xi32, #tpu.memory_space<hbm>>
    tpu.enqueue_dma source(%dma_start3A_44 : memref<1600xi32, #tpu.memory_space<hbm>>) target(%arg18 : memref<1600xi32, #tpu.memory_space<vmem>>) target_semaphore(%arg39 : memref<!tpu.dma_semaphore, #tpu.memory_space<semaphore_mem>>)
    %dma_start3A_45 = tpu.memref_slice %arg4[%mul3A_41] : memref<488000xi32, #tpu.memory_space<hbm>> -> memref<1600xi32, #tpu.memory_space<hbm>>
    %dma_start3A_46 = tpu.memref_slice %arg4[%mul3A_41] : memref<488000xi32, #tpu.memory_space<hbm>> -> memref<1600xi32, #tpu.memory_space<hbm>>
    tpu.enqueue_dma source(%dma_start3A_46 : memref<1600xi32, #tpu.memory_space<hbm>>) target(%arg19 : memref<1600xi32, #tpu.memory_space<vmem>>) target_semaphore(%arg39 : memref<!tpu.dma_semaphore, #tpu.memory_space<semaphore_mem>>)
    %dma_start3A_47 = tpu.memref_slice %arg5[%mul3A_41] : memref<488000xf32, #tpu.memory_space<hbm>> -> memref<1600xf32, #tpu.memory_space<hbm>>
    %dma_start3A_48 = tpu.memref_slice %arg5[%mul3A_41] : memref<488000xf32, #tpu.memory_space<hbm>> -> memref<1600xf32, #tpu.memory_space<hbm>>
    tpu.enqueue_dma source(%dma_start3A_48 : memref<1600xf32, #tpu.memory_space<hbm>>) target(%arg20 : memref<1600xf32, #tpu.memory_space<vmem>>) target_semaphore(%arg39 : memref<!tpu.dma_semaphore, #tpu.memory_space<semaphore_mem>>)
    %dma_start3A_49 = tpu.memref_slice %arg6[%mul3A_41] : memref<488000xf32, #tpu.memory_space<hbm>> -> memref<1600xf32, #tpu.memory_space<hbm>>
    %dma_start3A_50 = tpu.memref_slice %arg6[%mul3A_41] : memref<488000xf32, #tpu.memory_space<hbm>> -> memref<1600xf32, #tpu.memory_space<hbm>>
    tpu.enqueue_dma source(%dma_start3A_50 : memref<1600xf32, #tpu.memory_space<hbm>>) target(%arg21 : memref<1600xf32, #tpu.memory_space<vmem>>) target_semaphore(%arg39 : memref<!tpu.dma_semaphore, #tpu.memory_space<semaphore_mem>>)
    %dma_start3A_51 = tpu.memref_slice %arg7[%mul3A_41] : memref<488000xf32, #tpu.memory_space<hbm>> -> memref<1600xf32, #tpu.memory_space<hbm>>
    %dma_start3A_52 = tpu.memref_slice %arg7[%mul3A_41] : memref<488000xf32, #tpu.memory_space<hbm>> -> memref<1600xf32, #tpu.memory_space<hbm>>
    tpu.enqueue_dma source(%dma_start3A_52 : memref<1600xf32, #tpu.memory_space<hbm>>) target(%arg22 : memref<1600xf32, #tpu.memory_space<vmem>>) target_semaphore(%arg39 : memref<!tpu.dma_semaphore, #tpu.memory_space<semaphore_mem>>)
    %dma_start3A_53 = tpu.memref_slice %arg8[%mul3A_41] : memref<488000xf32, #tpu.memory_space<hbm>> -> memref<1600xf32, #tpu.memory_space<hbm>>
    %dma_start3A_54 = tpu.memref_slice %arg8[%mul3A_41] : memref<488000xf32, #tpu.memory_space<hbm>> -> memref<1600xf32, #tpu.memory_space<hbm>>
    tpu.enqueue_dma source(%dma_start3A_54 : memref<1600xf32, #tpu.memory_space<hbm>>) target(%arg23 : memref<1600xf32, #tpu.memory_space<vmem>>) target_semaphore(%arg39 : memref<!tpu.dma_semaphore, #tpu.memory_space<semaphore_mem>>)
    %dma_wait3A = arith.constant 0 : i32
    %dma_wait3A_55 = tpu.memref_slice %arg2[%dma_wait3A] : memref<488000xi32, #tpu.memory_space<hbm>> -> memref<1600xi32, #tpu.memory_space<hbm>>
    %dma_wait3A_56 = arith.constant 0 : i32
    %dma_wait3A_57 = tpu.memref_slice %arg2[%dma_wait3A_56] : memref<488000xi32, #tpu.memory_space<hbm>> -> memref<1600xi32, #tpu.memory_space<hbm>>
    tpu.wait_dma2 semaphore(%arg39 : memref<!tpu.dma_semaphore, #tpu.memory_space<semaphore_mem>>) src(%dma_wait3A_57 : memref<1600xi32, #tpu.memory_space<hbm>>) dst(%arg17 : memref<1600xi32, #tpu.memory_space<vmem>>)
    %dma_wait3A_58 = arith.constant 0 : i32
    %dma_wait3A_59 = tpu.memref_slice %arg3[%dma_wait3A_58] : memref<488000xi32, #tpu.memory_space<hbm>> -> memref<1600xi32, #tpu.memory_space<hbm>>
    %dma_wait3A_60 = arith.constant 0 : i32
    %dma_wait3A_61 = tpu.memref_slice %arg3[%dma_wait3A_60] : memref<488000xi32, #tpu.memory_space<hbm>> -> memref<1600xi32, #tpu.memory_space<hbm>>
    tpu.wait_dma2 semaphore(%arg39 : memref<!tpu.dma_semaphore, #tpu.memory_space<semaphore_mem>>) src(%dma_wait3A_61 : memref<1600xi32, #tpu.memory_space<hbm>>) dst(%arg18 : memref<1600xi32, #tpu.memory_space<vmem>>)
    %dma_wait3A_62 = arith.constant 0 : i32
    %dma_wait3A_63 = tpu.memref_slice %arg4[%dma_wait3A_62] : memref<488000xi32, #tpu.memory_space<hbm>> -> memref<1600xi32, #tpu.memory_space<hbm>>
    %dma_wait3A_64 = arith.constant 0 : i32
    %dma_wait3A_65 = tpu.memref_slice %arg4[%dma_wait3A_64] : memref<488000xi32, #tpu.memory_space<hbm>> -> memref<1600xi32, #tpu.memory_space<hbm>>
    tpu.wait_dma2 semaphore(%arg39 : memref<!tpu.dma_semaphore, #tpu.memory_space<semaphore_mem>>) src(%dma_wait3A_65 : memref<1600xi32, #tpu.memory_space<hbm>>) dst(%arg19 : memref<1600xi32, #tpu.memory_space<vmem>>)
    %dma_wait3A_66 = arith.constant 0 : i32
    %dma_wait3A_67 = tpu.memref_slice %arg5[%dma_wait3A_66] : memref<488000xf32, #tpu.memory_space<hbm>> -> memref<1600xf32, #tpu.memory_space<hbm>>
    %dma_wait3A_68 = arith.constant 0 : i32
    %dma_wait3A_69 = tpu.memref_slice %arg5[%dma_wait3A_68] : memref<488000xf32, #tpu.memory_space<hbm>> -> memref<1600xf32, #tpu.memory_space<hbm>>
    tpu.wait_dma2 semaphore(%arg39 : memref<!tpu.dma_semaphore, #tpu.memory_space<semaphore_mem>>) src(%dma_wait3A_69 : memref<1600xf32, #tpu.memory_space<hbm>>) dst(%arg20 : memref<1600xf32, #tpu.memory_space<vmem>>)
    %dma_wait3A_70 = arith.constant 0 : i32
    %dma_wait3A_71 = tpu.memref_slice %arg6[%dma_wait3A_70] : memref<488000xf32, #tpu.memory_space<hbm>> -> memref<1600xf32, #tpu.memory_space<hbm>>
    %dma_wait3A_72 = arith.constant 0 : i32
    %dma_wait3A_73 = tpu.memref_slice %arg6[%dma_wait3A_72] : memref<488000xf32, #tpu.memory_space<hbm>> -> memref<1600xf32, #tpu.memory_space<hbm>>
    tpu.wait_dma2 semaphore(%arg39 : memref<!tpu.dma_semaphore, #tpu.memory_space<semaphore_mem>>) src(%dma_wait3A_73 : memref<1600xf32, #tpu.memory_space<hbm>>) dst(%arg21 : memref<1600xf32, #tpu.memory_space<vmem>>)
    %dma_wait3A_74 = arith.constant 0 : i32
    %dma_wait3A_75 = tpu.memref_slice %arg7[%dma_wait3A_74] : memref<488000xf32, #tpu.memory_space<hbm>> -> memref<1600xf32, #tpu.memory_space<hbm>>
    %dma_wait3A_76 = arith.constant 0 : i32
    %dma_wait3A_77 = tpu.memref_slice %arg7[%dma_wait3A_76] : memref<488000xf32, #tpu.memory_space<hbm>> -> memref<1600xf32, #tpu.memory_space<hbm>>
    tpu.wait_dma2 semaphore(%arg39 : memref<!tpu.dma_semaphore, #tpu.memory_space<semaphore_mem>>) src(%dma_wait3A_77 : memref<1600xf32, #tpu.memory_space<hbm>>) dst(%arg22 : memref<1600xf32, #tpu.memory_space<vmem>>)
    %dma_wait3A_78 = arith.constant 0 : i32
    %dma_wait3A_79 = tpu.memref_slice %arg8[%dma_wait3A_78] : memref<488000xf32, #tpu.memory_space<hbm>> -> memref<1600xf32, #tpu.memory_space<hbm>>
    %dma_wait3A_80 = arith.constant 0 : i32
    %dma_wait3A_81 = tpu.memref_slice %arg8[%dma_wait3A_80] : memref<488000xf32, #tpu.memory_space<hbm>> -> memref<1600xf32, #tpu.memory_space<hbm>>
    tpu.wait_dma2 semaphore(%arg39 : memref<!tpu.dma_semaphore, #tpu.memory_space<semaphore_mem>>) src(%dma_wait3A_81 : memref<1600xf32, #tpu.memory_space<hbm>>) dst(%arg23 : memref<1600xf32, #tpu.memory_space<vmem>>)
    %dma_start3A_82 = arith.constant 0 : i32
    %dma_start3A_83 = arith.constant 0 : i32
    %dma_start3A_84 = tpu.memref_slice %arg11[%dma_start3A_82, %dma_start3A_83] : memref<100000x8xf32, #tpu.memory_space<hbm>> -> memref<100000x8xf32, #tpu.memory_space<hbm>>
    tpu.enqueue_indirect_dma source(%dma_start3A_84 : memref<100000x8xf32, #tpu.memory_space<hbm>>) target(%arg24 : memref<1600x8xf32, #tpu.memory_space<vmem>>) offsets(%arg19 : memref<1600xi32, #tpu.memory_space<vmem>>) semaphore(%arg41 : memref<!tpu.dma_semaphore, #tpu.memory_space<semaphore_mem>>)
    %add3A_85 = arith.constant 32 : i32
    %add3A_86 = arith.addi %add3A, %add3A_85 : i32
    %mul3A_87 = arith.constant 1600 : i32
    %mul3A_88 = arith.muli %add3A_86, %mul3A_87 : i32
    %dma_start3A_89 = tpu.memref_slice %arg2[%mul3A_88] : memref<488000xi32, #tpu.memory_space<hbm>> -> memref<1600xi32, #tpu.memory_space<hbm>>
    %dma_start3A_90 = tpu.memref_slice %arg2[%mul3A_88] : memref<488000xi32, #tpu.memory_space<hbm>> -> memref<1600xi32, #tpu.memory_space<hbm>>
    tpu.enqueue_dma source(%dma_start3A_90 : memref<1600xi32, #tpu.memory_space<hbm>>) target(%arg28 : memref<1600xi32, #tpu.memory_space<vmem>>) target_semaphore(%arg40 : memref<!tpu.dma_semaphore, #tpu.memory_space<semaphore_mem>>)
    %dma_start3A_91 = tpu.memref_slice %arg3[%mul3A_88] : memref<488000xi32, #tpu.memory_space<hbm>> -> memref<1600xi32, #tpu.memory_space<hbm>>
    %dma_start3A_92 = tpu.memref_slice %arg3[%mul3A_88] : memref<488000xi32, #tpu.memory_space<hbm>> -> memref<1600xi32, #tpu.memory_space<hbm>>
    tpu.enqueue_dma source(%dma_start3A_92 : memref<1600xi32, #tpu.memory_space<hbm>>) target(%arg29 : memref<1600xi32, #tpu.memory_space<vmem>>) target_semaphore(%arg40 : memref<!tpu.dma_semaphore, #tpu.memory_space<semaphore_mem>>)
    %dma_start3A_93 = tpu.memref_slice %arg4[%mul3A_88] : memref<488000xi32, #tpu.memory_space<hbm>> -> memref<1600xi32, #tpu.memory_space<hbm>>
    %dma_start3A_94 = tpu.memref_slice %arg4[%mul3A_88] : memref<488000xi32, #tpu.memory_space<hbm>> -> memref<1600xi32, #tpu.memory_space<hbm>>
    tpu.enqueue_dma source(%dma_start3A_94 : memref<1600xi32, #tpu.memory_space<hbm>>) target(%arg30 : memref<1600xi32, #tpu.memory_space<vmem>>) target_semaphore(%arg40 : memref<!tpu.dma_semaphore, #tpu.memory_space<semaphore_mem>>)
    %dma_start3A_95 = tpu.memref_slice %arg5[%mul3A_88] : memref<488000xf32, #tpu.memory_space<hbm>> -> memref<1600xf32, #tpu.memory_space<hbm>>
    %dma_start3A_96 = tpu.memref_slice %arg5[%mul3A_88] : memref<488000xf32, #tpu.memory_space<hbm>> -> memref<1600xf32, #tpu.memory_space<hbm>>
    tpu.enqueue_dma source(%dma_start3A_96 : memref<1600xf32, #tpu.memory_space<hbm>>) target(%arg31 : memref<1600xf32, #tpu.memory_space<vmem>>) target_semaphore(%arg40 : memref<!tpu.dma_semaphore, #tpu.memory_space<semaphore_mem>>)
    %dma_start3A_97 = tpu.memref_slice %arg6[%mul3A_88] : memref<488000xf32, #tpu.memory_space<hbm>> -> memref<1600xf32, #tpu.memory_space<hbm>>
    %dma_start3A_98 = tpu.memref_slice %arg6[%mul3A_88] : memref<488000xf32, #tpu.memory_space<hbm>> -> memref<1600xf32, #tpu.memory_space<hbm>>
    tpu.enqueue_dma source(%dma_start3A_98 : memref<1600xf32, #tpu.memory_space<hbm>>) target(%arg32 : memref<1600xf32, #tpu.memory_space<vmem>>) target_semaphore(%arg40 : memref<!tpu.dma_semaphore, #tpu.memory_space<semaphore_mem>>)
    %dma_start3A_99 = tpu.memref_slice %arg7[%mul3A_88] : memref<488000xf32, #tpu.memory_space<hbm>> -> memref<1600xf32, #tpu.memory_space<hbm>>
    %dma_start3A_100 = tpu.memref_slice %arg7[%mul3A_88] : memref<488000xf32, #tpu.memory_space<hbm>> -> memref<1600xf32, #tpu.memory_space<hbm>>
    tpu.enqueue_dma source(%dma_start3A_100 : memref<1600xf32, #tpu.memory_space<hbm>>) target(%arg33 : memref<1600xf32, #tpu.memory_space<vmem>>) target_semaphore(%arg40 : memref<!tpu.dma_semaphore, #tpu.memory_space<semaphore_mem>>)
    %dma_start3A_101 = tpu.memref_slice %arg8[%mul3A_88] : memref<488000xf32, #tpu.memory_space<hbm>> -> memref<1600xf32, #tpu.memory_space<hbm>>
    %dma_start3A_102 = tpu.memref_slice %arg8[%mul3A_88] : memref<488000xf32, #tpu.memory_space<hbm>> -> memref<1600xf32, #tpu.memory_space<hbm>>
    tpu.enqueue_dma source(%dma_start3A_102 : memref<1600xf32, #tpu.memory_space<hbm>>) target(%arg34 : memref<1600xf32, #tpu.memory_space<vmem>>) target_semaphore(%arg40 : memref<!tpu.dma_semaphore, #tpu.memory_space<semaphore_mem>>)
    %add3A_103 = arith.constant 1 : i32
    %add3A_104 = arith.addi %select_n3A, %add3A_103 : i32
    %jit3A_105 = arith.constant 2 : i32
    %div3A_106 = arith.divsi %add3A_104, %jit3A_105 : i32
    %sign3A_107 = arith.constant 0 : i32
    %sign3A_108 = arith.cmpi sgt, %add3A_104, %sign3A_107 : i32
    %sign3A_109 = arith.extui %sign3A_108 : i1 to i32
    %sign3A_110 = arith.constant 0 : i32
    %sign3A_111 = arith.cmpi slt, %add3A_104, %sign3A_110 : i32
    %sign3A_112 = arith.extui %sign3A_111 : i1 to i32
    %sign3A_113 = arith.subi %sign3A_109, %sign3A_112 : i32
    %sign3A_114 = arith.constant 0 : i32
    %sign3A_115 = arith.cmpi sgt, %jit3A_105, %sign3A_114 : i32
    %sign3A_116 = arith.extui %sign3A_115 : i1 to i32
    %sign3A_117 = arith.constant 0 : i32
    %sign3A_118 = arith.cmpi slt, %jit3A_105, %sign3A_117 : i32
    %sign3A_119 = arith.extui %sign3A_118 : i1 to i32
    %sign3A_120 = arith.subi %sign3A_116, %sign3A_119 : i32
    %ne3A_121 = arith.cmpi ne, %sign3A_113, %sign3A_120 : i32
    %rem3A_122 = arith.remsi %add3A_104, %jit3A_105 : i32
    %ne3A_123 = arith.constant 0 : i32
    %ne3A_124 = arith.cmpi ne, %rem3A_122, %ne3A_123 : i32
    %and3A_125 = arith.andi %ne3A_121, %ne3A_124 : i1
    %sub3A_126 = arith.constant 1 : i32
    %sub3A_127 = arith.subi %div3A_106, %sub3A_126 : i32
    %select_n3A_128 = arith.select %and3A_125, %sub3A_127, %div3A_106 : i32
    %while3A = arith.constant 0 : i32
    %while3A_129 = arith.constant 0 : i32
    %while3A_130 = arith.subi %select_n3A_128, %while3A_129 : i32
    %while3A_131 = arith.addi %while3A_129, %while3A_130 : i32
    %while3A_132 = arith.constant 1 : i32
    %while3A_133 = arith.divsi %while3A_130, %while3A_132 : i32
    %while3A_134 = arith.muli %while3A_133, %while3A_132 : i32
    %while3A_135 = arith.addi %while3A_129, %while3A_134 : i32
    %while3A_136 = arith.constant 1 : i32
    scf.for %while3A_152 = %while3A_129 to %while3A_135 step %while3A_136  : i32 {
      %mul3A_153 = arith.constant 2 : i32
      %mul3A_154 = arith.muli %mul3A_153, %while3A_152 : i32
      %mul3A_155 = arith.constant 2 : i32
      %mul3A_156 = arith.muli %mul3A_155, %while3A_152 : i32
      %add3A_157 = arith.constant 1 : i32
      %add3A_158 = arith.addi %mul3A_156, %add3A_157 : i32
      %lt3A = arith.cmpi slt, %add3A_158, %select_n3A : i32
      %convert_element_type3A_159 = arith.extui %lt3A : i1 to i32
      %cond3A_160 = arith.constant 0 : i32
      %cond3A_161 = arith.cmpi ne, %convert_element_type3A_159, %cond3A_160 : i32
      scf.if %cond3A_161 {
        %dma_wait3A_210 = arith.constant 0 : i32
        %dma_wait3A_211 = tpu.memref_slice %arg2[%dma_wait3A_210] : memref<488000xi32, #tpu.memory_space<hbm>> -> memref<1600xi32, #tpu.memory_space<hbm>>
        %dma_wait3A_212 = arith.constant 0 : i32
        %dma_wait3A_213 = tpu.memref_slice %arg2[%dma_wait3A_212] : memref<488000xi32, #tpu.memory_space<hbm>> -> memref<1600xi32, #tpu.memory_space<hbm>>
        tpu.wait_dma2 semaphore(%arg40 : memref<!tpu.dma_semaphore, #tpu.memory_space<semaphore_mem>>) src(%dma_wait3A_213 : memref<1600xi32, #tpu.memory_space<hbm>>) dst(%arg28 : memref<1600xi32, #tpu.memory_space<vmem>>)
        %dma_wait3A_214 = arith.constant 0 : i32
        %dma_wait3A_215 = tpu.memref_slice %arg3[%dma_wait3A_214] : memref<488000xi32, #tpu.memory_space<hbm>> -> memref<1600xi32, #tpu.memory_space<hbm>>
        %dma_wait3A_216 = arith.constant 0 : i32
        %dma_wait3A_217 = tpu.memref_slice %arg3[%dma_wait3A_216] : memref<488000xi32, #tpu.memory_space<hbm>> -> memref<1600xi32, #tpu.memory_space<hbm>>
        tpu.wait_dma2 semaphore(%arg40 : memref<!tpu.dma_semaphore, #tpu.memory_space<semaphore_mem>>) src(%dma_wait3A_217 : memref<1600xi32, #tpu.memory_space<hbm>>) dst(%arg29 : memref<1600xi32, #tpu.memory_space<vmem>>)
        %dma_wait3A_218 = arith.constant 0 : i32
        %dma_wait3A_219 = tpu.memref_slice %arg4[%dma_wait3A_218] : memref<488000xi32, #tpu.memory_space<hbm>> -> memref<1600xi32, #tpu.memory_space<hbm>>
        %dma_wait3A_220 = arith.constant 0 : i32
        %dma_wait3A_221 = tpu.memref_slice %arg4[%dma_wait3A_220] : memref<488000xi32, #tpu.memory_space<hbm>> -> memref<1600xi32, #tpu.memory_space<hbm>>
        tpu.wait_dma2 semaphore(%arg40 : memref<!tpu.dma_semaphore, #tpu.memory_space<semaphore_mem>>) src(%dma_wait3A_221 : memref<1600xi32, #tpu.memory_space<hbm>>) dst(%arg30 : memref<1600xi32, #tpu.memory_space<vmem>>)
        %dma_wait3A_222 = arith.constant 0 : i32
        %dma_wait3A_223 = tpu.memref_slice %arg5[%dma_wait3A_222] : memref<488000xf32, #tpu.memory_space<hbm>> -> memref<1600xf32, #tpu.memory_space<hbm>>
        %dma_wait3A_224 = arith.constant 0 : i32
        %dma_wait3A_225 = tpu.memref_slice %arg5[%dma_wait3A_224] : memref<488000xf32, #tpu.memory_space<hbm>> -> memref<1600xf32, #tpu.memory_space<hbm>>
        tpu.wait_dma2 semaphore(%arg40 : memref<!tpu.dma_semaphore, #tpu.memory_space<semaphore_mem>>) src(%dma_wait3A_225 : memref<1600xf32, #tpu.memory_space<hbm>>) dst(%arg31 : memref<1600xf32, #tpu.memory_space<vmem>>)
        %dma_wait3A_226 = arith.constant 0 : i32
        %dma_wait3A_227 = tpu.memref_slice %arg6[%dma_wait3A_226] : memref<488000xf32, #tpu.memory_space<hbm>> -> memref<1600xf32, #tpu.memory_space<hbm>>
        %dma_wait3A_228 = arith.constant 0 : i32
        %dma_wait3A_229 = tpu.memref_slice %arg6[%dma_wait3A_228] : memref<488000xf32, #tpu.memory_space<hbm>> -> memref<1600xf32, #tpu.memory_space<hbm>>
        tpu.wait_dma2 semaphore(%arg40 : memref<!tpu.dma_semaphore, #tpu.memory_space<semaphore_mem>>) src(%dma_wait3A_229 : memref<1600xf32, #tpu.memory_space<hbm>>) dst(%arg32 : memref<1600xf32, #tpu.memory_space<vmem>>)
        %dma_wait3A_230 = arith.constant 0 : i32
        %dma_wait3A_231 = tpu.memref_slice %arg7[%dma_wait3A_230] : memref<488000xf32, #tpu.memory_space<hbm>> -> memref<1600xf32, #tpu.memory_space<hbm>>
        %dma_wait3A_232 = arith.constant 0 : i32
        %dma_wait3A_233 = tpu.memref_slice %arg7[%dma_wait3A_232] : memref<488000xf32, #tpu.memory_space<hbm>> -> memref<1600xf32, #tpu.memory_space<hbm>>
        tpu.wait_dma2 semaphore(%arg40 : memref<!tpu.dma_semaphore, #tpu.memory_space<semaphore_mem>>) src(%dma_wait3A_233 : memref<1600xf32, #tpu.memory_space<hbm>>) dst(%arg33 : memref<1600xf32, #tpu.memory_space<vmem>>)
        %dma_wait3A_234 = arith.constant 0 : i32
        %dma_wait3A_235 = tpu.memref_slice %arg8[%dma_wait3A_234] : memref<488000xf32, #tpu.memory_space<hbm>> -> memref<1600xf32, #tpu.memory_space<hbm>>
        %dma_wait3A_236 = arith.constant 0 : i32
        %dma_wait3A_237 = tpu.memref_slice %arg8[%dma_wait3A_236] : memref<488000xf32, #tpu.memory_space<hbm>> -> memref<1600xf32, #tpu.memory_space<hbm>>
        tpu.wait_dma2 semaphore(%arg40 : memref<!tpu.dma_semaphore, #tpu.memory_space<semaphore_mem>>) src(%dma_wait3A_237 : memref<1600xf32, #tpu.memory_space<hbm>>) dst(%arg34 : memref<1600xf32, #tpu.memory_space<vmem>>)
        %dma_start3A_238 = arith.constant 0 : i32
        %dma_start3A_239 = arith.constant 0 : i32
        %dma_start3A_240 = tpu.memref_slice %arg11[%dma_start3A_238, %dma_start3A_239] : memref<100000x8xf32, #tpu.memory_space<hbm>> -> memref<100000x8xf32, #tpu.memory_space<hbm>>
        tpu.enqueue_indirect_dma source(%dma_start3A_240 : memref<100000x8xf32, #tpu.memory_space<hbm>>) target(%arg35 : memref<1600x8xf32, #tpu.memory_space<vmem>>) offsets(%arg30 : memref<1600xi32, #tpu.memory_space<vmem>>) semaphore(%arg42 : memref<!tpu.dma_semaphore, #tpu.memory_space<semaphore_mem>>)
      } else {
      }
      %gt3A = arith.constant 0 : i32
      %gt3A_162 = arith.cmpi sgt, %while3A_152, %gt3A : i32
      %convert_element_type3A_163 = arith.extui %gt3A_162 : i1 to i32
      %cond3A_164 = arith.constant 0 : i32
      %cond3A_165 = arith.cmpi ne, %convert_element_type3A_163, %cond3A_164 : i32
      scf.if %cond3A_165 {
        %dma_wait3A_210 = arith.constant 0 : i32
        %dma_wait3A_211 = tpu.memref_slice %arg12[%dma_wait3A_210] : memref<488000xf32, #tpu.memory_space<hbm>> -> memref<1600xf32, #tpu.memory_space<hbm>>
        %dma_wait3A_212 = arith.constant 0 : i32
        %dma_wait3A_213 = tpu.memref_slice %arg12[%dma_wait3A_212] : memref<488000xf32, #tpu.memory_space<hbm>> -> memref<1600xf32, #tpu.memory_space<hbm>>
        tpu.wait_dma2 semaphore(%arg43 : memref<!tpu.dma_semaphore, #tpu.memory_space<semaphore_mem>>) src(%arg25 : memref<1600xf32, #tpu.memory_space<vmem>>) dst(%dma_wait3A_213 : memref<1600xf32, #tpu.memory_space<hbm>>)
        %dma_wait3A_214 = arith.constant 0 : i32
        %dma_wait3A_215 = tpu.memref_slice %arg13[%dma_wait3A_214] : memref<488000xf32, #tpu.memory_space<hbm>> -> memref<1600xf32, #tpu.memory_space<hbm>>
        %dma_wait3A_216 = arith.constant 0 : i32
        %dma_wait3A_217 = tpu.memref_slice %arg13[%dma_wait3A_216] : memref<488000xf32, #tpu.memory_space<hbm>> -> memref<1600xf32, #tpu.memory_space<hbm>>
        tpu.wait_dma2 semaphore(%arg43 : memref<!tpu.dma_semaphore, #tpu.memory_space<semaphore_mem>>) src(%arg26 : memref<1600xf32, #tpu.memory_space<vmem>>) dst(%dma_wait3A_217 : memref<1600xf32, #tpu.memory_space<hbm>>)
        %dma_wait3A_218 = arith.constant 0 : i32
        %dma_wait3A_219 = tpu.memref_slice %arg14[%dma_wait3A_218] : memref<488000xf32, #tpu.memory_space<hbm>> -> memref<1600xf32, #tpu.memory_space<hbm>>
        %dma_wait3A_220 = arith.constant 0 : i32
        %dma_wait3A_221 = tpu.memref_slice %arg14[%dma_wait3A_220] : memref<488000xf32, #tpu.memory_space<hbm>> -> memref<1600xf32, #tpu.memory_space<hbm>>
        tpu.wait_dma2 semaphore(%arg43 : memref<!tpu.dma_semaphore, #tpu.memory_space<semaphore_mem>>) src(%arg27 : memref<1600xf32, #tpu.memory_space<vmem>>) dst(%dma_wait3A_221 : memref<1600xf32, #tpu.memory_space<hbm>>)
      } else {
      }
      %dma_wait3A_166 = arith.constant 0 : i32
      %dma_wait3A_167 = arith.constant 0 : i32
      %dma_wait3A_168 = tpu.memref_slice %arg11[%dma_wait3A_166, %dma_wait3A_167] : memref<100000x8xf32, #tpu.memory_space<hbm>> -> memref<1600x8xf32, #tpu.memory_space<hbm>>
      %dma_wait3A_169 = arith.constant 0 : i32
      %dma_wait3A_170 = arith.constant 0 : i32
      %dma_wait3A_171 = tpu.memref_slice %arg11[%dma_wait3A_169, %dma_wait3A_170] : memref<100000x8xf32, #tpu.memory_space<hbm>> -> memref<1600x8xf32, #tpu.memory_space<hbm>>
      tpu.wait_dma2 semaphore(%arg41 : memref<!tpu.dma_semaphore, #tpu.memory_space<semaphore_mem>>) src(%dma_wait3A_171 : memref<1600x8xf32, #tpu.memory_space<hbm>>) dst(%arg24 : memref<1600x8xf32, #tpu.memory_space<vmem>>)
      %scan3A = arith.constant 0 : i32
      %scan3A_172 = arith.constant 0 : i32
      %scan3A_173 = arith.constant 100 : i32
      %scan3A_174 = arith.addi %scan3A_172, %scan3A_173 : i32
      %scan3A_175 = arith.constant 1 : i32
      scf.for %scan3A_210 = %scan3A_172 to %scan3A_174 step %scan3A_175  : i32 {
        %mul3A_211 = arith.constant 16 : i32
        %mul3A_212 = arith.muli %scan3A_210, %mul3A_211 : i32
        %multiple_of3A = tpu.assume_multiple %mul3A_212, 16 : i32
        %mul3A_213 = arith.constant 16 : i32
        %mul3A_214 = arith.muli %scan3A_210, %mul3A_213 : i32
        %iota3A = tpu.iota {dimensions = array<i32: 0>} : vector<16xi32>
        %add3A_215 = vector.broadcast %mul3A_214 : i32 to vector<16xi32>
        %add3A_216 = arith.addi %add3A_215, %iota3A : vector<16xi32>
        %get3A = arith.index_cast %multiple_of3A : i32 to index
        %get3A_217 = tpu.vector_load %arg17[%get3A] {strides = array<i32>} : memref<1600xi32, #tpu.memory_space<vmem>>, vector<16xi32>,
        %get3A_218 = arith.index_cast %multiple_of3A : i32 to index
        %get3A_219 = tpu.vector_load %arg18[%get3A_218] {strides = array<i32>} : memref<1600xi32, #tpu.memory_space<vmem>>, vector<16xi32>,
        %gather3A = tpu.vector_load_idx %arg15[%broadcast_in_dim3A_1, %get3A_217] : memref<8x4096xf32, #tpu.memory_space<vmem>>[vector<16xi32>, vector<16xi32>], vector<16xf32>,
        %gather3A_220 = tpu.vector_load_idx %arg15[%broadcast_in_dim3A_3, %get3A_217] : memref<8x4096xf32, #tpu.memory_space<vmem>>[vector<16xi32>, vector<16xi32>], vector<16xf32>,
        %gather3A_221 = tpu.vector_load_idx %arg15[%broadcast_in_dim3A_5, %get3A_217] : memref<8x4096xf32, #tpu.memory_space<vmem>>[vector<16xi32>, vector<16xi32>], vector<16xf32>,
        %gather3A_222 = tpu.vector_load_idx %arg15[%broadcast_in_dim3A_7, %get3A_217] : memref<8x4096xf32, #tpu.memory_space<vmem>>[vector<16xi32>, vector<16xi32>], vector<16xf32>,
        %gather3A_223 = tpu.vector_load_idx %arg15[%broadcast_in_dim3A_9, %get3A_217] : memref<8x4096xf32, #tpu.memory_space<vmem>>[vector<16xi32>, vector<16xi32>], vector<16xf32>,
        %gather3A_224 = tpu.vector_load_idx %arg15[%broadcast_in_dim3A_11, %get3A_217] : memref<8x4096xf32, #tpu.memory_space<vmem>>[vector<16xi32>, vector<16xi32>], vector<16xf32>,
        %gather3A_225 = tpu.vector_load_idx %arg15[%broadcast_in_dim3A_13, %get3A_217] : memref<8x4096xf32, #tpu.memory_space<vmem>>[vector<16xi32>, vector<16xi32>], vector<16xf32>,
        %gather3A_226 = tpu.vector_load_idx %arg15[%broadcast_in_dim3A_15, %get3A_217] : memref<8x4096xf32, #tpu.memory_space<vmem>>[vector<16xi32>, vector<16xi32>], vector<16xf32>,
        %gather3A_227 = tpu.vector_load_idx %arg16[%broadcast_in_dim3A_1, %get3A_219] : memref<7x4096xf32, #tpu.memory_space<vmem>>[vector<16xi32>, vector<16xi32>], vector<16xf32>,
        %gather3A_228 = tpu.vector_load_idx %arg16[%broadcast_in_dim3A_3, %get3A_219] : memref<7x4096xf32, #tpu.memory_space<vmem>>[vector<16xi32>, vector<16xi32>], vector<16xf32>,
        %gather3A_229 = tpu.vector_load_idx %arg16[%broadcast_in_dim3A_5, %get3A_219] : memref<7x4096xf32, #tpu.memory_space<vmem>>[vector<16xi32>, vector<16xi32>], vector<16xf32>,
        %gather3A_230 = tpu.vector_load_idx %arg16[%broadcast_in_dim3A_7, %get3A_219] : memref<7x4096xf32, #tpu.memory_space<vmem>>[vector<16xi32>, vector<16xi32>], vector<16xf32>,
        %gather3A_231 = tpu.vector_load_idx %arg16[%broadcast_in_dim3A_9, %get3A_219] : memref<7x4096xf32, #tpu.memory_space<vmem>>[vector<16xi32>, vector<16xi32>], vector<16xf32>,
        %gather3A_232 = tpu.vector_load_idx %arg16[%broadcast_in_dim3A_11, %get3A_219] : memref<7x4096xf32, #tpu.memory_space<vmem>>[vector<16xi32>, vector<16xi32>], vector<16xf32>,
        %gather3A_233 = tpu.vector_load_idx %arg16[%broadcast_in_dim3A_13, %get3A_219] : memref<7x4096xf32, #tpu.memory_space<vmem>>[vector<16xi32>, vector<16xi32>], vector<16xf32>,
        %get3A_234 = arith.index_cast %multiple_of3A : i32 to index
        %get3A_235 = tpu.vector_load %arg20[%get3A_234] {strides = array<i32>} : memref<1600xf32, #tpu.memory_space<vmem>>, vector<16xf32>,
        %get3A_236 = arith.index_cast %multiple_of3A : i32 to index
        %get3A_237 = tpu.vector_load %arg21[%get3A_236] {strides = array<i32>} : memref<1600xf32, #tpu.memory_space<vmem>>, vector<16xf32>,
        %get3A_238 = arith.index_cast %multiple_of3A : i32 to index
        %get3A_239 = tpu.vector_load %arg22[%get3A_238] {strides = array<i32>} : memref<1600xf32, #tpu.memory_space<vmem>>, vector<16xf32>,
        %get3A_240 = arith.index_cast %multiple_of3A : i32 to index
        %get3A_241 = tpu.vector_load %arg23[%get3A_240] {strides = array<i32>} : memref<1600xf32, #tpu.memory_space<vmem>>, vector<16xf32>,
        %gather3A_242 = tpu.vector_load_idx %arg24[%add3A_216, %broadcast_in_dim3A_1] : memref<1600x8xf32, #tpu.memory_space<vmem>>[vector<16xi32>, vector<16xi32>], vector<16xf32>,
        %gather3A_243 = tpu.vector_load_idx %arg24[%add3A_216, %broadcast_in_dim3A_3] : memref<1600x8xf32, #tpu.memory_space<vmem>>[vector<16xi32>, vector<16xi32>], vector<16xf32>,
        %gather3A_244 = tpu.vector_load_idx %arg24[%add3A_216, %broadcast_in_dim3A_5] : memref<1600x8xf32, #tpu.memory_space<vmem>>[vector<16xi32>, vector<16xi32>], vector<16xf32>,
        %mul3A_245 = arith.mulf %get3A_241, %get3A_235 : vector<16xf32>
        %sub3A_246 = arith.subf %gather3A_231, %mul3A_245 : vector<16xf32>
        %mul3A_247 = arith.mulf %get3A_241, %get3A_237 : vector<16xf32>
        %sub3A_248 = arith.subf %gather3A_232, %mul3A_247 : vector<16xf32>
        %mul3A_249 = arith.mulf %get3A_241, %get3A_239 : vector<16xf32>
        %sub3A_250 = arith.subf %gather3A_233, %mul3A_249 : vector<16xf32>
        %mul3A_251 = arith.mulf %gather3A_228, %sub3A_250 : vector<16xf32>
        %mul3A_252 = arith.mulf %gather3A_229, %sub3A_248 : vector<16xf32>
        %sub3A_253 = arith.subf %mul3A_251, %mul3A_252 : vector<16xf32>
        %mul3A_254 = arith.constant -2.000000e+00 : f32
        %mul3A_255 = vector.broadcast %mul3A_254 : f32 to vector<16xf32>
        %mul3A_256 = arith.mulf %mul3A_255, %sub3A_253 : vector<16xf32>
        %mul3A_257 = arith.mulf %gather3A_229, %sub3A_246 : vector<16xf32>
        %mul3A_258 = arith.mulf %gather3A_227, %sub3A_250 : vector<16xf32>
        %sub3A_259 = arith.subf %mul3A_257, %mul3A_258 : vector<16xf32>
        %mul3A_260 = arith.constant -2.000000e+00 : f32
        %mul3A_261 = vector.broadcast %mul3A_260 : f32 to vector<16xf32>
        %mul3A_262 = arith.mulf %mul3A_261, %sub3A_259 : vector<16xf32>
        %mul3A_263 = arith.mulf %gather3A_227, %sub3A_248 : vector<16xf32>
        %mul3A_264 = arith.mulf %gather3A_228, %sub3A_246 : vector<16xf32>
        %sub3A_265 = arith.subf %mul3A_263, %mul3A_264 : vector<16xf32>
        %mul3A_266 = arith.constant -2.000000e+00 : f32
        %mul3A_267 = vector.broadcast %mul3A_266 : f32 to vector<16xf32>
        %mul3A_268 = arith.mulf %mul3A_267, %sub3A_265 : vector<16xf32>
        %mul3A_269 = arith.mulf %gather3A_230, %mul3A_256 : vector<16xf32>
        %add3A_270 = arith.addf %sub3A_246, %mul3A_269 : vector<16xf32>
        %mul3A_271 = arith.mulf %gather3A_228, %mul3A_268 : vector<16xf32>
        %mul3A_272 = arith.mulf %gather3A_229, %mul3A_262 : vector<16xf32>
        %sub3A_273 = arith.subf %mul3A_271, %mul3A_272 : vector<16xf32>
        %sub3A_274 = arith.subf %add3A_270, %sub3A_273 : vector<16xf32>
        %mul3A_275 = arith.mulf %gather3A_230, %mul3A_262 : vector<16xf32>
        %add3A_276 = arith.addf %sub3A_248, %mul3A_275 : vector<16xf32>
        %mul3A_277 = arith.mulf %gather3A_229, %mul3A_256 : vector<16xf32>
        %mul3A_278 = arith.mulf %gather3A_227, %mul3A_268 : vector<16xf32>
        %sub3A_279 = arith.subf %mul3A_277, %mul3A_278 : vector<16xf32>
        %sub3A_280 = arith.subf %add3A_276, %sub3A_279 : vector<16xf32>
        %mul3A_281 = arith.mulf %gather3A_230, %mul3A_268 : vector<16xf32>
        %add3A_282 = arith.addf %sub3A_250, %mul3A_281 : vector<16xf32>
        %mul3A_283 = arith.mulf %gather3A_227, %mul3A_262 : vector<16xf32>
        %mul3A_284 = arith.mulf %gather3A_228, %mul3A_256 : vector<16xf32>
        %sub3A_285 = arith.subf %mul3A_283, %mul3A_284 : vector<16xf32>
        %sub3A_286 = arith.subf %add3A_282, %sub3A_285 : vector<16xf32>
        %add3A_287 = arith.addf %sub3A_274, %gather3A_223 : vector<16xf32>
        %add3A_288 = arith.addf %sub3A_280, %gather3A_224 : vector<16xf32>
        %add3A_289 = arith.addf %sub3A_286, %gather3A_225 : vector<16xf32>
        %mul3A_290 = arith.mulf %gather3A_220, %add3A_289 : vector<16xf32>
        %mul3A_291 = arith.mulf %gather3A_221, %add3A_288 : vector<16xf32>
        %sub3A_292 = arith.subf %mul3A_290, %mul3A_291 : vector<16xf32>
        %mul3A_293 = arith.constant -2.000000e+00 : f32
        %mul3A_294 = vector.broadcast %mul3A_293 : f32 to vector<16xf32>
        %mul3A_295 = arith.mulf %mul3A_294, %sub3A_292 : vector<16xf32>
        %mul3A_296 = arith.mulf %gather3A_221, %add3A_287 : vector<16xf32>
        %mul3A_297 = arith.mulf %gather3A, %add3A_289 : vector<16xf32>
        %sub3A_298 = arith.subf %mul3A_296, %mul3A_297 : vector<16xf32>
        %mul3A_299 = arith.constant -2.000000e+00 : f32
        %mul3A_300 = vector.broadcast %mul3A_299 : f32 to vector<16xf32>
        %mul3A_301 = arith.mulf %mul3A_300, %sub3A_298 : vector<16xf32>
        %mul3A_302 = arith.mulf %gather3A, %add3A_288 : vector<16xf32>
        %mul3A_303 = arith.mulf %gather3A_220, %add3A_287 : vector<16xf32>
        %sub3A_304 = arith.subf %mul3A_302, %mul3A_303 : vector<16xf32>
        %mul3A_305 = arith.constant -2.000000e+00 : f32
        %mul3A_306 = vector.broadcast %mul3A_305 : f32 to vector<16xf32>
        %mul3A_307 = arith.mulf %mul3A_306, %sub3A_304 : vector<16xf32>
        %mul3A_308 = arith.mulf %gather3A_222, %mul3A_295 : vector<16xf32>
        %add3A_309 = arith.addf %add3A_287, %mul3A_308 : vector<16xf32>
        %mul3A_310 = arith.mulf %gather3A_220, %mul3A_307 : vector<16xf32>
        %mul3A_311 = arith.mulf %gather3A_221, %mul3A_301 : vector<16xf32>
        %sub3A_312 = arith.subf %mul3A_310, %mul3A_311 : vector<16xf32>
        %sub3A_313 = arith.subf %add3A_309, %sub3A_312 : vector<16xf32>
        %mul3A_314 = arith.mulf %gather3A_222, %mul3A_301 : vector<16xf32>
        %add3A_315 = arith.addf %add3A_288, %mul3A_314 : vector<16xf32>
        %mul3A_316 = arith.mulf %gather3A_221, %mul3A_295 : vector<16xf32>
        %mul3A_317 = arith.mulf %gather3A, %mul3A_307 : vector<16xf32>
        %sub3A_318 = arith.subf %mul3A_316, %mul3A_317 : vector<16xf32>
        %sub3A_319 = arith.subf %add3A_315, %sub3A_318 : vector<16xf32>
        %mul3A_320 = arith.mulf %gather3A_222, %mul3A_307 : vector<16xf32>
        %add3A_321 = arith.addf %add3A_289, %mul3A_320 : vector<16xf32>
        %mul3A_322 = arith.mulf %gather3A, %mul3A_301 : vector<16xf32>
        %mul3A_323 = arith.mulf %gather3A_220, %mul3A_295 : vector<16xf32>
        %sub3A_324 = arith.subf %mul3A_322, %mul3A_323 : vector<16xf32>
        %sub3A_325 = arith.subf %add3A_321, %sub3A_324 : vector<16xf32>
        %add3A_326 = arith.addf %gather3A_242, %sub3A_313 : vector<16xf32>
        %mul3A_327 = arith.mulf %gather3A_226, %add3A_326 : vector<16xf32>
        %swap3A = arith.index_cast %multiple_of3A : i32 to index
        %swap3A_328 = tpu.vector_load %arg25[%swap3A] {strides = array<i32>} : memref<1600xf32, #tpu.memory_space<vmem>>, vector<16xf32>,
        tpu.vector_store %arg25[%swap3A], %mul3A_327 {strides = array<i32>} : memref<1600xf32, #tpu.memory_space<vmem>>, vector<16xf32>,
        %add3A_329 = arith.addf %gather3A_243, %sub3A_319 : vector<16xf32>
        %mul3A_330 = arith.mulf %gather3A_226, %add3A_329 : vector<16xf32>
        %swap3A_331 = arith.index_cast %multiple_of3A : i32 to index
        %swap3A_332 = tpu.vector_load %arg26[%swap3A_331] {strides = array<i32>} : memref<1600xf32, #tpu.memory_space<vmem>>, vector<16xf32>,
        tpu.vector_store %arg26[%swap3A_331], %mul3A_330 {strides = array<i32>} : memref<1600xf32, #tpu.memory_space<vmem>>, vector<16xf32>,
        %add3A_333 = arith.addf %gather3A_244, %sub3A_325 : vector<16xf32>
        %mul3A_334 = arith.mulf %gather3A_226, %add3A_333 : vector<16xf32>
        %swap3A_335 = arith.index_cast %multiple_of3A : i32 to index
        %swap3A_336 = tpu.vector_load %arg27[%swap3A_335] {strides = array<i32>} : memref<1600xf32, #tpu.memory_space<vmem>>, vector<16xf32>,
        tpu.vector_store %arg27[%swap3A_335], %mul3A_334 {strides = array<i32>} : memref<1600xf32, #tpu.memory_space<vmem>>, vector<16xf32>,
      }
      %scan3A_176 = arith.constant 100 : i32
      %mul3A_177 = arith.constant 32 : i32
      %mul3A_178 = arith.muli %mul3A_154, %mul3A_177 : i32
      %add3A_179 = arith.addi %add3A, %mul3A_178 : i32
      %mul3A_180 = arith.constant 1600 : i32
      %mul3A_181 = arith.muli %add3A_179, %mul3A_180 : i32
      %dma_start3A_182 = tpu.memref_slice %arg12[%mul3A_181] : memref<488000xf32, #tpu.memory_space<hbm>> -> memref<1600xf32, #tpu.memory_space<hbm>>
      %dma_start3A_183 = tpu.memref_slice %arg12[%mul3A_181] : memref<488000xf32, #tpu.memory_space<hbm>> -> memref<1600xf32, #tpu.memory_space<hbm>>
      tpu.enqueue_dma source(%arg25 : memref<1600xf32, #tpu.memory_space<vmem>>) target(%dma_start3A_183 : memref<1600xf32, #tpu.memory_space<hbm>>) target_semaphore(%arg43 : memref<!tpu.dma_semaphore, #tpu.memory_space<semaphore_mem>>)
      %dma_start3A_184 = tpu.memref_slice %arg13[%mul3A_181] : memref<488000xf32, #tpu.memory_space<hbm>> -> memref<1600xf32, #tpu.memory_space<hbm>>
      %dma_start3A_185 = tpu.memref_slice %arg13[%mul3A_181] : memref<488000xf32, #tpu.memory_space<hbm>> -> memref<1600xf32, #tpu.memory_space<hbm>>
      tpu.enqueue_dma source(%arg26 : memref<1600xf32, #tpu.memory_space<vmem>>) target(%dma_start3A_185 : memref<1600xf32, #tpu.memory_space<hbm>>) target_semaphore(%arg43 : memref<!tpu.dma_semaphore, #tpu.memory_space<semaphore_mem>>)
      %dma_start3A_186 = tpu.memref_slice %arg14[%mul3A_181] : memref<488000xf32, #tpu.memory_space<hbm>> -> memref<1600xf32, #tpu.memory_space<hbm>>
      %dma_start3A_187 = tpu.memref_slice %arg14[%mul3A_181] : memref<488000xf32, #tpu.memory_space<hbm>> -> memref<1600xf32, #tpu.memory_space<hbm>>
      tpu.enqueue_dma source(%arg27 : memref<1600xf32, #tpu.memory_space<vmem>>) target(%dma_start3A_187 : memref<1600xf32, #tpu.memory_space<hbm>>) target_semaphore(%arg43 : memref<!tpu.dma_semaphore, #tpu.memory_space<semaphore_mem>>)
      %add3A_188 = arith.constant 2 : i32
      %add3A_189 = arith.addi %mul3A_154, %add3A_188 : i32
      %lt3A_190 = arith.cmpi slt, %add3A_189, %select_n3A : i32
      %convert_element_type3A_191 = arith.extui %lt3A_190 : i1 to i32
      %cond3A_192 = arith.constant 0 : i32
      %cond3A_193 = arith.cmpi ne, %convert_element_type3A_191, %cond3A_192 : i32
      scf.if %cond3A_193 {
        %add3A_210 = arith.constant 2 : i32
        %add3A_211 = arith.addi %mul3A_154, %add3A_210 : i32
        %mul3A_212 = arith.constant 32 : i32
        %mul3A_213 = arith.muli %add3A_211, %mul3A_212 : i32
        %add3A_214 = arith.addi %add3A, %mul3A_213 : i32
        %mul3A_215 = arith.constant 1600 : i32
        %mul3A_216 = arith.muli %add3A_214, %mul3A_215 : i32
        %dma_start3A_217 = tpu.memref_slice %arg2[%mul3A_216] : memref<488000xi32, #tpu.memory_space<hbm>> -> memref<1600xi32, #tpu.memory_space<hbm>>
        %dma_start3A_218 = tpu.memref_slice %arg2[%mul3A_216] : memref<488000xi32, #tpu.memory_space<hbm>> -> memref<1600xi32, #tpu.memory_space<hbm>>
        tpu.enqueue_dma source(%dma_start3A_218 : memref<1600xi32, #tpu.memory_space<hbm>>) target(%arg17 : memref<1600xi32, #tpu.memory_space<vmem>>) target_semaphore(%arg39 : memref<!tpu.dma_semaphore, #tpu.memory_space<semaphore_mem>>)
        %dma_start3A_219 = tpu.memref_slice %arg3[%mul3A_216] : memref<488000xi32, #tpu.memory_space<hbm>> -> memref<1600xi32, #tpu.memory_space<hbm>>
        %dma_start3A_220 = tpu.memref_slice %arg3[%mul3A_216] : memref<488000xi32, #tpu.memory_space<hbm>> -> memref<1600xi32, #tpu.memory_space<hbm>>
        tpu.enqueue_dma source(%dma_start3A_220 : memref<1600xi32, #tpu.memory_space<hbm>>) target(%arg18 : memref<1600xi32, #tpu.memory_space<vmem>>) target_semaphore(%arg39 : memref<!tpu.dma_semaphore, #tpu.memory_space<semaphore_mem>>)
        %dma_start3A_221 = tpu.memref_slice %arg4[%mul3A_216] : memref<488000xi32, #tpu.memory_space<hbm>> -> memref<1600xi32, #tpu.memory_space<hbm>>
        %dma_start3A_222 = tpu.memref_slice %arg4[%mul3A_216] : memref<488000xi32, #tpu.memory_space<hbm>> -> memref<1600xi32, #tpu.memory_space<hbm>>
        tpu.enqueue_dma source(%dma_start3A_222 : memref<1600xi32, #tpu.memory_space<hbm>>) target(%arg19 : memref<1600xi32, #tpu.memory_space<vmem>>) target_semaphore(%arg39 : memref<!tpu.dma_semaphore, #tpu.memory_space<semaphore_mem>>)
        %dma_start3A_223 = tpu.memref_slice %arg5[%mul3A_216] : memref<488000xf32, #tpu.memory_space<hbm>> -> memref<1600xf32, #tpu.memory_space<hbm>>
        %dma_start3A_224 = tpu.memref_slice %arg5[%mul3A_216] : memref<488000xf32, #tpu.memory_space<hbm>> -> memref<1600xf32, #tpu.memory_space<hbm>>
        tpu.enqueue_dma source(%dma_start3A_224 : memref<1600xf32, #tpu.memory_space<hbm>>) target(%arg20 : memref<1600xf32, #tpu.memory_space<vmem>>) target_semaphore(%arg39 : memref<!tpu.dma_semaphore, #tpu.memory_space<semaphore_mem>>)
        %dma_start3A_225 = tpu.memref_slice %arg6[%mul3A_216] : memref<488000xf32, #tpu.memory_space<hbm>> -> memref<1600xf32, #tpu.memory_space<hbm>>
        %dma_start3A_226 = tpu.memref_slice %arg6[%mul3A_216] : memref<488000xf32, #tpu.memory_space<hbm>> -> memref<1600xf32, #tpu.memory_space<hbm>>
        tpu.enqueue_dma source(%dma_start3A_226 : memref<1600xf32, #tpu.memory_space<hbm>>) target(%arg21 : memref<1600xf32, #tpu.memory_space<vmem>>) target_semaphore(%arg39 : memref<!tpu.dma_semaphore, #tpu.memory_space<semaphore_mem>>)
        %dma_start3A_227 = tpu.memref_slice %arg7[%mul3A_216] : memref<488000xf32, #tpu.memory_space<hbm>> -> memref<1600xf32, #tpu.memory_space<hbm>>
        %dma_start3A_228 = tpu.memref_slice %arg7[%mul3A_216] : memref<488000xf32, #tpu.memory_space<hbm>> -> memref<1600xf32, #tpu.memory_space<hbm>>
        tpu.enqueue_dma source(%dma_start3A_228 : memref<1600xf32, #tpu.memory_space<hbm>>) target(%arg22 : memref<1600xf32, #tpu.memory_space<vmem>>) target_semaphore(%arg39 : memref<!tpu.dma_semaphore, #tpu.memory_space<semaphore_mem>>)
        %dma_start3A_229 = tpu.memref_slice %arg8[%mul3A_216] : memref<488000xf32, #tpu.memory_space<hbm>> -> memref<1600xf32, #tpu.memory_space<hbm>>
        %dma_start3A_230 = tpu.memref_slice %arg8[%mul3A_216] : memref<488000xf32, #tpu.memory_space<hbm>> -> memref<1600xf32, #tpu.memory_space<hbm>>
        tpu.enqueue_dma source(%dma_start3A_230 : memref<1600xf32, #tpu.memory_space<hbm>>) target(%arg23 : memref<1600xf32, #tpu.memory_space<vmem>>) target_semaphore(%arg39 : memref<!tpu.dma_semaphore, #tpu.memory_space<semaphore_mem>>)
      } else {
      }
      %lt3A_194 = arith.cmpi slt, %add3A_158, %select_n3A : i32
      %convert_element_type3A_195 = arith.extui %lt3A_194 : i1 to i32
      %cond3A_196 = arith.constant 0 : i32
      %cond3A_197 = arith.cmpi ne, %convert_element_type3A_195, %cond3A_196 : i32
      scf.if %cond3A_197 {
        %gt3A_210 = arith.constant 0 : i32
        %gt3A_211 = arith.cmpi sgt, %while3A_152, %gt3A_210 : i32
        %convert_element_type3A_212 = arith.extui %gt3A_211 : i1 to i32
        %cond3A_213 = arith.constant 0 : i32
        %cond3A_214 = arith.cmpi ne, %convert_element_type3A_212, %cond3A_213 : i32
        scf.if %cond3A_214 {
          %dma_wait3A_238 = arith.constant 0 : i32
          %dma_wait3A_239 = tpu.memref_slice %arg12[%dma_wait3A_238] : memref<488000xf32, #tpu.memory_space<hbm>> -> memref<1600xf32, #tpu.memory_space<hbm>>
          %dma_wait3A_240 = arith.constant 0 : i32
          %dma_wait3A_241 = tpu.memref_slice %arg12[%dma_wait3A_240] : memref<488000xf32, #tpu.memory_space<hbm>> -> memref<1600xf32, #tpu.memory_space<hbm>>
          tpu.wait_dma2 semaphore(%arg44 : memref<!tpu.dma_semaphore, #tpu.memory_space<semaphore_mem>>) src(%arg36 : memref<1600xf32, #tpu.memory_space<vmem>>) dst(%dma_wait3A_241 : memref<1600xf32, #tpu.memory_space<hbm>>)
          %dma_wait3A_242 = arith.constant 0 : i32
          %dma_wait3A_243 = tpu.memref_slice %arg13[%dma_wait3A_242] : memref<488000xf32, #tpu.memory_space<hbm>> -> memref<1600xf32, #tpu.memory_space<hbm>>
          %dma_wait3A_244 = arith.constant 0 : i32
          %dma_wait3A_245 = tpu.memref_slice %arg13[%dma_wait3A_244] : memref<488000xf32, #tpu.memory_space<hbm>> -> memref<1600xf32, #tpu.memory_space<hbm>>
          tpu.wait_dma2 semaphore(%arg44 : memref<!tpu.dma_semaphore, #tpu.memory_space<semaphore_mem>>) src(%arg37 : memref<1600xf32, #tpu.memory_space<vmem>>) dst(%dma_wait3A_245 : memref<1600xf32, #tpu.memory_space<hbm>>)
          %dma_wait3A_246 = arith.constant 0 : i32
          %dma_wait3A_247 = tpu.memref_slice %arg14[%dma_wait3A_246] : memref<488000xf32, #tpu.memory_space<hbm>> -> memref<1600xf32, #tpu.memory_space<hbm>>
          %dma_wait3A_248 = arith.constant 0 : i32
          %dma_wait3A_249 = tpu.memref_slice %arg14[%dma_wait3A_248] : memref<488000xf32, #tpu.memory_space<hbm>> -> memref<1600xf32, #tpu.memory_space<hbm>>
          tpu.wait_dma2 semaphore(%arg44 : memref<!tpu.dma_semaphore, #tpu.memory_space<semaphore_mem>>) src(%arg38 : memref<1600xf32, #tpu.memory_space<vmem>>) dst(%dma_wait3A_249 : memref<1600xf32, #tpu.memory_space<hbm>>)
        } else {
        }
        %dma_wait3A_215 = arith.constant 0 : i32
        %dma_wait3A_216 = arith.constant 0 : i32
        %dma_wait3A_217 = tpu.memref_slice %arg11[%dma_wait3A_215, %dma_wait3A_216] : memref<100000x8xf32, #tpu.memory_space<hbm>> -> memref<1600x8xf32, #tpu.memory_space<hbm>>
        %dma_wait3A_218 = arith.constant 0 : i32
        %dma_wait3A_219 = arith.constant 0 : i32
        %dma_wait3A_220 = tpu.memref_slice %arg11[%dma_wait3A_218, %dma_wait3A_219] : memref<100000x8xf32, #tpu.memory_space<hbm>> -> memref<1600x8xf32, #tpu.memory_space<hbm>>
        tpu.wait_dma2 semaphore(%arg42 : memref<!tpu.dma_semaphore, #tpu.memory_space<semaphore_mem>>) src(%dma_wait3A_220 : memref<1600x8xf32, #tpu.memory_space<hbm>>) dst(%arg35 : memref<1600x8xf32, #tpu.memory_space<vmem>>)
        %scan3A_221 = arith.constant 0 : i32
        %scan3A_222 = arith.constant 0 : i32
        %scan3A_223 = arith.constant 100 : i32
        %scan3A_224 = arith.addi %scan3A_222, %scan3A_223 : i32
        %scan3A_225 = arith.constant 1 : i32
        scf.for %scan3A_238 = %scan3A_222 to %scan3A_224 step %scan3A_225  : i32 {
          %mul3A_239 = arith.constant 16 : i32
          %mul3A_240 = arith.muli %scan3A_238, %mul3A_239 : i32
          %multiple_of3A = tpu.assume_multiple %mul3A_240, 16 : i32
          %mul3A_241 = arith.constant 16 : i32
          %mul3A_242 = arith.muli %scan3A_238, %mul3A_241 : i32
          %iota3A = tpu.iota {dimensions = array<i32: 0>} : vector<16xi32>
          %add3A_243 = vector.broadcast %mul3A_242 : i32 to vector<16xi32>
          %add3A_244 = arith.addi %add3A_243, %iota3A : vector<16xi32>
          %get3A = arith.index_cast %multiple_of3A : i32 to index
          %get3A_245 = tpu.vector_load %arg28[%get3A] {strides = array<i32>} : memref<1600xi32, #tpu.memory_space<vmem>>, vector<16xi32>,
          %get3A_246 = arith.index_cast %multiple_of3A : i32 to index
          %get3A_247 = tpu.vector_load %arg29[%get3A_246] {strides = array<i32>} : memref<1600xi32, #tpu.memory_space<vmem>>, vector<16xi32>,
          %gather3A = tpu.vector_load_idx %arg15[%broadcast_in_dim3A_1, %get3A_245] : memref<8x4096xf32, #tpu.memory_space<vmem>>[vector<16xi32>, vector<16xi32>], vector<16xf32>,
          %gather3A_248 = tpu.vector_load_idx %arg15[%broadcast_in_dim3A_3, %get3A_245] : memref<8x4096xf32, #tpu.memory_space<vmem>>[vector<16xi32>, vector<16xi32>], vector<16xf32>,
          %gather3A_249 = tpu.vector_load_idx %arg15[%broadcast_in_dim3A_5, %get3A_245] : memref<8x4096xf32, #tpu.memory_space<vmem>>[vector<16xi32>, vector<16xi32>], vector<16xf32>,
          %gather3A_250 = tpu.vector_load_idx %arg15[%broadcast_in_dim3A_7, %get3A_245] : memref<8x4096xf32, #tpu.memory_space<vmem>>[vector<16xi32>, vector<16xi32>], vector<16xf32>,
          %gather3A_251 = tpu.vector_load_idx %arg15[%broadcast_in_dim3A_9, %get3A_245] : memref<8x4096xf32, #tpu.memory_space<vmem>>[vector<16xi32>, vector<16xi32>], vector<16xf32>,
          %gather3A_252 = tpu.vector_load_idx %arg15[%broadcast_in_dim3A_11, %get3A_245] : memref<8x4096xf32, #tpu.memory_space<vmem>>[vector<16xi32>, vector<16xi32>], vector<16xf32>,
          %gather3A_253 = tpu.vector_load_idx %arg15[%broadcast_in_dim3A_13, %get3A_245] : memref<8x4096xf32, #tpu.memory_space<vmem>>[vector<16xi32>, vector<16xi32>], vector<16xf32>,
          %gather3A_254 = tpu.vector_load_idx %arg15[%broadcast_in_dim3A_15, %get3A_245] : memref<8x4096xf32, #tpu.memory_space<vmem>>[vector<16xi32>, vector<16xi32>], vector<16xf32>,
          %gather3A_255 = tpu.vector_load_idx %arg16[%broadcast_in_dim3A_1, %get3A_247] : memref<7x4096xf32, #tpu.memory_space<vmem>>[vector<16xi32>, vector<16xi32>], vector<16xf32>,
          %gather3A_256 = tpu.vector_load_idx %arg16[%broadcast_in_dim3A_3, %get3A_247] : memref<7x4096xf32, #tpu.memory_space<vmem>>[vector<16xi32>, vector<16xi32>], vector<16xf32>,
          %gather3A_257 = tpu.vector_load_idx %arg16[%broadcast_in_dim3A_5, %get3A_247] : memref<7x4096xf32, #tpu.memory_space<vmem>>[vector<16xi32>, vector<16xi32>], vector<16xf32>,
          %gather3A_258 = tpu.vector_load_idx %arg16[%broadcast_in_dim3A_7, %get3A_247] : memref<7x4096xf32, #tpu.memory_space<vmem>>[vector<16xi32>, vector<16xi32>], vector<16xf32>,
          %gather3A_259 = tpu.vector_load_idx %arg16[%broadcast_in_dim3A_9, %get3A_247] : memref<7x4096xf32, #tpu.memory_space<vmem>>[vector<16xi32>, vector<16xi32>], vector<16xf32>,
          %gather3A_260 = tpu.vector_load_idx %arg16[%broadcast_in_dim3A_11, %get3A_247] : memref<7x4096xf32, #tpu.memory_space<vmem>>[vector<16xi32>, vector<16xi32>], vector<16xf32>,
          %gather3A_261 = tpu.vector_load_idx %arg16[%broadcast_in_dim3A_13, %get3A_247] : memref<7x4096xf32, #tpu.memory_space<vmem>>[vector<16xi32>, vector<16xi32>], vector<16xf32>,
          %get3A_262 = arith.index_cast %multiple_of3A : i32 to index
          %get3A_263 = tpu.vector_load %arg31[%get3A_262] {strides = array<i32>} : memref<1600xf32, #tpu.memory_space<vmem>>, vector<16xf32>,
          %get3A_264 = arith.index_cast %multiple_of3A : i32 to index
          %get3A_265 = tpu.vector_load %arg32[%get3A_264] {strides = array<i32>} : memref<1600xf32, #tpu.memory_space<vmem>>, vector<16xf32>,
          %get3A_266 = arith.index_cast %multiple_of3A : i32 to index
          %get3A_267 = tpu.vector_load %arg33[%get3A_266] {strides = array<i32>} : memref<1600xf32, #tpu.memory_space<vmem>>, vector<16xf32>,
          %get3A_268 = arith.index_cast %multiple_of3A : i32 to index
          %get3A_269 = tpu.vector_load %arg34[%get3A_268] {strides = array<i32>} : memref<1600xf32, #tpu.memory_space<vmem>>, vector<16xf32>,
          %gather3A_270 = tpu.vector_load_idx %arg35[%add3A_244, %broadcast_in_dim3A_1] : memref<1600x8xf32, #tpu.memory_space<vmem>>[vector<16xi32>, vector<16xi32>], vector<16xf32>,
          %gather3A_271 = tpu.vector_load_idx %arg35[%add3A_244, %broadcast_in_dim3A_3] : memref<1600x8xf32, #tpu.memory_space<vmem>>[vector<16xi32>, vector<16xi32>], vector<16xf32>,
          %gather3A_272 = tpu.vector_load_idx %arg35[%add3A_244, %broadcast_in_dim3A_5] : memref<1600x8xf32, #tpu.memory_space<vmem>>[vector<16xi32>, vector<16xi32>], vector<16xf32>,
          %mul3A_273 = arith.mulf %get3A_269, %get3A_263 : vector<16xf32>
          %sub3A_274 = arith.subf %gather3A_259, %mul3A_273 : vector<16xf32>
          %mul3A_275 = arith.mulf %get3A_269, %get3A_265 : vector<16xf32>
          %sub3A_276 = arith.subf %gather3A_260, %mul3A_275 : vector<16xf32>
          %mul3A_277 = arith.mulf %get3A_269, %get3A_267 : vector<16xf32>
          %sub3A_278 = arith.subf %gather3A_261, %mul3A_277 : vector<16xf32>
          %mul3A_279 = arith.mulf %gather3A_256, %sub3A_278 : vector<16xf32>
          %mul3A_280 = arith.mulf %gather3A_257, %sub3A_276 : vector<16xf32>
          %sub3A_281 = arith.subf %mul3A_279, %mul3A_280 : vector<16xf32>
          %mul3A_282 = arith.constant -2.000000e+00 : f32
          %mul3A_283 = vector.broadcast %mul3A_282 : f32 to vector<16xf32>
          %mul3A_284 = arith.mulf %mul3A_283, %sub3A_281 : vector<16xf32>
          %mul3A_285 = arith.mulf %gather3A_257, %sub3A_274 : vector<16xf32>
          %mul3A_286 = arith.mulf %gather3A_255, %sub3A_278 : vector<16xf32>
          %sub3A_287 = arith.subf %mul3A_285, %mul3A_286 : vector<16xf32>
          %mul3A_288 = arith.constant -2.000000e+00 : f32
          %mul3A_289 = vector.broadcast %mul3A_288 : f32 to vector<16xf32>
          %mul3A_290 = arith.mulf %mul3A_289, %sub3A_287 : vector<16xf32>
          %mul3A_291 = arith.mulf %gather3A_255, %sub3A_276 : vector<16xf32>
          %mul3A_292 = arith.mulf %gather3A_256, %sub3A_274 : vector<16xf32>
          %sub3A_293 = arith.subf %mul3A_291, %mul3A_292 : vector<16xf32>
          %mul3A_294 = arith.constant -2.000000e+00 : f32
          %mul3A_295 = vector.broadcast %mul3A_294 : f32 to vector<16xf32>
          %mul3A_296 = arith.mulf %mul3A_295, %sub3A_293 : vector<16xf32>
          %mul3A_297 = arith.mulf %gather3A_258, %mul3A_284 : vector<16xf32>
          %add3A_298 = arith.addf %sub3A_274, %mul3A_297 : vector<16xf32>
          %mul3A_299 = arith.mulf %gather3A_256, %mul3A_296 : vector<16xf32>
          %mul3A_300 = arith.mulf %gather3A_257, %mul3A_290 : vector<16xf32>
          %sub3A_301 = arith.subf %mul3A_299, %mul3A_300 : vector<16xf32>
          %sub3A_302 = arith.subf %add3A_298, %sub3A_301 : vector<16xf32>
          %mul3A_303 = arith.mulf %gather3A_258, %mul3A_290 : vector<16xf32>
          %add3A_304 = arith.addf %sub3A_276, %mul3A_303 : vector<16xf32>
          %mul3A_305 = arith.mulf %gather3A_257, %mul3A_284 : vector<16xf32>
          %mul3A_306 = arith.mulf %gather3A_255, %mul3A_296 : vector<16xf32>
          %sub3A_307 = arith.subf %mul3A_305, %mul3A_306 : vector<16xf32>
          %sub3A_308 = arith.subf %add3A_304, %sub3A_307 : vector<16xf32>
          %mul3A_309 = arith.mulf %gather3A_258, %mul3A_296 : vector<16xf32>
          %add3A_310 = arith.addf %sub3A_278, %mul3A_309 : vector<16xf32>
          %mul3A_311 = arith.mulf %gather3A_255, %mul3A_290 : vector<16xf32>
          %mul3A_312 = arith.mulf %gather3A_256, %mul3A_284 : vector<16xf32>
          %sub3A_313 = arith.subf %mul3A_311, %mul3A_312 : vector<16xf32>
          %sub3A_314 = arith.subf %add3A_310, %sub3A_313 : vector<16xf32>
          %add3A_315 = arith.addf %sub3A_302, %gather3A_251 : vector<16xf32>
          %add3A_316 = arith.addf %sub3A_308, %gather3A_252 : vector<16xf32>
          %add3A_317 = arith.addf %sub3A_314, %gather3A_253 : vector<16xf32>
          %mul3A_318 = arith.mulf %gather3A_248, %add3A_317 : vector<16xf32>
          %mul3A_319 = arith.mulf %gather3A_249, %add3A_316 : vector<16xf32>
          %sub3A_320 = arith.subf %mul3A_318, %mul3A_319 : vector<16xf32>
          %mul3A_321 = arith.constant -2.000000e+00 : f32
          %mul3A_322 = vector.broadcast %mul3A_321 : f32 to vector<16xf32>
          %mul3A_323 = arith.mulf %mul3A_322, %sub3A_320 : vector<16xf32>
          %mul3A_324 = arith.mulf %gather3A_249, %add3A_315 : vector<16xf32>
          %mul3A_325 = arith.mulf %gather3A, %add3A_317 : vector<16xf32>
          %sub3A_326 = arith.subf %mul3A_324, %mul3A_325 : vector<16xf32>
          %mul3A_327 = arith.constant -2.000000e+00 : f32
          %mul3A_328 = vector.broadcast %mul3A_327 : f32 to vector<16xf32>
          %mul3A_329 = arith.mulf %mul3A_328, %sub3A_326 : vector<16xf32>
          %mul3A_330 = arith.mulf %gather3A, %add3A_316 : vector<16xf32>
          %mul3A_331 = arith.mulf %gather3A_248, %add3A_315 : vector<16xf32>
          %sub3A_332 = arith.subf %mul3A_330, %mul3A_331 : vector<16xf32>
          %mul3A_333 = arith.constant -2.000000e+00 : f32
          %mul3A_334 = vector.broadcast %mul3A_333 : f32 to vector<16xf32>
          %mul3A_335 = arith.mulf %mul3A_334, %sub3A_332 : vector<16xf32>
          %mul3A_336 = arith.mulf %gather3A_250, %mul3A_323 : vector<16xf32>
          %add3A_337 = arith.addf %add3A_315, %mul3A_336 : vector<16xf32>
          %mul3A_338 = arith.mulf %gather3A_248, %mul3A_335 : vector<16xf32>
          %mul3A_339 = arith.mulf %gather3A_249, %mul3A_329 : vector<16xf32>
          %sub3A_340 = arith.subf %mul3A_338, %mul3A_339 : vector<16xf32>
          %sub3A_341 = arith.subf %add3A_337, %sub3A_340 : vector<16xf32>
          %mul3A_342 = arith.mulf %gather3A_250, %mul3A_329 : vector<16xf32>
          %add3A_343 = arith.addf %add3A_316, %mul3A_342 : vector<16xf32>
          %mul3A_344 = arith.mulf %gather3A_249, %mul3A_323 : vector<16xf32>
          %mul3A_345 = arith.mulf %gather3A, %mul3A_335 : vector<16xf32>
          %sub3A_346 = arith.subf %mul3A_344, %mul3A_345 : vector<16xf32>
          %sub3A_347 = arith.subf %add3A_343, %sub3A_346 : vector<16xf32>
          %mul3A_348 = arith.mulf %gather3A_250, %mul3A_335 : vector<16xf32>
          %add3A_349 = arith.addf %add3A_317, %mul3A_348 : vector<16xf32>
          %mul3A_350 = arith.mulf %gather3A, %mul3A_329 : vector<16xf32>
          %mul3A_351 = arith.mulf %gather3A_248, %mul3A_323 : vector<16xf32>
          %sub3A_352 = arith.subf %mul3A_350, %mul3A_351 : vector<16xf32>
          %sub3A_353 = arith.subf %add3A_349, %sub3A_352 : vector<16xf32>
          %add3A_354 = arith.addf %gather3A_270, %sub3A_341 : vector<16xf32>
          %mul3A_355 = arith.mulf %gather3A_254, %add3A_354 : vector<16xf32>
          %swap3A = arith.index_cast %multiple_of3A : i32 to index
          %swap3A_356 = tpu.vector_load %arg36[%swap3A] {strides = array<i32>} : memref<1600xf32, #tpu.memory_space<vmem>>, vector<16xf32>,
          tpu.vector_store %arg36[%swap3A], %mul3A_355 {strides = array<i32>} : memref<1600xf32, #tpu.memory_space<vmem>>, vector<16xf32>,
          %add3A_357 = arith.addf %gather3A_271, %sub3A_347 : vector<16xf32>
          %mul3A_358 = arith.mulf %gather3A_254, %add3A_357 : vector<16xf32>
          %swap3A_359 = arith.index_cast %multiple_of3A : i32 to index
          %swap3A_360 = tpu.vector_load %arg37[%swap3A_359] {strides = array<i32>} : memref<1600xf32, #tpu.memory_space<vmem>>, vector<16xf32>,
          tpu.vector_store %arg37[%swap3A_359], %mul3A_358 {strides = array<i32>} : memref<1600xf32, #tpu.memory_space<vmem>>, vector<16xf32>,
          %add3A_361 = arith.addf %gather3A_272, %sub3A_353 : vector<16xf32>
          %mul3A_362 = arith.mulf %gather3A_254, %add3A_361 : vector<16xf32>
          %swap3A_363 = arith.index_cast %multiple_of3A : i32 to index
          %swap3A_364 = tpu.vector_load %arg38[%swap3A_363] {strides = array<i32>} : memref<1600xf32, #tpu.memory_space<vmem>>, vector<16xf32>,
          tpu.vector_store %arg38[%swap3A_363], %mul3A_362 {strides = array<i32>} : memref<1600xf32, #tpu.memory_space<vmem>>, vector<16xf32>,
        }
        %scan3A_226 = arith.constant 100 : i32
        %mul3A_227 = arith.constant 32 : i32
        %mul3A_228 = arith.muli %add3A_158, %mul3A_227 : i32
        %add3A_229 = arith.addi %add3A, %mul3A_228 : i32
        %mul3A_230 = arith.constant 1600 : i32
        %mul3A_231 = arith.muli %add3A_229, %mul3A_230 : i32
        %dma_start3A_232 = tpu.memref_slice %arg12[%mul3A_231] : memref<488000xf32, #tpu.memory_space<hbm>> -> memref<1600xf32, #tpu.memory_space<hbm>>
        %dma_start3A_233 = tpu.memref_slice %arg12[%mul3A_231] : memref<488000xf32, #tpu.memory_space<hbm>> -> memref<1600xf32, #tpu.memory_space<hbm>>
        tpu.enqueue_dma source(%arg36 : memref<1600xf32, #tpu.memory_space<vmem>>) target(%dma_start3A_233 : memref<1600xf32, #tpu.memory_space<hbm>>) target_semaphore(%arg44 : memref<!tpu.dma_semaphore, #tpu.memory_space<semaphore_mem>>)
        %dma_start3A_234 = tpu.memref_slice %arg13[%mul3A_231] : memref<488000xf32, #tpu.memory_space<hbm>> -> memref<1600xf32, #tpu.memory_space<hbm>>
        %dma_start3A_235 = tpu.memref_slice %arg13[%mul3A_231] : memref<488000xf32, #tpu.memory_space<hbm>> -> memref<1600xf32, #tpu.memory_space<hbm>>
        tpu.enqueue_dma source(%arg37 : memref<1600xf32, #tpu.memory_space<vmem>>) target(%dma_start3A_235 : memref<1600xf32, #tpu.memory_space<hbm>>) target_semaphore(%arg44 : memref<!tpu.dma_semaphore, #tpu.memory_space<semaphore_mem>>)
        %dma_start3A_236 = tpu.memref_slice %arg14[%mul3A_231] : memref<488000xf32, #tpu.memory_space<hbm>> -> memref<1600xf32, #tpu.memory_space<hbm>>
        %dma_start3A_237 = tpu.memref_slice %arg14[%mul3A_231] : memref<488000xf32, #tpu.memory_space<hbm>> -> memref<1600xf32, #tpu.memory_space<hbm>>
        tpu.enqueue_dma source(%arg38 : memref<1600xf32, #tpu.memory_space<vmem>>) target(%dma_start3A_237 : memref<1600xf32, #tpu.memory_space<hbm>>) target_semaphore(%arg44 : memref<!tpu.dma_semaphore, #tpu.memory_space<semaphore_mem>>)
      } else {
      }
      %add3A_198 = arith.constant 2 : i32
      %add3A_199 = arith.addi %mul3A_154, %add3A_198 : i32
      %lt3A_200 = arith.cmpi slt, %add3A_199, %select_n3A : i32
      %convert_element_type3A_201 = arith.extui %lt3A_200 : i1 to i32
      %cond3A_202 = arith.constant 0 : i32
      %cond3A_203 = arith.cmpi ne, %convert_element_type3A_201, %cond3A_202 : i32
      scf.if %cond3A_203 {
        %dma_wait3A_210 = arith.constant 0 : i32
        %dma_wait3A_211 = tpu.memref_slice %arg2[%dma_wait3A_210] : memref<488000xi32, #tpu.memory_space<hbm>> -> memref<1600xi32, #tpu.memory_space<hbm>>
        %dma_wait3A_212 = arith.constant 0 : i32
        %dma_wait3A_213 = tpu.memref_slice %arg2[%dma_wait3A_212] : memref<488000xi32, #tpu.memory_space<hbm>> -> memref<1600xi32, #tpu.memory_space<hbm>>
        tpu.wait_dma2 semaphore(%arg39 : memref<!tpu.dma_semaphore, #tpu.memory_space<semaphore_mem>>) src(%dma_wait3A_213 : memref<1600xi32, #tpu.memory_space<hbm>>) dst(%arg17 : memref<1600xi32, #tpu.memory_space<vmem>>)
        %dma_wait3A_214 = arith.constant 0 : i32
        %dma_wait3A_215 = tpu.memref_slice %arg3[%dma_wait3A_214] : memref<488000xi32, #tpu.memory_space<hbm>> -> memref<1600xi32, #tpu.memory_space<hbm>>
        %dma_wait3A_216 = arith.constant 0 : i32
        %dma_wait3A_217 = tpu.memref_slice %arg3[%dma_wait3A_216] : memref<488000xi32, #tpu.memory_space<hbm>> -> memref<1600xi32, #tpu.memory_space<hbm>>
        tpu.wait_dma2 semaphore(%arg39 : memref<!tpu.dma_semaphore, #tpu.memory_space<semaphore_mem>>) src(%dma_wait3A_217 : memref<1600xi32, #tpu.memory_space<hbm>>) dst(%arg18 : memref<1600xi32, #tpu.memory_space<vmem>>)
        %dma_wait3A_218 = arith.constant 0 : i32
        %dma_wait3A_219 = tpu.memref_slice %arg4[%dma_wait3A_218] : memref<488000xi32, #tpu.memory_space<hbm>> -> memref<1600xi32, #tpu.memory_space<hbm>>
        %dma_wait3A_220 = arith.constant 0 : i32
        %dma_wait3A_221 = tpu.memref_slice %arg4[%dma_wait3A_220] : memref<488000xi32, #tpu.memory_space<hbm>> -> memref<1600xi32, #tpu.memory_space<hbm>>
        tpu.wait_dma2 semaphore(%arg39 : memref<!tpu.dma_semaphore, #tpu.memory_space<semaphore_mem>>) src(%dma_wait3A_221 : memref<1600xi32, #tpu.memory_space<hbm>>) dst(%arg19 : memref<1600xi32, #tpu.memory_space<vmem>>)
        %dma_wait3A_222 = arith.constant 0 : i32
        %dma_wait3A_223 = tpu.memref_slice %arg5[%dma_wait3A_222] : memref<488000xf32, #tpu.memory_space<hbm>> -> memref<1600xf32, #tpu.memory_space<hbm>>
        %dma_wait3A_224 = arith.constant 0 : i32
        %dma_wait3A_225 = tpu.memref_slice %arg5[%dma_wait3A_224] : memref<488000xf32, #tpu.memory_space<hbm>> -> memref<1600xf32, #tpu.memory_space<hbm>>
        tpu.wait_dma2 semaphore(%arg39 : memref<!tpu.dma_semaphore, #tpu.memory_space<semaphore_mem>>) src(%dma_wait3A_225 : memref<1600xf32, #tpu.memory_space<hbm>>) dst(%arg20 : memref<1600xf32, #tpu.memory_space<vmem>>)
        %dma_wait3A_226 = arith.constant 0 : i32
        %dma_wait3A_227 = tpu.memref_slice %arg6[%dma_wait3A_226] : memref<488000xf32, #tpu.memory_space<hbm>> -> memref<1600xf32, #tpu.memory_space<hbm>>
        %dma_wait3A_228 = arith.constant 0 : i32
        %dma_wait3A_229 = tpu.memref_slice %arg6[%dma_wait3A_228] : memref<488000xf32, #tpu.memory_space<hbm>> -> memref<1600xf32, #tpu.memory_space<hbm>>
        tpu.wait_dma2 semaphore(%arg39 : memref<!tpu.dma_semaphore, #tpu.memory_space<semaphore_mem>>) src(%dma_wait3A_229 : memref<1600xf32, #tpu.memory_space<hbm>>) dst(%arg21 : memref<1600xf32, #tpu.memory_space<vmem>>)
        %dma_wait3A_230 = arith.constant 0 : i32
        %dma_wait3A_231 = tpu.memref_slice %arg7[%dma_wait3A_230] : memref<488000xf32, #tpu.memory_space<hbm>> -> memref<1600xf32, #tpu.memory_space<hbm>>
        %dma_wait3A_232 = arith.constant 0 : i32
        %dma_wait3A_233 = tpu.memref_slice %arg7[%dma_wait3A_232] : memref<488000xf32, #tpu.memory_space<hbm>> -> memref<1600xf32, #tpu.memory_space<hbm>>
        tpu.wait_dma2 semaphore(%arg39 : memref<!tpu.dma_semaphore, #tpu.memory_space<semaphore_mem>>) src(%dma_wait3A_233 : memref<1600xf32, #tpu.memory_space<hbm>>) dst(%arg22 : memref<1600xf32, #tpu.memory_space<vmem>>)
        %dma_wait3A_234 = arith.constant 0 : i32
        %dma_wait3A_235 = tpu.memref_slice %arg8[%dma_wait3A_234] : memref<488000xf32, #tpu.memory_space<hbm>> -> memref<1600xf32, #tpu.memory_space<hbm>>
        %dma_wait3A_236 = arith.constant 0 : i32
        %dma_wait3A_237 = tpu.memref_slice %arg8[%dma_wait3A_236] : memref<488000xf32, #tpu.memory_space<hbm>> -> memref<1600xf32, #tpu.memory_space<hbm>>
        tpu.wait_dma2 semaphore(%arg39 : memref<!tpu.dma_semaphore, #tpu.memory_space<semaphore_mem>>) src(%dma_wait3A_237 : memref<1600xf32, #tpu.memory_space<hbm>>) dst(%arg23 : memref<1600xf32, #tpu.memory_space<vmem>>)
        %dma_start3A_238 = arith.constant 0 : i32
        %dma_start3A_239 = arith.constant 0 : i32
        %dma_start3A_240 = tpu.memref_slice %arg11[%dma_start3A_238, %dma_start3A_239] : memref<100000x8xf32, #tpu.memory_space<hbm>> -> memref<100000x8xf32, #tpu.memory_space<hbm>>
        tpu.enqueue_indirect_dma source(%dma_start3A_240 : memref<100000x8xf32, #tpu.memory_space<hbm>>) target(%arg24 : memref<1600x8xf32, #tpu.memory_space<vmem>>) offsets(%arg19 : memref<1600xi32, #tpu.memory_space<vmem>>) semaphore(%arg41 : memref<!tpu.dma_semaphore, #tpu.memory_space<semaphore_mem>>)
      } else {
      }
      %add3A_204 = arith.constant 2 : i32
      %add3A_205 = arith.addi %add3A_158, %add3A_204 : i32
      %lt3A_206 = arith.cmpi slt, %add3A_205, %select_n3A : i32
      %convert_element_type3A_207 = arith.extui %lt3A_206 : i1 to i32
      %cond3A_208 = arith.constant 0 : i32
      %cond3A_209 = arith.cmpi ne, %convert_element_type3A_207, %cond3A_208 : i32
      scf.if %cond3A_209 {
        %add3A_210 = arith.constant 2 : i32
        %add3A_211 = arith.addi %add3A_158, %add3A_210 : i32
        %mul3A_212 = arith.constant 32 : i32
        %mul3A_213 = arith.muli %add3A_211, %mul3A_212 : i32
        %add3A_214 = arith.addi %add3A, %mul3A_213 : i32
        %mul3A_215 = arith.constant 1600 : i32
        %mul3A_216 = arith.muli %add3A_214, %mul3A_215 : i32
        %dma_start3A_217 = tpu.memref_slice %arg2[%mul3A_216] : memref<488000xi32, #tpu.memory_space<hbm>> -> memref<1600xi32, #tpu.memory_space<hbm>>
        %dma_start3A_218 = tpu.memref_slice %arg2[%mul3A_216] : memref<488000xi32, #tpu.memory_space<hbm>> -> memref<1600xi32, #tpu.memory_space<hbm>>
        tpu.enqueue_dma source(%dma_start3A_218 : memref<1600xi32, #tpu.memory_space<hbm>>) target(%arg28 : memref<1600xi32, #tpu.memory_space<vmem>>) target_semaphore(%arg40 : memref<!tpu.dma_semaphore, #tpu.memory_space<semaphore_mem>>)
        %dma_start3A_219 = tpu.memref_slice %arg3[%mul3A_216] : memref<488000xi32, #tpu.memory_space<hbm>> -> memref<1600xi32, #tpu.memory_space<hbm>>
        %dma_start3A_220 = tpu.memref_slice %arg3[%mul3A_216] : memref<488000xi32, #tpu.memory_space<hbm>> -> memref<1600xi32, #tpu.memory_space<hbm>>
        tpu.enqueue_dma source(%dma_start3A_220 : memref<1600xi32, #tpu.memory_space<hbm>>) target(%arg29 : memref<1600xi32, #tpu.memory_space<vmem>>) target_semaphore(%arg40 : memref<!tpu.dma_semaphore, #tpu.memory_space<semaphore_mem>>)
        %dma_start3A_221 = tpu.memref_slice %arg4[%mul3A_216] : memref<488000xi32, #tpu.memory_space<hbm>> -> memref<1600xi32, #tpu.memory_space<hbm>>
        %dma_start3A_222 = tpu.memref_slice %arg4[%mul3A_216] : memref<488000xi32, #tpu.memory_space<hbm>> -> memref<1600xi32, #tpu.memory_space<hbm>>
        tpu.enqueue_dma source(%dma_start3A_222 : memref<1600xi32, #tpu.memory_space<hbm>>) target(%arg30 : memref<1600xi32, #tpu.memory_space<vmem>>) target_semaphore(%arg40 : memref<!tpu.dma_semaphore, #tpu.memory_space<semaphore_mem>>)
        %dma_start3A_223 = tpu.memref_slice %arg5[%mul3A_216] : memref<488000xf32, #tpu.memory_space<hbm>> -> memref<1600xf32, #tpu.memory_space<hbm>>
        %dma_start3A_224 = tpu.memref_slice %arg5[%mul3A_216] : memref<488000xf32, #tpu.memory_space<hbm>> -> memref<1600xf32, #tpu.memory_space<hbm>>
        tpu.enqueue_dma source(%dma_start3A_224 : memref<1600xf32, #tpu.memory_space<hbm>>) target(%arg31 : memref<1600xf32, #tpu.memory_space<vmem>>) target_semaphore(%arg40 : memref<!tpu.dma_semaphore, #tpu.memory_space<semaphore_mem>>)
        %dma_start3A_225 = tpu.memref_slice %arg6[%mul3A_216] : memref<488000xf32, #tpu.memory_space<hbm>> -> memref<1600xf32, #tpu.memory_space<hbm>>
        %dma_start3A_226 = tpu.memref_slice %arg6[%mul3A_216] : memref<488000xf32, #tpu.memory_space<hbm>> -> memref<1600xf32, #tpu.memory_space<hbm>>
        tpu.enqueue_dma source(%dma_start3A_226 : memref<1600xf32, #tpu.memory_space<hbm>>) target(%arg32 : memref<1600xf32, #tpu.memory_space<vmem>>) target_semaphore(%arg40 : memref<!tpu.dma_semaphore, #tpu.memory_space<semaphore_mem>>)
        %dma_start3A_227 = tpu.memref_slice %arg7[%mul3A_216] : memref<488000xf32, #tpu.memory_space<hbm>> -> memref<1600xf32, #tpu.memory_space<hbm>>
        %dma_start3A_228 = tpu.memref_slice %arg7[%mul3A_216] : memref<488000xf32, #tpu.memory_space<hbm>> -> memref<1600xf32, #tpu.memory_space<hbm>>
        tpu.enqueue_dma source(%dma_start3A_228 : memref<1600xf32, #tpu.memory_space<hbm>>) target(%arg33 : memref<1600xf32, #tpu.memory_space<vmem>>) target_semaphore(%arg40 : memref<!tpu.dma_semaphore, #tpu.memory_space<semaphore_mem>>)
        %dma_start3A_229 = tpu.memref_slice %arg8[%mul3A_216] : memref<488000xf32, #tpu.memory_space<hbm>> -> memref<1600xf32, #tpu.memory_space<hbm>>
        %dma_start3A_230 = tpu.memref_slice %arg8[%mul3A_216] : memref<488000xf32, #tpu.memory_space<hbm>> -> memref<1600xf32, #tpu.memory_space<hbm>>
        tpu.enqueue_dma source(%dma_start3A_230 : memref<1600xf32, #tpu.memory_space<hbm>>) target(%arg34 : memref<1600xf32, #tpu.memory_space<vmem>>) target_semaphore(%arg40 : memref<!tpu.dma_semaphore, #tpu.memory_space<semaphore_mem>>)
      } else {
      }
    }
    %while3A_137 = arith.constant 1 : i32
    scf.for %while3A_152 = %while3A_135 to %while3A_131 step %while3A_137  : i32 {
      %mul3A_153 = arith.constant 2 : i32
      %mul3A_154 = arith.muli %mul3A_153, %while3A_152 : i32
      %mul3A_155 = arith.constant 2 : i32
      %mul3A_156 = arith.muli %mul3A_155, %while3A_152 : i32
      %add3A_157 = arith.constant 1 : i32
      %add3A_158 = arith.addi %mul3A_156, %add3A_157 : i32
      %lt3A = arith.cmpi slt, %add3A_158, %select_n3A : i32
      %convert_element_type3A_159 = arith.extui %lt3A : i1 to i32
      %cond3A_160 = arith.constant 0 : i32
      %cond3A_161 = arith.cmpi ne, %convert_element_type3A_159, %cond3A_160 : i32
      scf.if %cond3A_161 {
        %dma_wait3A_210 = arith.constant 0 : i32
        %dma_wait3A_211 = tpu.memref_slice %arg2[%dma_wait3A_210] : memref<488000xi32, #tpu.memory_space<hbm>> -> memref<1600xi32, #tpu.memory_space<hbm>>
        %dma_wait3A_212 = arith.constant 0 : i32
        %dma_wait3A_213 = tpu.memref_slice %arg2[%dma_wait3A_212] : memref<488000xi32, #tpu.memory_space<hbm>> -> memref<1600xi32, #tpu.memory_space<hbm>>
        tpu.wait_dma2 semaphore(%arg40 : memref<!tpu.dma_semaphore, #tpu.memory_space<semaphore_mem>>) src(%dma_wait3A_213 : memref<1600xi32, #tpu.memory_space<hbm>>) dst(%arg28 : memref<1600xi32, #tpu.memory_space<vmem>>)
        %dma_wait3A_214 = arith.constant 0 : i32
        %dma_wait3A_215 = tpu.memref_slice %arg3[%dma_wait3A_214] : memref<488000xi32, #tpu.memory_space<hbm>> -> memref<1600xi32, #tpu.memory_space<hbm>>
        %dma_wait3A_216 = arith.constant 0 : i32
        %dma_wait3A_217 = tpu.memref_slice %arg3[%dma_wait3A_216] : memref<488000xi32, #tpu.memory_space<hbm>> -> memref<1600xi32, #tpu.memory_space<hbm>>
        tpu.wait_dma2 semaphore(%arg40 : memref<!tpu.dma_semaphore, #tpu.memory_space<semaphore_mem>>) src(%dma_wait3A_217 : memref<1600xi32, #tpu.memory_space<hbm>>) dst(%arg29 : memref<1600xi32, #tpu.memory_space<vmem>>)
        %dma_wait3A_218 = arith.constant 0 : i32
        %dma_wait3A_219 = tpu.memref_slice %arg4[%dma_wait3A_218] : memref<488000xi32, #tpu.memory_space<hbm>> -> memref<1600xi32, #tpu.memory_space<hbm>>
        %dma_wait3A_220 = arith.constant 0 : i32
        %dma_wait3A_221 = tpu.memref_slice %arg4[%dma_wait3A_220] : memref<488000xi32, #tpu.memory_space<hbm>> -> memref<1600xi32, #tpu.memory_space<hbm>>
        tpu.wait_dma2 semaphore(%arg40 : memref<!tpu.dma_semaphore, #tpu.memory_space<semaphore_mem>>) src(%dma_wait3A_221 : memref<1600xi32, #tpu.memory_space<hbm>>) dst(%arg30 : memref<1600xi32, #tpu.memory_space<vmem>>)
        %dma_wait3A_222 = arith.constant 0 : i32
        %dma_wait3A_223 = tpu.memref_slice %arg5[%dma_wait3A_222] : memref<488000xf32, #tpu.memory_space<hbm>> -> memref<1600xf32, #tpu.memory_space<hbm>>
        %dma_wait3A_224 = arith.constant 0 : i32
        %dma_wait3A_225 = tpu.memref_slice %arg5[%dma_wait3A_224] : memref<488000xf32, #tpu.memory_space<hbm>> -> memref<1600xf32, #tpu.memory_space<hbm>>
        tpu.wait_dma2 semaphore(%arg40 : memref<!tpu.dma_semaphore, #tpu.memory_space<semaphore_mem>>) src(%dma_wait3A_225 : memref<1600xf32, #tpu.memory_space<hbm>>) dst(%arg31 : memref<1600xf32, #tpu.memory_space<vmem>>)
        %dma_wait3A_226 = arith.constant 0 : i32
        %dma_wait3A_227 = tpu.memref_slice %arg6[%dma_wait3A_226] : memref<488000xf32, #tpu.memory_space<hbm>> -> memref<1600xf32, #tpu.memory_space<hbm>>
        %dma_wait3A_228 = arith.constant 0 : i32
        %dma_wait3A_229 = tpu.memref_slice %arg6[%dma_wait3A_228] : memref<488000xf32, #tpu.memory_space<hbm>> -> memref<1600xf32, #tpu.memory_space<hbm>>
        tpu.wait_dma2 semaphore(%arg40 : memref<!tpu.dma_semaphore, #tpu.memory_space<semaphore_mem>>) src(%dma_wait3A_229 : memref<1600xf32, #tpu.memory_space<hbm>>) dst(%arg32 : memref<1600xf32, #tpu.memory_space<vmem>>)
        %dma_wait3A_230 = arith.constant 0 : i32
        %dma_wait3A_231 = tpu.memref_slice %arg7[%dma_wait3A_230] : memref<488000xf32, #tpu.memory_space<hbm>> -> memref<1600xf32, #tpu.memory_space<hbm>>
        %dma_wait3A_232 = arith.constant 0 : i32
        %dma_wait3A_233 = tpu.memref_slice %arg7[%dma_wait3A_232] : memref<488000xf32, #tpu.memory_space<hbm>> -> memref<1600xf32, #tpu.memory_space<hbm>>
        tpu.wait_dma2 semaphore(%arg40 : memref<!tpu.dma_semaphore, #tpu.memory_space<semaphore_mem>>) src(%dma_wait3A_233 : memref<1600xf32, #tpu.memory_space<hbm>>) dst(%arg33 : memref<1600xf32, #tpu.memory_space<vmem>>)
        %dma_wait3A_234 = arith.constant 0 : i32
        %dma_wait3A_235 = tpu.memref_slice %arg8[%dma_wait3A_234] : memref<488000xf32, #tpu.memory_space<hbm>> -> memref<1600xf32, #tpu.memory_space<hbm>>
        %dma_wait3A_236 = arith.constant 0 : i32
        %dma_wait3A_237 = tpu.memref_slice %arg8[%dma_wait3A_236] : memref<488000xf32, #tpu.memory_space<hbm>> -> memref<1600xf32, #tpu.memory_space<hbm>>
        tpu.wait_dma2 semaphore(%arg40 : memref<!tpu.dma_semaphore, #tpu.memory_space<semaphore_mem>>) src(%dma_wait3A_237 : memref<1600xf32, #tpu.memory_space<hbm>>) dst(%arg34 : memref<1600xf32, #tpu.memory_space<vmem>>)
        %dma_start3A_238 = arith.constant 0 : i32
        %dma_start3A_239 = arith.constant 0 : i32
        %dma_start3A_240 = tpu.memref_slice %arg11[%dma_start3A_238, %dma_start3A_239] : memref<100000x8xf32, #tpu.memory_space<hbm>> -> memref<100000x8xf32, #tpu.memory_space<hbm>>
        tpu.enqueue_indirect_dma source(%dma_start3A_240 : memref<100000x8xf32, #tpu.memory_space<hbm>>) target(%arg35 : memref<1600x8xf32, #tpu.memory_space<vmem>>) offsets(%arg30 : memref<1600xi32, #tpu.memory_space<vmem>>) semaphore(%arg42 : memref<!tpu.dma_semaphore, #tpu.memory_space<semaphore_mem>>)
      } else {
      }
      %gt3A = arith.constant 0 : i32
      %gt3A_162 = arith.cmpi sgt, %while3A_152, %gt3A : i32
      %convert_element_type3A_163 = arith.extui %gt3A_162 : i1 to i32
      %cond3A_164 = arith.constant 0 : i32
      %cond3A_165 = arith.cmpi ne, %convert_element_type3A_163, %cond3A_164 : i32
      scf.if %cond3A_165 {
        %dma_wait3A_210 = arith.constant 0 : i32
        %dma_wait3A_211 = tpu.memref_slice %arg12[%dma_wait3A_210] : memref<488000xf32, #tpu.memory_space<hbm>> -> memref<1600xf32, #tpu.memory_space<hbm>>
        %dma_wait3A_212 = arith.constant 0 : i32
        %dma_wait3A_213 = tpu.memref_slice %arg12[%dma_wait3A_212] : memref<488000xf32, #tpu.memory_space<hbm>> -> memref<1600xf32, #tpu.memory_space<hbm>>
        tpu.wait_dma2 semaphore(%arg43 : memref<!tpu.dma_semaphore, #tpu.memory_space<semaphore_mem>>) src(%arg25 : memref<1600xf32, #tpu.memory_space<vmem>>) dst(%dma_wait3A_213 : memref<1600xf32, #tpu.memory_space<hbm>>)
        %dma_wait3A_214 = arith.constant 0 : i32
        %dma_wait3A_215 = tpu.memref_slice %arg13[%dma_wait3A_214] : memref<488000xf32, #tpu.memory_space<hbm>> -> memref<1600xf32, #tpu.memory_space<hbm>>
        %dma_wait3A_216 = arith.constant 0 : i32
        %dma_wait3A_217 = tpu.memref_slice %arg13[%dma_wait3A_216] : memref<488000xf32, #tpu.memory_space<hbm>> -> memref<1600xf32, #tpu.memory_space<hbm>>
        tpu.wait_dma2 semaphore(%arg43 : memref<!tpu.dma_semaphore, #tpu.memory_space<semaphore_mem>>) src(%arg26 : memref<1600xf32, #tpu.memory_space<vmem>>) dst(%dma_wait3A_217 : memref<1600xf32, #tpu.memory_space<hbm>>)
        %dma_wait3A_218 = arith.constant 0 : i32
        %dma_wait3A_219 = tpu.memref_slice %arg14[%dma_wait3A_218] : memref<488000xf32, #tpu.memory_space<hbm>> -> memref<1600xf32, #tpu.memory_space<hbm>>
        %dma_wait3A_220 = arith.constant 0 : i32
        %dma_wait3A_221 = tpu.memref_slice %arg14[%dma_wait3A_220] : memref<488000xf32, #tpu.memory_space<hbm>> -> memref<1600xf32, #tpu.memory_space<hbm>>
        tpu.wait_dma2 semaphore(%arg43 : memref<!tpu.dma_semaphore, #tpu.memory_space<semaphore_mem>>) src(%arg27 : memref<1600xf32, #tpu.memory_space<vmem>>) dst(%dma_wait3A_221 : memref<1600xf32, #tpu.memory_space<hbm>>)
      } else {
      }
      %dma_wait3A_166 = arith.constant 0 : i32
      %dma_wait3A_167 = arith.constant 0 : i32
      %dma_wait3A_168 = tpu.memref_slice %arg11[%dma_wait3A_166, %dma_wait3A_167] : memref<100000x8xf32, #tpu.memory_space<hbm>> -> memref<1600x8xf32, #tpu.memory_space<hbm>>
      %dma_wait3A_169 = arith.constant 0 : i32
      %dma_wait3A_170 = arith.constant 0 : i32
      %dma_wait3A_171 = tpu.memref_slice %arg11[%dma_wait3A_169, %dma_wait3A_170] : memref<100000x8xf32, #tpu.memory_space<hbm>> -> memref<1600x8xf32, #tpu.memory_space<hbm>>
      tpu.wait_dma2 semaphore(%arg41 : memref<!tpu.dma_semaphore, #tpu.memory_space<semaphore_mem>>) src(%dma_wait3A_171 : memref<1600x8xf32, #tpu.memory_space<hbm>>) dst(%arg24 : memref<1600x8xf32, #tpu.memory_space<vmem>>)
      %scan3A = arith.constant 0 : i32
      %scan3A_172 = arith.constant 0 : i32
      %scan3A_173 = arith.constant 100 : i32
      %scan3A_174 = arith.addi %scan3A_172, %scan3A_173 : i32
      %scan3A_175 = arith.constant 1 : i32
      scf.for %scan3A_210 = %scan3A_172 to %scan3A_174 step %scan3A_175  : i32 {
        %mul3A_211 = arith.constant 16 : i32
        %mul3A_212 = arith.muli %scan3A_210, %mul3A_211 : i32
        %multiple_of3A = tpu.assume_multiple %mul3A_212, 16 : i32
        %mul3A_213 = arith.constant 16 : i32
        %mul3A_214 = arith.muli %scan3A_210, %mul3A_213 : i32
        %iota3A = tpu.iota {dimensions = array<i32: 0>} : vector<16xi32>
        %add3A_215 = vector.broadcast %mul3A_214 : i32 to vector<16xi32>
        %add3A_216 = arith.addi %add3A_215, %iota3A : vector<16xi32>
        %get3A = arith.index_cast %multiple_of3A : i32 to index
        %get3A_217 = tpu.vector_load %arg17[%get3A] {strides = array<i32>} : memref<1600xi32, #tpu.memory_space<vmem>>, vector<16xi32>,
        %get3A_218 = arith.index_cast %multiple_of3A : i32 to index
        %get3A_219 = tpu.vector_load %arg18[%get3A_218] {strides = array<i32>} : memref<1600xi32, #tpu.memory_space<vmem>>, vector<16xi32>,
        %gather3A = tpu.vector_load_idx %arg15[%broadcast_in_dim3A_1, %get3A_217] : memref<8x4096xf32, #tpu.memory_space<vmem>>[vector<16xi32>, vector<16xi32>], vector<16xf32>,
        %gather3A_220 = tpu.vector_load_idx %arg15[%broadcast_in_dim3A_3, %get3A_217] : memref<8x4096xf32, #tpu.memory_space<vmem>>[vector<16xi32>, vector<16xi32>], vector<16xf32>,
        %gather3A_221 = tpu.vector_load_idx %arg15[%broadcast_in_dim3A_5, %get3A_217] : memref<8x4096xf32, #tpu.memory_space<vmem>>[vector<16xi32>, vector<16xi32>], vector<16xf32>,
        %gather3A_222 = tpu.vector_load_idx %arg15[%broadcast_in_dim3A_7, %get3A_217] : memref<8x4096xf32, #tpu.memory_space<vmem>>[vector<16xi32>, vector<16xi32>], vector<16xf32>,
        %gather3A_223 = tpu.vector_load_idx %arg15[%broadcast_in_dim3A_9, %get3A_217] : memref<8x4096xf32, #tpu.memory_space<vmem>>[vector<16xi32>, vector<16xi32>], vector<16xf32>,
        %gather3A_224 = tpu.vector_load_idx %arg15[%broadcast_in_dim3A_11, %get3A_217] : memref<8x4096xf32, #tpu.memory_space<vmem>>[vector<16xi32>, vector<16xi32>], vector<16xf32>,
        %gather3A_225 = tpu.vector_load_idx %arg15[%broadcast_in_dim3A_13, %get3A_217] : memref<8x4096xf32, #tpu.memory_space<vmem>>[vector<16xi32>, vector<16xi32>], vector<16xf32>,
        %gather3A_226 = tpu.vector_load_idx %arg15[%broadcast_in_dim3A_15, %get3A_217] : memref<8x4096xf32, #tpu.memory_space<vmem>>[vector<16xi32>, vector<16xi32>], vector<16xf32>,
        %gather3A_227 = tpu.vector_load_idx %arg16[%broadcast_in_dim3A_1, %get3A_219] : memref<7x4096xf32, #tpu.memory_space<vmem>>[vector<16xi32>, vector<16xi32>], vector<16xf32>,
        %gather3A_228 = tpu.vector_load_idx %arg16[%broadcast_in_dim3A_3, %get3A_219] : memref<7x4096xf32, #tpu.memory_space<vmem>>[vector<16xi32>, vector<16xi32>], vector<16xf32>,
        %gather3A_229 = tpu.vector_load_idx %arg16[%broadcast_in_dim3A_5, %get3A_219] : memref<7x4096xf32, #tpu.memory_space<vmem>>[vector<16xi32>, vector<16xi32>], vector<16xf32>,
        %gather3A_230 = tpu.vector_load_idx %arg16[%broadcast_in_dim3A_7, %get3A_219] : memref<7x4096xf32, #tpu.memory_space<vmem>>[vector<16xi32>, vector<16xi32>], vector<16xf32>,
        %gather3A_231 = tpu.vector_load_idx %arg16[%broadcast_in_dim3A_9, %get3A_219] : memref<7x4096xf32, #tpu.memory_space<vmem>>[vector<16xi32>, vector<16xi32>], vector<16xf32>,
        %gather3A_232 = tpu.vector_load_idx %arg16[%broadcast_in_dim3A_11, %get3A_219] : memref<7x4096xf32, #tpu.memory_space<vmem>>[vector<16xi32>, vector<16xi32>], vector<16xf32>,
        %gather3A_233 = tpu.vector_load_idx %arg16[%broadcast_in_dim3A_13, %get3A_219] : memref<7x4096xf32, #tpu.memory_space<vmem>>[vector<16xi32>, vector<16xi32>], vector<16xf32>,
        %get3A_234 = arith.index_cast %multiple_of3A : i32 to index
        %get3A_235 = tpu.vector_load %arg20[%get3A_234] {strides = array<i32>} : memref<1600xf32, #tpu.memory_space<vmem>>, vector<16xf32>,
        %get3A_236 = arith.index_cast %multiple_of3A : i32 to index
        %get3A_237 = tpu.vector_load %arg21[%get3A_236] {strides = array<i32>} : memref<1600xf32, #tpu.memory_space<vmem>>, vector<16xf32>,
        %get3A_238 = arith.index_cast %multiple_of3A : i32 to index
        %get3A_239 = tpu.vector_load %arg22[%get3A_238] {strides = array<i32>} : memref<1600xf32, #tpu.memory_space<vmem>>, vector<16xf32>,
        %get3A_240 = arith.index_cast %multiple_of3A : i32 to index
        %get3A_241 = tpu.vector_load %arg23[%get3A_240] {strides = array<i32>} : memref<1600xf32, #tpu.memory_space<vmem>>, vector<16xf32>,
        %gather3A_242 = tpu.vector_load_idx %arg24[%add3A_216, %broadcast_in_dim3A_1] : memref<1600x8xf32, #tpu.memory_space<vmem>>[vector<16xi32>, vector<16xi32>], vector<16xf32>,
        %gather3A_243 = tpu.vector_load_idx %arg24[%add3A_216, %broadcast_in_dim3A_3] : memref<1600x8xf32, #tpu.memory_space<vmem>>[vector<16xi32>, vector<16xi32>], vector<16xf32>,
        %gather3A_244 = tpu.vector_load_idx %arg24[%add3A_216, %broadcast_in_dim3A_5] : memref<1600x8xf32, #tpu.memory_space<vmem>>[vector<16xi32>, vector<16xi32>], vector<16xf32>,
        %mul3A_245 = arith.mulf %get3A_241, %get3A_235 : vector<16xf32>
        %sub3A_246 = arith.subf %gather3A_231, %mul3A_245 : vector<16xf32>
        %mul3A_247 = arith.mulf %get3A_241, %get3A_237 : vector<16xf32>
        %sub3A_248 = arith.subf %gather3A_232, %mul3A_247 : vector<16xf32>
        %mul3A_249 = arith.mulf %get3A_241, %get3A_239 : vector<16xf32>
        %sub3A_250 = arith.subf %gather3A_233, %mul3A_249 : vector<16xf32>
        %mul3A_251 = arith.mulf %gather3A_228, %sub3A_250 : vector<16xf32>
        %mul3A_252 = arith.mulf %gather3A_229, %sub3A_248 : vector<16xf32>
        %sub3A_253 = arith.subf %mul3A_251, %mul3A_252 : vector<16xf32>
        %mul3A_254 = arith.constant -2.000000e+00 : f32
        %mul3A_255 = vector.broadcast %mul3A_254 : f32 to vector<16xf32>
        %mul3A_256 = arith.mulf %mul3A_255, %sub3A_253 : vector<16xf32>
        %mul3A_257 = arith.mulf %gather3A_229, %sub3A_246 : vector<16xf32>
        %mul3A_258 = arith.mulf %gather3A_227, %sub3A_250 : vector<16xf32>
        %sub3A_259 = arith.subf %mul3A_257, %mul3A_258 : vector<16xf32>
        %mul3A_260 = arith.constant -2.000000e+00 : f32
        %mul3A_261 = vector.broadcast %mul3A_260 : f32 to vector<16xf32>
        %mul3A_262 = arith.mulf %mul3A_261, %sub3A_259 : vector<16xf32>
        %mul3A_263 = arith.mulf %gather3A_227, %sub3A_248 : vector<16xf32>
        %mul3A_264 = arith.mulf %gather3A_228, %sub3A_246 : vector<16xf32>
        %sub3A_265 = arith.subf %mul3A_263, %mul3A_264 : vector<16xf32>
        %mul3A_266 = arith.constant -2.000000e+00 : f32
        %mul3A_267 = vector.broadcast %mul3A_266 : f32 to vector<16xf32>
        %mul3A_268 = arith.mulf %mul3A_267, %sub3A_265 : vector<16xf32>
        %mul3A_269 = arith.mulf %gather3A_230, %mul3A_256 : vector<16xf32>
        %add3A_270 = arith.addf %sub3A_246, %mul3A_269 : vector<16xf32>
        %mul3A_271 = arith.mulf %gather3A_228, %mul3A_268 : vector<16xf32>
        %mul3A_272 = arith.mulf %gather3A_229, %mul3A_262 : vector<16xf32>
        %sub3A_273 = arith.subf %mul3A_271, %mul3A_272 : vector<16xf32>
        %sub3A_274 = arith.subf %add3A_270, %sub3A_273 : vector<16xf32>
        %mul3A_275 = arith.mulf %gather3A_230, %mul3A_262 : vector<16xf32>
        %add3A_276 = arith.addf %sub3A_248, %mul3A_275 : vector<16xf32>
        %mul3A_277 = arith.mulf %gather3A_229, %mul3A_256 : vector<16xf32>
        %mul3A_278 = arith.mulf %gather3A_227, %mul3A_268 : vector<16xf32>
        %sub3A_279 = arith.subf %mul3A_277, %mul3A_278 : vector<16xf32>
        %sub3A_280 = arith.subf %add3A_276, %sub3A_279 : vector<16xf32>
        %mul3A_281 = arith.mulf %gather3A_230, %mul3A_268 : vector<16xf32>
        %add3A_282 = arith.addf %sub3A_250, %mul3A_281 : vector<16xf32>
        %mul3A_283 = arith.mulf %gather3A_227, %mul3A_262 : vector<16xf32>
        %mul3A_284 = arith.mulf %gather3A_228, %mul3A_256 : vector<16xf32>
        %sub3A_285 = arith.subf %mul3A_283, %mul3A_284 : vector<16xf32>
        %sub3A_286 = arith.subf %add3A_282, %sub3A_285 : vector<16xf32>
        %add3A_287 = arith.addf %sub3A_274, %gather3A_223 : vector<16xf32>
        %add3A_288 = arith.addf %sub3A_280, %gather3A_224 : vector<16xf32>
        %add3A_289 = arith.addf %sub3A_286, %gather3A_225 : vector<16xf32>
        %mul3A_290 = arith.mulf %gather3A_220, %add3A_289 : vector<16xf32>
        %mul3A_291 = arith.mulf %gather3A_221, %add3A_288 : vector<16xf32>
        %sub3A_292 = arith.subf %mul3A_290, %mul3A_291 : vector<16xf32>
        %mul3A_293 = arith.constant -2.000000e+00 : f32
        %mul3A_294 = vector.broadcast %mul3A_293 : f32 to vector<16xf32>
        %mul3A_295 = arith.mulf %mul3A_294, %sub3A_292 : vector<16xf32>
        %mul3A_296 = arith.mulf %gather3A_221, %add3A_287 : vector<16xf32>
        %mul3A_297 = arith.mulf %gather3A, %add3A_289 : vector<16xf32>
        %sub3A_298 = arith.subf %mul3A_296, %mul3A_297 : vector<16xf32>
        %mul3A_299 = arith.constant -2.000000e+00 : f32
        %mul3A_300 = vector.broadcast %mul3A_299 : f32 to vector<16xf32>
        %mul3A_301 = arith.mulf %mul3A_300, %sub3A_298 : vector<16xf32>
        %mul3A_302 = arith.mulf %gather3A, %add3A_288 : vector<16xf32>
        %mul3A_303 = arith.mulf %gather3A_220, %add3A_287 : vector<16xf32>
        %sub3A_304 = arith.subf %mul3A_302, %mul3A_303 : vector<16xf32>
        %mul3A_305 = arith.constant -2.000000e+00 : f32
        %mul3A_306 = vector.broadcast %mul3A_305 : f32 to vector<16xf32>
        %mul3A_307 = arith.mulf %mul3A_306, %sub3A_304 : vector<16xf32>
        %mul3A_308 = arith.mulf %gather3A_222, %mul3A_295 : vector<16xf32>
        %add3A_309 = arith.addf %add3A_287, %mul3A_308 : vector<16xf32>
        %mul3A_310 = arith.mulf %gather3A_220, %mul3A_307 : vector<16xf32>
        %mul3A_311 = arith.mulf %gather3A_221, %mul3A_301 : vector<16xf32>
        %sub3A_312 = arith.subf %mul3A_310, %mul3A_311 : vector<16xf32>
        %sub3A_313 = arith.subf %add3A_309, %sub3A_312 : vector<16xf32>
        %mul3A_314 = arith.mulf %gather3A_222, %mul3A_301 : vector<16xf32>
        %add3A_315 = arith.addf %add3A_288, %mul3A_314 : vector<16xf32>
        %mul3A_316 = arith.mulf %gather3A_221, %mul3A_295 : vector<16xf32>
        %mul3A_317 = arith.mulf %gather3A, %mul3A_307 : vector<16xf32>
        %sub3A_318 = arith.subf %mul3A_316, %mul3A_317 : vector<16xf32>
        %sub3A_319 = arith.subf %add3A_315, %sub3A_318 : vector<16xf32>
        %mul3A_320 = arith.mulf %gather3A_222, %mul3A_307 : vector<16xf32>
        %add3A_321 = arith.addf %add3A_289, %mul3A_320 : vector<16xf32>
        %mul3A_322 = arith.mulf %gather3A, %mul3A_301 : vector<16xf32>
        %mul3A_323 = arith.mulf %gather3A_220, %mul3A_295 : vector<16xf32>
        %sub3A_324 = arith.subf %mul3A_322, %mul3A_323 : vector<16xf32>
        %sub3A_325 = arith.subf %add3A_321, %sub3A_324 : vector<16xf32>
        %add3A_326 = arith.addf %gather3A_242, %sub3A_313 : vector<16xf32>
        %mul3A_327 = arith.mulf %gather3A_226, %add3A_326 : vector<16xf32>
        %swap3A = arith.index_cast %multiple_of3A : i32 to index
        %swap3A_328 = tpu.vector_load %arg25[%swap3A] {strides = array<i32>} : memref<1600xf32, #tpu.memory_space<vmem>>, vector<16xf32>,
        tpu.vector_store %arg25[%swap3A], %mul3A_327 {strides = array<i32>} : memref<1600xf32, #tpu.memory_space<vmem>>, vector<16xf32>,
        %add3A_329 = arith.addf %gather3A_243, %sub3A_319 : vector<16xf32>
        %mul3A_330 = arith.mulf %gather3A_226, %add3A_329 : vector<16xf32>
        %swap3A_331 = arith.index_cast %multiple_of3A : i32 to index
        %swap3A_332 = tpu.vector_load %arg26[%swap3A_331] {strides = array<i32>} : memref<1600xf32, #tpu.memory_space<vmem>>, vector<16xf32>,
        tpu.vector_store %arg26[%swap3A_331], %mul3A_330 {strides = array<i32>} : memref<1600xf32, #tpu.memory_space<vmem>>, vector<16xf32>,
        %add3A_333 = arith.addf %gather3A_244, %sub3A_325 : vector<16xf32>
        %mul3A_334 = arith.mulf %gather3A_226, %add3A_333 : vector<16xf32>
        %swap3A_335 = arith.index_cast %multiple_of3A : i32 to index
        %swap3A_336 = tpu.vector_load %arg27[%swap3A_335] {strides = array<i32>} : memref<1600xf32, #tpu.memory_space<vmem>>, vector<16xf32>,
        tpu.vector_store %arg27[%swap3A_335], %mul3A_334 {strides = array<i32>} : memref<1600xf32, #tpu.memory_space<vmem>>, vector<16xf32>,
      }
      %scan3A_176 = arith.constant 100 : i32
      %mul3A_177 = arith.constant 32 : i32
      %mul3A_178 = arith.muli %mul3A_154, %mul3A_177 : i32
      %add3A_179 = arith.addi %add3A, %mul3A_178 : i32
      %mul3A_180 = arith.constant 1600 : i32
      %mul3A_181 = arith.muli %add3A_179, %mul3A_180 : i32
      %dma_start3A_182 = tpu.memref_slice %arg12[%mul3A_181] : memref<488000xf32, #tpu.memory_space<hbm>> -> memref<1600xf32, #tpu.memory_space<hbm>>
      %dma_start3A_183 = tpu.memref_slice %arg12[%mul3A_181] : memref<488000xf32, #tpu.memory_space<hbm>> -> memref<1600xf32, #tpu.memory_space<hbm>>
      tpu.enqueue_dma source(%arg25 : memref<1600xf32, #tpu.memory_space<vmem>>) target(%dma_start3A_183 : memref<1600xf32, #tpu.memory_space<hbm>>) target_semaphore(%arg43 : memref<!tpu.dma_semaphore, #tpu.memory_space<semaphore_mem>>)
      %dma_start3A_184 = tpu.memref_slice %arg13[%mul3A_181] : memref<488000xf32, #tpu.memory_space<hbm>> -> memref<1600xf32, #tpu.memory_space<hbm>>
      %dma_start3A_185 = tpu.memref_slice %arg13[%mul3A_181] : memref<488000xf32, #tpu.memory_space<hbm>> -> memref<1600xf32, #tpu.memory_space<hbm>>
      tpu.enqueue_dma source(%arg26 : memref<1600xf32, #tpu.memory_space<vmem>>) target(%dma_start3A_185 : memref<1600xf32, #tpu.memory_space<hbm>>) target_semaphore(%arg43 : memref<!tpu.dma_semaphore, #tpu.memory_space<semaphore_mem>>)
      %dma_start3A_186 = tpu.memref_slice %arg14[%mul3A_181] : memref<488000xf32, #tpu.memory_space<hbm>> -> memref<1600xf32, #tpu.memory_space<hbm>>
      %dma_start3A_187 = tpu.memref_slice %arg14[%mul3A_181] : memref<488000xf32, #tpu.memory_space<hbm>> -> memref<1600xf32, #tpu.memory_space<hbm>>
      tpu.enqueue_dma source(%arg27 : memref<1600xf32, #tpu.memory_space<vmem>>) target(%dma_start3A_187 : memref<1600xf32, #tpu.memory_space<hbm>>) target_semaphore(%arg43 : memref<!tpu.dma_semaphore, #tpu.memory_space<semaphore_mem>>)
      %add3A_188 = arith.constant 2 : i32
      %add3A_189 = arith.addi %mul3A_154, %add3A_188 : i32
      %lt3A_190 = arith.cmpi slt, %add3A_189, %select_n3A : i32
      %convert_element_type3A_191 = arith.extui %lt3A_190 : i1 to i32
      %cond3A_192 = arith.constant 0 : i32
      %cond3A_193 = arith.cmpi ne, %convert_element_type3A_191, %cond3A_192 : i32
      scf.if %cond3A_193 {
        %add3A_210 = arith.constant 2 : i32
        %add3A_211 = arith.addi %mul3A_154, %add3A_210 : i32
        %mul3A_212 = arith.constant 32 : i32
        %mul3A_213 = arith.muli %add3A_211, %mul3A_212 : i32
        %add3A_214 = arith.addi %add3A, %mul3A_213 : i32
        %mul3A_215 = arith.constant 1600 : i32
        %mul3A_216 = arith.muli %add3A_214, %mul3A_215 : i32
        %dma_start3A_217 = tpu.memref_slice %arg2[%mul3A_216] : memref<488000xi32, #tpu.memory_space<hbm>> -> memref<1600xi32, #tpu.memory_space<hbm>>
        %dma_start3A_218 = tpu.memref_slice %arg2[%mul3A_216] : memref<488000xi32, #tpu.memory_space<hbm>> -> memref<1600xi32, #tpu.memory_space<hbm>>
        tpu.enqueue_dma source(%dma_start3A_218 : memref<1600xi32, #tpu.memory_space<hbm>>) target(%arg17 : memref<1600xi32, #tpu.memory_space<vmem>>) target_semaphore(%arg39 : memref<!tpu.dma_semaphore, #tpu.memory_space<semaphore_mem>>)
        %dma_start3A_219 = tpu.memref_slice %arg3[%mul3A_216] : memref<488000xi32, #tpu.memory_space<hbm>> -> memref<1600xi32, #tpu.memory_space<hbm>>
        %dma_start3A_220 = tpu.memref_slice %arg3[%mul3A_216] : memref<488000xi32, #tpu.memory_space<hbm>> -> memref<1600xi32, #tpu.memory_space<hbm>>
        tpu.enqueue_dma source(%dma_start3A_220 : memref<1600xi32, #tpu.memory_space<hbm>>) target(%arg18 : memref<1600xi32, #tpu.memory_space<vmem>>) target_semaphore(%arg39 : memref<!tpu.dma_semaphore, #tpu.memory_space<semaphore_mem>>)
        %dma_start3A_221 = tpu.memref_slice %arg4[%mul3A_216] : memref<488000xi32, #tpu.memory_space<hbm>> -> memref<1600xi32, #tpu.memory_space<hbm>>
        %dma_start3A_222 = tpu.memref_slice %arg4[%mul3A_216] : memref<488000xi32, #tpu.memory_space<hbm>> -> memref<1600xi32, #tpu.memory_space<hbm>>
        tpu.enqueue_dma source(%dma_start3A_222 : memref<1600xi32, #tpu.memory_space<hbm>>) target(%arg19 : memref<1600xi32, #tpu.memory_space<vmem>>) target_semaphore(%arg39 : memref<!tpu.dma_semaphore, #tpu.memory_space<semaphore_mem>>)
        %dma_start3A_223 = tpu.memref_slice %arg5[%mul3A_216] : memref<488000xf32, #tpu.memory_space<hbm>> -> memref<1600xf32, #tpu.memory_space<hbm>>
        %dma_start3A_224 = tpu.memref_slice %arg5[%mul3A_216] : memref<488000xf32, #tpu.memory_space<hbm>> -> memref<1600xf32, #tpu.memory_space<hbm>>
        tpu.enqueue_dma source(%dma_start3A_224 : memref<1600xf32, #tpu.memory_space<hbm>>) target(%arg20 : memref<1600xf32, #tpu.memory_space<vmem>>) target_semaphore(%arg39 : memref<!tpu.dma_semaphore, #tpu.memory_space<semaphore_mem>>)
        %dma_start3A_225 = tpu.memref_slice %arg6[%mul3A_216] : memref<488000xf32, #tpu.memory_space<hbm>> -> memref<1600xf32, #tpu.memory_space<hbm>>
        %dma_start3A_226 = tpu.memref_slice %arg6[%mul3A_216] : memref<488000xf32, #tpu.memory_space<hbm>> -> memref<1600xf32, #tpu.memory_space<hbm>>
        tpu.enqueue_dma source(%dma_start3A_226 : memref<1600xf32, #tpu.memory_space<hbm>>) target(%arg21 : memref<1600xf32, #tpu.memory_space<vmem>>) target_semaphore(%arg39 : memref<!tpu.dma_semaphore, #tpu.memory_space<semaphore_mem>>)
        %dma_start3A_227 = tpu.memref_slice %arg7[%mul3A_216] : memref<488000xf32, #tpu.memory_space<hbm>> -> memref<1600xf32, #tpu.memory_space<hbm>>
        %dma_start3A_228 = tpu.memref_slice %arg7[%mul3A_216] : memref<488000xf32, #tpu.memory_space<hbm>> -> memref<1600xf32, #tpu.memory_space<hbm>>
        tpu.enqueue_dma source(%dma_start3A_228 : memref<1600xf32, #tpu.memory_space<hbm>>) target(%arg22 : memref<1600xf32, #tpu.memory_space<vmem>>) target_semaphore(%arg39 : memref<!tpu.dma_semaphore, #tpu.memory_space<semaphore_mem>>)
        %dma_start3A_229 = tpu.memref_slice %arg8[%mul3A_216] : memref<488000xf32, #tpu.memory_space<hbm>> -> memref<1600xf32, #tpu.memory_space<hbm>>
        %dma_start3A_230 = tpu.memref_slice %arg8[%mul3A_216] : memref<488000xf32, #tpu.memory_space<hbm>> -> memref<1600xf32, #tpu.memory_space<hbm>>
        tpu.enqueue_dma source(%dma_start3A_230 : memref<1600xf32, #tpu.memory_space<hbm>>) target(%arg23 : memref<1600xf32, #tpu.memory_space<vmem>>) target_semaphore(%arg39 : memref<!tpu.dma_semaphore, #tpu.memory_space<semaphore_mem>>)
      } else {
      }
      %lt3A_194 = arith.cmpi slt, %add3A_158, %select_n3A : i32
      %convert_element_type3A_195 = arith.extui %lt3A_194 : i1 to i32
      %cond3A_196 = arith.constant 0 : i32
      %cond3A_197 = arith.cmpi ne, %convert_element_type3A_195, %cond3A_196 : i32
      scf.if %cond3A_197 {
        %gt3A_210 = arith.constant 0 : i32
        %gt3A_211 = arith.cmpi sgt, %while3A_152, %gt3A_210 : i32
        %convert_element_type3A_212 = arith.extui %gt3A_211 : i1 to i32
        %cond3A_213 = arith.constant 0 : i32
        %cond3A_214 = arith.cmpi ne, %convert_element_type3A_212, %cond3A_213 : i32
        scf.if %cond3A_214 {
          %dma_wait3A_238 = arith.constant 0 : i32
          %dma_wait3A_239 = tpu.memref_slice %arg12[%dma_wait3A_238] : memref<488000xf32, #tpu.memory_space<hbm>> -> memref<1600xf32, #tpu.memory_space<hbm>>
          %dma_wait3A_240 = arith.constant 0 : i32
          %dma_wait3A_241 = tpu.memref_slice %arg12[%dma_wait3A_240] : memref<488000xf32, #tpu.memory_space<hbm>> -> memref<1600xf32, #tpu.memory_space<hbm>>
          tpu.wait_dma2 semaphore(%arg44 : memref<!tpu.dma_semaphore, #tpu.memory_space<semaphore_mem>>) src(%arg36 : memref<1600xf32, #tpu.memory_space<vmem>>) dst(%dma_wait3A_241 : memref<1600xf32, #tpu.memory_space<hbm>>)
          %dma_wait3A_242 = arith.constant 0 : i32
          %dma_wait3A_243 = tpu.memref_slice %arg13[%dma_wait3A_242] : memref<488000xf32, #tpu.memory_space<hbm>> -> memref<1600xf32, #tpu.memory_space<hbm>>
          %dma_wait3A_244 = arith.constant 0 : i32
          %dma_wait3A_245 = tpu.memref_slice %arg13[%dma_wait3A_244] : memref<488000xf32, #tpu.memory_space<hbm>> -> memref<1600xf32, #tpu.memory_space<hbm>>
          tpu.wait_dma2 semaphore(%arg44 : memref<!tpu.dma_semaphore, #tpu.memory_space<semaphore_mem>>) src(%arg37 : memref<1600xf32, #tpu.memory_space<vmem>>) dst(%dma_wait3A_245 : memref<1600xf32, #tpu.memory_space<hbm>>)
          %dma_wait3A_246 = arith.constant 0 : i32
          %dma_wait3A_247 = tpu.memref_slice %arg14[%dma_wait3A_246] : memref<488000xf32, #tpu.memory_space<hbm>> -> memref<1600xf32, #tpu.memory_space<hbm>>
          %dma_wait3A_248 = arith.constant 0 : i32
          %dma_wait3A_249 = tpu.memref_slice %arg14[%dma_wait3A_248] : memref<488000xf32, #tpu.memory_space<hbm>> -> memref<1600xf32, #tpu.memory_space<hbm>>
          tpu.wait_dma2 semaphore(%arg44 : memref<!tpu.dma_semaphore, #tpu.memory_space<semaphore_mem>>) src(%arg38 : memref<1600xf32, #tpu.memory_space<vmem>>) dst(%dma_wait3A_249 : memref<1600xf32, #tpu.memory_space<hbm>>)
        } else {
        }
        %dma_wait3A_215 = arith.constant 0 : i32
        %dma_wait3A_216 = arith.constant 0 : i32
        %dma_wait3A_217 = tpu.memref_slice %arg11[%dma_wait3A_215, %dma_wait3A_216] : memref<100000x8xf32, #tpu.memory_space<hbm>> -> memref<1600x8xf32, #tpu.memory_space<hbm>>
        %dma_wait3A_218 = arith.constant 0 : i32
        %dma_wait3A_219 = arith.constant 0 : i32
        %dma_wait3A_220 = tpu.memref_slice %arg11[%dma_wait3A_218, %dma_wait3A_219] : memref<100000x8xf32, #tpu.memory_space<hbm>> -> memref<1600x8xf32, #tpu.memory_space<hbm>>
        tpu.wait_dma2 semaphore(%arg42 : memref<!tpu.dma_semaphore, #tpu.memory_space<semaphore_mem>>) src(%dma_wait3A_220 : memref<1600x8xf32, #tpu.memory_space<hbm>>) dst(%arg35 : memref<1600x8xf32, #tpu.memory_space<vmem>>)
        %scan3A_221 = arith.constant 0 : i32
        %scan3A_222 = arith.constant 0 : i32
        %scan3A_223 = arith.constant 100 : i32
        %scan3A_224 = arith.addi %scan3A_222, %scan3A_223 : i32
        %scan3A_225 = arith.constant 1 : i32
        scf.for %scan3A_238 = %scan3A_222 to %scan3A_224 step %scan3A_225  : i32 {
          %mul3A_239 = arith.constant 16 : i32
          %mul3A_240 = arith.muli %scan3A_238, %mul3A_239 : i32
          %multiple_of3A = tpu.assume_multiple %mul3A_240, 16 : i32
          %mul3A_241 = arith.constant 16 : i32
          %mul3A_242 = arith.muli %scan3A_238, %mul3A_241 : i32
          %iota3A = tpu.iota {dimensions = array<i32: 0>} : vector<16xi32>
          %add3A_243 = vector.broadcast %mul3A_242 : i32 to vector<16xi32>
          %add3A_244 = arith.addi %add3A_243, %iota3A : vector<16xi32>
          %get3A = arith.index_cast %multiple_of3A : i32 to index
          %get3A_245 = tpu.vector_load %arg28[%get3A] {strides = array<i32>} : memref<1600xi32, #tpu.memory_space<vmem>>, vector<16xi32>,
          %get3A_246 = arith.index_cast %multiple_of3A : i32 to index
          %get3A_247 = tpu.vector_load %arg29[%get3A_246] {strides = array<i32>} : memref<1600xi32, #tpu.memory_space<vmem>>, vector<16xi32>,
          %gather3A = tpu.vector_load_idx %arg15[%broadcast_in_dim3A_1, %get3A_245] : memref<8x4096xf32, #tpu.memory_space<vmem>>[vector<16xi32>, vector<16xi32>], vector<16xf32>,
          %gather3A_248 = tpu.vector_load_idx %arg15[%broadcast_in_dim3A_3, %get3A_245] : memref<8x4096xf32, #tpu.memory_space<vmem>>[vector<16xi32>, vector<16xi32>], vector<16xf32>,
          %gather3A_249 = tpu.vector_load_idx %arg15[%broadcast_in_dim3A_5, %get3A_245] : memref<8x4096xf32, #tpu.memory_space<vmem>>[vector<16xi32>, vector<16xi32>], vector<16xf32>,
          %gather3A_250 = tpu.vector_load_idx %arg15[%broadcast_in_dim3A_7, %get3A_245] : memref<8x4096xf32, #tpu.memory_space<vmem>>[vector<16xi32>, vector<16xi32>], vector<16xf32>,
          %gather3A_251 = tpu.vector_load_idx %arg15[%broadcast_in_dim3A_9, %get3A_245] : memref<8x4096xf32, #tpu.memory_space<vmem>>[vector<16xi32>, vector<16xi32>], vector<16xf32>,
          %gather3A_252 = tpu.vector_load_idx %arg15[%broadcast_in_dim3A_11, %get3A_245] : memref<8x4096xf32, #tpu.memory_space<vmem>>[vector<16xi32>, vector<16xi32>], vector<16xf32>,
          %gather3A_253 = tpu.vector_load_idx %arg15[%broadcast_in_dim3A_13, %get3A_245] : memref<8x4096xf32, #tpu.memory_space<vmem>>[vector<16xi32>, vector<16xi32>], vector<16xf32>,
          %gather3A_254 = tpu.vector_load_idx %arg15[%broadcast_in_dim3A_15, %get3A_245] : memref<8x4096xf32, #tpu.memory_space<vmem>>[vector<16xi32>, vector<16xi32>], vector<16xf32>,
          %gather3A_255 = tpu.vector_load_idx %arg16[%broadcast_in_dim3A_1, %get3A_247] : memref<7x4096xf32, #tpu.memory_space<vmem>>[vector<16xi32>, vector<16xi32>], vector<16xf32>,
          %gather3A_256 = tpu.vector_load_idx %arg16[%broadcast_in_dim3A_3, %get3A_247] : memref<7x4096xf32, #tpu.memory_space<vmem>>[vector<16xi32>, vector<16xi32>], vector<16xf32>,
          %gather3A_257 = tpu.vector_load_idx %arg16[%broadcast_in_dim3A_5, %get3A_247] : memref<7x4096xf32, #tpu.memory_space<vmem>>[vector<16xi32>, vector<16xi32>], vector<16xf32>,
          %gather3A_258 = tpu.vector_load_idx %arg16[%broadcast_in_dim3A_7, %get3A_247] : memref<7x4096xf32, #tpu.memory_space<vmem>>[vector<16xi32>, vector<16xi32>], vector<16xf32>,
          %gather3A_259 = tpu.vector_load_idx %arg16[%broadcast_in_dim3A_9, %get3A_247] : memref<7x4096xf32, #tpu.memory_space<vmem>>[vector<16xi32>, vector<16xi32>], vector<16xf32>,
          %gather3A_260 = tpu.vector_load_idx %arg16[%broadcast_in_dim3A_11, %get3A_247] : memref<7x4096xf32, #tpu.memory_space<vmem>>[vector<16xi32>, vector<16xi32>], vector<16xf32>,
          %gather3A_261 = tpu.vector_load_idx %arg16[%broadcast_in_dim3A_13, %get3A_247] : memref<7x4096xf32, #tpu.memory_space<vmem>>[vector<16xi32>, vector<16xi32>], vector<16xf32>,
          %get3A_262 = arith.index_cast %multiple_of3A : i32 to index
          %get3A_263 = tpu.vector_load %arg31[%get3A_262] {strides = array<i32>} : memref<1600xf32, #tpu.memory_space<vmem>>, vector<16xf32>,
          %get3A_264 = arith.index_cast %multiple_of3A : i32 to index
          %get3A_265 = tpu.vector_load %arg32[%get3A_264] {strides = array<i32>} : memref<1600xf32, #tpu.memory_space<vmem>>, vector<16xf32>,
          %get3A_266 = arith.index_cast %multiple_of3A : i32 to index
          %get3A_267 = tpu.vector_load %arg33[%get3A_266] {strides = array<i32>} : memref<1600xf32, #tpu.memory_space<vmem>>, vector<16xf32>,
          %get3A_268 = arith.index_cast %multiple_of3A : i32 to index
          %get3A_269 = tpu.vector_load %arg34[%get3A_268] {strides = array<i32>} : memref<1600xf32, #tpu.memory_space<vmem>>, vector<16xf32>,
          %gather3A_270 = tpu.vector_load_idx %arg35[%add3A_244, %broadcast_in_dim3A_1] : memref<1600x8xf32, #tpu.memory_space<vmem>>[vector<16xi32>, vector<16xi32>], vector<16xf32>,
          %gather3A_271 = tpu.vector_load_idx %arg35[%add3A_244, %broadcast_in_dim3A_3] : memref<1600x8xf32, #tpu.memory_space<vmem>>[vector<16xi32>, vector<16xi32>], vector<16xf32>,
          %gather3A_272 = tpu.vector_load_idx %arg35[%add3A_244, %broadcast_in_dim3A_5] : memref<1600x8xf32, #tpu.memory_space<vmem>>[vector<16xi32>, vector<16xi32>], vector<16xf32>,
          %mul3A_273 = arith.mulf %get3A_269, %get3A_263 : vector<16xf32>
          %sub3A_274 = arith.subf %gather3A_259, %mul3A_273 : vector<16xf32>
          %mul3A_275 = arith.mulf %get3A_269, %get3A_265 : vector<16xf32>
          %sub3A_276 = arith.subf %gather3A_260, %mul3A_275 : vector<16xf32>
          %mul3A_277 = arith.mulf %get3A_269, %get3A_267 : vector<16xf32>
          %sub3A_278 = arith.subf %gather3A_261, %mul3A_277 : vector<16xf32>
          %mul3A_279 = arith.mulf %gather3A_256, %sub3A_278 : vector<16xf32>
          %mul3A_280 = arith.mulf %gather3A_257, %sub3A_276 : vector<16xf32>
          %sub3A_281 = arith.subf %mul3A_279, %mul3A_280 : vector<16xf32>
          %mul3A_282 = arith.constant -2.000000e+00 : f32
          %mul3A_283 = vector.broadcast %mul3A_282 : f32 to vector<16xf32>
          %mul3A_284 = arith.mulf %mul3A_283, %sub3A_281 : vector<16xf32>
          %mul3A_285 = arith.mulf %gather3A_257, %sub3A_274 : vector<16xf32>
          %mul3A_286 = arith.mulf %gather3A_255, %sub3A_278 : vector<16xf32>
          %sub3A_287 = arith.subf %mul3A_285, %mul3A_286 : vector<16xf32>
          %mul3A_288 = arith.constant -2.000000e+00 : f32
          %mul3A_289 = vector.broadcast %mul3A_288 : f32 to vector<16xf32>
          %mul3A_290 = arith.mulf %mul3A_289, %sub3A_287 : vector<16xf32>
          %mul3A_291 = arith.mulf %gather3A_255, %sub3A_276 : vector<16xf32>
          %mul3A_292 = arith.mulf %gather3A_256, %sub3A_274 : vector<16xf32>
          %sub3A_293 = arith.subf %mul3A_291, %mul3A_292 : vector<16xf32>
          %mul3A_294 = arith.constant -2.000000e+00 : f32
          %mul3A_295 = vector.broadcast %mul3A_294 : f32 to vector<16xf32>
          %mul3A_296 = arith.mulf %mul3A_295, %sub3A_293 : vector<16xf32>
          %mul3A_297 = arith.mulf %gather3A_258, %mul3A_284 : vector<16xf32>
          %add3A_298 = arith.addf %sub3A_274, %mul3A_297 : vector<16xf32>
          %mul3A_299 = arith.mulf %gather3A_256, %mul3A_296 : vector<16xf32>
          %mul3A_300 = arith.mulf %gather3A_257, %mul3A_290 : vector<16xf32>
          %sub3A_301 = arith.subf %mul3A_299, %mul3A_300 : vector<16xf32>
          %sub3A_302 = arith.subf %add3A_298, %sub3A_301 : vector<16xf32>
          %mul3A_303 = arith.mulf %gather3A_258, %mul3A_290 : vector<16xf32>
          %add3A_304 = arith.addf %sub3A_276, %mul3A_303 : vector<16xf32>
          %mul3A_305 = arith.mulf %gather3A_257, %mul3A_284 : vector<16xf32>
          %mul3A_306 = arith.mulf %gather3A_255, %mul3A_296 : vector<16xf32>
          %sub3A_307 = arith.subf %mul3A_305, %mul3A_306 : vector<16xf32>
          %sub3A_308 = arith.subf %add3A_304, %sub3A_307 : vector<16xf32>
          %mul3A_309 = arith.mulf %gather3A_258, %mul3A_296 : vector<16xf32>
          %add3A_310 = arith.addf %sub3A_278, %mul3A_309 : vector<16xf32>
          %mul3A_311 = arith.mulf %gather3A_255, %mul3A_290 : vector<16xf32>
          %mul3A_312 = arith.mulf %gather3A_256, %mul3A_284 : vector<16xf32>
          %sub3A_313 = arith.subf %mul3A_311, %mul3A_312 : vector<16xf32>
          %sub3A_314 = arith.subf %add3A_310, %sub3A_313 : vector<16xf32>
          %add3A_315 = arith.addf %sub3A_302, %gather3A_251 : vector<16xf32>
          %add3A_316 = arith.addf %sub3A_308, %gather3A_252 : vector<16xf32>
          %add3A_317 = arith.addf %sub3A_314, %gather3A_253 : vector<16xf32>
          %mul3A_318 = arith.mulf %gather3A_248, %add3A_317 : vector<16xf32>
          %mul3A_319 = arith.mulf %gather3A_249, %add3A_316 : vector<16xf32>
          %sub3A_320 = arith.subf %mul3A_318, %mul3A_319 : vector<16xf32>
          %mul3A_321 = arith.constant -2.000000e+00 : f32
          %mul3A_322 = vector.broadcast %mul3A_321 : f32 to vector<16xf32>
          %mul3A_323 = arith.mulf %mul3A_322, %sub3A_320 : vector<16xf32>
          %mul3A_324 = arith.mulf %gather3A_249, %add3A_315 : vector<16xf32>
          %mul3A_325 = arith.mulf %gather3A, %add3A_317 : vector<16xf32>
          %sub3A_326 = arith.subf %mul3A_324, %mul3A_325 : vector<16xf32>
          %mul3A_327 = arith.constant -2.000000e+00 : f32
          %mul3A_328 = vector.broadcast %mul3A_327 : f32 to vector<16xf32>
          %mul3A_329 = arith.mulf %mul3A_328, %sub3A_326 : vector<16xf32>
          %mul3A_330 = arith.mulf %gather3A, %add3A_316 : vector<16xf32>
          %mul3A_331 = arith.mulf %gather3A_248, %add3A_315 : vector<16xf32>
          %sub3A_332 = arith.subf %mul3A_330, %mul3A_331 : vector<16xf32>
          %mul3A_333 = arith.constant -2.000000e+00 : f32
          %mul3A_334 = vector.broadcast %mul3A_333 : f32 to vector<16xf32>
          %mul3A_335 = arith.mulf %mul3A_334, %sub3A_332 : vector<16xf32>
          %mul3A_336 = arith.mulf %gather3A_250, %mul3A_323 : vector<16xf32>
          %add3A_337 = arith.addf %add3A_315, %mul3A_336 : vector<16xf32>
          %mul3A_338 = arith.mulf %gather3A_248, %mul3A_335 : vector<16xf32>
          %mul3A_339 = arith.mulf %gather3A_249, %mul3A_329 : vector<16xf32>
          %sub3A_340 = arith.subf %mul3A_338, %mul3A_339 : vector<16xf32>
          %sub3A_341 = arith.subf %add3A_337, %sub3A_340 : vector<16xf32>
          %mul3A_342 = arith.mulf %gather3A_250, %mul3A_329 : vector<16xf32>
          %add3A_343 = arith.addf %add3A_316, %mul3A_342 : vector<16xf32>
          %mul3A_344 = arith.mulf %gather3A_249, %mul3A_323 : vector<16xf32>
          %mul3A_345 = arith.mulf %gather3A, %mul3A_335 : vector<16xf32>
          %sub3A_346 = arith.subf %mul3A_344, %mul3A_345 : vector<16xf32>
          %sub3A_347 = arith.subf %add3A_343, %sub3A_346 : vector<16xf32>
          %mul3A_348 = arith.mulf %gather3A_250, %mul3A_335 : vector<16xf32>
          %add3A_349 = arith.addf %add3A_317, %mul3A_348 : vector<16xf32>
          %mul3A_350 = arith.mulf %gather3A, %mul3A_329 : vector<16xf32>
          %mul3A_351 = arith.mulf %gather3A_248, %mul3A_323 : vector<16xf32>
          %sub3A_352 = arith.subf %mul3A_350, %mul3A_351 : vector<16xf32>
          %sub3A_353 = arith.subf %add3A_349, %sub3A_352 : vector<16xf32>
          %add3A_354 = arith.addf %gather3A_270, %sub3A_341 : vector<16xf32>
          %mul3A_355 = arith.mulf %gather3A_254, %add3A_354 : vector<16xf32>
          %swap3A = arith.index_cast %multiple_of3A : i32 to index
          %swap3A_356 = tpu.vector_load %arg36[%swap3A] {strides = array<i32>} : memref<1600xf32, #tpu.memory_space<vmem>>, vector<16xf32>,
          tpu.vector_store %arg36[%swap3A], %mul3A_355 {strides = array<i32>} : memref<1600xf32, #tpu.memory_space<vmem>>, vector<16xf32>,
          %add3A_357 = arith.addf %gather3A_271, %sub3A_347 : vector<16xf32>
          %mul3A_358 = arith.mulf %gather3A_254, %add3A_357 : vector<16xf32>
          %swap3A_359 = arith.index_cast %multiple_of3A : i32 to index
          %swap3A_360 = tpu.vector_load %arg37[%swap3A_359] {strides = array<i32>} : memref<1600xf32, #tpu.memory_space<vmem>>, vector<16xf32>,
          tpu.vector_store %arg37[%swap3A_359], %mul3A_358 {strides = array<i32>} : memref<1600xf32, #tpu.memory_space<vmem>>, vector<16xf32>,
          %add3A_361 = arith.addf %gather3A_272, %sub3A_353 : vector<16xf32>
          %mul3A_362 = arith.mulf %gather3A_254, %add3A_361 : vector<16xf32>
          %swap3A_363 = arith.index_cast %multiple_of3A : i32 to index
          %swap3A_364 = tpu.vector_load %arg38[%swap3A_363] {strides = array<i32>} : memref<1600xf32, #tpu.memory_space<vmem>>, vector<16xf32>,
          tpu.vector_store %arg38[%swap3A_363], %mul3A_362 {strides = array<i32>} : memref<1600xf32, #tpu.memory_space<vmem>>, vector<16xf32>,
        }
        %scan3A_226 = arith.constant 100 : i32
        %mul3A_227 = arith.constant 32 : i32
        %mul3A_228 = arith.muli %add3A_158, %mul3A_227 : i32
        %add3A_229 = arith.addi %add3A, %mul3A_228 : i32
        %mul3A_230 = arith.constant 1600 : i32
        %mul3A_231 = arith.muli %add3A_229, %mul3A_230 : i32
        %dma_start3A_232 = tpu.memref_slice %arg12[%mul3A_231] : memref<488000xf32, #tpu.memory_space<hbm>> -> memref<1600xf32, #tpu.memory_space<hbm>>
        %dma_start3A_233 = tpu.memref_slice %arg12[%mul3A_231] : memref<488000xf32, #tpu.memory_space<hbm>> -> memref<1600xf32, #tpu.memory_space<hbm>>
        tpu.enqueue_dma source(%arg36 : memref<1600xf32, #tpu.memory_space<vmem>>) target(%dma_start3A_233 : memref<1600xf32, #tpu.memory_space<hbm>>) target_semaphore(%arg44 : memref<!tpu.dma_semaphore, #tpu.memory_space<semaphore_mem>>)
        %dma_start3A_234 = tpu.memref_slice %arg13[%mul3A_231] : memref<488000xf32, #tpu.memory_space<hbm>> -> memref<1600xf32, #tpu.memory_space<hbm>>
        %dma_start3A_235 = tpu.memref_slice %arg13[%mul3A_231] : memref<488000xf32, #tpu.memory_space<hbm>> -> memref<1600xf32, #tpu.memory_space<hbm>>
        tpu.enqueue_dma source(%arg37 : memref<1600xf32, #tpu.memory_space<vmem>>) target(%dma_start3A_235 : memref<1600xf32, #tpu.memory_space<hbm>>) target_semaphore(%arg44 : memref<!tpu.dma_semaphore, #tpu.memory_space<semaphore_mem>>)
        %dma_start3A_236 = tpu.memref_slice %arg14[%mul3A_231] : memref<488000xf32, #tpu.memory_space<hbm>> -> memref<1600xf32, #tpu.memory_space<hbm>>
        %dma_start3A_237 = tpu.memref_slice %arg14[%mul3A_231] : memref<488000xf32, #tpu.memory_space<hbm>> -> memref<1600xf32, #tpu.memory_space<hbm>>
        tpu.enqueue_dma source(%arg38 : memref<1600xf32, #tpu.memory_space<vmem>>) target(%dma_start3A_237 : memref<1600xf32, #tpu.memory_space<hbm>>) target_semaphore(%arg44 : memref<!tpu.dma_semaphore, #tpu.memory_space<semaphore_mem>>)
      } else {
      }
      %add3A_198 = arith.constant 2 : i32
      %add3A_199 = arith.addi %mul3A_154, %add3A_198 : i32
      %lt3A_200 = arith.cmpi slt, %add3A_199, %select_n3A : i32
      %convert_element_type3A_201 = arith.extui %lt3A_200 : i1 to i32
      %cond3A_202 = arith.constant 0 : i32
      %cond3A_203 = arith.cmpi ne, %convert_element_type3A_201, %cond3A_202 : i32
      scf.if %cond3A_203 {
        %dma_wait3A_210 = arith.constant 0 : i32
        %dma_wait3A_211 = tpu.memref_slice %arg2[%dma_wait3A_210] : memref<488000xi32, #tpu.memory_space<hbm>> -> memref<1600xi32, #tpu.memory_space<hbm>>
        %dma_wait3A_212 = arith.constant 0 : i32
        %dma_wait3A_213 = tpu.memref_slice %arg2[%dma_wait3A_212] : memref<488000xi32, #tpu.memory_space<hbm>> -> memref<1600xi32, #tpu.memory_space<hbm>>
        tpu.wait_dma2 semaphore(%arg39 : memref<!tpu.dma_semaphore, #tpu.memory_space<semaphore_mem>>) src(%dma_wait3A_213 : memref<1600xi32, #tpu.memory_space<hbm>>) dst(%arg17 : memref<1600xi32, #tpu.memory_space<vmem>>)
        %dma_wait3A_214 = arith.constant 0 : i32
        %dma_wait3A_215 = tpu.memref_slice %arg3[%dma_wait3A_214] : memref<488000xi32, #tpu.memory_space<hbm>> -> memref<1600xi32, #tpu.memory_space<hbm>>
        %dma_wait3A_216 = arith.constant 0 : i32
        %dma_wait3A_217 = tpu.memref_slice %arg3[%dma_wait3A_216] : memref<488000xi32, #tpu.memory_space<hbm>> -> memref<1600xi32, #tpu.memory_space<hbm>>
        tpu.wait_dma2 semaphore(%arg39 : memref<!tpu.dma_semaphore, #tpu.memory_space<semaphore_mem>>) src(%dma_wait3A_217 : memref<1600xi32, #tpu.memory_space<hbm>>) dst(%arg18 : memref<1600xi32, #tpu.memory_space<vmem>>)
        %dma_wait3A_218 = arith.constant 0 : i32
        %dma_wait3A_219 = tpu.memref_slice %arg4[%dma_wait3A_218] : memref<488000xi32, #tpu.memory_space<hbm>> -> memref<1600xi32, #tpu.memory_space<hbm>>
        %dma_wait3A_220 = arith.constant 0 : i32
        %dma_wait3A_221 = tpu.memref_slice %arg4[%dma_wait3A_220] : memref<488000xi32, #tpu.memory_space<hbm>> -> memref<1600xi32, #tpu.memory_space<hbm>>
        tpu.wait_dma2 semaphore(%arg39 : memref<!tpu.dma_semaphore, #tpu.memory_space<semaphore_mem>>) src(%dma_wait3A_221 : memref<1600xi32, #tpu.memory_space<hbm>>) dst(%arg19 : memref<1600xi32, #tpu.memory_space<vmem>>)
        %dma_wait3A_222 = arith.constant 0 : i32
        %dma_wait3A_223 = tpu.memref_slice %arg5[%dma_wait3A_222] : memref<488000xf32, #tpu.memory_space<hbm>> -> memref<1600xf32, #tpu.memory_space<hbm>>
        %dma_wait3A_224 = arith.constant 0 : i32
        %dma_wait3A_225 = tpu.memref_slice %arg5[%dma_wait3A_224] : memref<488000xf32, #tpu.memory_space<hbm>> -> memref<1600xf32, #tpu.memory_space<hbm>>
        tpu.wait_dma2 semaphore(%arg39 : memref<!tpu.dma_semaphore, #tpu.memory_space<semaphore_mem>>) src(%dma_wait3A_225 : memref<1600xf32, #tpu.memory_space<hbm>>) dst(%arg20 : memref<1600xf32, #tpu.memory_space<vmem>>)
        %dma_wait3A_226 = arith.constant 0 : i32
        %dma_wait3A_227 = tpu.memref_slice %arg6[%dma_wait3A_226] : memref<488000xf32, #tpu.memory_space<hbm>> -> memref<1600xf32, #tpu.memory_space<hbm>>
        %dma_wait3A_228 = arith.constant 0 : i32
        %dma_wait3A_229 = tpu.memref_slice %arg6[%dma_wait3A_228] : memref<488000xf32, #tpu.memory_space<hbm>> -> memref<1600xf32, #tpu.memory_space<hbm>>
        tpu.wait_dma2 semaphore(%arg39 : memref<!tpu.dma_semaphore, #tpu.memory_space<semaphore_mem>>) src(%dma_wait3A_229 : memref<1600xf32, #tpu.memory_space<hbm>>) dst(%arg21 : memref<1600xf32, #tpu.memory_space<vmem>>)
        %dma_wait3A_230 = arith.constant 0 : i32
        %dma_wait3A_231 = tpu.memref_slice %arg7[%dma_wait3A_230] : memref<488000xf32, #tpu.memory_space<hbm>> -> memref<1600xf32, #tpu.memory_space<hbm>>
        %dma_wait3A_232 = arith.constant 0 : i32
        %dma_wait3A_233 = tpu.memref_slice %arg7[%dma_wait3A_232] : memref<488000xf32, #tpu.memory_space<hbm>> -> memref<1600xf32, #tpu.memory_space<hbm>>
        tpu.wait_dma2 semaphore(%arg39 : memref<!tpu.dma_semaphore, #tpu.memory_space<semaphore_mem>>) src(%dma_wait3A_233 : memref<1600xf32, #tpu.memory_space<hbm>>) dst(%arg22 : memref<1600xf32, #tpu.memory_space<vmem>>)
        %dma_wait3A_234 = arith.constant 0 : i32
        %dma_wait3A_235 = tpu.memref_slice %arg8[%dma_wait3A_234] : memref<488000xf32, #tpu.memory_space<hbm>> -> memref<1600xf32, #tpu.memory_space<hbm>>
        %dma_wait3A_236 = arith.constant 0 : i32
        %dma_wait3A_237 = tpu.memref_slice %arg8[%dma_wait3A_236] : memref<488000xf32, #tpu.memory_space<hbm>> -> memref<1600xf32, #tpu.memory_space<hbm>>
        tpu.wait_dma2 semaphore(%arg39 : memref<!tpu.dma_semaphore, #tpu.memory_space<semaphore_mem>>) src(%dma_wait3A_237 : memref<1600xf32, #tpu.memory_space<hbm>>) dst(%arg23 : memref<1600xf32, #tpu.memory_space<vmem>>)
        %dma_start3A_238 = arith.constant 0 : i32
        %dma_start3A_239 = arith.constant 0 : i32
        %dma_start3A_240 = tpu.memref_slice %arg11[%dma_start3A_238, %dma_start3A_239] : memref<100000x8xf32, #tpu.memory_space<hbm>> -> memref<100000x8xf32, #tpu.memory_space<hbm>>
        tpu.enqueue_indirect_dma source(%dma_start3A_240 : memref<100000x8xf32, #tpu.memory_space<hbm>>) target(%arg24 : memref<1600x8xf32, #tpu.memory_space<vmem>>) offsets(%arg19 : memref<1600xi32, #tpu.memory_space<vmem>>) semaphore(%arg41 : memref<!tpu.dma_semaphore, #tpu.memory_space<semaphore_mem>>)
      } else {
      }
      %add3A_204 = arith.constant 2 : i32
      %add3A_205 = arith.addi %add3A_158, %add3A_204 : i32
      %lt3A_206 = arith.cmpi slt, %add3A_205, %select_n3A : i32
      %convert_element_type3A_207 = arith.extui %lt3A_206 : i1 to i32
      %cond3A_208 = arith.constant 0 : i32
      %cond3A_209 = arith.cmpi ne, %convert_element_type3A_207, %cond3A_208 : i32
      scf.if %cond3A_209 {
        %add3A_210 = arith.constant 2 : i32
        %add3A_211 = arith.addi %add3A_158, %add3A_210 : i32
        %mul3A_212 = arith.constant 32 : i32
        %mul3A_213 = arith.muli %add3A_211, %mul3A_212 : i32
        %add3A_214 = arith.addi %add3A, %mul3A_213 : i32
        %mul3A_215 = arith.constant 1600 : i32
        %mul3A_216 = arith.muli %add3A_214, %mul3A_215 : i32
        %dma_start3A_217 = tpu.memref_slice %arg2[%mul3A_216] : memref<488000xi32, #tpu.memory_space<hbm>> -> memref<1600xi32, #tpu.memory_space<hbm>>
        %dma_start3A_218 = tpu.memref_slice %arg2[%mul3A_216] : memref<488000xi32, #tpu.memory_space<hbm>> -> memref<1600xi32, #tpu.memory_space<hbm>>
        tpu.enqueue_dma source(%dma_start3A_218 : memref<1600xi32, #tpu.memory_space<hbm>>) target(%arg28 : memref<1600xi32, #tpu.memory_space<vmem>>) target_semaphore(%arg40 : memref<!tpu.dma_semaphore, #tpu.memory_space<semaphore_mem>>)
        %dma_start3A_219 = tpu.memref_slice %arg3[%mul3A_216] : memref<488000xi32, #tpu.memory_space<hbm>> -> memref<1600xi32, #tpu.memory_space<hbm>>
        %dma_start3A_220 = tpu.memref_slice %arg3[%mul3A_216] : memref<488000xi32, #tpu.memory_space<hbm>> -> memref<1600xi32, #tpu.memory_space<hbm>>
        tpu.enqueue_dma source(%dma_start3A_220 : memref<1600xi32, #tpu.memory_space<hbm>>) target(%arg29 : memref<1600xi32, #tpu.memory_space<vmem>>) target_semaphore(%arg40 : memref<!tpu.dma_semaphore, #tpu.memory_space<semaphore_mem>>)
        %dma_start3A_221 = tpu.memref_slice %arg4[%mul3A_216] : memref<488000xi32, #tpu.memory_space<hbm>> -> memref<1600xi32, #tpu.memory_space<hbm>>
        %dma_start3A_222 = tpu.memref_slice %arg4[%mul3A_216] : memref<488000xi32, #tpu.memory_space<hbm>> -> memref<1600xi32, #tpu.memory_space<hbm>>
        tpu.enqueue_dma source(%dma_start3A_222 : memref<1600xi32, #tpu.memory_space<hbm>>) target(%arg30 : memref<1600xi32, #tpu.memory_space<vmem>>) target_semaphore(%arg40 : memref<!tpu.dma_semaphore, #tpu.memory_space<semaphore_mem>>)
        %dma_start3A_223 = tpu.memref_slice %arg5[%mul3A_216] : memref<488000xf32, #tpu.memory_space<hbm>> -> memref<1600xf32, #tpu.memory_space<hbm>>
        %dma_start3A_224 = tpu.memref_slice %arg5[%mul3A_216] : memref<488000xf32, #tpu.memory_space<hbm>> -> memref<1600xf32, #tpu.memory_space<hbm>>
        tpu.enqueue_dma source(%dma_start3A_224 : memref<1600xf32, #tpu.memory_space<hbm>>) target(%arg31 : memref<1600xf32, #tpu.memory_space<vmem>>) target_semaphore(%arg40 : memref<!tpu.dma_semaphore, #tpu.memory_space<semaphore_mem>>)
        %dma_start3A_225 = tpu.memref_slice %arg6[%mul3A_216] : memref<488000xf32, #tpu.memory_space<hbm>> -> memref<1600xf32, #tpu.memory_space<hbm>>
        %dma_start3A_226 = tpu.memref_slice %arg6[%mul3A_216] : memref<488000xf32, #tpu.memory_space<hbm>> -> memref<1600xf32, #tpu.memory_space<hbm>>
        tpu.enqueue_dma source(%dma_start3A_226 : memref<1600xf32, #tpu.memory_space<hbm>>) target(%arg32 : memref<1600xf32, #tpu.memory_space<vmem>>) target_semaphore(%arg40 : memref<!tpu.dma_semaphore, #tpu.memory_space<semaphore_mem>>)
        %dma_start3A_227 = tpu.memref_slice %arg7[%mul3A_216] : memref<488000xf32, #tpu.memory_space<hbm>> -> memref<1600xf32, #tpu.memory_space<hbm>>
        %dma_start3A_228 = tpu.memref_slice %arg7[%mul3A_216] : memref<488000xf32, #tpu.memory_space<hbm>> -> memref<1600xf32, #tpu.memory_space<hbm>>
        tpu.enqueue_dma source(%dma_start3A_228 : memref<1600xf32, #tpu.memory_space<hbm>>) target(%arg33 : memref<1600xf32, #tpu.memory_space<vmem>>) target_semaphore(%arg40 : memref<!tpu.dma_semaphore, #tpu.memory_space<semaphore_mem>>)
        %dma_start3A_229 = tpu.memref_slice %arg8[%mul3A_216] : memref<488000xf32, #tpu.memory_space<hbm>> -> memref<1600xf32, #tpu.memory_space<hbm>>
        %dma_start3A_230 = tpu.memref_slice %arg8[%mul3A_216] : memref<488000xf32, #tpu.memory_space<hbm>> -> memref<1600xf32, #tpu.memory_space<hbm>>
        tpu.enqueue_dma source(%dma_start3A_230 : memref<1600xf32, #tpu.memory_space<hbm>>) target(%arg34 : memref<1600xf32, #tpu.memory_space<vmem>>) target_semaphore(%arg40 : memref<!tpu.dma_semaphore, #tpu.memory_space<semaphore_mem>>)
      } else {
      }
    }
    %dma_wait3A_138 = arith.constant 0 : i32
    %dma_wait3A_139 = tpu.memref_slice %arg12[%dma_wait3A_138] : memref<488000xf32, #tpu.memory_space<hbm>> -> memref<1600xf32, #tpu.memory_space<hbm>>
    %dma_wait3A_140 = arith.constant 0 : i32
    %dma_wait3A_141 = tpu.memref_slice %arg12[%dma_wait3A_140] : memref<488000xf32, #tpu.memory_space<hbm>> -> memref<1600xf32, #tpu.memory_space<hbm>>
    tpu.wait_dma2 semaphore(%arg43 : memref<!tpu.dma_semaphore, #tpu.memory_space<semaphore_mem>>) src(%arg25 : memref<1600xf32, #tpu.memory_space<vmem>>) dst(%dma_wait3A_141 : memref<1600xf32, #tpu.memory_space<hbm>>)
    %dma_wait3A_142 = arith.constant 0 : i32
    %dma_wait3A_143 = tpu.memref_slice %arg13[%dma_wait3A_142] : memref<488000xf32, #tpu.memory_space<hbm>> -> memref<1600xf32, #tpu.memory_space<hbm>>
    %dma_wait3A_144 = arith.constant 0 : i32
    %dma_wait3A_145 = tpu.memref_slice %arg13[%dma_wait3A_144] : memref<488000xf32, #tpu.memory_space<hbm>> -> memref<1600xf32, #tpu.memory_space<hbm>>
    tpu.wait_dma2 semaphore(%arg43 : memref<!tpu.dma_semaphore, #tpu.memory_space<semaphore_mem>>) src(%arg26 : memref<1600xf32, #tpu.memory_space<vmem>>) dst(%dma_wait3A_145 : memref<1600xf32, #tpu.memory_space<hbm>>)
    %dma_wait3A_146 = arith.constant 0 : i32
    %dma_wait3A_147 = tpu.memref_slice %arg14[%dma_wait3A_146] : memref<488000xf32, #tpu.memory_space<hbm>> -> memref<1600xf32, #tpu.memory_space<hbm>>
    %dma_wait3A_148 = arith.constant 0 : i32
    %dma_wait3A_149 = tpu.memref_slice %arg14[%dma_wait3A_148] : memref<488000xf32, #tpu.memory_space<hbm>> -> memref<1600xf32, #tpu.memory_space<hbm>>
    tpu.wait_dma2 semaphore(%arg43 : memref<!tpu.dma_semaphore, #tpu.memory_space<semaphore_mem>>) src(%arg27 : memref<1600xf32, #tpu.memory_space<vmem>>) dst(%dma_wait3A_149 : memref<1600xf32, #tpu.memory_space<hbm>>)
    %ge3A = arith.constant 2 : i32
    %ge3A_150 = arith.cmpi sge, %select_n3A, %ge3A : i32
    %convert_element_type3A = arith.extui %ge3A_150 : i1 to i32
    %cond3A = arith.constant 0 : i32
    %cond3A_151 = arith.cmpi ne, %convert_element_type3A, %cond3A : i32
    scf.if %cond3A_151 {
      %dma_wait3A_152 = arith.constant 0 : i32
      %dma_wait3A_153 = tpu.memref_slice %arg12[%dma_wait3A_152] : memref<488000xf32, #tpu.memory_space<hbm>> -> memref<1600xf32, #tpu.memory_space<hbm>>
      %dma_wait3A_154 = arith.constant 0 : i32
      %dma_wait3A_155 = tpu.memref_slice %arg12[%dma_wait3A_154] : memref<488000xf32, #tpu.memory_space<hbm>> -> memref<1600xf32, #tpu.memory_space<hbm>>
      tpu.wait_dma2 semaphore(%arg44 : memref<!tpu.dma_semaphore, #tpu.memory_space<semaphore_mem>>) src(%arg36 : memref<1600xf32, #tpu.memory_space<vmem>>) dst(%dma_wait3A_155 : memref<1600xf32, #tpu.memory_space<hbm>>)
      %dma_wait3A_156 = arith.constant 0 : i32
      %dma_wait3A_157 = tpu.memref_slice %arg13[%dma_wait3A_156] : memref<488000xf32, #tpu.memory_space<hbm>> -> memref<1600xf32, #tpu.memory_space<hbm>>
      %dma_wait3A_158 = arith.constant 0 : i32
      %dma_wait3A_159 = tpu.memref_slice %arg13[%dma_wait3A_158] : memref<488000xf32, #tpu.memory_space<hbm>> -> memref<1600xf32, #tpu.memory_space<hbm>>
      tpu.wait_dma2 semaphore(%arg44 : memref<!tpu.dma_semaphore, #tpu.memory_space<semaphore_mem>>) src(%arg37 : memref<1600xf32, #tpu.memory_space<vmem>>) dst(%dma_wait3A_159 : memref<1600xf32, #tpu.memory_space<hbm>>)
      %dma_wait3A_160 = arith.constant 0 : i32
      %dma_wait3A_161 = tpu.memref_slice %arg14[%dma_wait3A_160] : memref<488000xf32, #tpu.memory_space<hbm>> -> memref<1600xf32, #tpu.memory_space<hbm>>
      %dma_wait3A_162 = arith.constant 0 : i32
      %dma_wait3A_163 = tpu.memref_slice %arg14[%dma_wait3A_162] : memref<488000xf32, #tpu.memory_space<hbm>> -> memref<1600xf32, #tpu.memory_space<hbm>>
      tpu.wait_dma2 semaphore(%arg44 : memref<!tpu.dma_semaphore, #tpu.memory_space<semaphore_mem>>) src(%arg38 : memref<1600xf32, #tpu.memory_space<vmem>>) dst(%dma_wait3A_163 : memref<1600xf32, #tpu.memory_space<hbm>>)
    } else {
    }
    return
  }
}

</mosaic_0001>

<sc_bundles>
// kernel: kernel.4.cloned.1.call-start
scs
__scs_entry_jumppad:
0x0: {  	(pc) =	sbr.rel $0x88, $3  }
0x1: {  	(tag) =	ssettag $0x0;
	lr =	simm.s32 $0x1  }
0x2: {  	[smem:$0x3F97] =	sst lr;
	_ =	strace $0xD0000000  }
0x3: {  	_ = 	snop  }
0x4: {  	_ = 	snop  }
0x5: {  	_ = 	snop  }
0x6: {  	_ = 	snop  }
0x7: {  	_ = 	snop  }
__scs_overlays_trampoline_lowered:
0x8: {  	[smem:$0x3FA6] =	sst s0  }
0x9: {  	[smem:$0x3FA7] =	sst s1  }
0xa: {  	[smem:$0x3FA8] =	sst s2  }
0xb: {  	[smem:$0x3FA9] =	sst s3  }
0xc: {  	[smem:$0x3FAA] =	sst s4  }
0xd: {  	[smem:$0x3FAB] =	sst s5  }
0xe: {  	[smem:$0x3FAC] =	sst s6  }
0xf: {  	[smem:$0x3FAD] =	sst s7  }
0x10: {  	[smem:$0x3FAE] =	sst s8  }
0x11: {  	[smem:$0x3FAF] =	sst s9;
	s0 =	simm.s32 @!p0 $0x0  }
0x12: {  	s1 =	sld [smem:$0x3F95];
	s0 =	simm.s32 @p0 $0x1  }
0x13: {  	[smem:$0x3FB0] =	sst s0;
	s0 =	simm.s32 @!p1 $0x0  }
0x14: {  	s2 =	sld [smem:$0x3F94];
	s0 =	simm.s32 @p1 $0x1  }
0x15: {  	[smem:$0x3FB1] =	sst s0;
	s0 =	simm.s32 @!p2 $0x0  }
0x16: {  	s3 =	sld [smem:$0x3FDB];
	s0 =	simm.s32 @p2 $0x1  }
0x17: {  	s4 =	simm.s32 $0x1BF5;
	[smem:$0x3FB3] =	sst s0  }
0x18: {  	s0 =	sld [smem:$0x3F96];
	_ =	swait.ge [sflag:s4], $0x0  }
0x19: {  	s7 =	sld [smem:$0x3F97]  }
0x1a: {  	s8 =	sadd.s32 $0xFFFFE003, lr  }
0x1b: {  	s9 =	sadd.s32 $0xFFFFFEF7, lr;
	s5 =	simm.s32 $0xFFFFFFFF;
	p2 =	slt.u32 s8, $0xFFFFF086  }
0x1c: {  	p1 =	slt.u32 s9, $0xF7A;
	s5 =	simm.s32 @!p2 $0x0  }
0x1d: {  	s5 =	simm.s32 @p1 $0x1;
	p0 =	seq.s32 s7, s2  }
0x1e: {  	s7 =	smul.u32 @!p0 $0xF7A, s2;
	p2 =	seq.s32 @!p0 s5, $0x0  }
0x1f: {  	s9 =	smul.u32 $0xF7A, s1;
	s8 =	simm.s32 @!p0 $0x1BF5;
	p2 =	por !p2, p0  }
0x20: {  	[sflag:s8] =	ssyncset.s32 @!p0 $0xFFFFF086;
	s6 =	sadd.s32 @!p0 s3, s7;
	s7 =	simm.s32 @!p0 $0x108  }
0x21: {  	s3 =	sadd.s32 s3, s9;
	s6 =	sadd.s32 @!p0 $0x88, s6;
	s7 =	simm.s32 @p2 $0x1082  }
0x22: {  	[simem:s7], [sflag:s8] =	dma.local @!p0 [hbm:s6], $0xF7A  }
0x23: {  	s9 =	sor.u32 $0xD0000000, s2;
	s6 =	simm.s32 $0x108;
	_ =	swait.ge @!p0 [sflag:s8], $0x0  }
0x24: {  	s3 =	sadd.s32 $0x88, s3;
	s6 =	simm.s32 @!p1 $0x1082;
	[sflag:s4] =	ssyncset.s32 $0xFFFFF086  }
0x25: {  	[simem:s6], [sflag:s4] =	dma.local [hbm:s3], $0xF7A  }
0x26: {  	[smem:$0x3F97] =	sst s1;
	(tag) =	ssettag s2;
	_ =	strace s9  }
0x27: {  	s1 =	sld [smem:$0x3FA7]  }
0x28: {  	s2 =	sld [smem:$0x3FA8]  }
0x29: {  	s4 =	sld [smem:$0x3FAA]  }
0x2a: {  	p0 =	seq.s32 s5, $0x0;
	s5 =	sld [smem:$0x3FAB]  }
0x2b: {  	s6 =	sld [smem:$0x3FAC]  }
0x2c: {  	s7 =	sld [smem:$0x3FAD]  }
0x2d: {  	s3 =	simm.s32 $0x108;
	s8 =	sld [smem:$0x3FAE]  }
0x2e: {  	s3 =	simm.s32 @!p0 $0x1082;
	s9 =	sld [smem:$0x3FAF]  }
0x2f: {  	lr =	sadd.s32 s0, s3;
	s0 =	sld [smem:$0x3FA6]  }
0x30: {  	s3 =	sld [smem:$0x3FA9]  }
0x31: {  	[smem:$0x3FB2] =	sst s10  }
0x32: {  	s10 =	sld [smem:$0x3FB0];
	_ =	sdelay $0x3  }
0x33: {  	p0 =	seq.s32 s10, $0x1;
	s10 =	sld [smem:$0x3FB2];
	_ =	sdelay $0x3  }
0x34: {  	[smem:$0x3FB2] =	sst s10  }
0x35: {  	s10 =	sld [smem:$0x3FB1];
	_ =	sdelay $0x3  }
0x36: {  	p1 =	seq.s32 s10, $0x1;
	s10 =	sld [smem:$0x3FB2];
	_ =	sdelay $0x3  }
0x37: {  	[smem:$0x3FB2] =	sst s10  }
0x38: {  	s10 =	sld [smem:$0x3FB3]  }
0x39: {  	_ = 	snop;
	(pc) =	sbr.ind lr, $3  }
0x3a: {  	_ = 	snop  }
0x3b: {  	_ = 	snop  }
0x3c: {  	p2 =	seq.s32 s10, $0x1;
	s10 =	sld [smem:$0x3FB2]  }
0x3d: {  	_ =	shalt  }
0x3e: {  	_ =	shalt  }
0x3f: {  	_ =	shalt  }
0x40: {  	_ =	shalt  }
0x41: {  	_ =	shalt  }
0x42: {  	_ =	shalt  }
0x43: {  	_ =	shalt  }
0x44: {  	_ =	shalt  }
0x45: {  	_ =	shalt  }
0x46: {  	_ =	shalt  }
0x47: {  	_ =	shalt  }
0x48: {  	_ =	shalt  }
0x49: {  	_ =	shalt  }
0x4a: {  	_ =	shalt  }
0x4b: {  	_ =	shalt  }
0x4c: {  	_ =	shalt  }
0x4d: {  	_ =	shalt  }
0x4e: {  	_ =	shalt  }
0x4f: {  	_ =	shalt  }
0x50: {  	_ =	shalt  }
0x51: {  	_ =	shalt  }
0x52: {  	_ =	shalt  }
0x53: {  	_ =	shalt  }
0x54: {  	_ =	shalt  }
0x55: {  	_ =	shalt  }
0x56: {  	_ =	shalt  }
0x57: {  	_ =	shalt  }
0x58: {  	_ =	shalt  }
0x59: {  	_ =	shalt  }
0x5a: {  	_ =	shalt  }
0x5b: {  	_ =	shalt  }
0x5c: {  	_ =	shalt  }
0x5d: {  	_ =	shalt  }
0x5e: {  	_ =	shalt  }
0x5f: {  	_ =	shalt  }
0x60: {  	_ =	shalt  }
0x61: {  	_ =	shalt  }
0x62: {  	_ =	shalt  }
0x63: {  	_ =	shalt  }
0x64: {  	_ =	shalt  }
0x65: {  	_ =	shalt  }
0x66: {  	_ =	shalt  }
0x67: {  	_ =	shalt  }
0x68: {  	_ =	shalt  }
0x69: {  	_ =	shalt  }
0x6a: {  	_ =	shalt  }
0x6b: {  	_ =	shalt  }
0x6c: {  	_ =	shalt  }
0x6d: {  	_ =	shalt  }
0x6e: {  	_ =	shalt  }
0x6f: {  	_ =	shalt  }
0x70: {  	_ =	shalt  }
0x71: {  	_ =	shalt  }
0x72: {  	_ =	shalt  }
0x73: {  	_ =	shalt  }
0x74: {  	_ =	shalt  }
0x75: {  	_ =	shalt  }
0x76: {  	_ =	shalt  }
0x77: {  	_ =	shalt  }
0x78: {  	_ =	shalt  }
0x79: {  	_ =	shalt  }
0x7a: {  	_ =	shalt  }
0x7b: {  	_ =	shalt  }
0x7c: {  	_ =	shalt  }
0x7d: {  	_ =	shalt  }
0x7e: {  	_ =	shalt  }
0x7f: {  	_ =	shalt  }
0x80: {  	_ =	shalt  }
0x81: {  	_ =	shalt  }
0x82: {  	_ =	shalt  }
0x83: {  	_ =	shalt  }
0x84: {  	_ =	shalt  }
0x85: {  	_ =	shalt  }
0x86: {  	_ =	shalt  }
0x87: {  	_ =	shalt  }
.Lfunc_end0:
.L_simem_size_0:
called_computation_lowered:
.L_overlay_start_0:
0x88: {  	s2 =	sld [smem:$0x3FD9]  }
0x89: {  	s3 =	sld [smem:$0x3FFE];
	_ =	sdelay $0x1  }
0x8a: {  	s1 =	srdreg.scid  }
0x8b: {  	s0 =	sand.u32 $0x1, s1  }
0x8c: {  	s17 =	sshll.u32 s0, $0xA;
	s2 =	sadd.s32 s3, s2  }
0x8d: {  	s2 =	sadd.s32 s2, s17  }
0x8e: {  	[smem:$0x3FBE] =	sst s2  }
0x8f: {  	_ = 	snop  }
0x90: {  	s18 =	sld [smem:$0x3FD0];
	(tm) =	ssettm $0x1  }
0x91: {  	s19 =	sld [smem:$0x3FFB];
	_ =	sdelay $0x3  }
0x92: {  	_ =	strace s19  }
0x93: {  	s2 =	sld [smem:$0x3FFC];
	_ =	sdelay $0x3  }
0x94: {  	_ =	strace s2  }
0x95: {  	s2 =	sld [smem:$0x3FFD];
	_ =	sdelay $0x3  }
0x96: {  	_ =	strace s2  }
0x97: {  	_ =	strace $0x8FFFFFFF  }
0x98: {  	s20 =	sld [smem:$0x3FDB];
	_ =	sdelay $0x1  }
0x99: {  	s4 =	simm.s32 $_scs_section_size  }
0x9a: {  	s5 =	simm.s32 $_size__tile_overlayer_lowered;
	s6 =	simm.s32 $_tile_overlayer_lowered  }
0x9b: {  	s7 =	simm.s32 $0x1BFF;
	s21 =	sshll.u32 s6, $0x1;
	s4 =	sadd.s32 s4, s20  }
0x9c: {  	s22 =	simm.s32 $0x0;
	s5 =	sshll.u32 s5, $0x1;
	s6 =	sadd.s32 s21, s4  }
0x9d: {  	[timem:s22], [sflag:s7] =	dma.local [hbm:s6], s5  }
0x9e: {  	_ =	swait.ge [sflag:s7], s5  }
0x9f: {  	s5 =	ssub.s32 $0x0, s5;
	[sflag:s7] =	ssyncset.done $0x0  }
0xa0: {  	[sflag:s7] =	ssyncadd.s32 s5;
	_ =	sdelay $0x1  }
0xa1: {  	s23 =	simm.s32 $0x1B8B  }
0xa2: {  	_ =	swait.ge [sflag:s23], $0x1  }
0xa3: {  	[sflag:s23] =	ssyncset.done $0x0  }
0xa4: {  	[sflag:s23] =	ssyncadd.s32 $0xFFFFFFFF  }
0xa5: {  	s5 =	sld [smem:$0x0]  }
0xa6: {  	s6 =	sand.u32 $0xFFFFFFFE, s1  }
0xa7: {  	p0 =	sne.s32 s1, s6  }
0xa8: {  	s6 =	sshll.u32 @p0 s6, $0xE  }
0xa9: {  	s6 =	sadd.s32 @p0 $0x11B8D, s6;
	s7 =	sshll.u32 @p0 s5, $0x11  }
0xaa: {  	s6 =	sor.u32 @p0 s7, s6  }
0xab: {  	[sflag:s6] =	ssyncadd.remote.s32 @p0 $0x1;
	_ =	sdelay $0x1  }
0xac: {  	s6 =	simm.s32 @p0 $0x1B8D  }
0xad: {  	_ =	swait.eq @p0 [sflag:s6], $0x1  }
0xae: {  	[sflag:s6] =	ssyncadd.s32 @p0 $0xFFFFFFFF  }
0xaf: {  	s7 =	sshll.u32 @!p0 s1, $0xE  }
0xb0: {  	s7 =	sor.u32 @!p0 $0x4000, s7;
	s6 =	simm.s32 @!p0 $0x1B8D  }
0xb1: {  	s5 =	sshll.u32 @!p0 s5, $0x11;
	s7 =	sadd.s32 @!p0 $0x11B8D, s7;
	_ =	swait.eq @!p0 [sflag:s6], $0x1  }
0xb2: {  	s5 =	sor.u32 @!p0 s5, s7;
	[sflag:s6] =	ssyncadd.s32 @!p0 $0xFFFFFFFF  }
0xb3: {  	s25 =	simm.s32 $0x1B8E;
	s24 =	sld [smem:$0x3FFE];
	[sflag:s5] =	ssyncadd.remote.s32 @!p0 $0x1  }
0xb4: {  	s26 =	simm.s32 $execute0_lowered;
	[smem:$0x3FD2] =	sst s25  }
0xb5: {  	s6 =	sshll.u32 s26, $0x1;
	_ =	strace $0x80000049;
	[dreg:$0x1] =	wrdreg $0xFFFFFFFF  }
0xb6: {  	s28 =	simm.s32 $_size_execute0_lowered;
	s4 =	sadd.s32 s4, s6;
	[dreg:$0x0] =	wrdreg $0x0  }
0xb7: {  	s6 =	sshll.u32 s28, $0x1;
	[dreg:$0x2] =	wrdreg s4  }
0xb8: {  	[dreg:$0x3] =	wrdreg s6  }
0xb9: {  	[dreg:$0x4] =	wrdreg $0xC0  }
0xba: {  	_ =	task [dreg:s22], $0x5FFFF  }
0xbb: {  	[dreg:$0x1] =	wrdreg $0xFFFFFFFF  }
0xbc: {  	[dreg:$0x0] =	wrdreg $0x60  }
0xbd: {  	[dreg:$0x2] =	wrdreg s24  }
0xbe: {  	[dreg:$0x3] =	wrdreg s18  }
0xbf: {  	[dreg:$0x4] =	wrdreg $0x9  }
0xc0: {  	_ =	task.clear_ibuf [dreg:s22], $0x5FFFF;
	_ =	strace $0x90000049  }
0xc1: {  	s29 =	simm.s32 $0x9;
	_ =	strace $0x8000004B  }
0xc2: {  	_ =	swait.ge [sflag:s29], $0x1  }
0xc3: {  	[sflag:s29] =	ssyncadd.s32 $0xFFFFFFFF  }
0xc4: {  	_ =	strace $0x9000004B  }
0xc5: {  	_ =	sfence  }
0xc6: {  	s30 =	sld [smem:$0x0];
	_ =	sdelay $0x2  }
0xc7: {  	s31 =	sshll.u32 s1, $0xD;
	s1 =	sshrl.u32 s1, $0x2  }
0xc8: {  	s4 =	sand.u32 $0x4000, s31;
	s1 =	sadd.s32 s1, s30  }
0xc9: {  	s0 =	sor.u32 s4, s0;
	s1 =	sshll.u32 s1, $0x11  }
0xca: {  	s0 =	sor.u32 s1, s0  }
0xcb: {  	s0 =	sadd.s32 $0x8F2B, s0  }
0xcc: {  	[sflag:s0] =	ssyncadd.remote.s32 $0x1  }
0xcd: {  	_ =	sfence.sel $0xFFFF  }
0xce: {  	[dreg:$0x0] =	wrdreg $0xFFFFFFFF;
	(pc) =	sbr.abs _section_cstart, $3  }
0xcf: {  	[dreg:$0x1] =	wrdreg $0xFFFFFFFF  }
0xd0: {  	_ =	task.clear_ibuf [dreg:s22], $0x2FFFF;
	_ =	strace $0x9FFFFFFF  }
0xd1: {  	(tm) =	ssettm $0x7FFFFFFF  }
tec
execute0_lowered:
.L_overlay_start_1:
0x0: {  	(tag) =	ssettag $0x1  }
0x1: {  	s0 =	rddreg [dreg:$0x0]  }
0x2: {  	s23 =	rddreg [dreg:$0x1];
	s2 =	simm.s32 $0x0;
	s8 =	srdreg.scid  }
0x3: {  	s21 =	stileid.u32;
	[smem:$0x7FF] =	sst s2  }
0x4: {  	s3 =	sadd.s32 $0xC8C00, s0;
	s4 =	sadd.s32 $0xB9200, s0;
	s5 =	sadd.s32 $0xA9800, s0  }
0x5: {  	s6 =	sadd.s32 $0xF7A00, s0;
	s7 =	sadd.s32 $0xE8000, s0;
	s9 =	sadd.s32 $0xD8600, s0  }
0x6: {  	s10 =	sadd.s32 $0x99E00, s0;
	s8 =	sand.u32 $0x1, s8;
	s22 =	sshll.u32 s21, $0x1  }
0x7: {  	s1 =	sadd.s32 $0x2000, s0;
	s11 =	sadd.s32 $0x3000, s0;
	s14 =	sor.u32 s8, s22  }
0x8: {  	_ =	strace $0x8000004A;
	[dreg:$0x4] =	wrdreg s11;
	s11 =	smul.u32 $0xC8, s14  }
0x9: {  	s13 =	sadd.s32 $0x107400, s0;
	s15 =	sadd.s32 $0x116E00, s0  }
0xa: {  	s16 =	sadd.s32 $0x126800, s0;
	[dreg:$0x3] =	wrdreg s1;
	s26 =	sadd.s32 s3, s11  }
0xb: {  	s12 =	ssub.s32 $0x2, s8;
	s28 =	sadd.s32 s4, s11;
	[dreg:$0x5] =	wrdreg s26  }
0xc: {  	s24 =	sshrl.u32 s12, $0x1;
	s29 =	sadd.s32 s5, s11;
	[dreg:$0x6] =	wrdreg s28  }
0xd: {  	s0 =	ssub.s32 s12, s24;
	s12 =	sadd.s32 s6, s11;
	[dreg:$0x7] =	wrdreg s29  }
0xe: {  	s17 =	sadd.s32 s7, s11;
	[dreg:$0x8] =	wrdreg s12  }
0xf: {  	s25 =	smul.u32 $0x640, s14;
	s18 =	sadd.s32 s9, s11;
	[dreg:$0x9] =	wrdreg s17  }
0x10: {  	s30 =	simm.s32 $0x2;
	s19 =	sadd.s32 s10, s11;
	[dreg:$0xa] =	wrdreg s18  }
0x11: {  	s8 =	sshrl.u32 s25, $0x3;
	s0 =	smax.u32 s0, $0x1;
	[dreg:$0xb] =	wrdreg s19  }
0x12: {  	s8 =	sadd.s32 $0x1900, s8;
	[dreg:$0x13] =	wrdreg s0;
	s29 =	sor.u32 $0x60, s14  }
0x13: {  	s31 =	simm.s32 $0x18C40;
	s20 =	sadd.s32 s3, s8;
	[dreg:$0x14] =	wrdreg s29  }
0x14: {  	s17 =	simm.s32 $0x8000;
	s21 =	sadd.s32 s4, s8;
	[dreg:$0xc] =	wrdreg s20  }
0x15: {  	s19 =	simm.s32 $0x1;
	s22 =	sadd.s32 s5, s8;
	[dreg:$0xd] =	wrdreg s21  }
0x16: {  	s0 =	simm.s32 $0x3;
	s24 =	sadd.s32 s6, s8;
	[dreg:$0xe] =	wrdreg s22  }
.Ltmp0:
0x17: {  	s25 =	sadd.s32 s7, s8;
	[dreg:$0xf] =	wrdreg s24;
	(pc) =	sbr.rel .LBB2_1-.Ltmp0, $4  }
0x18: {  	s12 =	simm.s32 $0x6;
	s26 =	sadd.s32 s9, s8;
	[dreg:$0x10] =	wrdreg s25  }
0x19: {  	s18 =	simm.s32 $0x0;
	s28 =	sadd.s32 s10, s8;
	[dreg:$0x11] =	wrdreg s26  }
0x1a: {  	v0 =	vlaneseq.u32;
	s8 =	sor.u32 $0x40, s14;
	[dreg:$0x12] =	wrdreg s28;
	s20 =	simm.s32 $0x640  }
0x1b: {  	v0 =	vmul.u32 $0x8, v0;
	s21 =	simm.s32 $0x11BC0;
	s24 =	simm.s32 $0x16D00;
	s25 =	simm.s32 $0x4  }
.LBB2_8:
0x1c: {  	s1 =	simm.s32 $0x5  }
0x1d: {  	_ =	swait.ge [sflag:s1], $0x640  }
0x1e: {  	[sflag:s1] =	ssyncset.done $0x0  }
0x1f: {  	[sflag:s1] =	ssyncadd.s32 $0xFFFFF9C0  }
0x20: {  	_ =	swait.ge [sflag:s1], $0x640  }
0x21: {  	[sflag:s1] =	ssyncset.done $0x0  }
0x22: {  	[sflag:s1] =	ssyncadd.s32 $0xFFFFF9C0  }
0x23: {  	_ =	swait.ge [sflag:s1], $0x640  }
0x24: {  	[sflag:s1] =	ssyncset.done $0x0  }
0x25: {  	[sflag:s1] =	ssyncadd.s32 $0xFFFFF9C0  }
0x26: {  	_ =	swait.ge [sflag:s12], $0x640  }
0x27: {  	[sflag:s12] =	ssyncset.done $0x0  }
0x28: {  	[sflag:s12] =	ssyncadd.s32 $0xFFFFF9C0  }
0x29: {  	_ =	swait.ge [sflag:s12], $0x640  }
0x2a: {  	[sflag:s12] =	ssyncset.done $0x0  }
0x2b: {  	[sflag:s12] =	ssyncadd.s32 $0xFFFFF9C0  }
0x2c: {  	_ =	swait.ge [sflag:s12], $0x640  }
0x2d: {  	s18 =	rddreg [dreg:$0x15]  }
0x2e: {  	s29 =	rddreg [dreg:$0x13];
	s18 =	sadd.s32 $0x1, s18  }
0x2f: {  	p0 =	sne.s32 s18, s29  }
.Ltmp1:
0x30: {  	_ = 	snop;
	(pc) =	sbr.rel @!p0 .LBB2_9-.Ltmp1, $3  }
0x31: {  	_ =	sdelay $0x1  }
0x32: {  	[sflag:s12] =	ssyncset.done $0x0  }
0x33: {  	s23 =	smov.u32 s11;
	[sflag:s12] =	ssyncadd.s32 $0xFFFFF9C0  }
.LBB2_1:
0x34: {  	[dreg:$0x15] =	wrdreg s18  }
0x35: {  	s1 =	rddreg [dreg:$0x3];
	s11 =	simm.s32 $0x7  }
0x36: {  	[tilespmem:s2], [sflag:$0x7] =	stream.linear.gather [hbm4b:s1+s2], $0x8000, $0x38;
	[tilespmem:$0x1D100] =	vst v63  }
0x37: {  	_ =	swait.ge [sflag:s11], $0x8000  }
0x38: {  	[sflag:s11] =	ssyncset.done $0x0  }
0x39: {  	s26 =	rddreg [dreg:$0x4];
	[sflag:s11] =	ssyncadd.s32 $0xFFFF8000  }
0x3a: {  	[tilespmem:s17], [sflag:$0x7] =	stream.linear.gather [hbm4b:s26+s2], $0x7000, $0x38;
	[tilespmem:$0x1D100] =	vst v63  }
0x3b: {  	_ =	swait.ge [sflag:s11], $0x7000  }
0x3c: {  	[sflag:s11] =	ssyncset.done $0x0  }
0x3d: {  	s29 =	simm.s32 $0xF000;
	s28 =	rddreg [dreg:$0x5];
	[sflag:s11] =	ssyncadd.s32 $0xFFFF9000  }
0x3e: {  	[tilespmem:s29], [sflag:$0x1] =	stream.linear.gather [hbm4b:s28+s2], $0x640, $0x38;
	[tilespmem:$0x1D100] =	vst v63  }
0x3f: {  	s22 =	simm.s32 $0xF640;
	s18 =	rddreg [dreg:$0x6]  }
0x40: {  	[tilespmem:s22], [sflag:$0x1] =	stream.linear.gather [hbm4b:s18+s2], $0x640, $0x38;
	[tilespmem:$0x1D100] =	vst v63  }
0x41: {  	s26 =	rddreg [dreg:$0x7];
	s11 =	simm.s32 $0xFC80  }
0x42: {  	[tilespmem:s11], [sflag:$0x1] =	stream.linear.gather [hbm4b:s26+s2], $0x640, $0x38;
	[tilespmem:$0x1D100] =	vst v63  }
0x43: {  	s28 =	rddreg [dreg:$0x8];
	s29 =	simm.s32 $0x102C0  }
0x44: {  	[tilespmem:s29], [sflag:$0x1] =	stream.linear.gather [hbm4b:s28+s2], $0x640, $0x38;
	[tilespmem:$0x1D100] =	vst v63  }
0x45: {  	s22 =	rddreg [dreg:$0x9];
	s26 =	simm.s32 $0x10900  }
0x46: {  	[tilespmem:s26], [sflag:$0x1] =	stream.linear.gather [hbm4b:s22+s2], $0x640, $0x38;
	[tilespmem:$0x1D100] =	vst v63  }
0x47: {  	s28 =	rddreg [dreg:$0xa];
	s29 =	simm.s32 $0x10F40  }
0x48: {  	[tilespmem:s29], [sflag:$0x1] =	stream.linear.gather [hbm4b:s28+s2], $0x640, $0x38;
	[tilespmem:$0x1D100] =	vst v63  }
0x49: {  	s22 =	rddreg [dreg:$0xb];
	s26 =	simm.s32 $0x11580  }
0x4a: {  	[tilespmem:s26], [sflag:$0x1] =	stream.linear.gather [hbm4b:s22+s2], $0x640, $0x38;
	[tilespmem:$0x1D100] =	vst v63  }
0x4b: {  	_ =	swait.ge [sflag:s19], $0x640  }
0x4c: {  	[sflag:s19] =	ssyncset.done $0x0  }
0x4d: {  	[sflag:s19] =	ssyncadd.s32 $0xFFFFF9C0  }
0x4e: {  	_ =	swait.ge [sflag:s19], $0x640  }
0x4f: {  	[sflag:s19] =	ssyncset.done $0x0  }
0x50: {  	[sflag:s19] =	ssyncadd.s32 $0xFFFFF9C0  }
0x51: {  	_ =	swait.ge [sflag:s19], $0x640  }
0x52: {  	[sflag:s19] =	ssyncset.done $0x0  }
0x53: {  	[sflag:s19] =	ssyncadd.s32 $0xFFFFF9C0  }
0x54: {  	_ =	swait.ge [sflag:s19], $0x640  }
0x55: {  	[sflag:s19] =	ssyncset.done $0x0  }
0x56: {  	[sflag:s19] =	ssyncadd.s32 $0xFFFFF9C0  }
0x57: {  	_ =	swait.ge [sflag:s19], $0x640  }
0x58: {  	[sflag:s19] =	ssyncset.done $0x0  }
0x59: {  	[sflag:s19] =	ssyncadd.s32 $0xFFFFF9C0  }
0x5a: {  	_ =	swait.ge [sflag:s19], $0x640  }
0x5b: {  	[sflag:s19] =	ssyncset.done $0x0  }
0x5c: {  	[sflag:s19] =	ssyncadd.s32 $0xFFFFF9C0  }
0x5d: {  	_ =	swait.ge [sflag:s19], $0x640  }
0x5e: {  	[sflag:s19] =	ssyncset.done $0x0  }
0x5f: {  	[sflag:s19] =	ssyncadd.s32 $0xFFFFF9C0  }
0x60: {  	[tilespmem:s21], [sflag:$0x3] =	stream.indirect.gather [hbm4b:s23+s20], $0x8, s11, s20, $0xb8;
	[tilespmem:$0x1D100] =	vst v63  }
0x61: {  	s29 =	simm.s32 $0x16080;
	s28 =	rddreg [dreg:$0xc]  }
0x62: {  	[tilespmem:s29], [sflag:$0x2] =	stream.linear.gather [hbm4b:s28+s2], $0x640, $0x38;
	[tilespmem:$0x1D100] =	vst v63  }
0x63: {  	s22 =	simm.s32 $0x166C0;
	s18 =	rddreg [dreg:$0xd]  }
0x64: {  	[tilespmem:s22], [sflag:$0x2] =	stream.linear.gather [hbm4b:s18+s2], $0x640, $0x38;
	[tilespmem:$0x1D100] =	vst v63  }
0x65: {  	s26 =	rddreg [dreg:$0xe]  }
0x66: {  	[tilespmem:s24], [sflag:$0x2] =	stream.linear.gather [hbm4b:s26+s2], $0x640, $0x38;
	[tilespmem:$0x1D100] =	vst v63  }
0x67: {  	s28 =	rddreg [dreg:$0xf];
	s29 =	simm.s32 $0x17340  }
0x68: {  	[tilespmem:s29], [sflag:$0x2] =	stream.linear.gather [hbm4b:s28+s2], $0x640, $0x38;
	[tilespmem:$0x1D100] =	vst v63  }
0x69: {  	s11 =	rddreg [dreg:$0x10];
	s18 =	simm.s32 $0x17980  }
0x6a: {  	[tilespmem:s18], [sflag:$0x2] =	stream.linear.gather [hbm4b:s11+s2], $0x640, $0x38;
	[tilespmem:$0x1D100] =	vst v63  }
0x6b: {  	s22 =	rddreg [dreg:$0x11];
	s26 =	simm.s32 $0x17FC0  }
0x6c: {  	[tilespmem:s26], [sflag:$0x2] =	stream.linear.gather [hbm4b:s22+s2], $0x640, $0x38;
	[tilespmem:$0x1D100] =	vst v63  }
0x6d: {  	s28 =	rddreg [dreg:$0x12];
	s29 =	simm.s32 $0x18600;
	s22 =	simm.s32 $0x0  }
0x6e: {  	[tilespmem:s29], [sflag:$0x2] =	stream.linear.gather [hbm4b:s28+s2], $0x640, $0x38;
	[tilespmem:$0x1D100] =	vst v63  }
.LBB2_2:
0x6f: {  	_ =	swait.ge [sflag:s30], $0x640  }
0x70: {  	[sflag:s30] =	ssyncset.done $0x0  }
0x71: {  	[sflag:s30] =	ssyncadd.s32 $0xFFFFF9C0  }
0x72: {  	_ =	swait.ge [sflag:s30], $0x640  }
0x73: {  	[sflag:s30] =	ssyncset.done $0x0  }
0x74: {  	[sflag:s30] =	ssyncadd.s32 $0xFFFFF9C0  }
0x75: {  	_ =	swait.ge [sflag:s30], $0x640  }
0x76: {  	[sflag:s30] =	ssyncset.done $0x0  }
0x77: {  	[sflag:s30] =	ssyncadd.s32 $0xFFFFF9C0  }
0x78: {  	_ =	swait.ge [sflag:s30], $0x640  }
0x79: {  	[sflag:s30] =	ssyncset.done $0x0  }
0x7a: {  	[sflag:s30] =	ssyncadd.s32 $0xFFFFF9C0  }
0x7b: {  	_ =	swait.ge [sflag:s30], $0x640  }
0x7c: {  	[sflag:s30] =	ssyncset.done $0x0  }
0x7d: {  	[sflag:s30] =	ssyncadd.s32 $0xFFFFF9C0  }
0x7e: {  	_ =	swait.ge [sflag:s30], $0x640  }
0x7f: {  	[sflag:s30] =	ssyncset.done $0x0  }
0x80: {  	[sflag:s30] =	ssyncadd.s32 $0xFFFFF9C0  }
0x81: {  	_ =	swait.ge [sflag:s30], $0x640  }
0x82: {  	p0 =	seq.s32 s22, $0x0;
	[sflag:s30] =	ssyncset.done $0x0  }
0x83: {  	s18 =	simm.s32 @!p0 $0x5;
	[sflag:s30] =	ssyncadd.s32 $0xFFFFF9C0  }
0x84: {  	[tilespmem:s31], [sflag:$0x4] =	stream.indirect.gather [hbm4b:s23+s20], $0x8, s24, s20, $0xb8;
	[tilespmem:$0x1D100] =	vst v63  }
0x85: {  	_ =	swait.ge @!p0 [sflag:s18], $0x640  }
0x86: {  	[sflag:s18] =	ssyncset.done @!p0 $0x0  }
0x87: {  	[sflag:s18] =	ssyncadd.s32 @!p0 $0xFFFFF9C0  }
0x88: {  	_ =	swait.ge @!p0 [sflag:s18], $0x640  }
0x89: {  	[sflag:s18] =	ssyncset.done @!p0 $0x0  }
0x8a: {  	[sflag:s18] =	ssyncadd.s32 @!p0 $0xFFFFF9C0  }
0x8b: {  	_ =	swait.ge @!p0 [sflag:s18], $0x640  }
0x8c: {  	[sflag:s18] =	ssyncset.done @!p0 $0x0  }
0x8d: {  	[sflag:s18] =	ssyncadd.s32 @!p0 $0xFFFFF9C0  }
0x8e: {  	_ =	swait.ge [sflag:s0], $0x3200  }
0x8f: {  	[sflag:s0] =	ssyncset.done $0x0  }
0x90: {  	s28 =	simm.s32 $0x0;
	[sflag:s0] =	ssyncadd.s32 $0xFFFFCE00  }
0x91: {  	v1 =	vld [tilespmem:s28+$0xF640];
	_ =	sdelay $0x4  }
0x92: {  	v2 =	vld [tilespmem:s28+$0x10F40];
	v3 =	vadd.s32 $0x6000, v1  }
0x93: {  	v5 =	vld [tilespmem:s28+$0x10900];
	v4 =	vadd.s32 $0x1000, v1  }
0x94: {  	v7 =	vld [tilespmem:s28+$0x102C0];
	v6 =	vadd.s32 $0x4000, v1  }
0x95: {  	v9 =	vld [tilespmem:s28+$0x11580];
	v8 =	vadd.s32 $0x5000, v1  }
0x96: {  	v10 =	vadd.s32 $0x2000, v1;
	v11 =	vld.idx.msk [tilespmem:v1+s17+$0x0], $0xffff  }
0x97: {  	v3 =	vld.idx.msk [tilespmem:v3+s17+$0x0], $0xffff  }
0x98: {  	v4 =	vld.idx.msk [tilespmem:v4+s17+$0x0], $0xffff  }
0x99: {  	v6 =	vld.idx.msk [tilespmem:v6+s17+$0x0], $0xffff  }
0x9a: {  	v8 =	vld.idx.msk [tilespmem:v8+s17+$0x0], $0xffff  }
0x9b: {  	v2 =	vmul.f32 v9, v2;
	v10 =	vld.idx.msk [tilespmem:v10+s17+$0x0], $0xffff  }
0x9c: {  	v7 =	vmul.f32 v9, v7;
	v1 =	vadd.s32 $0x3000, v1  }
0x9d: {  	v2 =	vsub.f32 v3, v2;
	v3 =	vmul.f32 v9, v5  }
0x9e: {  	v5 =	vld [tilespmem:s28+$0xF000];
	v6 =	vsub.f32 v6, v7  }
0x9f: {  	v7 =	vmul.f32 v2, v4;
	v9 =	vmul.f32 v2, v11;
	v3 =	vsub.f32 v8, v3  }
0xa0: {  	v8 =	vmul.f32 v6, v10;
	v12 =	vmul.f32 v6, v4  }
0xa1: {  	v1 =	vld.idx.msk [tilespmem:v1+s17+$0x0], $0xffff;
	v13 =	vmul.f32 v3, v10;
	v14 =	vmul.f32 v3, v11  }
0xa2: {  	v8 =	vsub.f32 v8, v9  }
0xa3: {  	v9 =	vadd.s32 $0x6000, v5;
	v7 =	vsub.f32 v7, v13;
	v12 =	vsub.f32 v14, v12  }
0xa4: {  	v13 =	vadd.s32 $0x5000, v5;
	v8 =	vmul.f32 $-2.000000000e+00, v8  }
0xa5: {  	v14 =	vadd.s32 $0x4000, v5;
	v7 =	vmul.f32 $-2.000000000e+00, v7;
	v12 =	vmul.f32 $-2.000000000e+00, v12  }
0xa6: {  	v15 =	vadd.s32 $0x2000, v5;
	v16 =	vmul.f32 v8, v10;
	v17 =	vmul.f32 v8, v1  }
0xa7: {  	v18 =	vadd.s32 $0x1000, v5;
	v19 =	vld.idx.msk [tilespmem:v5+s2+$0x0], $0xffff;
	v20 =	vmul.f32 v7, v1;
	v21 =	vmul.f32 v7, v4  }
0xa8: {  	v9 =	vld.idx.msk [tilespmem:v9+s2+$0x0], $0xffff;
	v7 =	vmul.f32 v7, v10;
	v10 =	vmul.f32 v12, v11  }
0xa9: {  	v3 =	vadd.f32 v17, v3;
	v4 =	vmul.f32 v12, v4;
	v1 =	vmul.f32 v12, v1;
	v13 =	vld.idx.msk [tilespmem:v13+s2+$0x0], $0xffff  }
0xaa: {  	v8 =	vmul.f32 v8, v11;
	v12 =	vld.idx.msk [tilespmem:v14+s2+$0x0], $0xffff;
	v6 =	vadd.f32 v20, v6;
	v7 =	vsub.f32 v7, v10  }
0xab: {  	v11 =	vld.idx.msk [tilespmem:v15+s2+$0x0], $0xffff;
	v4 =	vsub.f32 v4, v16;
	v1 =	vadd.f32 v1, v2  }
0xac: {  	v10 =	vld.idx.msk [tilespmem:v18+s2+$0x0], $0xffff;
	v2 =	vsub.f32 v3, v7;
	v3 =	vsub.f32 v8, v21  }
0xad: {  	v7 =	vadd.s32 $0x3000, v5;
	v4 =	vsub.f32 v6, v4  }
0xae: {  	v1 =	vsub.f32 v1, v3;
	v14 =	vadd.f32 v2, v13  }
0xaf: {  	v6 =	vadd.f32 v4, v12  }
0xb0: {  	s26 =	simm.s32 $0x0;
	v3 =	vadd.f32 v1, v9;
	v1 =	vmul.f32 v14, v11;
	v2 =	vmul.f32 v14, v19  }
0xb1: {  	v4 =	vmov s26;
	v8 =	vmul.f32 v6, v11;
	v9 =	vmul.f32 v6, v10  }
0xb2: {  	v4 =	vshll.u32 v4, $0x3;
	v7 =	vld.idx.msk [tilespmem:v7+s2+$0x0], $0xffff;
	v12 =	vmul.f32 v3, v10;
	v13 =	vmul.f32 v3, v19  }
0xb3: {  	v5 =	vadd.s32 $0x7000, v5;
	v15 =	vor.u32 v0, v4;
	v2 =	vsub.f32 v2, v9  }
0xb4: {  	v9 =	vor.u32 $0x2, v15;
	v1 =	vsub.f32 v12, v1;
	v4 =	vsub.f32 v8, v13  }
0xb5: {  	v12 =	vor.u32 $0x1, v15;
	v13 =	vmul.f32 $-2.000000000e+00, v2  }
0xb6: {  	v59 =	vmul.f32 $-2.000000000e+00, v1;
	v60 =	vmul.f32 $-2.000000000e+00, v4  }
0xb7: {  	v4 =	vmul.f32 v13, v19;
	v61 =	vmul.f32 v13, v7  }
0xb8: {  	v1 =	vld.idx.msk [tilespmem:v5+s2+$0x0], $0xffff;
	v62 =	vmul.f32 v59, v7;
	v8 =	vmul.f32 v59, v10  }
0xb9: {  	v2 =	vld.idx.msk [tilespmem:v9+s21+$0x0], $0xffff;
	v63 =	vmul.f32 v60, v7;
	v9 =	vmul.f32 v59, v11  }
0xba: {  	v5 =	vadd.f32 v61, v3;
	v10 =	vmul.f32 v13, v10;
	v13 =	vmul.f32 v60, v19;
	v3 =	vld.idx.msk [tilespmem:v12+s21+$0x0], $0xffff  }
0xbb: {  	s11 =	smov.u32 s23;
	s29 =	simm.s32 $0x40;
	s23 =	sshll.u32 s22, $0x6;
	v12 =	vmul.f32 v60, v11;
	v7 =	vadd.f32 v62, v6;
	v6 =	vld.idx.msk [tilespmem:v15+s21+$0x0], $0xffff;
	v11 =	vadd.f32 v63, v14  }
.LBB2_3:
0xbc: {  	p0 =	sne.s32 s29, $0x18C0  }
0xbd: {  	v4 =	vsub.f32 v9, v4;
	v8 =	vsub.f32 v13, v8;
	s26 =	sadd.s32 $0x10, s26;
	s18 =	smov.u32 s29;
	s29 =	sadd.s32 $0x40, s29  }
0xbe: {  	v9 =	vsub.f32 v10, v12  }
0xbf: {  	s18 =	sshra.s32 s18, $0x2;
	v4 =	vsub.f32 v11, v4;
	v5 =	vsub.f32 v5, v8  }
0xc0: {  	v8 =	vld [tilespmem:s18+$0xF640];
	v7 =	vsub.f32 v7, v9  }
0xc1: {  	v9 =	vld [tilespmem:s18+$0x10F40];
	v3 =	vadd.f32 v4, v3;
	v2 =	vadd.f32 v5, v2  }
0xc2: {  	v4 =	vld [tilespmem:s18+$0xF000];
	v5 =	vadd.f32 v7, v6  }
0xc3: {  	v3 =	vmul.f32 v3, v1;
	v2 =	vmul.f32 v2, v1  }
0xc4: {  	v1 =	vmul.f32 v5, v1  }
0xc5: {  	v5 =	vadd.s32 $0x4000, v8;
	v6 =	vadd.s32 $0x5000, v8;
	v7 =	vadd.s32 $0x6000, v8;
	[tilespmem:s28+$0x15A40] =	vst v2  }
0xc6: {  	v2 =	vadd.s32 $0x1000, v8;
	v10 =	vadd.s32 $0x2000, v8;
	v11 =	vadd.s32 $0x3000, v8;
	v12 =	vld [tilespmem:s18+$0x10900];
	[tilespmem:s28+$0x14DC0] =	vst v1  }
0xc7: {  	v13 =	vadd.s32 $0x2000, v4;
	v14 =	vadd.s32 $0x4000, v4;
	v15 =	vadd.s32 $0x5000, v4;
	v16 =	vld [tilespmem:s18+$0x102C0];
	[tilespmem:s28+$0x15400] =	vst v3;
	s28 =	smov.u32 s18  }
0xc8: {  	v3 =	vadd.s32 $0x1000, v4;
	v17 =	vadd.s32 $0x3000, v4;
	v18 =	vadd.s32 $0x6000, v4;
	v19 =	vld [tilespmem:s28+$0x11580]  }
0xc9: {  	v1 =	vadd.s32 $0x7000, v4;
	v8 =	vld.idx.msk [tilespmem:v8+s17+$0x0], $0xffff  }
0xca: {  	v7 =	vld.idx.msk [tilespmem:v7+s17+$0x0], $0xffff  }
0xcb: {  	v2 =	vld.idx.msk [tilespmem:v2+s17+$0x0], $0xffff  }
0xcc: {  	v5 =	vld.idx.msk [tilespmem:v5+s17+$0x0], $0xffff  }
0xcd: {  	v6 =	vld.idx.msk [tilespmem:v6+s17+$0x0], $0xffff  }
0xce: {  	v9 =	vmul.f32 v19, v9;
	v10 =	vld.idx.msk [tilespmem:v10+s17+$0x0], $0xffff  }
0xcf: {  	v1 =	vld.idx.msk [tilespmem:v1+s2+$0x0], $0xffff  }
0xd0: {  	v16 =	vmul.f32 v19, v16;
	v7 =	vsub.f32 v7, v9  }
0xd1: {  	v9 =	vmul.f32 v19, v12  }
0xd2: {  	v5 =	vsub.f32 v5, v16;
	v12 =	vmul.f32 v7, v2;
	v16 =	vmul.f32 v7, v8  }
0xd3: {  	v6 =	vsub.f32 v6, v9  }
0xd4: {  	v19 =	vmul.f32 v5, v2;
	v9 =	vld.idx.msk [tilespmem:v11+s17+$0x0], $0xffff;
	v11 =	vmul.f32 v5, v10  }
0xd5: {  	v20 =	vmul.f32 v6, v10;
	v21 =	vmul.f32 v6, v8  }
0xd6: {  	v11 =	vsub.f32 v11, v16  }
0xd7: {  	v12 =	vsub.f32 v12, v20;
	v16 =	vsub.f32 v21, v19  }
0xd8: {  	v11 =	vmul.f32 $-2.000000000e+00, v11  }
0xd9: {  	v12 =	vmul.f32 $-2.000000000e+00, v12;
	v16 =	vmul.f32 $-2.000000000e+00, v16  }
0xda: {  	v19 =	vld.idx.msk [tilespmem:v4+s2+$0x0], $0xffff;
	v4 =	vmul.f32 v11, v10;
	v20 =	vmul.f32 v11, v9  }
0xdb: {  	v21 =	vmul.f32 v12, v9;
	v22 =	vmul.f32 v12, v2;
	v18 =	vld.idx.msk [tilespmem:v18+s2+$0x0], $0xffff  }
0xdc: {  	v10 =	vmul.f32 v12, v10;
	v12 =	vmul.f32 v16, v8;
	v15 =	vld.idx.msk [tilespmem:v15+s2+$0x0], $0xffff;
	v6 =	vadd.f32 v20, v6  }
0xdd: {  	v2 =	vmul.f32 v16, v2;
	v9 =	vmul.f32 v16, v9;
	v5 =	vadd.f32 v21, v5;
	v14 =	vld.idx.msk [tilespmem:v14+s2+$0x0], $0xffff  }
0xde: {  	v8 =	vmul.f32 v11, v8;
	v10 =	vsub.f32 v10, v12;
	v16 =	vld.idx.msk [tilespmem:v13+s2+$0x0], $0xffff  }
0xdf: {  	v2 =	vsub.f32 v2, v4;
	v11 =	vld.idx.msk [tilespmem:v3+s2+$0x0], $0xffff;
	v3 =	vadd.f32 v9, v7  }
0xe0: {  	v4 =	vsub.f32 v6, v10;
	v6 =	vsub.f32 v8, v22  }
0xe1: {  	v2 =	vsub.f32 v5, v2  }
0xe2: {  	v3 =	vsub.f32 v3, v6;
	v15 =	vadd.f32 v4, v15  }
0xe3: {  	v6 =	vadd.f32 v2, v14  }
0xe4: {  	v3 =	vadd.f32 v3, v18;
	v2 =	vmul.f32 v15, v16;
	v4 =	vmul.f32 v15, v19  }
0xe5: {  	v5 =	vmov s26;
	v8 =	vmul.f32 v6, v16;
	v9 =	vmul.f32 v6, v11;
	v7 =	vld.idx.msk [tilespmem:v17+s2+$0x0], $0xffff  }
0xe6: {  	v5 =	vshll.u32 v5, $0x3;
	v10 =	vmul.f32 v3, v11;
	v12 =	vmul.f32 v3, v19  }
0xe7: {  	v14 =	vor.u32 v0, v5;
	v4 =	vsub.f32 v4, v9  }
0xe8: {  	v5 =	vor.u32 $0x2, v14;
	v2 =	vsub.f32 v10, v2;
	v8 =	vsub.f32 v8, v12  }
0xe9: {  	v10 =	vor.u32 $0x1, v14;
	v12 =	vmul.f32 $-2.000000000e+00, v4  }
0xea: {  	v9 =	vmul.f32 $-2.000000000e+00, v2;
	v17 =	vmul.f32 $-2.000000000e+00, v8  }
.Ltmp2:
0xeb: {  	v4 =	vmul.f32 v12, v19;
	v13 =	vmul.f32 v12, v7;
	(pc) =	sbr.rel @p0 .LBB2_3-.Ltmp2, $4  }
0xec: {  	v18 =	vmul.f32 v9, v7;
	v8 =	vmul.f32 v9, v11  }
0xed: {  	v20 =	vmul.f32 v17, v7;
	v9 =	vmul.f32 v9, v16;
	v2 =	vld.idx.msk [tilespmem:v5+s21+$0x0], $0xffff;
	v5 =	vadd.f32 v13, v3  }
0xee: {  	v7 =	vadd.f32 v18, v6;
	v13 =	vmul.f32 v17, v19;
	v3 =	vld.idx.msk [tilespmem:v10+s21+$0x0], $0xffff;
	v10 =	vmul.f32 v12, v11  }
0xef: {  	v12 =	vmul.f32 v17, v16;
	v11 =	vadd.f32 v20, v15;
	v6 =	vld.idx.msk [tilespmem:v14+s21+$0x0], $0xffff  }
0xf0: {  	v8 =	vsub.f32 v13, v8  }
0xf1: {  	v10 =	vsub.f32 v10, v12  }
0xf2: {  	v4 =	vsub.f32 v9, v4;
	v5 =	vsub.f32 v5, v8  }
0xf3: {  	v7 =	vsub.f32 v7, v10  }
0xf4: {  	v4 =	vsub.f32 v11, v4;
	v2 =	vadd.f32 v5, v2  }
0xf5: {  	v5 =	vadd.f32 v7, v6  }
0xf6: {  	v3 =	vadd.f32 v4, v3;
	v2 =	vmul.f32 v2, v1  }
0xf7: {  	s18 =	sor.u32 s14, s23;
	v4 =	vmul.f32 v5, v1  }
0xf8: {  	s26 =	smul.u32 $0xC8, s18;
	v1 =	vmul.f32 v3, v1;
	[tilespmem:s28+$0x15A40] =	vst v2  }
0xf9: {  	[tilespmem:s28+$0x14DC0] =	vst v4  }
0xfa: {  	s1 =	simm.s32 $0x14DC0;
	s18 =	sadd.s32 s13, s26;
	[tilespmem:s28+$0x15400] =	vst v1  }
0xfb: {  	[hbm4b:s18+s2] =	stream.linear.scatter [tilespmem:s1], [sflag:$0x5], $0x640, $0x38;
	[tilespmem:$0x1D100] =	vst v63  }
0xfc: {  	p0 =	seq.s32 s22, $0x4;
	s18 =	sadd.s32 s15, s26;
	s1 =	simm.s32 $0x15400  }
0xfd: {  	[hbm4b:s18+s2] =	stream.linear.scatter [tilespmem:s1], [sflag:$0x5], $0x640, $0x38;
	[tilespmem:$0x1D100] =	vst v63  }
0xfe: {  	s18 =	sadd.s32 @!p0 s8, s23  }
0xff: {  	s28 =	sadd.s32 s16, s26;
	s1 =	simm.s32 $0x15A40;
	s18 =	smul.u32 @!p0 $0xC8, s18  }
0x100: {  	[hbm4b:s28+s2] =	stream.linear.scatter [tilespmem:s1], [sflag:$0x5], $0x640, $0x38;
	[tilespmem:$0x1D100] =	vst v63  }
0x101: {  	s29 =	simm.s32 @!p0 $0x0;
	s1 =	simm.s32 @!p0 $0xF000;
	s28 =	sadd.s32 @!p0 s3, s18  }
0x102: {  	[tilespmem:s1], [sflag:$0x1] =	stream.linear.gather @!p0 [hbm4b:s28+s29], $0x640, $0x38;
	[tilespmem:$0x1D100] =	vst v63  }
0x103: {  	s1 =	sadd.s32 @!p0 s4, s18;
	s28 =	simm.s32 @!p0 $0xF640  }
0x104: {  	[tilespmem:s28], [sflag:$0x1] =	stream.linear.gather @!p0 [hbm4b:s1+s29], $0x640, $0x38;
	[tilespmem:$0x1D100] =	vst v63  }
0x105: {  	s1 =	sadd.s32 @!p0 s5, s18;
	s28 =	simm.s32 @!p0 $0xFC80  }
0x106: {  	[tilespmem:s28], [sflag:$0x1] =	stream.linear.gather @!p0 [hbm4b:s1+s29], $0x640, $0x38;
	[tilespmem:$0x1D100] =	vst v63  }
0x107: {  	s1 =	sadd.s32 @!p0 s6, s18;
	s28 =	simm.s32 @!p0 $0x102C0  }
0x108: {  	[tilespmem:s28], [sflag:$0x1] =	stream.linear.gather @!p0 [hbm4b:s1+s29], $0x640, $0x38;
	[tilespmem:$0x1D100] =	vst v63  }
0x109: {  	s1 =	sadd.s32 @!p0 s7, s18;
	s28 =	simm.s32 @!p0 $0x10900  }
0x10a: {  	[tilespmem:s28], [sflag:$0x1] =	stream.linear.gather @!p0 [hbm4b:s1+s29], $0x640, $0x38;
	[tilespmem:$0x1D100] =	vst v63  }
0x10b: {  	p1 =	seq.s32 @!p0 s22, $0x0;
	s1 =	sadd.s32 @!p0 s9, s18;
	s28 =	simm.s32 @!p0 $0x10F40  }
0x10c: {  	[tilespmem:s28], [sflag:$0x1] =	stream.linear.gather @!p0 [hbm4b:s1+s29], $0x640, $0x38;
	[tilespmem:$0x1D100] =	vst v63  }
0x10d: {  	p1 =	por p0, !p1;
	s1 =	sadd.s32 @!p0 s10, s18;
	s18 =	simm.s32 @!p0 $0x11580  }
0x10e: {  	[tilespmem:s18], [sflag:$0x1] =	stream.linear.gather @!p0 [hbm4b:s1+s29], $0x640, $0x38;
	[tilespmem:$0x1D100] =	vst v63  }
0x10f: {  	_ =	swait.ge @p1 [sflag:s12], $0x640  }
0x110: {  	[sflag:s12] =	ssyncset.done @p1 $0x0  }
0x111: {  	[sflag:s12] =	ssyncadd.s32 @p1 $0xFFFFF9C0  }
0x112: {  	_ =	swait.ge @p1 [sflag:s12], $0x640  }
0x113: {  	[sflag:s12] =	ssyncset.done @p1 $0x0  }
0x114: {  	[sflag:s12] =	ssyncadd.s32 @p1 $0xFFFFF9C0  }
0x115: {  	_ =	swait.ge @p1 [sflag:s12], $0x640  }
0x116: {  	[sflag:s12] =	ssyncset.done @p1 $0x0  }
0x117: {  	[sflag:s12] =	ssyncadd.s32 @p1 $0xFFFFF9C0  }
0x118: {  	_ =	swait.ge [sflag:s25], $0x3200  }
0x119: {  	[sflag:s25] =	ssyncset.done $0x0  }
0x11a: {  	s28 =	simm.s32 $0x0;
	[sflag:s25] =	ssyncadd.s32 $0xFFFFCE00  }
0x11b: {  	v1 =	vld [tilespmem:s28+$0x166C0];
	_ =	sdelay $0x4  }
0x11c: {  	v2 =	vld [tilespmem:s28+$0x17FC0];
	v3 =	vadd.s32 $0x6000, v1  }
0x11d: {  	v5 =	vld [tilespmem:s28+$0x17980];
	v4 =	vadd.s32 $0x1000, v1  }
0x11e: {  	v7 =	vld [tilespmem:s28+$0x17340];
	v6 =	vadd.s32 $0x4000, v1  }
0x11f: {  	v9 =	vld [tilespmem:s28+$0x18600];
	v8 =	vadd.s32 $0x5000, v1  }
0x120: {  	v10 =	vadd.s32 $0x2000, v1;
	v11 =	vld.idx.msk [tilespmem:v1+s17+$0x0], $0xffff  }
0x121: {  	v3 =	vld.idx.msk [tilespmem:v3+s17+$0x0], $0xffff  }
0x122: {  	v4 =	vld.idx.msk [tilespmem:v4+s17+$0x0], $0xffff  }
0x123: {  	v6 =	vld.idx.msk [tilespmem:v6+s17+$0x0], $0xffff  }
0x124: {  	v8 =	vld.idx.msk [tilespmem:v8+s17+$0x0], $0xffff  }
0x125: {  	v2 =	vmul.f32 v9, v2;
	v10 =	vld.idx.msk [tilespmem:v10+s17+$0x0], $0xffff  }
0x126: {  	v7 =	vmul.f32 v9, v7;
	v1 =	vadd.s32 $0x3000, v1  }
0x127: {  	v2 =	vsub.f32 v3, v2;
	v3 =	vmul.f32 v9, v5  }
0x128: {  	v5 =	vld [tilespmem:s28+$0x16080];
	v6 =	vsub.f32 v6, v7  }
0x129: {  	v7 =	vmul.f32 v2, v4;
	v9 =	vmul.f32 v2, v11;
	v3 =	vsub.f32 v8, v3  }
0x12a: {  	v8 =	vmul.f32 v6, v10;
	v12 =	vmul.f32 v6, v4  }
0x12b: {  	v1 =	vld.idx.msk [tilespmem:v1+s17+$0x0], $0xffff;
	v13 =	vmul.f32 v3, v10;
	v14 =	vmul.f32 v3, v11  }
0x12c: {  	v8 =	vsub.f32 v8, v9  }
0x12d: {  	v9 =	vadd.s32 $0x6000, v5;
	v7 =	vsub.f32 v7, v13;
	v12 =	vsub.f32 v14, v12  }
0x12e: {  	v13 =	vadd.s32 $0x5000, v5;
	v8 =	vmul.f32 $-2.000000000e+00, v8  }
0x12f: {  	v14 =	vadd.s32 $0x4000, v5;
	v7 =	vmul.f32 $-2.000000000e+00, v7;
	v12 =	vmul.f32 $-2.000000000e+00, v12  }
0x130: {  	v15 =	vadd.s32 $0x2000, v5;
	v16 =	vmul.f32 v8, v10;
	v17 =	vmul.f32 v8, v1  }
0x131: {  	v18 =	vadd.s32 $0x1000, v5;
	v19 =	vld.idx.msk [tilespmem:v5+s2+$0x0], $0xffff;
	v20 =	vmul.f32 v7, v1;
	v21 =	vmul.f32 v7, v4  }
0x132: {  	v9 =	vld.idx.msk [tilespmem:v9+s2+$0x0], $0xffff;
	v7 =	vmul.f32 v7, v10;
	v10 =	vmul.f32 v12, v11  }
0x133: {  	v3 =	vadd.f32 v17, v3;
	v4 =	vmul.f32 v12, v4;
	v1 =	vmul.f32 v12, v1;
	v13 =	vld.idx.msk [tilespmem:v13+s2+$0x0], $0xffff  }
0x134: {  	v8 =	vmul.f32 v8, v11;
	v12 =	vld.idx.msk [tilespmem:v14+s2+$0x0], $0xffff;
	v6 =	vadd.f32 v20, v6;
	v7 =	vsub.f32 v7, v10  }
0x135: {  	v11 =	vld.idx.msk [tilespmem:v15+s2+$0x0], $0xffff;
	v4 =	vsub.f32 v4, v16;
	v1 =	vadd.f32 v1, v2  }
0x136: {  	v10 =	vld.idx.msk [tilespmem:v18+s2+$0x0], $0xffff;
	v2 =	vsub.f32 v3, v7;
	v3 =	vsub.f32 v8, v21  }
0x137: {  	v7 =	vadd.s32 $0x3000, v5;
	v4 =	vsub.f32 v6, v4  }
0x138: {  	v1 =	vsub.f32 v1, v3;
	v14 =	vadd.f32 v2, v13  }
0x139: {  	v12 =	vadd.f32 v4, v12  }
0x13a: {  	s29 =	simm.s32 $0x0;
	v3 =	vadd.f32 v1, v9;
	v1 =	vmul.f32 v14, v11;
	v2 =	vmul.f32 v14, v19  }
0x13b: {  	v4 =	vmov s29;
	v6 =	vmul.f32 v12, v11;
	v8 =	vmul.f32 v12, v10  }
0x13c: {  	v4 =	vshll.u32 v4, $0x3;
	v7 =	vld.idx.msk [tilespmem:v7+s2+$0x0], $0xffff;
	v9 =	vmul.f32 v3, v10;
	v13 =	vmul.f32 v3, v19  }
0x13d: {  	v5 =	vadd.s32 $0x7000, v5;
	v15 =	vor.u32 v0, v4;
	v2 =	vsub.f32 v2, v8  }
0x13e: {  	v59 =	vor.u32 $0x2, v15;
	v1 =	vsub.f32 v9, v1;
	v4 =	vsub.f32 v6, v13  }
0x13f: {  	v13 =	vor.u32 $0x1, v15;
	v60 =	vmul.f32 $-2.000000000e+00, v2  }
0x140: {  	v6 =	vmul.f32 $-2.000000000e+00, v1;
	v61 =	vmul.f32 $-2.000000000e+00, v4  }
0x141: {  	v4 =	vmul.f32 v60, v19;
	v62 =	vmul.f32 v60, v7  }
0x142: {  	v1 =	vld.idx.msk [tilespmem:v5+s2+$0x0], $0xffff;
	v5 =	vmul.f32 v6, v7;
	v8 =	vmul.f32 v6, v10  }
0x143: {  	v2 =	vld.idx.msk [tilespmem:v59+s31+$0x0], $0xffff;
	v63 =	vmul.f32 v61, v7;
	v9 =	vmul.f32 v6, v11  }
0x144: {  	v6 =	vadd.f32 v62, v3;
	v10 =	vmul.f32 v60, v10;
	v3 =	vld.idx.msk [tilespmem:v13+s31+$0x0], $0xffff;
	v13 =	vmul.f32 v61, v19  }
0x145: {  	s18 =	simm.s32 $0x40;
	v7 =	vadd.f32 v5, v12;
	v5 =	vld.idx.msk [tilespmem:v15+s31+$0x0], $0xffff;
	v12 =	vmul.f32 v61, v11;
	v11 =	vadd.f32 v63, v14  }
.LBB2_5:
0x146: {  	p1 =	sne.s32 s18, $0x18C0  }
0x147: {  	v4 =	vsub.f32 v9, v4;
	v8 =	vsub.f32 v13, v8;
	s29 =	sadd.s32 $0x10, s29;
	s1 =	smov.u32 s18;
	s18 =	sadd.s32 $0x40, s18  }
0x148: {  	v9 =	vsub.f32 v10, v12  }
0x149: {  	s1 =	sshra.s32 s1, $0x2;
	v4 =	vsub.f32 v11, v4;
	v6 =	vsub.f32 v6, v8  }
0x14a: {  	v8 =	vld [tilespmem:s1+$0x166C0];
	v7 =	vsub.f32 v7, v9  }
0x14b: {  	v9 =	vld [tilespmem:s1+$0x17FC0];
	v3 =	vadd.f32 v4, v3;
	v2 =	vadd.f32 v6, v2  }
0x14c: {  	v4 =	vld [tilespmem:s1+$0x16080];
	v5 =	vadd.f32 v7, v5  }
0x14d: {  	v3 =	vmul.f32 v3, v1;
	v2 =	vmul.f32 v2, v1  }
0x14e: {  	v1 =	vmul.f32 v5, v1  }
0x14f: {  	v5 =	vadd.s32 $0x4000, v8;
	v6 =	vadd.s32 $0x5000, v8;
	v7 =	vadd.s32 $0x6000, v8;
	[tilespmem:s28+$0x1CAC0] =	vst v2  }
0x150: {  	v2 =	vadd.s32 $0x1000, v8;
	v10 =	vadd.s32 $0x2000, v8;
	v11 =	vadd.s32 $0x3000, v8;
	v12 =	vld [tilespmem:s1+$0x17980];
	[tilespmem:s28+$0x1BE40] =	vst v1  }
0x151: {  	v13 =	vadd.s32 $0x2000, v4;
	v14 =	vadd.s32 $0x4000, v4;
	v15 =	vadd.s32 $0x5000, v4;
	v16 =	vld [tilespmem:s1+$0x17340];
	[tilespmem:s28+$0x1C480] =	vst v3;
	s28 =	smov.u32 s1  }
0x152: {  	v3 =	vadd.s32 $0x1000, v4;
	v17 =	vadd.s32 $0x3000, v4;
	v18 =	vadd.s32 $0x6000, v4;
	v19 =	vld [tilespmem:s28+$0x18600]  }
0x153: {  	v1 =	vadd.s32 $0x7000, v4;
	v8 =	vld.idx.msk [tilespmem:v8+s17+$0x0], $0xffff  }
0x154: {  	v7 =	vld.idx.msk [tilespmem:v7+s17+$0x0], $0xffff  }
0x155: {  	v2 =	vld.idx.msk [tilespmem:v2+s17+$0x0], $0xffff  }
0x156: {  	v5 =	vld.idx.msk [tilespmem:v5+s17+$0x0], $0xffff  }
0x157: {  	v6 =	vld.idx.msk [tilespmem:v6+s17+$0x0], $0xffff  }
0x158: {  	v9 =	vmul.f32 v19, v9;
	v10 =	vld.idx.msk [tilespmem:v10+s17+$0x0], $0xffff  }
0x159: {  	v1 =	vld.idx.msk [tilespmem:v1+s2+$0x0], $0xffff  }
0x15a: {  	v16 =	vmul.f32 v19, v16;
	v7 =	vsub.f32 v7, v9  }
0x15b: {  	v9 =	vmul.f32 v19, v12  }
0x15c: {  	v5 =	vsub.f32 v5, v16;
	v12 =	vmul.f32 v7, v2;
	v16 =	vmul.f32 v7, v8  }
0x15d: {  	v6 =	vsub.f32 v6, v9  }
0x15e: {  	v19 =	vmul.f32 v5, v2;
	v9 =	vld.idx.msk [tilespmem:v11+s17+$0x0], $0xffff;
	v11 =	vmul.f32 v5, v10  }
0x15f: {  	v20 =	vmul.f32 v6, v10;
	v21 =	vmul.f32 v6, v8  }
0x160: {  	v11 =	vsub.f32 v11, v16  }
0x161: {  	v12 =	vsub.f32 v12, v20;
	v16 =	vsub.f32 v21, v19  }
0x162: {  	v11 =	vmul.f32 $-2.000000000e+00, v11  }
0x163: {  	v12 =	vmul.f32 $-2.000000000e+00, v12;
	v16 =	vmul.f32 $-2.000000000e+00, v16  }
0x164: {  	v19 =	vld.idx.msk [tilespmem:v4+s2+$0x0], $0xffff;
	v4 =	vmul.f32 v11, v10;
	v20 =	vmul.f32 v11, v9  }
0x165: {  	v21 =	vmul.f32 v12, v9;
	v22 =	vmul.f32 v12, v2;
	v18 =	vld.idx.msk [tilespmem:v18+s2+$0x0], $0xffff  }
0x166: {  	v10 =	vmul.f32 v12, v10;
	v12 =	vmul.f32 v16, v8;
	v15 =	vld.idx.msk [tilespmem:v15+s2+$0x0], $0xffff;
	v6 =	vadd.f32 v20, v6  }
0x167: {  	v2 =	vmul.f32 v16, v2;
	v9 =	vmul.f32 v16, v9;
	v5 =	vadd.f32 v21, v5;
	v14 =	vld.idx.msk [tilespmem:v14+s2+$0x0], $0xffff  }
0x168: {  	v8 =	vmul.f32 v11, v8;
	v10 =	vsub.f32 v10, v12;
	v16 =	vld.idx.msk [tilespmem:v13+s2+$0x0], $0xffff  }
0x169: {  	v2 =	vsub.f32 v2, v4;
	v11 =	vld.idx.msk [tilespmem:v3+s2+$0x0], $0xffff;
	v3 =	vadd.f32 v9, v7  }
0x16a: {  	v4 =	vsub.f32 v6, v10;
	v6 =	vsub.f32 v8, v22  }
0x16b: {  	v2 =	vsub.f32 v5, v2  }
0x16c: {  	v3 =	vsub.f32 v3, v6;
	v15 =	vadd.f32 v4, v15  }
0x16d: {  	v5 =	vadd.f32 v2, v14  }
0x16e: {  	v3 =	vadd.f32 v3, v18;
	v2 =	vmul.f32 v15, v16;
	v4 =	vmul.f32 v15, v19  }
0x16f: {  	v6 =	vmov s29;
	v8 =	vmul.f32 v5, v16;
	v9 =	vmul.f32 v5, v11;
	v7 =	vld.idx.msk [tilespmem:v17+s2+$0x0], $0xffff  }
0x170: {  	v6 =	vshll.u32 v6, $0x3;
	v10 =	vmul.f32 v3, v11;
	v12 =	vmul.f32 v3, v19  }
0x171: {  	v14 =	vor.u32 v0, v6;
	v4 =	vsub.f32 v4, v9  }
0x172: {  	v6 =	vor.u32 $0x2, v14;
	v2 =	vsub.f32 v10, v2;
	v8 =	vsub.f32 v8, v12  }
0x173: {  	v10 =	vor.u32 $0x1, v14;
	v12 =	vmul.f32 $-2.000000000e+00, v4  }
0x174: {  	v9 =	vmul.f32 $-2.000000000e+00, v2;
	v17 =	vmul.f32 $-2.000000000e+00, v8  }
.Ltmp3:
0x175: {  	v4 =	vmul.f32 v12, v19;
	v13 =	vmul.f32 v12, v7;
	(pc) =	sbr.rel @p1 .LBB2_5-.Ltmp3, $4  }
0x176: {  	v18 =	vmul.f32 v9, v7;
	v8 =	vmul.f32 v9, v11  }
0x177: {  	v20 =	vmul.f32 v17, v7;
	v9 =	vmul.f32 v9, v16;
	v2 =	vld.idx.msk [tilespmem:v6+s31+$0x0], $0xffff;
	v6 =	vadd.f32 v13, v3  }
0x178: {  	v7 =	vadd.f32 v18, v5;
	v13 =	vmul.f32 v17, v19;
	v3 =	vld.idx.msk [tilespmem:v10+s31+$0x0], $0xffff;
	v10 =	vmul.f32 v12, v11  }
0x179: {  	v12 =	vmul.f32 v17, v16;
	v11 =	vadd.f32 v20, v15;
	v5 =	vld.idx.msk [tilespmem:v14+s31+$0x0], $0xffff  }
0x17a: {  	v8 =	vsub.f32 v13, v8  }
0x17b: {  	v10 =	vsub.f32 v10, v12  }
0x17c: {  	v4 =	vsub.f32 v9, v4;
	v6 =	vsub.f32 v6, v8  }
0x17d: {  	v7 =	vsub.f32 v7, v10  }
0x17e: {  	v4 =	vsub.f32 v11, v4;
	v2 =	vadd.f32 v6, v2  }
0x17f: {  	v5 =	vadd.f32 v7, v5  }
0x180: {  	v3 =	vadd.f32 v4, v3;
	v2 =	vmul.f32 v2, v1  }
0x181: {  	v63 =	vmul.f32 v5, v1  }
0x182: {  	v1 =	vmul.f32 v3, v1;
	[tilespmem:s28+$0x1CAC0] =	vst v2  }
0x183: {  	s1 =	sadd.s32 $0x1900, s26;
	[tilespmem:s28+$0x1BE40] =	vst v63  }
0x184: {  	s29 =	simm.s32 $0x1BE40;
	s18 =	sadd.s32 s13, s1;
	[tilespmem:s28+$0x1C480] =	vst v1  }
0x185: {  	[hbm4b:s18+s2] =	stream.linear.scatter [tilespmem:s29], [sflag:$0x6], $0x640, $0x38;
	[tilespmem:$0x1D100] =	vst v63  }
.Ltmp4:
0x186: {  	_ = 	snop;
	(pc) =	sbr.rel @p0 .LBB2_8-.Ltmp4, $4  }
0x187: {  	s26 =	sadd.s32 s15, s1;
	s28 =	simm.s32 $0x1C480  }
0x188: {  	[hbm4b:s26+s2] =	stream.linear.scatter [tilespmem:s28], [sflag:$0x6], $0x640, $0x38;
	[tilespmem:$0x1D100] =	vst v63  }
0x189: {  	s1 =	sadd.s32 s16, s1;
	s29 =	simm.s32 $0x1CAC0  }
0x18a: {  	[hbm4b:s1+s2] =	stream.linear.scatter [tilespmem:s29], [sflag:$0x6], $0x640, $0x38;
	[tilespmem:$0x1D100] =	vst v63  }
0x18b: {  	_ =	swait.ge [sflag:s19], $0x640  }
0x18c: {  	[sflag:s19] =	ssyncset.done $0x0  }
0x18d: {  	[sflag:s19] =	ssyncadd.s32 $0xFFFFF9C0  }
0x18e: {  	_ =	swait.ge [sflag:s19], $0x640  }
0x18f: {  	[sflag:s19] =	ssyncset.done $0x0  }
0x190: {  	[sflag:s19] =	ssyncadd.s32 $0xFFFFF9C0  }
0x191: {  	_ =	swait.ge [sflag:s19], $0x640  }
0x192: {  	[sflag:s19] =	ssyncset.done $0x0  }
0x193: {  	[sflag:s19] =	ssyncadd.s32 $0xFFFFF9C0  }
0x194: {  	_ =	swait.ge [sflag:s19], $0x640  }
0x195: {  	[sflag:s19] =	ssyncset.done $0x0  }
0x196: {  	[sflag:s19] =	ssyncadd.s32 $0xFFFFF9C0  }
0x197: {  	_ =	swait.ge [sflag:s19], $0x640  }
0x198: {  	[sflag:s19] =	ssyncset.done $0x0  }
0x199: {  	[sflag:s19] =	ssyncadd.s32 $0xFFFFF9C0  }
0x19a: {  	_ =	swait.ge [sflag:s19], $0x640  }
0x19b: {  	[sflag:s19] =	ssyncset.done $0x0  }
0x19c: {  	[sflag:s19] =	ssyncadd.s32 $0xFFFFF9C0  }
0x19d: {  	_ =	swait.ge [sflag:s19], $0x640  }
0x19e: {  	s1 =	rddreg [dreg:$0x14]  }
0x19f: {  	s28 =	simm.s32 $0xFC80;
	[sflag:s19] =	ssyncset.done $0x0;
	s1 =	sadd.s32 s1, s23  }
0x1a0: {  	[sflag:s19] =	ssyncadd.s32 $0xFFFFF9C0;
	s23 =	smov.u32 s11;
	s1 =	smul.u32 $0xC8, s1  }
0x1a1: {  	[tilespmem:s21], [sflag:$0x3] =	stream.indirect.gather [hbm4b:s23+s20], $0x8, s28, s20, $0xb8;
	[tilespmem:$0x1D100] =	vst v63  }
0x1a2: {  	s29 =	simm.s32 $0x16080;
	s18 =	sadd.s32 s3, s1  }
0x1a3: {  	[tilespmem:s29], [sflag:$0x2] =	stream.linear.gather [hbm4b:s18+s2], $0x640, $0x38;
	[tilespmem:$0x1D100] =	vst v63  }
0x1a4: {  	s28 =	simm.s32 $0x166C0;
	s26 =	sadd.s32 s4, s1  }
0x1a5: {  	[tilespmem:s28], [sflag:$0x2] =	stream.linear.gather [hbm4b:s26+s2], $0x640, $0x38;
	[tilespmem:$0x1D100] =	vst v63  }
0x1a6: {  	s29 =	sadd.s32 s5, s1  }
0x1a7: {  	[tilespmem:s24], [sflag:$0x2] =	stream.linear.gather [hbm4b:s29+s2], $0x640, $0x38;
	[tilespmem:$0x1D100] =	vst v63  }
0x1a8: {  	s11 =	sadd.s32 s6, s1;
	s26 =	simm.s32 $0x17340  }
0x1a9: {  	[tilespmem:s26], [sflag:$0x2] =	stream.linear.gather [hbm4b:s11+s2], $0x640, $0x38;
	[tilespmem:$0x1D100] =	vst v63  }
0x1aa: {  	s28 =	sadd.s32 s7, s1;
	s29 =	simm.s32 $0x17980  }
0x1ab: {  	[tilespmem:s29], [sflag:$0x2] =	stream.linear.gather [hbm4b:s28+s2], $0x640, $0x38;
	[tilespmem:$0x1D100] =	vst v63  }
.Ltmp5:
0x1ac: {  	_ = 	snop;
	(pc) =	sbr.rel .LBB2_2-.Ltmp5, $4  }
0x1ad: {  	s26 =	sadd.s32 s9, s1;
	s28 =	simm.s32 $0x17FC0  }
0x1ae: {  	[tilespmem:s28], [sflag:$0x2] =	stream.linear.gather [hbm4b:s26+s2], $0x640, $0x38;
	[tilespmem:$0x1D100] =	vst v63  }
0x1af: {  	s22 =	sadd.s32 $0x1, s22;
	s1 =	sadd.s32 s10, s1;
	s29 =	simm.s32 $0x18600  }
0x1b0: {  	[tilespmem:s29], [sflag:$0x2] =	stream.linear.gather [hbm4b:s1+s2], $0x640, $0x38;
	[tilespmem:$0x1D100] =	vst v63  }
.LBB2_9:
0x1b1: {  	_ =	sfence.sel $0x180000  }
0x1b2: {  	[bflag:$0x0] =	sbarrier.arrive $0xFFFF  }
0x1b3: {  	_ =	strace $0x9000004A  }
0x1b4: {  	s0 =	stileid.u32;
	[bflag:$0x2] =	sbarrier.arrive $0xFFFF  }
0x1b5: {  	p0 =	sne.s32 s0, $0x0;
	s0 =	rddreg [dreg:$0x2]  }
0x1b6: {  	s0 =	sadd.s32 @!p0 $0x100000, s0  }
0x1b7: {  	[sflag:s0] =	ssyncadd.tile.s32 @!p0 $0x1;
	_ =	shalt  }
.Lfunc_end2:
_tile_overlayer_lowered:
.L_overlay_start_2:
0x1b8: {  	(tag) =	ssettag $0x2  }
0x1b9: {  	s0 =	rddreg [dreg:$0x0];
	s2 =	stileid.u32  }
0x1ba: {  	s1 =	rddreg [dreg:$0x1];
	p0 =	sne.s32 s2, $0x0  }
0x1bb: {  	s3 =	rddreg [dreg:$0x2];
	[bflag:$0x3] =	sbarrier.arrive $0xFFFF;
	s2 =	simm.s32 @!p0 $0x1C07  }
0x1bc: {  	[timem:s3], [sflag:s2] =	dma.local @!p0 [hbm:s0], s1  }
0x1bd: {  	s0 =	simm.s32 @!p0 $0x7  }
0x1be: {  	_ =	swait.ge @!p0 [sflag:s0], s1  }
0x1bf: {  	s1 =	ssub.s32 @!p0 $0x0, s1;
	[sflag:s0] =	ssyncset.done @!p0 $0x0  }
0x1c0: {  	[sflag:s0] =	ssyncadd.s32 @!p0 s1  }
0x1c1: {  	[bflag:$0x3] =	sbarrier.arrive $0xFFFF  }
0x1c2: {  	_ =	shalt  }

// kernel: kernel.7.cloned.1.call-start
scs
__scs_entry_jumppad:
0x0: {  	(pc) =	sbr.rel $0x88, $3  }
0x1: {  	(tag) =	ssettag $0x0;
	lr =	simm.s32 $0x1  }
0x2: {  	[smem:$0x3F97] =	sst lr;
	_ =	strace $0xD0000000  }
0x3: {  	_ = 	snop  }
0x4: {  	_ = 	snop  }
0x5: {  	_ = 	snop  }
0x6: {  	_ = 	snop  }
0x7: {  	_ = 	snop  }
__scs_overlays_trampoline_lowered:
0x8: {  	[smem:$0x3FA6] =	sst s0  }
0x9: {  	[smem:$0x3FA7] =	sst s1  }
0xa: {  	[smem:$0x3FA8] =	sst s2  }
0xb: {  	[smem:$0x3FA9] =	sst s3  }
0xc: {  	[smem:$0x3FAA] =	sst s4  }
0xd: {  	[smem:$0x3FAB] =	sst s5  }
0xe: {  	[smem:$0x3FAC] =	sst s6  }
0xf: {  	[smem:$0x3FAD] =	sst s7  }
0x10: {  	[smem:$0x3FAE] =	sst s8  }
0x11: {  	[smem:$0x3FAF] =	sst s9;
	s0 =	simm.s32 @!p0 $0x0  }
0x12: {  	s1 =	sld [smem:$0x3F95];
	s0 =	simm.s32 @p0 $0x1  }
0x13: {  	[smem:$0x3FB0] =	sst s0;
	s0 =	simm.s32 @!p1 $0x0  }
0x14: {  	s2 =	sld [smem:$0x3F94];
	s0 =	simm.s32 @p1 $0x1  }
0x15: {  	[smem:$0x3FB1] =	sst s0;
	s0 =	simm.s32 @!p2 $0x0  }
0x16: {  	s3 =	sld [smem:$0x3FDB];
	s0 =	simm.s32 @p2 $0x1  }
0x17: {  	s4 =	simm.s32 $0x1BF5;
	[smem:$0x3FB3] =	sst s0  }
0x18: {  	s0 =	sld [smem:$0x3F96];
	_ =	swait.ge [sflag:s4], $0x0  }
0x19: {  	s7 =	sld [smem:$0x3F97]  }
0x1a: {  	s8 =	sadd.s32 $0xFFFFE003, lr  }
0x1b: {  	s9 =	sadd.s32 $0xFFFFFEF7, lr;
	s5 =	simm.s32 $0xFFFFFFFF;
	p2 =	slt.u32 s8, $0xFFFFF086  }
0x1c: {  	p1 =	slt.u32 s9, $0xF7A;
	s5 =	simm.s32 @!p2 $0x0  }
0x1d: {  	s5 =	simm.s32 @p1 $0x1;
	p0 =	seq.s32 s7, s2  }
0x1e: {  	s7 =	smul.u32 @!p0 $0xF7A, s2;
	p2 =	seq.s32 @!p0 s5, $0x0  }
0x1f: {  	s9 =	smul.u32 $0xF7A, s1;
	s8 =	simm.s32 @!p0 $0x1BF5;
	p2 =	por !p2, p0  }
0x20: {  	[sflag:s8] =	ssyncset.s32 @!p0 $0xFFFFF086;
	s6 =	sadd.s32 @!p0 s3, s7;
	s7 =	simm.s32 @!p0 $0x108  }
0x21: {  	s3 =	sadd.s32 s3, s9;
	s6 =	sadd.s32 @!p0 $0x88, s6;
	s7 =	simm.s32 @p2 $0x1082  }
0x22: {  	[simem:s7], [sflag:s8] =	dma.local @!p0 [hbm:s6], $0xF7A  }
0x23: {  	s9 =	sor.u32 $0xD0000000, s2;
	s6 =	simm.s32 $0x108;
	_ =	swait.ge @!p0 [sflag:s8], $0x0  }
0x24: {  	s3 =	sadd.s32 $0x88, s3;
	s6 =	simm.s32 @!p1 $0x1082;
	[sflag:s4] =	ssyncset.s32 $0xFFFFF086  }
0x25: {  	[simem:s6], [sflag:s4] =	dma.local [hbm:s3], $0xF7A  }
0x26: {  	[smem:$0x3F97] =	sst s1;
	(tag) =	ssettag s2;
	_ =	strace s9  }
0x27: {  	s1 =	sld [smem:$0x3FA7]  }
0x28: {  	s2 =	sld [smem:$0x3FA8]  }
0x29: {  	s4 =	sld [smem:$0x3FAA]  }
0x2a: {  	p0 =	seq.s32 s5, $0x0;
	s5 =	sld [smem:$0x3FAB]  }
0x2b: {  	s6 =	sld [smem:$0x3FAC]  }
0x2c: {  	s7 =	sld [smem:$0x3FAD]  }
0x2d: {  	s3 =	simm.s32 $0x108;
	s8 =	sld [smem:$0x3FAE]  }
0x2e: {  	s3 =	simm.s32 @!p0 $0x1082;
	s9 =	sld [smem:$0x3FAF]  }
0x2f: {  	lr =	sadd.s32 s0, s3;
	s0 =	sld [smem:$0x3FA6]  }
0x30: {  	s3 =	sld [smem:$0x3FA9]  }
0x31: {  	[smem:$0x3FB2] =	sst s10  }
0x32: {  	s10 =	sld [smem:$0x3FB0];
	_ =	sdelay $0x3  }
0x33: {  	p0 =	seq.s32 s10, $0x1;
	s10 =	sld [smem:$0x3FB2];
	_ =	sdelay $0x3  }
0x34: {  	[smem:$0x3FB2] =	sst s10  }
0x35: {  	s10 =	sld [smem:$0x3FB1];
	_ =	sdelay $0x3  }
0x36: {  	p1 =	seq.s32 s10, $0x1;
	s10 =	sld [smem:$0x3FB2];
	_ =	sdelay $0x3  }
0x37: {  	[smem:$0x3FB2] =	sst s10  }
0x38: {  	s10 =	sld [smem:$0x3FB3]  }
0x39: {  	_ = 	snop;
	(pc) =	sbr.ind lr, $3  }
0x3a: {  	_ = 	snop  }
0x3b: {  	_ = 	snop  }
0x3c: {  	p2 =	seq.s32 s10, $0x1;
	s10 =	sld [smem:$0x3FB2]  }
0x3d: {  	_ =	shalt  }
0x3e: {  	_ =	shalt  }
0x3f: {  	_ =	shalt  }
0x40: {  	_ =	shalt  }
0x41: {  	_ =	shalt  }
0x42: {  	_ =	shalt  }
0x43: {  	_ =	shalt  }
0x44: {  	_ =	shalt  }
0x45: {  	_ =	shalt  }
0x46: {  	_ =	shalt  }
0x47: {  	_ =	shalt  }
0x48: {  	_ =	shalt  }
0x49: {  	_ =	shalt  }
0x4a: {  	_ =	shalt  }
0x4b: {  	_ =	shalt  }
0x4c: {  	_ =	shalt  }
0x4d: {  	_ =	shalt  }
0x4e: {  	_ =	shalt  }
0x4f: {  	_ =	shalt  }
0x50: {  	_ =	shalt  }
0x51: {  	_ =	shalt  }
0x52: {  	_ =	shalt  }
0x53: {  	_ =	shalt  }
0x54: {  	_ =	shalt  }
0x55: {  	_ =	shalt  }
0x56: {  	_ =	shalt  }
0x57: {  	_ =	shalt  }
0x58: {  	_ =	shalt  }
0x59: {  	_ =	shalt  }
0x5a: {  	_ =	shalt  }
0x5b: {  	_ =	shalt  }
0x5c: {  	_ =	shalt  }
0x5d: {  	_ =	shalt  }
0x5e: {  	_ =	shalt  }
0x5f: {  	_ =	shalt  }
0x60: {  	_ =	shalt  }
0x61: {  	_ =	shalt  }
0x62: {  	_ =	shalt  }
0x63: {  	_ =	shalt  }
0x64: {  	_ =	shalt  }
0x65: {  	_ =	shalt  }
0x66: {  	_ =	shalt  }
0x67: {  	_ =	shalt  }
0x68: {  	_ =	shalt  }
0x69: {  	_ =	shalt  }
0x6a: {  	_ =	shalt  }
0x6b: {  	_ =	shalt  }
0x6c: {  	_ =	shalt  }
0x6d: {  	_ =	shalt  }
0x6e: {  	_ =	shalt  }
0x6f: {  	_ =	shalt  }
0x70: {  	_ =	shalt  }
0x71: {  	_ =	shalt  }
0x72: {  	_ =	shalt  }
0x73: {  	_ =	shalt  }
0x74: {  	_ =	shalt  }
0x75: {  	_ =	shalt  }
0x76: {  	_ =	shalt  }
0x77: {  	_ =	shalt  }
0x78: {  	_ =	shalt  }
0x79: {  	_ =	shalt  }
0x7a: {  	_ =	shalt  }
0x7b: {  	_ =	shalt  }
0x7c: {  	_ =	shalt  }
0x7d: {  	_ =	shalt  }
0x7e: {  	_ =	shalt  }
0x7f: {  	_ =	shalt  }
0x80: {  	_ =	shalt  }
0x81: {  	_ =	shalt  }
0x82: {  	_ =	shalt  }
0x83: {  	_ =	shalt  }
0x84: {  	_ =	shalt  }
0x85: {  	_ =	shalt  }
0x86: {  	_ =	shalt  }
0x87: {  	_ =	shalt  }
.Lfunc_end0:
.L_simem_size_0:
called_computation.1_lowered:
.L_overlay_start_0:
0x88: {  	s2 =	sld [smem:$0x3FD9]  }
0x89: {  	s3 =	sld [smem:$0x3FFE];
	_ =	sdelay $0x1  }
0x8a: {  	s1 =	srdreg.scid  }
0x8b: {  	s0 =	sand.u32 $0x1, s1  }
0x8c: {  	s17 =	sshll.u32 s0, $0xA;
	s2 =	sadd.s32 s3, s2  }
0x8d: {  	s2 =	sadd.s32 s2, s17  }
0x8e: {  	[smem:$0x3FBE] =	sst s2  }
0x8f: {  	_ = 	snop  }
0x90: {  	s2 =	sld [smem:$0x3FD0];
	(tm) =	ssettm $0x1  }
0x91: {  	s18 =	sld [smem:$0x3FFB];
	_ =	sdelay $0x3  }
0x92: {  	_ =	strace s18  }
0x93: {  	s3 =	sld [smem:$0x3FFC];
	_ =	sdelay $0x3  }
0x94: {  	_ =	strace s3  }
0x95: {  	s3 =	sld [smem:$0x3FFD];
	_ =	sdelay $0x3  }
0x96: {  	_ =	strace s3  }
0x97: {  	_ =	strace $0x8FFFFFFF  }
0x98: {  	s19 =	sld [smem:$0x3FDB];
	_ =	sdelay $0x1  }
0x99: {  	s4 =	simm.s32 $_scs_section_size  }
0x9a: {  	s5 =	simm.s32 $_size__tile_overlayer_lowered;
	s6 =	simm.s32 $_tile_overlayer_lowered  }
0x9b: {  	s22 =	simm.s32 $0x1BFF;
	s21 =	sshll.u32 s6, $0x1;
	s3 =	sadd.s32 s4, s19  }
0x9c: {  	s7 =	simm.s32 $0x0;
	s20 =	sshll.u32 s5, $0x1;
	s5 =	sadd.s32 s21, s3  }
0x9d: {  	[timem:s7], [sflag:s22] =	dma.local [hbm:s5], s20  }
0x9e: {  	_ =	swait.ge [sflag:s22], s20  }
0x9f: {  	s4 =	ssub.s32 $0x0, s20;
	[sflag:s22] =	ssyncset.done $0x0  }
0xa0: {  	[sflag:s22] =	ssyncadd.s32 s4;
	_ =	sdelay $0x1  }
0xa1: {  	s23 =	simm.s32 $0x1B8B  }
0xa2: {  	_ =	swait.ge [sflag:s23], $0x1  }
0xa3: {  	[sflag:s23] =	ssyncset.done $0x0  }
0xa4: {  	s25 =	simm.s32 $0x1B8E;
	s24 =	sld [smem:$0x3FFE];
	[sflag:s23] =	ssyncadd.s32 $0xFFFFFFFF  }
0xa5: {  	s26 =	simm.s32 $execute0_lowered;
	[smem:$0x3FD2] =	sst s25  }
0xa6: {  	s5 =	sshll.u32 s26, $0x1;
	_ =	strace $0x80000046;
	[dreg:$0x1] =	wrdreg $0xFFFFFFFF  }
0xa7: {  	s28 =	simm.s32 $_size_execute0_lowered;
	s3 =	sadd.s32 s3, s5;
	[dreg:$0x0] =	wrdreg $0x0  }
0xa8: {  	s5 =	sshll.u32 s28, $0x1;
	[dreg:$0x2] =	wrdreg s3  }
0xa9: {  	[dreg:$0x3] =	wrdreg s5  }
0xaa: {  	[dreg:$0x4] =	wrdreg $0xC0  }
0xab: {  	_ =	task [dreg:s7], $0x5FFFF  }
0xac: {  	[dreg:$0x1] =	wrdreg $0xFFFFFFFF  }
0xad: {  	[dreg:$0x0] =	wrdreg $0x60  }
0xae: {  	[dreg:$0x2] =	wrdreg s24  }
0xaf: {  	[dreg:$0x3] =	wrdreg s2  }
0xb0: {  	[dreg:$0x4] =	wrdreg $0xA  }
0xb1: {  	_ =	task.clear_ibuf [dreg:s7], $0x5FFFF;
	_ =	strace $0x90000046  }
0xb2: {  	s29 =	simm.s32 $0xA;
	_ =	strace $0x80000048  }
0xb3: {  	_ =	swait.ge [sflag:s29], $0x1  }
0xb4: {  	[sflag:s29] =	ssyncadd.s32 $0xFFFFFFFF  }
0xb5: {  	_ =	strace $0x90000048  }
0xb6: {  	_ =	sfence  }
0xb7: {  	s30 =	sld [smem:$0x0];
	_ =	sdelay $0x2  }
0xb8: {  	s31 =	sshll.u32 s1, $0xD;
	s1 =	sshrl.u32 s1, $0x2  }
0xb9: {  	s3 =	sand.u32 $0x4000, s31;
	s1 =	sadd.s32 s1, s30  }
0xba: {  	s0 =	sor.u32 s3, s0;
	s1 =	sshll.u32 s1, $0x11  }
0xbb: {  	s0 =	sor.u32 s1, s0  }
0xbc: {  	s0 =	sadd.s32 $0x8F2B, s0  }
0xbd: {  	[sflag:s0] =	ssyncadd.remote.s32 $0x1  }
0xbe: {  	_ =	sfence.sel $0xFFFF  }
0xbf: {  	[dreg:$0x0] =	wrdreg $0xFFFFFFFF;
	(pc) =	sbr.abs _section_cstart, $3  }
0xc0: {  	[dreg:$0x1] =	wrdreg $0xFFFFFFFF  }
0xc1: {  	_ =	task.clear_ibuf [dreg:s7], $0x2FFFF;
	_ =	strace $0x9FFFFFFF  }
0xc2: {  	(tm) =	ssettm $0x7FFFFFFF  }
0xc3: {  	_ =	shalt  }
tec
execute0_lowered:
.L_overlay_start_1:
0x0: {  	(tag) =	ssettag $0x1  }
0x1: {  	s0 =	rddreg [dreg:$0x0]  }
0x2: {  	s1 =	rddreg [dreg:$0x1]  }
0x3: {  	s2 =	simm.s32 $0x0;
	s28 =	srdreg.scid;
	s11 =	stileid.u32  }
0x4: {  	[smem:$0x7FF] =	sst s2;
	s3 =	sadd.s32 $0x3FE00, s0;
	s4 =	sadd.s32 $0x30E00, s0  }
0x5: {  	s5 =	sadd.s32 $0x4EE00, s0;
	s6 =	sadd.s32 $0x21E00, s0;
	s7 =	sadd.s32 $0x12E00, s0  }
0x6: {  	s8 =	sadd.s32 $0x3E00, s0;
	s10 =	sadd.s32 $0x2000, s0;
	s11 =	sshll.u32 s11, $0x1  }
0x7: {  	_ =	strace $0x80000047;
	[dreg:$0x3] =	wrdreg s10;
	s10 =	sand.u32 $0x1, s28  }
0x8: {  	s9 =	sadd.s32 $0x5DE00, s0;
	s26 =	sadd.s32 $0x3000, s0;
	s16 =	sor.u32 s10, s11  }
0x9: {  	s13 =	sadd.s32 $0x6CE00, s0;
	s14 =	sadd.s32 $0x7BE00, s0;
	s12 =	smul.u32 $0xC8, s16  }
0xa: {  	s15 =	sadd.s32 $0x8AE00, s0;
	[dreg:$0x4] =	wrdreg s26;
	s29 =	ssub.s32 $0x2, s10  }
0xb: {  	s30 =	sshrl.u32 s29, $0x1;
	s11 =	ssub.s32 $0x150, s16;
	s18 =	sadd.s32 s3, s12  }
0xc: {  	s31 =	smul.u32 $0x640, s16;
	s19 =	sadd.s32 s4, s12;
	[dreg:$0x5] =	wrdreg s18  }
0xd: {  	s0 =	ssub.s32 s29, s30;
	s20 =	sadd.s32 s5, s12;
	[dreg:$0x6] =	wrdreg s19  }
0xe: {  	s17 =	sshrl.u32 s11, $0x5;
	s21 =	sadd.s32 s6, s12;
	[dreg:$0x7] =	wrdreg s20  }
0xf: {  	s11 =	simm.s32 $0x0;
	s22 =	sadd.s32 s7, s12;
	[dreg:$0x8] =	wrdreg s21  }
0x10: {  	s10 =	sshrl.u32 s31, $0x3;
	s23 =	sadd.s32 s8, s12;
	[dreg:$0x9] =	wrdreg s22  }
0x11: {  	s24 =	sadd.s32 s9, s12;
	s0 =	smax.u32 s0, $0x1;
	[dreg:$0xa] =	wrdreg s23  }
0x12: {  	s12 =	simm.s32 $0x8000;
	[dreg:$0xb] =	wrdreg s24;
	s10 =	sadd.s32 $0x1900, s10  }
0x13: {  	[dreg:$0x13] =	wrdreg s0;
	s19 =	simm.s32 $0x1;
	s25 =	sadd.s32 s3, s10  }
0x14: {  	s20 =	simm.s32 $0x11BC0;
	s26 =	sadd.s32 s4, s10;
	[dreg:$0xc] =	wrdreg s25  }
0x15: {  	s21 =	simm.s32 $0x3;
	s28 =	sadd.s32 s5, s10;
	[dreg:$0xd] =	wrdreg s26  }
.Ltmp0:
0x16: {  	s29 =	sadd.s32 s6, s10;
	[dreg:$0xe] =	wrdreg s28;
	(pc) =	sbr.rel .LBB2_1-.Ltmp0, $4  }
0x17: {  	s22 =	simm.s32 $0x14DC0;
	s30 =	sadd.s32 s7, s10;
	[dreg:$0xf] =	wrdreg s29  }
0x18: {  	s23 =	simm.s32 $0x15400;
	s31 =	sadd.s32 s8, s10;
	[dreg:$0x10] =	wrdreg s30  }
0x19: {  	v0 =	vlaneseq.u32;
	s24 =	simm.s32 $0x15A40;
	s10 =	sadd.s32 s9, s10;
	[dreg:$0x11] =	wrdreg s31  }
0x1a: {  	v0 =	vmul.u32 $0x8, v0;
	s18 =	simm.s32 $0x4;
	[dreg:$0x12] =	wrdreg s10;
	s25 =	simm.s32 $0x18C40  }
.LBB2_9:
0x1b: {  	s0 =	simm.s32 $0x5  }
0x1c: {  	_ =	swait.ge [sflag:s0], $0x640  }
0x1d: {  	[sflag:s0] =	ssyncset.done $0x0  }
0x1e: {  	[sflag:s0] =	ssyncadd.s32 $0xFFFFF9C0  }
0x1f: {  	_ =	swait.ge [sflag:s0], $0x640  }
0x20: {  	[sflag:s0] =	ssyncset.done $0x0  }
0x21: {  	[sflag:s0] =	ssyncadd.s32 $0xFFFFF9C0  }
0x22: {  	_ =	swait.ge [sflag:s0], $0x640  }
0x23: {  	[sflag:s0] =	ssyncset.done $0x0  }
0x24: {  	s10 =	simm.s32 $0x6;
	[sflag:s0] =	ssyncadd.s32 $0xFFFFF9C0  }
0x25: {  	_ =	swait.ge [sflag:s10], $0x640  }
0x26: {  	[sflag:s10] =	ssyncset.done $0x0  }
0x27: {  	[sflag:s10] =	ssyncadd.s32 $0xFFFFF9C0  }
0x28: {  	_ =	swait.ge [sflag:s10], $0x640  }
0x29: {  	[sflag:s10] =	ssyncset.done $0x0  }
0x2a: {  	[sflag:s10] =	ssyncadd.s32 $0xFFFFF9C0  }
0x2b: {  	_ =	swait.ge [sflag:s10], $0x640  }
0x2c: {  	s11 =	rddreg [dreg:$0x14]  }
0x2d: {  	s31 =	rddreg [dreg:$0x13];
	s11 =	sadd.s32 $0x1, s11  }
0x2e: {  	p0 =	sne.s32 s11, s31  }
.Ltmp1:
0x2f: {  	_ = 	snop;
	(pc) =	sbr.rel @!p0 .LBB2_10-.Ltmp1, $3  }
0x30: {  	_ =	sdelay $0x1  }
0x31: {  	[sflag:s10] =	ssyncset.done $0x0  }
0x32: {  	[sflag:s10] =	ssyncadd.s32 $0xFFFFF9C0  }
.LBB2_1:
0x33: {  	[dreg:$0x14] =	wrdreg s11  }
0x34: {  	s0 =	rddreg [dreg:$0x3];
	s10 =	simm.s32 $0x7  }
0x35: {  	[tilespmem:s2], [sflag:$0x7] =	stream.linear.gather [hbm4b:s0+s2], $0x8000, $0x38;
	[tilespmem:$0x1D100] =	vst v63  }
0x36: {  	_ =	swait.ge [sflag:s10], $0x8000  }
0x37: {  	[sflag:s10] =	ssyncset.done $0x0  }
0x38: {  	s11 =	rddreg [dreg:$0x4];
	[sflag:s10] =	ssyncadd.s32 $0xFFFF8000  }
0x39: {  	[tilespmem:s12], [sflag:$0x7] =	stream.linear.gather [hbm4b:s11+s2], $0x7000, $0x38;
	[tilespmem:$0x1D100] =	vst v63  }
0x3a: {  	_ =	swait.ge [sflag:s10], $0x7000  }
0x3b: {  	[sflag:s10] =	ssyncset.done $0x0  }
0x3c: {  	s28 =	simm.s32 $0xF000;
	s26 =	rddreg [dreg:$0x5];
	[sflag:s10] =	ssyncadd.s32 $0xFFFF9000  }
0x3d: {  	[tilespmem:s28], [sflag:$0x1] =	stream.linear.gather [hbm4b:s26+s2], $0x640, $0x38;
	[tilespmem:$0x1D100] =	vst v63  }
0x3e: {  	s30 =	simm.s32 $0xF640;
	s29 =	rddreg [dreg:$0x6]  }
0x3f: {  	[tilespmem:s30], [sflag:$0x1] =	stream.linear.gather [hbm4b:s29+s2], $0x640, $0x38;
	[tilespmem:$0x1D100] =	vst v63  }
0x40: {  	s31 =	rddreg [dreg:$0x7];
	s10 =	simm.s32 $0xFC80  }
0x41: {  	[tilespmem:s10], [sflag:$0x1] =	stream.linear.gather [hbm4b:s31+s2], $0x640, $0x38;
	[tilespmem:$0x1D100] =	vst v63  }
0x42: {  	s11 =	rddreg [dreg:$0x8];
	s26 =	simm.s32 $0x102C0  }
0x43: {  	[tilespmem:s26], [sflag:$0x1] =	stream.linear.gather [hbm4b:s11+s2], $0x640, $0x38;
	[tilespmem:$0x1D100] =	vst v63  }
0x44: {  	s28 =	rddreg [dreg:$0x9];
	s29 =	simm.s32 $0x10900  }
0x45: {  	[tilespmem:s29], [sflag:$0x1] =	stream.linear.gather [hbm4b:s28+s2], $0x640, $0x38;
	[tilespmem:$0x1D100] =	vst v63  }
0x46: {  	s30 =	rddreg [dreg:$0xa];
	s31 =	simm.s32 $0x10F40  }
0x47: {  	[tilespmem:s31], [sflag:$0x1] =	stream.linear.gather [hbm4b:s30+s2], $0x640, $0x38;
	[tilespmem:$0x1D100] =	vst v63  }
0x48: {  	s26 =	rddreg [dreg:$0xb];
	s28 =	simm.s32 $0x11580  }
0x49: {  	[tilespmem:s28], [sflag:$0x1] =	stream.linear.gather [hbm4b:s26+s2], $0x640, $0x38;
	[tilespmem:$0x1D100] =	vst v63  }
0x4a: {  	_ =	swait.ge [sflag:s19], $0x640  }
0x4b: {  	[sflag:s19] =	ssyncset.done $0x0  }
0x4c: {  	[sflag:s19] =	ssyncadd.s32 $0xFFFFF9C0  }
0x4d: {  	_ =	swait.ge [sflag:s19], $0x640  }
0x4e: {  	[sflag:s19] =	ssyncset.done $0x0  }
0x4f: {  	[sflag:s19] =	ssyncadd.s32 $0xFFFFF9C0  }
0x50: {  	_ =	swait.ge [sflag:s19], $0x640  }
0x51: {  	[sflag:s19] =	ssyncset.done $0x0  }
0x52: {  	[sflag:s19] =	ssyncadd.s32 $0xFFFFF9C0  }
0x53: {  	_ =	swait.ge [sflag:s19], $0x640  }
0x54: {  	[sflag:s19] =	ssyncset.done $0x0  }
0x55: {  	[sflag:s19] =	ssyncadd.s32 $0xFFFFF9C0  }
0x56: {  	_ =	swait.ge [sflag:s19], $0x640  }
0x57: {  	[sflag:s19] =	ssyncset.done $0x0  }
0x58: {  	[sflag:s19] =	ssyncadd.s32 $0xFFFFF9C0  }
0x59: {  	_ =	swait.ge [sflag:s19], $0x640  }
0x5a: {  	[sflag:s19] =	ssyncset.done $0x0  }
0x5b: {  	[sflag:s19] =	ssyncadd.s32 $0xFFFFF9C0  }
0x5c: {  	_ =	swait.ge [sflag:s19], $0x640  }
0x5d: {  	[sflag:s19] =	ssyncset.done $0x0  }
0x5e: {  	s29 =	simm.s32 $0x640;
	[sflag:s19] =	ssyncadd.s32 $0xFFFFF9C0  }
0x5f: {  	[tilespmem:s20], [sflag:$0x3] =	stream.indirect.gather [hbm4b:s1+s29], $0x8, s10, s29, $0xb8;
	[tilespmem:$0x1D100] =	vst v63  }
0x60: {  	s31 =	simm.s32 $0x16080;
	s30 =	rddreg [dreg:$0xc]  }
0x61: {  	[tilespmem:s31], [sflag:$0x2] =	stream.linear.gather [hbm4b:s30+s2], $0x640, $0x38;
	[tilespmem:$0x1D100] =	vst v63  }
0x62: {  	s26 =	simm.s32 $0x166C0;
	s11 =	rddreg [dreg:$0xd]  }
0x63: {  	[tilespmem:s26], [sflag:$0x2] =	stream.linear.gather [hbm4b:s11+s2], $0x640, $0x38;
	[tilespmem:$0x1D100] =	vst v63  }
0x64: {  	s28 =	rddreg [dreg:$0xe];
	s29 =	simm.s32 $0x16D00  }
0x65: {  	[tilespmem:s29], [sflag:$0x2] =	stream.linear.gather [hbm4b:s28+s2], $0x640, $0x38;
	[tilespmem:$0x1D100] =	vst v63  }
0x66: {  	s30 =	rddreg [dreg:$0xf];
	s31 =	simm.s32 $0x17340  }
0x67: {  	[tilespmem:s31], [sflag:$0x2] =	stream.linear.gather [hbm4b:s30+s2], $0x640, $0x38;
	[tilespmem:$0x1D100] =	vst v63  }
0x68: {  	s11 =	rddreg [dreg:$0x10];
	s26 =	simm.s32 $0x17980  }
0x69: {  	[tilespmem:s26], [sflag:$0x2] =	stream.linear.gather [hbm4b:s11+s2], $0x640, $0x38;
	[tilespmem:$0x1D100] =	vst v63  }
.Ltmp2:
0x6a: {  	_ = 	snop;
	(pc) =	sbr.rel .LBB2_2-.Ltmp2, $4  }
0x6b: {  	s28 =	rddreg [dreg:$0x11];
	s29 =	simm.s32 $0x17FC0  }
0x6c: {  	[tilespmem:s29], [sflag:$0x2] =	stream.linear.gather [hbm4b:s28+s2], $0x640, $0x38;
	[tilespmem:$0x1D100] =	vst v63  }
0x6d: {  	s10 =	simm.s32 $0x0;
	s30 =	rddreg [dreg:$0x12];
	s31 =	simm.s32 $0x18600  }
0x6e: {  	[tilespmem:s31], [sflag:$0x2] =	stream.linear.gather [hbm4b:s30+s2], $0x640, $0x38;
	[tilespmem:$0x1D100] =	vst v63  }
.LBB2_8:
0x6f: {  	s0 =	simm.s32 @!p0 $0x1  }
0x70: {  	_ =	swait.ge @!p0 [sflag:s0], $0x640  }
0x71: {  	[sflag:s0] =	ssyncset.done @!p0 $0x0  }
0x72: {  	[sflag:s0] =	ssyncadd.s32 @!p0 $0xFFFFF9C0  }
0x73: {  	_ =	swait.ge @!p0 [sflag:s0], $0x640  }
0x74: {  	[sflag:s0] =	ssyncset.done @!p0 $0x0  }
0x75: {  	[sflag:s0] =	ssyncadd.s32 @!p0 $0xFFFFF9C0  }
0x76: {  	_ =	swait.ge @!p0 [sflag:s0], $0x640  }
0x77: {  	[sflag:s0] =	ssyncset.done @!p0 $0x0  }
0x78: {  	[sflag:s0] =	ssyncadd.s32 @!p0 $0xFFFFF9C0  }
0x79: {  	_ =	swait.ge @!p0 [sflag:s0], $0x640  }
0x7a: {  	[sflag:s0] =	ssyncset.done @!p0 $0x0  }
0x7b: {  	[sflag:s0] =	ssyncadd.s32 @!p0 $0xFFFFF9C0  }
0x7c: {  	_ =	swait.ge @!p0 [sflag:s0], $0x640  }
0x7d: {  	[sflag:s0] =	ssyncset.done @!p0 $0x0  }
0x7e: {  	[sflag:s0] =	ssyncadd.s32 @!p0 $0xFFFFF9C0  }
0x7f: {  	_ =	swait.ge @!p0 [sflag:s0], $0x640  }
0x80: {  	[sflag:s0] =	ssyncset.done @!p0 $0x0  }
0x81: {  	s11 =	sadd.s32 $0x3, s30;
	[sflag:s0] =	ssyncadd.s32 @!p0 $0xFFFFF9C0  }
0x82: {  	p1 =	sge.u32 s11, s17;
	_ =	swait.ge @!p0 [sflag:s0], $0x640  }
0x83: {  	s11 =	sshll.u32 @!p1 s11, $0x5;
	[sflag:s0] =	ssyncset.done @!p0 $0x0  }
0x84: {  	[sflag:s0] =	ssyncadd.s32 @!p0 $0xFFFFF9C0;
	s0 =	sor.u32 @!p1 s16, s11  }
0x85: {  	s26 =	simm.s32 @!p0 $0x11BC0;
	s11 =	simm.s32 @!p0 $0x640;
	s0 =	smul.u32 @!p1 $0xC8, s0  }
0x86: {  	[tilespmem:s26], [sflag:$0x3] =	stream.indirect.gather @!p0 [hbm4b:s1+s11], $0x8, s31, s11, $0xb8;
	[tilespmem:$0x1D100] =	vst v63  }
0x87: {  	s28 =	simm.s32 @!p1 $0x16080;
	s26 =	simm.s32 @!p1 $0x0;
	s11 =	sadd.s32 @!p1 s3, s0  }
0x88: {  	[tilespmem:s28], [sflag:$0x2] =	stream.linear.gather @!p1 [hbm4b:s11+s26], $0x640, $0x38;
	[tilespmem:$0x1D100] =	vst v63  }
0x89: {  	s11 =	sadd.s32 @!p1 s4, s0;
	s28 =	simm.s32 @!p1 $0x166C0  }
0x8a: {  	[tilespmem:s28], [sflag:$0x2] =	stream.linear.gather @!p1 [hbm4b:s11+s26], $0x640, $0x38;
	[tilespmem:$0x1D100] =	vst v63  }
0x8b: {  	s11 =	sadd.s32 @!p1 s5, s0;
	s28 =	simm.s32 @!p1 $0x16D00  }
0x8c: {  	[tilespmem:s28], [sflag:$0x2] =	stream.linear.gather @!p1 [hbm4b:s11+s26], $0x640, $0x38;
	[tilespmem:$0x1D100] =	vst v63  }
0x8d: {  	s10 =	sadd.s32 $0x1, s10;
	s11 =	sadd.s32 @!p1 s6, s0;
	s28 =	simm.s32 @!p1 $0x17340  }
0x8e: {  	[tilespmem:s28], [sflag:$0x2] =	stream.linear.gather @!p1 [hbm4b:s11+s26], $0x640, $0x38;
	[tilespmem:$0x1D100] =	vst v63  }
0x8f: {  	p0 =	sne.s32 s10, $0x5;
	s11 =	sadd.s32 @!p1 s7, s0;
	s28 =	simm.s32 @!p1 $0x17980  }
0x90: {  	[tilespmem:s28], [sflag:$0x2] =	stream.linear.gather @!p1 [hbm4b:s11+s26], $0x640, $0x38;
	[tilespmem:$0x1D100] =	vst v63  }
.Ltmp3:
0x91: {  	_ = 	snop;
	(pc) =	sbr.rel @!p0 .LBB2_9-.Ltmp3, $4  }
0x92: {  	s11 =	sadd.s32 @!p1 s8, s0;
	s28 =	simm.s32 @!p1 $0x17FC0  }
0x93: {  	[tilespmem:s28], [sflag:$0x2] =	stream.linear.gather @!p1 [hbm4b:s11+s26], $0x640, $0x38;
	[tilespmem:$0x1D100] =	vst v63  }
0x94: {  	s0 =	sadd.s32 @!p1 s9, s0;
	s11 =	simm.s32 @!p1 $0x18600  }
0x95: {  	[tilespmem:s11], [sflag:$0x2] =	stream.linear.gather @!p1 [hbm4b:s0+s26], $0x640, $0x38;
	[tilespmem:$0x1D100] =	vst v63  }
.LBB2_2:
0x96: {  	s11 =	sshllo.u32 s10, $0x1  }
0x97: {  	p1 =	sge.u32 s11, s17  }
0x98: {  	s0 =	simm.s32 @!p1 $0x2  }
0x99: {  	_ =	swait.ge @!p1 [sflag:s0], $0x640  }
0x9a: {  	[sflag:s0] =	ssyncset.done @!p1 $0x0  }
0x9b: {  	[sflag:s0] =	ssyncadd.s32 @!p1 $0xFFFFF9C0  }
0x9c: {  	_ =	swait.ge @!p1 [sflag:s0], $0x640  }
0x9d: {  	[sflag:s0] =	ssyncset.done @!p1 $0x0  }
0x9e: {  	[sflag:s0] =	ssyncadd.s32 @!p1 $0xFFFFF9C0  }
0x9f: {  	_ =	swait.ge @!p1 [sflag:s0], $0x640  }
0xa0: {  	[sflag:s0] =	ssyncset.done @!p1 $0x0  }
0xa1: {  	[sflag:s0] =	ssyncadd.s32 @!p1 $0xFFFFF9C0  }
0xa2: {  	_ =	swait.ge @!p1 [sflag:s0], $0x640  }
0xa3: {  	[sflag:s0] =	ssyncset.done @!p1 $0x0  }
0xa4: {  	[sflag:s0] =	ssyncadd.s32 @!p1 $0xFFFFF9C0  }
0xa5: {  	_ =	swait.ge @!p1 [sflag:s0], $0x640  }
0xa6: {  	[sflag:s0] =	ssyncset.done @!p1 $0x0  }
0xa7: {  	[sflag:s0] =	ssyncadd.s32 @!p1 $0xFFFFF9C0  }
0xa8: {  	_ =	swait.ge @!p1 [sflag:s0], $0x640  }
0xa9: {  	[sflag:s0] =	ssyncset.done @!p1 $0x0  }
0xaa: {  	[sflag:s0] =	ssyncadd.s32 @!p1 $0xFFFFF9C0  }
0xab: {  	_ =	swait.ge @!p1 [sflag:s0], $0x640  }
0xac: {  	p2 =	seq.s32 s10, $0x0;
	s26 =	simm.s32 @!p1 $0x16D00;
	[sflag:s0] =	ssyncset.done @!p1 $0x0  }
0xad: {  	s28 =	simm.s32 @!p1 $0x18C40;
	[sflag:s0] =	ssyncadd.s32 @!p1 $0xFFFFF9C0;
	s0 =	simm.s32 @!p1 $0x640  }
0xae: {  	[tilespmem:s28], [sflag:$0x4] =	stream.indirect.gather @!p1 [hbm4b:s1+s0], $0x8, s26, s0, $0xb8;
	[tilespmem:$0x1D100] =	vst v63  }
0xaf: {  	s0 =	simm.s32 @!p2 $0x5  }
0xb0: {  	_ =	swait.ge @!p2 [sflag:s0], $0x640  }
0xb1: {  	[sflag:s0] =	ssyncset.done @!p2 $0x0  }
0xb2: {  	[sflag:s0] =	ssyncadd.s32 @!p2 $0xFFFFF9C0  }
0xb3: {  	_ =	swait.ge @!p2 [sflag:s0], $0x640  }
0xb4: {  	[sflag:s0] =	ssyncset.done @!p2 $0x0  }
0xb5: {  	[sflag:s0] =	ssyncadd.s32 @!p2 $0xFFFFF9C0  }
0xb6: {  	_ =	swait.ge @!p2 [sflag:s0], $0x640  }
0xb7: {  	[sflag:s0] =	ssyncset.done @!p2 $0x0  }
0xb8: {  	[sflag:s0] =	ssyncadd.s32 @!p2 $0xFFFFF9C0  }
0xb9: {  	_ =	swait.ge [sflag:s21], $0x3200  }
0xba: {  	[sflag:s21] =	ssyncset.done $0x0  }
0xbb: {  	s31 =	simm.s32 $0x0;
	[sflag:s21] =	ssyncadd.s32 $0xFFFFCE00  }
0xbc: {  	v1 =	vld [tilespmem:s31+$0xF640];
	_ =	sdelay $0x4  }
0xbd: {  	v2 =	vld [tilespmem:s31+$0x10F40];
	v3 =	vadd.s32 $0x6000, v1  }
0xbe: {  	v5 =	vld [tilespmem:s31+$0x10900];
	v4 =	vadd.s32 $0x1000, v1  }
0xbf: {  	v7 =	vld [tilespmem:s31+$0x102C0];
	v6 =	vadd.s32 $0x4000, v1  }
0xc0: {  	v9 =	vld [tilespmem:s31+$0x11580];
	v8 =	vadd.s32 $0x5000, v1  }
0xc1: {  	v10 =	vadd.s32 $0x2000, v1;
	v11 =	vld.idx.msk [tilespmem:v1+s12+$0x0], $0xffff  }
0xc2: {  	v3 =	vld.idx.msk [tilespmem:v3+s12+$0x0], $0xffff  }
0xc3: {  	v4 =	vld.idx.msk [tilespmem:v4+s12+$0x0], $0xffff  }
0xc4: {  	v6 =	vld.idx.msk [tilespmem:v6+s12+$0x0], $0xffff  }
0xc5: {  	v8 =	vld.idx.msk [tilespmem:v8+s12+$0x0], $0xffff  }
0xc6: {  	v2 =	vmul.f32 v9, v2;
	v10 =	vld.idx.msk [tilespmem:v10+s12+$0x0], $0xffff  }
0xc7: {  	v7 =	vmul.f32 v9, v7;
	v1 =	vadd.s32 $0x3000, v1  }
0xc8: {  	v2 =	vsub.f32 v3, v2;
	v3 =	vmul.f32 v9, v5  }
0xc9: {  	v5 =	vld [tilespmem:s31+$0xF000];
	v6 =	vsub.f32 v6, v7  }
0xca: {  	v7 =	vmul.f32 v2, v4;
	v9 =	vmul.f32 v2, v11;
	v3 =	vsub.f32 v8, v3  }
0xcb: {  	v8 =	vmul.f32 v6, v10;
	v12 =	vmul.f32 v6, v4  }
0xcc: {  	v1 =	vld.idx.msk [tilespmem:v1+s12+$0x0], $0xffff;
	v13 =	vmul.f32 v3, v10;
	v14 =	vmul.f32 v3, v11  }
0xcd: {  	v8 =	vsub.f32 v8, v9  }
0xce: {  	v9 =	vadd.s32 $0x6000, v5;
	v7 =	vsub.f32 v7, v13;
	v12 =	vsub.f32 v14, v12  }
0xcf: {  	v13 =	vadd.s32 $0x5000, v5;
	v8 =	vmul.f32 $-2.000000000e+00, v8  }
0xd0: {  	v14 =	vadd.s32 $0x4000, v5;
	v7 =	vmul.f32 $-2.000000000e+00, v7;
	v12 =	vmul.f32 $-2.000000000e+00, v12  }
0xd1: {  	v15 =	vadd.s32 $0x2000, v5;
	v16 =	vmul.f32 v8, v10;
	v17 =	vmul.f32 v8, v1  }
0xd2: {  	v18 =	vadd.s32 $0x1000, v5;
	v19 =	vld.idx.msk [tilespmem:v5+s2+$0x0], $0xffff;
	v20 =	vmul.f32 v7, v1;
	v21 =	vmul.f32 v7, v4  }
0xd3: {  	v9 =	vld.idx.msk [tilespmem:v9+s2+$0x0], $0xffff;
	v7 =	vmul.f32 v7, v10;
	v10 =	vmul.f32 v12, v11  }
0xd4: {  	v3 =	vadd.f32 v17, v3;
	v4 =	vmul.f32 v12, v4;
	v1 =	vmul.f32 v12, v1;
	v13 =	vld.idx.msk [tilespmem:v13+s2+$0x0], $0xffff  }
0xd5: {  	v8 =	vmul.f32 v8, v11;
	v12 =	vld.idx.msk [tilespmem:v14+s2+$0x0], $0xffff;
	v6 =	vadd.f32 v20, v6;
	v7 =	vsub.f32 v7, v10  }
0xd6: {  	v11 =	vld.idx.msk [tilespmem:v15+s2+$0x0], $0xffff;
	v4 =	vsub.f32 v4, v16;
	v1 =	vadd.f32 v1, v2  }
0xd7: {  	v10 =	vld.idx.msk [tilespmem:v18+s2+$0x0], $0xffff;
	v2 =	vsub.f32 v3, v7;
	v3 =	vsub.f32 v8, v21  }
0xd8: {  	v7 =	vadd.s32 $0x3000, v5;
	v4 =	vsub.f32 v6, v4  }
0xd9: {  	v1 =	vsub.f32 v1, v3;
	v14 =	vadd.f32 v2, v13  }
0xda: {  	v6 =	vadd.f32 v4, v12  }
0xdb: {  	s0 =	simm.s32 $0x0;
	v3 =	vadd.f32 v1, v9;
	v1 =	vmul.f32 v14, v11;
	v2 =	vmul.f32 v14, v19  }
0xdc: {  	v4 =	vmov s0;
	v8 =	vmul.f32 v6, v11;
	v9 =	vmul.f32 v6, v10  }
0xdd: {  	v4 =	vshll.u32 v4, $0x3;
	v7 =	vld.idx.msk [tilespmem:v7+s2+$0x0], $0xffff;
	v12 =	vmul.f32 v3, v10;
	v13 =	vmul.f32 v3, v19  }
0xde: {  	v5 =	vadd.s32 $0x7000, v5;
	v15 =	vor.u32 v0, v4;
	v2 =	vsub.f32 v2, v9  }
0xdf: {  	v9 =	vor.u32 $0x2, v15;
	v1 =	vsub.f32 v12, v1;
	v4 =	vsub.f32 v8, v13  }
0xe0: {  	v12 =	vor.u32 $0x1, v15;
	v13 =	vmul.f32 $-2.000000000e+00, v2  }
0xe1: {  	v59 =	vmul.f32 $-2.000000000e+00, v1;
	v60 =	vmul.f32 $-2.000000000e+00, v4  }
0xe2: {  	v4 =	vmul.f32 v13, v19;
	v61 =	vmul.f32 v13, v7  }
0xe3: {  	v1 =	vld.idx.msk [tilespmem:v5+s2+$0x0], $0xffff;
	v62 =	vmul.f32 v59, v7;
	v8 =	vmul.f32 v59, v10  }
0xe4: {  	v2 =	vld.idx.msk [tilespmem:v9+s20+$0x0], $0xffff;
	v63 =	vmul.f32 v60, v7;
	v9 =	vmul.f32 v59, v11  }
0xe5: {  	v5 =	vadd.f32 v61, v3;
	v10 =	vmul.f32 v13, v10;
	v13 =	vmul.f32 v60, v19;
	v3 =	vld.idx.msk [tilespmem:v12+s20+$0x0], $0xffff  }
0xe6: {  	s30 =	sshll.u32 s10, $0x1;
	s26 =	simm.s32 $0x40;
	v12 =	vmul.f32 v60, v11;
	v7 =	vadd.f32 v62, v6;
	v6 =	vld.idx.msk [tilespmem:v15+s20+$0x0], $0xffff;
	v11 =	vadd.f32 v63, v14  }
.LBB2_3:
0xe7: {  	p0 =	sne.s32 s26, $0x18C0  }
0xe8: {  	v4 =	vsub.f32 v9, v4;
	v8 =	vsub.f32 v13, v8;
	s0 =	sadd.s32 $0x10, s0;
	s28 =	smov.u32 s26;
	s26 =	sadd.s32 $0x40, s26  }
0xe9: {  	v9 =	vsub.f32 v10, v12  }
0xea: {  	s28 =	sshra.s32 s28, $0x2;
	v4 =	vsub.f32 v11, v4;
	v5 =	vsub.f32 v5, v8  }
0xeb: {  	v8 =	vld [tilespmem:s28+$0xF640];
	v7 =	vsub.f32 v7, v9  }
0xec: {  	v9 =	vld [tilespmem:s28+$0x10F40];
	v3 =	vadd.f32 v4, v3;
	v2 =	vadd.f32 v5, v2  }
0xed: {  	v4 =	vld [tilespmem:s28+$0xF000];
	v5 =	vadd.f32 v7, v6  }
0xee: {  	v3 =	vmul.f32 v3, v1;
	v2 =	vmul.f32 v2, v1  }
0xef: {  	v1 =	vmul.f32 v5, v1  }
0xf0: {  	v5 =	vadd.s32 $0x4000, v8;
	v6 =	vadd.s32 $0x5000, v8;
	v7 =	vadd.s32 $0x6000, v8;
	[tilespmem:s31+$0x15A40] =	vst v2  }
0xf1: {  	v2 =	vadd.s32 $0x1000, v8;
	v10 =	vadd.s32 $0x2000, v8;
	v11 =	vadd.s32 $0x3000, v8;
	v12 =	vld [tilespmem:s28+$0x10900];
	[tilespmem:s31+$0x14DC0] =	vst v1  }
0xf2: {  	v13 =	vadd.s32 $0x2000, v4;
	v14 =	vadd.s32 $0x4000, v4;
	v15 =	vadd.s32 $0x5000, v4;
	v16 =	vld [tilespmem:s28+$0x102C0];
	[tilespmem:s31+$0x15400] =	vst v3;
	s31 =	smov.u32 s28  }
0xf3: {  	v3 =	vadd.s32 $0x1000, v4;
	v17 =	vadd.s32 $0x3000, v4;
	v18 =	vadd.s32 $0x6000, v4;
	v19 =	vld [tilespmem:s31+$0x11580]  }
0xf4: {  	v1 =	vadd.s32 $0x7000, v4;
	v8 =	vld.idx.msk [tilespmem:v8+s12+$0x0], $0xffff  }
0xf5: {  	v7 =	vld.idx.msk [tilespmem:v7+s12+$0x0], $0xffff  }
0xf6: {  	v2 =	vld.idx.msk [tilespmem:v2+s12+$0x0], $0xffff  }
0xf7: {  	v5 =	vld.idx.msk [tilespmem:v5+s12+$0x0], $0xffff  }
0xf8: {  	v6 =	vld.idx.msk [tilespmem:v6+s12+$0x0], $0xffff  }
0xf9: {  	v9 =	vmul.f32 v19, v9;
	v10 =	vld.idx.msk [tilespmem:v10+s12+$0x0], $0xffff  }
0xfa: {  	v1 =	vld.idx.msk [tilespmem:v1+s2+$0x0], $0xffff  }
0xfb: {  	v16 =	vmul.f32 v19, v16;
	v7 =	vsub.f32 v7, v9  }
0xfc: {  	v9 =	vmul.f32 v19, v12  }
0xfd: {  	v5 =	vsub.f32 v5, v16;
	v12 =	vmul.f32 v7, v2;
	v16 =	vmul.f32 v7, v8  }
0xfe: {  	v6 =	vsub.f32 v6, v9  }
0xff: {  	v19 =	vmul.f32 v5, v2;
	v9 =	vld.idx.msk [tilespmem:v11+s12+$0x0], $0xffff;
	v11 =	vmul.f32 v5, v10  }
0x100: {  	v20 =	vmul.f32 v6, v10;
	v21 =	vmul.f32 v6, v8  }
0x101: {  	v11 =	vsub.f32 v11, v16  }
0x102: {  	v12 =	vsub.f32 v12, v20;
	v16 =	vsub.f32 v21, v19  }
0x103: {  	v11 =	vmul.f32 $-2.000000000e+00, v11  }
0x104: {  	v12 =	vmul.f32 $-2.000000000e+00, v12;
	v16 =	vmul.f32 $-2.000000000e+00, v16  }
0x105: {  	v19 =	vld.idx.msk [tilespmem:v4+s2+$0x0], $0xffff;
	v4 =	vmul.f32 v11, v10;
	v20 =	vmul.f32 v11, v9  }
0x106: {  	v21 =	vmul.f32 v12, v9;
	v22 =	vmul.f32 v12, v2;
	v18 =	vld.idx.msk [tilespmem:v18+s2+$0x0], $0xffff  }
0x107: {  	v10 =	vmul.f32 v12, v10;
	v12 =	vmul.f32 v16, v8;
	v15 =	vld.idx.msk [tilespmem:v15+s2+$0x0], $0xffff;
	v6 =	vadd.f32 v20, v6  }
0x108: {  	v2 =	vmul.f32 v16, v2;
	v9 =	vmul.f32 v16, v9;
	v5 =	vadd.f32 v21, v5;
	v14 =	vld.idx.msk [tilespmem:v14+s2+$0x0], $0xffff  }
0x109: {  	v8 =	vmul.f32 v11, v8;
	v10 =	vsub.f32 v10, v12;
	v16 =	vld.idx.msk [tilespmem:v13+s2+$0x0], $0xffff  }
0x10a: {  	v2 =	vsub.f32 v2, v4;
	v11 =	vld.idx.msk [tilespmem:v3+s2+$0x0], $0xffff;
	v3 =	vadd.f32 v9, v7  }
0x10b: {  	v4 =	vsub.f32 v6, v10;
	v6 =	vsub.f32 v8, v22  }
0x10c: {  	v2 =	vsub.f32 v5, v2  }
0x10d: {  	v3 =	vsub.f32 v3, v6;
	v15 =	vadd.f32 v4, v15  }
0x10e: {  	v6 =	vadd.f32 v2, v14  }
0x10f: {  	v3 =	vadd.f32 v3, v18;
	v2 =	vmul.f32 v15, v16;
	v4 =	vmul.f32 v15, v19  }
0x110: {  	v5 =	vmov s0;
	v8 =	vmul.f32 v6, v16;
	v9 =	vmul.f32 v6, v11;
	v7 =	vld.idx.msk [tilespmem:v17+s2+$0x0], $0xffff  }
0x111: {  	v5 =	vshll.u32 v5, $0x3;
	v10 =	vmul.f32 v3, v11;
	v12 =	vmul.f32 v3, v19  }
0x112: {  	v14 =	vor.u32 v0, v5;
	v4 =	vsub.f32 v4, v9  }
0x113: {  	v5 =	vor.u32 $0x2, v14;
	v2 =	vsub.f32 v10, v2;
	v8 =	vsub.f32 v8, v12  }
0x114: {  	v10 =	vor.u32 $0x1, v14;
	v12 =	vmul.f32 $-2.000000000e+00, v4  }
0x115: {  	v9 =	vmul.f32 $-2.000000000e+00, v2;
	v17 =	vmul.f32 $-2.000000000e+00, v8  }
.Ltmp4:
0x116: {  	v4 =	vmul.f32 v12, v19;
	v13 =	vmul.f32 v12, v7;
	(pc) =	sbr.rel @p0 .LBB2_3-.Ltmp4, $4  }
0x117: {  	v18 =	vmul.f32 v9, v7;
	v8 =	vmul.f32 v9, v11  }
0x118: {  	v20 =	vmul.f32 v17, v7;
	v9 =	vmul.f32 v9, v16;
	v2 =	vld.idx.msk [tilespmem:v5+s20+$0x0], $0xffff;
	v5 =	vadd.f32 v13, v3  }
0x119: {  	v7 =	vadd.f32 v18, v6;
	v13 =	vmul.f32 v17, v19;
	v3 =	vld.idx.msk [tilespmem:v10+s20+$0x0], $0xffff;
	v10 =	vmul.f32 v12, v11  }
0x11a: {  	v12 =	vmul.f32 v17, v16;
	v11 =	vadd.f32 v20, v15;
	v6 =	vld.idx.msk [tilespmem:v14+s20+$0x0], $0xffff  }
0x11b: {  	v8 =	vsub.f32 v13, v8  }
0x11c: {  	v10 =	vsub.f32 v10, v12  }
0x11d: {  	v4 =	vsub.f32 v9, v4;
	v5 =	vsub.f32 v5, v8  }
0x11e: {  	v7 =	vsub.f32 v7, v10  }
0x11f: {  	v4 =	vsub.f32 v11, v4;
	v2 =	vadd.f32 v5, v2  }
0x120: {  	v62 =	vadd.f32 v7, v6  }
0x121: {  	s0 =	sshll.u32 s10, $0x6;
	v3 =	vadd.f32 v4, v3;
	v2 =	vmul.f32 v2, v1  }
0x122: {  	s0 =	sor.u32 s16, s0;
	v63 =	vmul.f32 v62, v1  }
0x123: {  	s0 =	smul.u32 $0xC8, s0;
	v1 =	vmul.f32 v3, v1;
	[tilespmem:s31+$0x15A40] =	vst v2  }
0x124: {  	[tilespmem:s31+$0x14DC0] =	vst v63  }
0x125: {  	s26 =	sadd.s32 s13, s0;
	[tilespmem:s31+$0x15400] =	vst v1  }
0x126: {  	[hbm4b:s26+s2] =	stream.linear.scatter [tilespmem:s22], [sflag:$0x5], $0x640, $0x38;
	[tilespmem:$0x1D100] =	vst v63  }
0x127: {  	s26 =	sadd.s32 $0x2, s30  }
0x128: {  	s29 =	sadd.s32 s14, s0;
	p0 =	sge.u32 s26, s17  }
0x129: {  	[hbm4b:s29+s2] =	stream.linear.scatter [tilespmem:s23], [sflag:$0x5], $0x640, $0x38;
	[tilespmem:$0x1D100] =	vst v63  }
0x12a: {  	s26 =	sshll.u32 @!p0 s26, $0x5  }
0x12b: {  	s26 =	sor.u32 @!p0 s16, s26  }
0x12c: {  	s0 =	sadd.s32 s15, s0;
	s26 =	smul.u32 @!p0 $0xC8, s26  }
0x12d: {  	[hbm4b:s0+s2] =	stream.linear.scatter [tilespmem:s24], [sflag:$0x5], $0x640, $0x38;
	[tilespmem:$0x1D100] =	vst v63  }
0x12e: {  	s28 =	simm.s32 @!p0 $0x0;
	s31 =	simm.s32 @!p0 $0xF000;
	s0 =	sadd.s32 @!p0 s3, s26  }
0x12f: {  	[tilespmem:s31], [sflag:$0x1] =	stream.linear.gather @!p0 [hbm4b:s0+s28], $0x640, $0x38;
	[tilespmem:$0x1D100] =	vst v63  }
0x130: {  	s0 =	sadd.s32 @!p0 s4, s26;
	s31 =	simm.s32 @!p0 $0xF640  }
0x131: {  	[tilespmem:s31], [sflag:$0x1] =	stream.linear.gather @!p0 [hbm4b:s0+s28], $0x640, $0x38;
	[tilespmem:$0x1D100] =	vst v63  }
0x132: {  	s0 =	sadd.s32 @!p0 s5, s26;
	s31 =	simm.s32 @!p0 $0xFC80  }
0x133: {  	[tilespmem:s31], [sflag:$0x1] =	stream.linear.gather @!p0 [hbm4b:s0+s28], $0x640, $0x38;
	[tilespmem:$0x1D100] =	vst v63  }
0x134: {  	s29 =	simm.s32 @!p0 $0x102C0;
	s0 =	sadd.s32 @!p0 s6, s26  }
0x135: {  	[tilespmem:s29], [sflag:$0x1] =	stream.linear.gather @!p0 [hbm4b:s0+s28], $0x640, $0x38;
	[tilespmem:$0x1D100] =	vst v63  }
0x136: {  	s0 =	sadd.s32 @!p0 s7, s26;
	s29 =	simm.s32 @!p0 $0x10900  }
0x137: {  	[tilespmem:s29], [sflag:$0x1] =	stream.linear.gather @!p0 [hbm4b:s0+s28], $0x640, $0x38;
	[tilespmem:$0x1D100] =	vst v63  }
.Ltmp5:
0x138: {  	_ = 	snop;
	(pc) =	sbr.rel @p1 .LBB2_8-.Ltmp5, $4  }
0x139: {  	s0 =	sadd.s32 @!p0 s8, s26;
	s29 =	simm.s32 @!p0 $0x10F40  }
0x13a: {  	[tilespmem:s29], [sflag:$0x1] =	stream.linear.gather @!p0 [hbm4b:s0+s28], $0x640, $0x38;
	[tilespmem:$0x1D100] =	vst v63  }
0x13b: {  	s0 =	sadd.s32 @!p0 s9, s26;
	s26 =	simm.s32 @!p0 $0x11580  }
0x13c: {  	[tilespmem:s26], [sflag:$0x1] =	stream.linear.gather @!p0 [hbm4b:s0+s28], $0x640, $0x38;
	[tilespmem:$0x1D100] =	vst v63  }
0x13d: {  	s0 =	simm.s32 @!p2 $0x6  }
0x13e: {  	_ =	swait.ge @!p2 [sflag:s0], $0x640  }
0x13f: {  	[sflag:s0] =	ssyncset.done @!p2 $0x0  }
0x140: {  	[sflag:s0] =	ssyncadd.s32 @!p2 $0xFFFFF9C0  }
0x141: {  	_ =	swait.ge @!p2 [sflag:s0], $0x640  }
0x142: {  	[sflag:s0] =	ssyncset.done @!p2 $0x0  }
0x143: {  	[sflag:s0] =	ssyncadd.s32 @!p2 $0xFFFFF9C0  }
0x144: {  	_ =	swait.ge @!p2 [sflag:s0], $0x640  }
0x145: {  	[sflag:s0] =	ssyncset.done @!p2 $0x0  }
0x146: {  	[sflag:s0] =	ssyncadd.s32 @!p2 $0xFFFFF9C0  }
0x147: {  	_ =	swait.ge [sflag:s18], $0x3200  }
0x148: {  	[sflag:s18] =	ssyncset.done $0x0  }
0x149: {  	s0 =	simm.s32 $0x0;
	[sflag:s18] =	ssyncadd.s32 $0xFFFFCE00  }
0x14a: {  	v1 =	vld [tilespmem:s0+$0x166C0];
	_ =	sdelay $0x4  }
0x14b: {  	v2 =	vld [tilespmem:s0+$0x17FC0];
	v3 =	vadd.s32 $0x6000, v1  }
0x14c: {  	v5 =	vld [tilespmem:s0+$0x17980];
	v4 =	vadd.s32 $0x1000, v1  }
0x14d: {  	v7 =	vld [tilespmem:s0+$0x17340];
	v6 =	vadd.s32 $0x4000, v1  }
0x14e: {  	v9 =	vld [tilespmem:s0+$0x18600];
	v8 =	vadd.s32 $0x5000, v1  }
0x14f: {  	v10 =	vadd.s32 $0x2000, v1;
	v11 =	vld.idx.msk [tilespmem:v1+s12+$0x0], $0xffff  }
0x150: {  	v3 =	vld.idx.msk [tilespmem:v3+s12+$0x0], $0xffff  }
0x151: {  	v4 =	vld.idx.msk [tilespmem:v4+s12+$0x0], $0xffff  }
0x152: {  	v6 =	vld.idx.msk [tilespmem:v6+s12+$0x0], $0xffff  }
0x153: {  	v8 =	vld.idx.msk [tilespmem:v8+s12+$0x0], $0xffff  }
0x154: {  	v2 =	vmul.f32 v9, v2;
	v10 =	vld.idx.msk [tilespmem:v10+s12+$0x0], $0xffff  }
0x155: {  	v7 =	vmul.f32 v9, v7;
	v1 =	vadd.s32 $0x3000, v1  }
0x156: {  	v2 =	vsub.f32 v3, v2;
	v3 =	vmul.f32 v9, v5  }
0x157: {  	v5 =	vld [tilespmem:s0+$0x16080];
	v6 =	vsub.f32 v6, v7  }
0x158: {  	v7 =	vmul.f32 v2, v4;
	v9 =	vmul.f32 v2, v11;
	v3 =	vsub.f32 v8, v3  }
0x159: {  	v8 =	vmul.f32 v6, v10;
	v12 =	vmul.f32 v6, v4  }
0x15a: {  	v1 =	vld.idx.msk [tilespmem:v1+s12+$0x0], $0xffff;
	v13 =	vmul.f32 v3, v10;
	v14 =	vmul.f32 v3, v11  }
0x15b: {  	v8 =	vsub.f32 v8, v9  }
0x15c: {  	v9 =	vadd.s32 $0x6000, v5;
	v7 =	vsub.f32 v7, v13;
	v12 =	vsub.f32 v14, v12  }
0x15d: {  	v13 =	vadd.s32 $0x5000, v5;
	v8 =	vmul.f32 $-2.000000000e+00, v8  }
0x15e: {  	v14 =	vadd.s32 $0x4000, v5;
	v7 =	vmul.f32 $-2.000000000e+00, v7;
	v12 =	vmul.f32 $-2.000000000e+00, v12  }
0x15f: {  	v15 =	vadd.s32 $0x2000, v5;
	v16 =	vmul.f32 v8, v10;
	v17 =	vmul.f32 v8, v1  }
0x160: {  	v18 =	vadd.s32 $0x1000, v5;
	v19 =	vld.idx.msk [tilespmem:v5+s2+$0x0], $0xffff;
	v20 =	vmul.f32 v7, v1;
	v21 =	vmul.f32 v7, v4  }
0x161: {  	v9 =	vld.idx.msk [tilespmem:v9+s2+$0x0], $0xffff;
	v7 =	vmul.f32 v7, v10;
	v10 =	vmul.f32 v12, v11  }
0x162: {  	v3 =	vadd.f32 v17, v3;
	v4 =	vmul.f32 v12, v4;
	v1 =	vmul.f32 v12, v1;
	v13 =	vld.idx.msk [tilespmem:v13+s2+$0x0], $0xffff  }
0x163: {  	v8 =	vmul.f32 v8, v11;
	v12 =	vld.idx.msk [tilespmem:v14+s2+$0x0], $0xffff;
	v6 =	vadd.f32 v20, v6;
	v7 =	vsub.f32 v7, v10  }
0x164: {  	v11 =	vld.idx.msk [tilespmem:v15+s2+$0x0], $0xffff;
	v4 =	vsub.f32 v4, v16;
	v1 =	vadd.f32 v1, v2  }
0x165: {  	v10 =	vld.idx.msk [tilespmem:v18+s2+$0x0], $0xffff;
	v2 =	vsub.f32 v3, v7;
	v3 =	vsub.f32 v8, v21  }
0x166: {  	v7 =	vadd.s32 $0x3000, v5;
	v4 =	vsub.f32 v6, v4  }
0x167: {  	v1 =	vsub.f32 v1, v3;
	v14 =	vadd.f32 v2, v13  }
0x168: {  	v12 =	vadd.f32 v4, v12  }
0x169: {  	s26 =	simm.s32 $0x0;
	v3 =	vadd.f32 v1, v9;
	v1 =	vmul.f32 v14, v11;
	v2 =	vmul.f32 v14, v19  }
0x16a: {  	v4 =	vmov s26;
	v6 =	vmul.f32 v12, v11;
	v8 =	vmul.f32 v12, v10  }
0x16b: {  	v4 =	vshll.u32 v4, $0x3;
	v7 =	vld.idx.msk [tilespmem:v7+s2+$0x0], $0xffff;
	v9 =	vmul.f32 v3, v10;
	v13 =	vmul.f32 v3, v19  }
0x16c: {  	v5 =	vadd.s32 $0x7000, v5;
	v15 =	vor.u32 v0, v4;
	v2 =	vsub.f32 v2, v8  }
0x16d: {  	v59 =	vor.u32 $0x2, v15;
	v1 =	vsub.f32 v9, v1;
	v4 =	vsub.f32 v6, v13  }
0x16e: {  	v13 =	vor.u32 $0x1, v15;
	v60 =	vmul.f32 $-2.000000000e+00, v2  }
0x16f: {  	v6 =	vmul.f32 $-2.000000000e+00, v1;
	v61 =	vmul.f32 $-2.000000000e+00, v4  }
0x170: {  	v4 =	vmul.f32 v60, v19;
	v62 =	vmul.f32 v60, v7  }
0x171: {  	v1 =	vld.idx.msk [tilespmem:v5+s2+$0x0], $0xffff;
	v5 =	vmul.f32 v6, v7;
	v8 =	vmul.f32 v6, v10  }
0x172: {  	v2 =	vld.idx.msk [tilespmem:v59+s25+$0x0], $0xffff;
	v63 =	vmul.f32 v61, v7;
	v9 =	vmul.f32 v6, v11  }
0x173: {  	v6 =	vadd.f32 v62, v3;
	v10 =	vmul.f32 v60, v10;
	v3 =	vld.idx.msk [tilespmem:v13+s25+$0x0], $0xffff;
	v13 =	vmul.f32 v61, v19  }
0x174: {  	s28 =	simm.s32 $0x40;
	v7 =	vadd.f32 v5, v12;
	v5 =	vld.idx.msk [tilespmem:v15+s25+$0x0], $0xffff;
	v12 =	vmul.f32 v61, v11;
	v11 =	vadd.f32 v63, v14  }
.LBB2_6:
0x175: {  	p1 =	sne.s32 s28, $0x18C0  }
0x176: {  	v4 =	vsub.f32 v9, v4;
	v8 =	vsub.f32 v13, v8;
	s26 =	sadd.s32 $0x10, s26;
	s29 =	smov.u32 s28;
	s28 =	sadd.s32 $0x40, s28  }
0x177: {  	v9 =	vsub.f32 v10, v12  }
0x178: {  	s29 =	sshra.s32 s29, $0x2;
	v4 =	vsub.f32 v11, v4;
	v6 =	vsub.f32 v6, v8  }
0x179: {  	v8 =	vld [tilespmem:s29+$0x166C0];
	v7 =	vsub.f32 v7, v9  }
0x17a: {  	v9 =	vld [tilespmem:s29+$0x17FC0];
	v3 =	vadd.f32 v4, v3;
	v2 =	vadd.f32 v6, v2  }
0x17b: {  	v4 =	vld [tilespmem:s29+$0x16080];
	v5 =	vadd.f32 v7, v5  }
0x17c: {  	v3 =	vmul.f32 v3, v1;
	v2 =	vmul.f32 v2, v1  }
0x17d: {  	v1 =	vmul.f32 v5, v1  }
0x17e: {  	v5 =	vadd.s32 $0x4000, v8;
	v6 =	vadd.s32 $0x5000, v8;
	v7 =	vadd.s32 $0x6000, v8;
	[tilespmem:s0+$0x1CAC0] =	vst v2  }
0x17f: {  	v2 =	vadd.s32 $0x1000, v8;
	v10 =	vadd.s32 $0x2000, v8;
	v11 =	vadd.s32 $0x3000, v8;
	v12 =	vld [tilespmem:s29+$0x17980];
	[tilespmem:s0+$0x1BE40] =	vst v1  }
0x180: {  	v13 =	vadd.s32 $0x2000, v4;
	v14 =	vadd.s32 $0x4000, v4;
	v15 =	vadd.s32 $0x5000, v4;
	v16 =	vld [tilespmem:s29+$0x17340];
	[tilespmem:s0+$0x1C480] =	vst v3;
	s0 =	smov.u32 s29  }
0x181: {  	v3 =	vadd.s32 $0x1000, v4;
	v17 =	vadd.s32 $0x3000, v4;
	v18 =	vadd.s32 $0x6000, v4;
	v19 =	vld [tilespmem:s0+$0x18600]  }
0x182: {  	v1 =	vadd.s32 $0x7000, v4;
	v8 =	vld.idx.msk [tilespmem:v8+s12+$0x0], $0xffff  }
0x183: {  	v7 =	vld.idx.msk [tilespmem:v7+s12+$0x0], $0xffff  }
0x184: {  	v2 =	vld.idx.msk [tilespmem:v2+s12+$0x0], $0xffff  }
0x185: {  	v5 =	vld.idx.msk [tilespmem:v5+s12+$0x0], $0xffff  }
0x186: {  	v6 =	vld.idx.msk [tilespmem:v6+s12+$0x0], $0xffff  }
0x187: {  	v9 =	vmul.f32 v19, v9;
	v10 =	vld.idx.msk [tilespmem:v10+s12+$0x0], $0xffff  }
0x188: {  	v1 =	vld.idx.msk [tilespmem:v1+s2+$0x0], $0xffff  }
0x189: {  	v16 =	vmul.f32 v19, v16;
	v7 =	vsub.f32 v7, v9  }
0x18a: {  	v9 =	vmul.f32 v19, v12  }
0x18b: {  	v5 =	vsub.f32 v5, v16;
	v12 =	vmul.f32 v7, v2;
	v16 =	vmul.f32 v7, v8  }
0x18c: {  	v6 =	vsub.f32 v6, v9  }
0x18d: {  	v19 =	vmul.f32 v5, v2;
	v9 =	vld.idx.msk [tilespmem:v11+s12+$0x0], $0xffff;
	v11 =	vmul.f32 v5, v10  }
0x18e: {  	v20 =	vmul.f32 v6, v10;
	v21 =	vmul.f32 v6, v8  }
0x18f: {  	v11 =	vsub.f32 v11, v16  }
0x190: {  	v12 =	vsub.f32 v12, v20;
	v16 =	vsub.f32 v21, v19  }
0x191: {  	v11 =	vmul.f32 $-2.000000000e+00, v11  }
0x192: {  	v12 =	vmul.f32 $-2.000000000e+00, v12;
	v16 =	vmul.f32 $-2.000000000e+00, v16  }
0x193: {  	v19 =	vld.idx.msk [tilespmem:v4+s2+$0x0], $0xffff;
	v4 =	vmul.f32 v11, v10;
	v20 =	vmul.f32 v11, v9  }
0x194: {  	v21 =	vmul.f32 v12, v9;
	v22 =	vmul.f32 v12, v2;
	v18 =	vld.idx.msk [tilespmem:v18+s2+$0x0], $0xffff  }
0x195: {  	v10 =	vmul.f32 v12, v10;
	v12 =	vmul.f32 v16, v8;
	v15 =	vld.idx.msk [tilespmem:v15+s2+$0x0], $0xffff;
	v6 =	vadd.f32 v20, v6  }
0x196: {  	v2 =	vmul.f32 v16, v2;
	v9 =	vmul.f32 v16, v9;
	v5 =	vadd.f32 v21, v5;
	v14 =	vld.idx.msk [tilespmem:v14+s2+$0x0], $0xffff  }
0x197: {  	v8 =	vmul.f32 v11, v8;
	v10 =	vsub.f32 v10, v12;
	v16 =	vld.idx.msk [tilespmem:v13+s2+$0x0], $0xffff  }
0x198: {  	v2 =	vsub.f32 v2, v4;
	v11 =	vld.idx.msk [tilespmem:v3+s2+$0x0], $0xffff;
	v3 =	vadd.f32 v9, v7  }
0x199: {  	v4 =	vsub.f32 v6, v10;
	v6 =	vsub.f32 v8, v22  }
0x19a: {  	v2 =	vsub.f32 v5, v2  }
0x19b: {  	v3 =	vsub.f32 v3, v6;
	v15 =	vadd.f32 v4, v15  }
0x19c: {  	v5 =	vadd.f32 v2, v14  }
0x19d: {  	v3 =	vadd.f32 v3, v18;
	v2 =	vmul.f32 v15, v16;
	v4 =	vmul.f32 v15, v19  }
0x19e: {  	v6 =	vmov s26;
	v8 =	vmul.f32 v5, v16;
	v9 =	vmul.f32 v5, v11;
	v7 =	vld.idx.msk [tilespmem:v17+s2+$0x0], $0xffff  }
0x19f: {  	v6 =	vshll.u32 v6, $0x3;
	v10 =	vmul.f32 v3, v11;
	v12 =	vmul.f32 v3, v19  }
0x1a0: {  	v14 =	vor.u32 v0, v6;
	v4 =	vsub.f32 v4, v9  }
0x1a1: {  	v6 =	vor.u32 $0x2, v14;
	v2 =	vsub.f32 v10, v2;
	v8 =	vsub.f32 v8, v12  }
0x1a2: {  	v10 =	vor.u32 $0x1, v14;
	v12 =	vmul.f32 $-2.000000000e+00, v4  }
0x1a3: {  	v9 =	vmul.f32 $-2.000000000e+00, v2;
	v17 =	vmul.f32 $-2.000000000e+00, v8  }
.Ltmp6:
0x1a4: {  	v4 =	vmul.f32 v12, v19;
	v13 =	vmul.f32 v12, v7;
	(pc) =	sbr.rel @p1 .LBB2_6-.Ltmp6, $4  }
0x1a5: {  	v18 =	vmul.f32 v9, v7;
	v8 =	vmul.f32 v9, v11  }
0x1a6: {  	v20 =	vmul.f32 v17, v7;
	v9 =	vmul.f32 v9, v16;
	v2 =	vld.idx.msk [tilespmem:v6+s25+$0x0], $0xffff;
	v6 =	vadd.f32 v13, v3  }
0x1a7: {  	v7 =	vadd.f32 v18, v5;
	v13 =	vmul.f32 v17, v19;
	v3 =	vld.idx.msk [tilespmem:v10+s25+$0x0], $0xffff;
	v10 =	vmul.f32 v12, v11  }
0x1a8: {  	v12 =	vmul.f32 v17, v16;
	v11 =	vadd.f32 v20, v15;
	v5 =	vld.idx.msk [tilespmem:v14+s25+$0x0], $0xffff  }
0x1a9: {  	v8 =	vsub.f32 v13, v8  }
0x1aa: {  	v10 =	vsub.f32 v10, v12  }
0x1ab: {  	v4 =	vsub.f32 v9, v4;
	v6 =	vsub.f32 v6, v8  }
0x1ac: {  	v7 =	vsub.f32 v7, v10  }
0x1ad: {  	v4 =	vsub.f32 v11, v4;
	v2 =	vadd.f32 v6, v2  }
0x1ae: {  	v5 =	vadd.f32 v7, v5  }
0x1af: {  	s11 =	sshll.u32 s11, $0x5;
	v3 =	vadd.f32 v4, v3;
	v2 =	vmul.f32 v2, v1  }
0x1b0: {  	s11 =	sor.u32 s16, s11;
	v63 =	vmul.f32 v5, v1  }
0x1b1: {  	s11 =	smul.u32 $0xC8, s11;
	v1 =	vmul.f32 v3, v1;
	[tilespmem:s0+$0x1CAC0] =	vst v2  }
0x1b2: {  	[tilespmem:s0+$0x1BE40] =	vst v63  }
0x1b3: {  	s26 =	simm.s32 $0x1BE40;
	s29 =	sadd.s32 s13, s11;
	[tilespmem:s0+$0x1C480] =	vst v1  }
0x1b4: {  	[hbm4b:s29+s2] =	stream.linear.scatter [tilespmem:s26], [sflag:$0x6], $0x640, $0x38;
	[tilespmem:$0x1D100] =	vst v63  }
.Ltmp7:
0x1b5: {  	_ = 	snop;
	(pc) =	sbr.rel .LBB2_8-.Ltmp7, $4  }
0x1b6: {  	s28 =	sadd.s32 s14, s11;
	s29 =	simm.s32 $0x1C480  }
0x1b7: {  	[hbm4b:s28+s2] =	stream.linear.scatter [tilespmem:s29], [sflag:$0x6], $0x640, $0x38;
	[tilespmem:$0x1D100] =	vst v63  }
0x1b8: {  	s28 =	sadd.s32 s15, s11;
	s29 =	simm.s32 $0x1CAC0  }
0x1b9: {  	[hbm4b:s28+s2] =	stream.linear.scatter [tilespmem:s29], [sflag:$0x6], $0x640, $0x38;
	[tilespmem:$0x1D100] =	vst v63  }
.LBB2_10:
0x1ba: {  	_ =	sfence.sel $0x180000  }
0x1bb: {  	[bflag:$0x0] =	sbarrier.arrive $0xFFFF  }
0x1bc: {  	_ =	strace $0x90000047  }
0x1bd: {  	s0 =	stileid.u32;
	[bflag:$0x2] =	sbarrier.arrive $0xFFFF  }
0x1be: {  	p0 =	sne.s32 s0, $0x0;
	s0 =	rddreg [dreg:$0x2]  }
0x1bf: {  	s0 =	sadd.s32 @!p0 $0x100000, s0  }
0x1c0: {  	[sflag:s0] =	ssyncadd.tile.s32 @!p0 $0x1;
	_ =	shalt  }
.Lfunc_end2:
_tile_overlayer_lowered:
.L_overlay_start_2:
0x1c1: {  	(tag) =	ssettag $0x2  }
0x1c2: {  	s0 =	rddreg [dreg:$0x0];
	s2 =	stileid.u32  }
0x1c3: {  	s1 =	rddreg [dreg:$0x1];
	p0 =	sne.s32 s2, $0x0  }
0x1c4: {  	s3 =	rddreg [dreg:$0x2];
	[bflag:$0x3] =	sbarrier.arrive $0xFFFF;
	s2 =	simm.s32 @!p0 $0x1C07  }
0x1c5: {  	[timem:s3], [sflag:s2] =	dma.local @!p0 [hbm:s0], s1  }
0x1c6: {  	s0 =	simm.s32 @!p0 $0x7  }
0x1c7: {  	_ =	swait.ge @!p0 [sflag:s0], s1  }
0x1c8: {  	s1 =	ssub.s32 @!p0 $0x0, s1;
	[sflag:s0] =	ssyncset.done @!p0 $0x0  }
0x1c9: {  	[sflag:s0] =	ssyncadd.s32 @!p0 s1  }
0x1ca: {  	[bflag:$0x3] =	sbarrier.arrive $0xFFFF  }
0x1cb: {  	_ =	shalt  }

</sc_bundles>
